<compile_context>
chip_gen: v7x
topology: tpu7x:2x2x1
jax: 0.10.2.dev20260603
libtpu: 0.0.44.dev20260713+nightly
codegen_flags: <defaults>
</compile_context>

<pallas_src>
import functools

import jax
import jax.numpy as jnp
from jax import lax
from jax.experimental import pallas as pl
from jax.experimental.pallas import tpu as pltpu
from jax.experimental.pallas import tpu_sc as plsc

BLANK_ID = 140
NUM_CLASSES = 141
BATCH = 64
SEQ = 4096

N_SC = 16
N_TC = BATCH - N_SC

NUM_CORES = 2
NUM_SUBCORES = 16
LANES = 16
NUM_WORKERS = NUM_CORES * NUM_SUBCORES
FRAMES_PER_WORKER = N_SC * SEQ // NUM_WORKERS
CHUNK = 256
CHUNKS_PER_ROW = SEQ // CHUNK
NUM_CHUNKS = FRAMES_PER_WORKER // CHUNK
CHUNK_WORDS = CHUNK * NUM_CLASSES
GROUPS = CHUNK // LANES

assert FRAMES_PER_WORKER % CHUNK == 0 and NUM_CHUNKS % 2 == 0

_mesh = plsc.VectorSubcoreMesh(
    core_axis_name="c",
    subcore_axis_name="s",
    num_cores=NUM_CORES,
    num_subcores=NUM_SUBCORES,
)


@functools.partial(
    pl.kernel,
    out_type=(
        jax.ShapeDtypeStruct((N_SC * SEQ,), jnp.int32),
        jax.ShapeDtypeStruct((N_SC * SEQ,), jnp.int32),
    ),
    mesh=_mesh,
    compiler_params=pltpu.CompilerParams(needs_layout_passes=False),
    scratch_types=[
        pltpu.VMEM((CHUNK_WORDS,), jnp.float32),
        pltpu.VMEM((CHUNK_WORDS,), jnp.float32),
        pltpu.VMEM((LANES + CHUNK,), jnp.int32),
        pltpu.VMEM((CHUNK,), jnp.int32),
        pltpu.SemaphoreType.DMA,
        pltpu.SemaphoreType.DMA,
    ],
)
def _ctc_sc(probs_hbm, idx_hbm, keep_hbm, buf0, buf1, idxbuf, keepbuf, sem0, sem1):
    wid = lax.axis_index("s") * NUM_CORES + lax.axis_index("c")
    frame_base = wid * FRAMES_PER_WORKER
    word_base = frame_base * NUM_CLASSES

    lanes_iota = lax.iota(jnp.int32, LANES)
    group_stride = lanes_iota * NUM_CLASSES
    minus_one = jnp.full((LANES,), -1, jnp.int32)
    one = jnp.full((LANES,), 1, jnp.int32)

    def compute_chunk(k, buf, carry_vec):
        row_start = ((wid * NUM_CHUNKS + k) % CHUNKS_PER_ROW) == 0
        pre = jnp.where(row_start, minus_one, carry_vec)
        idxbuf[pl.ds(0, LANES)] = pre

        def group(g, carry):
            gbase = g * (LANES * NUM_CLASSES)
            gidx0 = gbase + group_stride
            best = plsc.load_gather(buf, [gidx0])
            gbest = gidx0
            gidx = gidx0
            for c in range(1, NUM_CLASSES):
                gidx = gidx + one
                v = plsc.load_gather(buf, [gidx])
                m = v > best
                best = jnp.maximum(best, v)
                gbest = jnp.where(m, gidx, gbest)
            besti = gbest - gidx0
            idxbuf[pl.ds(LANES + g * LANES, LANES)] = besti
            prev = plsc.load_gather(idxbuf, [(LANES - 1) + g * LANES + lanes_iota])
            keep = ((besti != prev) & (besti != BLANK_ID)).astype(jnp.int32)
            keepbuf[pl.ds(g * LANES, LANES)] = keep
            return besti

        last = lax.fori_loop(0, GROUPS, group, pre)

        out_base = frame_base + k * CHUNK
        pltpu.sync_copy(idxbuf.at[pl.ds(LANES, CHUNK)], idx_hbm.at[pl.ds(out_base, CHUNK)])
        pltpu.sync_copy(keepbuf, keep_hbm.at[pl.ds(out_base, CHUNK)])
        return last

    def in_slice(k):
        return probs_hbm.at[pl.ds(word_base + k * CHUNK_WORDS, CHUNK_WORDS)]

    pltpu.async_copy(in_slice(0), buf0, sem0)

    def body(i, carry_vec):
        k0 = 2 * i
        pltpu.async_copy(in_slice(k0 + 1), buf1, sem1)
        pltpu.make_async_copy(in_slice(k0), buf0, sem0).wait()
        carry_vec = compute_chunk(k0, buf0, carry_vec)

        @pl.when(k0 + 2 < NUM_CHUNKS)
        def _():
            pltpu.async_copy(in_slice(k0 + 2), buf0, sem0)

        pltpu.make_async_copy(in_slice(k0 + 1), buf1, sem1).wait()
        carry_vec = compute_chunk(k0 + 1, buf1, carry_vec)
        return carry_vec

    lax.fori_loop(0, NUM_CHUNKS // 2, body, minus_one)


PAD = 128


def _tc_body(probs_hbm, idx_ref, keep_ref, buf, shift_buf, sem):
    i = pl.program_id(0)
    slot = lax.rem(i, 2)
    nslot = lax.rem(i + 1, 2)

    def start(row, s):
        pltpu.make_async_copy(probs_hbm.at[N_SC + row], buf.at[s], sem.at[s]).start()

    @pl.when(i == 0)
    def _():
        shift_buf[pl.ds(0, PAD)] = jnp.full((PAD,), -1, jnp.int32)
        start(0, 0)

    @pl.when(i + 1 < N_TC)
    def _():
        start(i + 1, nslot)

    pltpu.make_async_copy(probs_hbm.at[N_SC + i], buf.at[slot], sem.at[slot]).wait()

    xt = buf[slot].T
    m = jnp.max(xt, axis=0)
    idx = jnp.argmax(xt, axis=0)

    shift_buf[pl.ds(PAD, SEQ)] = idx
    prev = shift_buf[pl.ds(PAD - 1, SEQ)]
    keep = ((idx != prev) & (idx != BLANK_ID)).astype(jnp.int32)

    r = lax.rem(i, 8)
    idx_ref[pl.ds(r, 1), :] = idx.reshape(1, SEQ)
    keep_ref[pl.ds(r, 1), :] = keep.reshape(1, SEQ)


def _tc_call(probs):
    return pl.pallas_call(
        _tc_body,
        grid=(N_TC,),
        in_specs=[pl.BlockSpec(memory_space=pl.ANY)],
        out_specs=[
            pl.BlockSpec((8, SEQ), lambda i: (i // 8, 0)),
            pl.BlockSpec((8, SEQ), lambda i: (i // 8, 0)),
        ],
        out_shape=[
            jax.ShapeDtypeStruct((N_TC, SEQ), jnp.int32),
            jax.ShapeDtypeStruct((N_TC, SEQ), jnp.int32),
        ],
        scratch_shapes=[
            pltpu.VMEM((2, SEQ, NUM_CLASSES), jnp.float32),
            pltpu.VMEM((PAD + SEQ,), jnp.int32),
            pltpu.SemaphoreType.DMA((2,)),
        ],
    )(probs)


def kernel(probs):
    sc_flat = probs[:N_SC].reshape(-1)
    tc_idx, tc_keep = _tc_call(probs)
    sc_idx, sc_keep = _ctc_sc(sc_flat)
    idx = jnp.concatenate([sc_idx.reshape(N_SC, SEQ), tc_idx], axis=0)
    keep = jnp.concatenate([sc_keep.reshape(N_SC, SEQ), tc_keep], axis=0)
    return idx, keep.astype(bool)

# --- scband reference (transcript-rebuilt; emitter-appended) ---
"""Pipeline reference for scband-greedy-search-decoder-71184787964451 (READ-ONLY COPY).

The authoritative reference and input builder live on the scoring server;
editing this copy changes nothing except your own understanding.
"""

import jax, jax.numpy as jnp
import numpy as np

BLANK = 140
LABELS = "abcdefghijklmnopqrstuvwxyz" * 5 + "abcdefghijk"  # 141 chars, index -> token


def setup_inputs(seed: int = 0) -> dict:
    key = jax.random.key(seed)
    probs = jax.random.normal(key, (64, 4096, 141), dtype=jnp.float32)
    return {"probs": probs}


def reference(probs):
    # Faithful numeric core of the CTC greedy decoder:
    # 1) argmax over classes per frame
    indices = jnp.argmax(probs, axis=-1)  # (B, S) int
    # 2) unique_consecutive along the sequence dim -> keep a frame iff it differs
    #    from the previous frame (first frame always kept)
    prev = jnp.concatenate(
        [jnp.full((indices.shape[0], 1), -1, dtype=indices.dtype), indices[:, :-1]],
        axis=1,
    )
    not_dup = indices != prev
    # 3) drop blank tokens
    not_blank = indices != BLANK
    keep = not_dup & not_blank  # (B, S) bool; decoded string b = ''.join(LABELS[i] for i where keep[b])
    return indices, keep

if __name__ == "__main__":
    import jax
    _d = setup_inputs()
    print(jax.jit(kernel)(*tuple(_d.values())))

</pallas_src>

<mosaic_0001>
#map = affine_map<(d0, d1) -> (0)>
module attributes {stable_mosaic.version = 14 : i64} {
  func.func @_ctc_sc(%arg0: i32, %arg1: i32, %arg2: memref<9240576xf32, #tpu.memory_space<hbm>>, %arg3: memref<65536xi32, #tpu.memory_space<hbm>>, %arg4: memref<65536xi32, #tpu.memory_space<hbm>>, %arg5: memref<36096xf32, #tpu.memory_space<vmem>>, %arg6: memref<36096xf32, #tpu.memory_space<vmem>>, %arg7: memref<272xi32, #tpu.memory_space<vmem>>, %arg8: memref<256xi32, #tpu.memory_space<vmem>>, %arg9: memref<!tpu.dma_semaphore, #tpu.memory_space<semaphore_mem>>, %arg10: memref<!tpu.dma_semaphore, #tpu.memory_space<semaphore_mem>>) attributes {dimension_semantics = [#tpu.dimension_semantics<core_parallel>, #tpu.dimension_semantics<subcore_parallel>], iteration_bounds = array<i64: 2, 16>, scalar_prefetch = 0 : i64, scratch_operands = 6 : i64, tpu.core_type = #tpu.core_type<sc_vector_subcore>, window_params = [{transform_indices = #map}, {transform_indices = #map}, {transform_indices = #map}]} {
    %mul3A = arith.constant 2 : i32
    %mul3A_0 = arith.muli %arg1, %mul3A : i32
    %add3A = arith.addi %mul3A_0, %arg0 : i32
    %mul3A_1 = arith.constant 2048 : i32
    %mul3A_2 = arith.muli %add3A, %mul3A_1 : i32
    %mul3A_3 = arith.constant 141 : i32
    %mul3A_4 = arith.muli %mul3A_2, %mul3A_3 : i32
    %iota3A = tpu.iota {dimensions = array<i32: 0>} : vector<16xi32>
    %mul3A_5 = arith.constant 141 : i32
    %mul3A_6 = vector.broadcast %mul3A_5 : i32 to vector<16xi32>
    %mul3A_7 = arith.muli %iota3A, %mul3A_6 : vector<16xi32>
    %broadcast_in_dim3A = arith.constant -1 : i32
    %broadcast_in_dim3A_8 = vector.broadcast %broadcast_in_dim3A : i32 to vector<16xi32>
    %broadcast_in_dim3A_9 = arith.constant 1 : i32
    %broadcast_in_dim3A_10 = vector.broadcast %broadcast_in_dim3A_9 : i32 to vector<16xi32>
    %add3A_11 = arith.constant 0 : i32
    %add3A_12 = arith.addi %mul3A_4, %add3A_11 : i32
    %dma_start3A = tpu.memref_slice %arg2[%add3A_12] : memref<9240576xf32, #tpu.memory_space<hbm>> -> memref<36096xf32, #tpu.memory_space<hbm>>
    %dma_start3A_13 = tpu.memref_slice %arg2[%add3A_12] : memref<9240576xf32, #tpu.memory_space<hbm>> -> memref<36096xf32, #tpu.memory_space<hbm>>
    tpu.enqueue_dma source(%dma_start3A_13 : memref<36096xf32, #tpu.memory_space<hbm>>) target(%arg5 : memref<36096xf32, #tpu.memory_space<vmem>>) target_semaphore(%arg9 : memref<!tpu.dma_semaphore, #tpu.memory_space<semaphore_mem>>)
    %scan3A = arith.constant 0 : i32
    %scan3A_14 = arith.constant 4 : i32
    %scan3A_15 = arith.addi %scan3A, %scan3A_14 : i32
    %scan3A_16 = arith.constant 1 : i32
    %scan3A_17 = scf.for %scan3A_19 = %scan3A to %scan3A_15 step %scan3A_16 iter_args(%scan3A_20 = %broadcast_in_dim3A_8) -> (vector<16xi32>)  : i32 {
      %mul3A_21 = arith.constant 2 : i32
      %mul3A_22 = arith.muli %mul3A_21, %scan3A_19 : i32
      %add3A_23 = arith.constant 1 : i32
      %add3A_24 = arith.addi %mul3A_22, %add3A_23 : i32
      %mul3A_25 = arith.constant 36096 : i32
      %mul3A_26 = arith.muli %add3A_24, %mul3A_25 : i32
      %add3A_27 = arith.addi %mul3A_4, %mul3A_26 : i32
      %dma_start3A_28 = tpu.memref_slice %arg2[%add3A_27] : memref<9240576xf32, #tpu.memory_space<hbm>> -> memref<36096xf32, #tpu.memory_space<hbm>>
      %dma_start3A_29 = tpu.memref_slice %arg2[%add3A_27] : memref<9240576xf32, #tpu.memory_space<hbm>> -> memref<36096xf32, #tpu.memory_space<hbm>>
      tpu.enqueue_dma source(%dma_start3A_29 : memref<36096xf32, #tpu.memory_space<hbm>>) target(%arg6 : memref<36096xf32, #tpu.memory_space<vmem>>) target_semaphore(%arg10 : memref<!tpu.dma_semaphore, #tpu.memory_space<semaphore_mem>>)
      %mul3A_30 = arith.constant 36096 : i32
      %mul3A_31 = arith.muli %mul3A_22, %mul3A_30 : i32
      %add3A_32 = arith.addi %mul3A_4, %mul3A_31 : i32
      %dma_wait3A = tpu.memref_slice %arg2[%add3A_32] : memref<9240576xf32, #tpu.memory_space<hbm>> -> memref<36096xf32, #tpu.memory_space<hbm>>
      %dma_wait3A_33 = tpu.memref_slice %arg2[%add3A_32] : memref<9240576xf32, #tpu.memory_space<hbm>> -> memref<36096xf32, #tpu.memory_space<hbm>>
      tpu.wait_dma2 semaphore(%arg9 : memref<!tpu.dma_semaphore, #tpu.memory_space<semaphore_mem>>) src(%dma_wait3A_33 : memref<36096xf32, #tpu.memory_space<hbm>>) dst(%arg5 : memref<36096xf32, #tpu.memory_space<vmem>>)
      %mul3A_34 = arith.constant 8 : i32
      %mul3A_35 = arith.muli %add3A, %mul3A_34 : i32
      %add3A_36 = arith.addi %mul3A_35, %mul3A_22 : i32
      %jit3A = arith.constant 16 : i32
      %eq3A = arith.constant 0 : i32
      %eq3A_37 = arith.cmpi eq, %jit3A, %eq3A : i32
      %jit3A_38 = arith.constant 1 : i32
      %select_n3A = arith.select %eq3A_37, %jit3A_38, %jit3A : i32
      %rem3A = arith.remsi %add3A_36, %select_n3A : i32
      %ne3A = arith.constant 0 : i32
      %ne3A_39 = arith.cmpi ne, %rem3A, %ne3A : i32
      %lt3A = arith.constant 0 : i32
      %lt3A_40 = arith.cmpi slt, %rem3A, %lt3A : i32
      %lt3A_41 = arith.constant 0 : i32
      %lt3A_42 = arith.cmpi slt, %select_n3A, %lt3A_41 : i32
      %ne3A_43 = arith.xori %lt3A_40, %lt3A_42 : i1
      %and3A = arith.andi %ne3A_43, %ne3A_39 : i1
      %add3A_44 = arith.addi %rem3A, %select_n3A : i32
      %select_n3A_45 = arith.select %and3A, %add3A_44, %rem3A : i32
      %eq3A_46 = arith.constant 0 : i32
      %eq3A_47 = arith.cmpi eq, %select_n3A_45, %eq3A_46 : i32
      %select_n3A_48 = arith.select %eq3A_47, %broadcast_in_dim3A_8, %scan3A_20 : vector<16xi32>
      %swap3A = arith.constant 0 : index
      %swap3A_49 = tpu.vector_load %arg7[%swap3A] {strides = array<i32>} : memref<272xi32, #tpu.memory_space<vmem>>, vector<16xi32>,
      tpu.vector_store %arg7[%swap3A], %select_n3A_48 {strides = array<i32>} : memref<272xi32, #tpu.memory_space<vmem>>, vector<16xi32>,
      %scan3A_50 = arith.constant 0 : i32
      %scan3A_51 = arith.constant 16 : i32
      %scan3A_52 = arith.addi %scan3A_50, %scan3A_51 : i32
      %scan3A_53 = arith.constant 1 : i32
      %scan3A_54 = scf.for %scan3A_106 = %scan3A_50 to %scan3A_52 step %scan3A_53 iter_args(%scan3A_107 = %select_n3A_48) -> (vector<16xi32>)  : i32 {
        %mul3A_108 = arith.constant 2256 : i32
        %mul3A_109 = arith.muli %scan3A_106, %mul3A_108 : i32
        %add3A_110 = vector.broadcast %mul3A_109 : i32 to vector<16xi32>
        %add3A_111 = arith.addi %add3A_110, %mul3A_7 : vector<16xi32>
        %gather3A = tpu.vector_load_idx %arg5[%add3A_111] : memref<36096xf32, #tpu.memory_space<vmem>>[vector<16xi32>], vector<16xf32>,
        %add3A_112 = arith.addi %add3A_111, %broadcast_in_dim3A_10 : vector<16xi32>
        %gather3A_113 = tpu.vector_load_idx %arg5[%add3A_112] : memref<36096xf32, #tpu.memory_space<vmem>>[vector<16xi32>], vector<16xf32>,
        %gt3A = arith.cmpf ogt, %gather3A_113, %gather3A : vector<16xf32>
        %max3A = arith.maximumf %gather3A, %gather3A_113 : vector<16xf32>
        %select_n3A_114 = arith.select %gt3A, %add3A_112, %add3A_111 : vector<16xi1>, vector<16xi32>
        %add3A_115 = arith.addi %add3A_112, %broadcast_in_dim3A_10 : vector<16xi32>
        %gather3A_116 = tpu.vector_load_idx %arg5[%add3A_115] : memref<36096xf32, #tpu.memory_space<vmem>>[vector<16xi32>], vector<16xf32>,
        %gt3A_117 = arith.cmpf ogt, %gather3A_116, %max3A : vector<16xf32>
        %max3A_118 = arith.maximumf %max3A, %gather3A_116 : vector<16xf32>
        %select_n3A_119 = arith.select %gt3A_117, %add3A_115, %select_n3A_114 : vector<16xi1>, vector<16xi32>
        %add3A_120 = arith.addi %add3A_115, %broadcast_in_dim3A_10 : vector<16xi32>
        %gather3A_121 = tpu.vector_load_idx %arg5[%add3A_120] : memref<36096xf32, #tpu.memory_space<vmem>>[vector<16xi32>], vector<16xf32>,
        %gt3A_122 = arith.cmpf ogt, %gather3A_121, %max3A_118 : vector<16xf32>
        %max3A_123 = arith.maximumf %max3A_118, %gather3A_121 : vector<16xf32>
        %select_n3A_124 = arith.select %gt3A_122, %add3A_120, %select_n3A_119 : vector<16xi1>, vector<16xi32>
        %add3A_125 = arith.addi %add3A_120, %broadcast_in_dim3A_10 : vector<16xi32>
        %gather3A_126 = tpu.vector_load_idx %arg5[%add3A_125] : memref<36096xf32, #tpu.memory_space<vmem>>[vector<16xi32>], vector<16xf32>,
        %gt3A_127 = arith.cmpf ogt, %gather3A_126, %max3A_123 : vector<16xf32>
        %max3A_128 = arith.maximumf %max3A_123, %gather3A_126 : vector<16xf32>
        %select_n3A_129 = arith.select %gt3A_127, %add3A_125, %select_n3A_124 : vector<16xi1>, vector<16xi32>
        %add3A_130 = arith.addi %add3A_125, %broadcast_in_dim3A_10 : vector<16xi32>
        %gather3A_131 = tpu.vector_load_idx %arg5[%add3A_130] : memref<36096xf32, #tpu.memory_space<vmem>>[vector<16xi32>], vector<16xf32>,
        %gt3A_132 = arith.cmpf ogt, %gather3A_131, %max3A_128 : vector<16xf32>
        %max3A_133 = arith.maximumf %max3A_128, %gather3A_131 : vector<16xf32>
        %select_n3A_134 = arith.select %gt3A_132, %add3A_130, %select_n3A_129 : vector<16xi1>, vector<16xi32>
        %add3A_135 = arith.addi %add3A_130, %broadcast_in_dim3A_10 : vector<16xi32>
        %gather3A_136 = tpu.vector_load_idx %arg5[%add3A_135] : memref<36096xf32, #tpu.memory_space<vmem>>[vector<16xi32>], vector<16xf32>,
        %gt3A_137 = arith.cmpf ogt, %gather3A_136, %max3A_133 : vector<16xf32>
        %max3A_138 = arith.maximumf %max3A_133, %gather3A_136 : vector<16xf32>
        %select_n3A_139 = arith.select %gt3A_137, %add3A_135, %select_n3A_134 : vector<16xi1>, vector<16xi32>
        %add3A_140 = arith.addi %add3A_135, %broadcast_in_dim3A_10 : vector<16xi32>
        %gather3A_141 = tpu.vector_load_idx %arg5[%add3A_140] : memref<36096xf32, #tpu.memory_space<vmem>>[vector<16xi32>], vector<16xf32>,
        %gt3A_142 = arith.cmpf ogt, %gather3A_141, %max3A_138 : vector<16xf32>
        %max3A_143 = arith.maximumf %max3A_138, %gather3A_141 : vector<16xf32>
        %select_n3A_144 = arith.select %gt3A_142, %add3A_140, %select_n3A_139 : vector<16xi1>, vector<16xi32>
        %add3A_145 = arith.addi %add3A_140, %broadcast_in_dim3A_10 : vector<16xi32>
        %gather3A_146 = tpu.vector_load_idx %arg5[%add3A_145] : memref<36096xf32, #tpu.memory_space<vmem>>[vector<16xi32>], vector<16xf32>,
        %gt3A_147 = arith.cmpf ogt, %gather3A_146, %max3A_143 : vector<16xf32>
        %max3A_148 = arith.maximumf %max3A_143, %gather3A_146 : vector<16xf32>
        %select_n3A_149 = arith.select %gt3A_147, %add3A_145, %select_n3A_144 : vector<16xi1>, vector<16xi32>
        %add3A_150 = arith.addi %add3A_145, %broadcast_in_dim3A_10 : vector<16xi32>
        %gather3A_151 = tpu.vector_load_idx %arg5[%add3A_150] : memref<36096xf32, #tpu.memory_space<vmem>>[vector<16xi32>], vector<16xf32>,
        %gt3A_152 = arith.cmpf ogt, %gather3A_151, %max3A_148 : vector<16xf32>
        %max3A_153 = arith.maximumf %max3A_148, %gather3A_151 : vector<16xf32>
        %select_n3A_154 = arith.select %gt3A_152, %add3A_150, %select_n3A_149 : vector<16xi1>, vector<16xi32>
        %add3A_155 = arith.addi %add3A_150, %broadcast_in_dim3A_10 : vector<16xi32>
        %gather3A_156 = tpu.vector_load_idx %arg5[%add3A_155] : memref<36096xf32, #tpu.memory_space<vmem>>[vector<16xi32>], vector<16xf32>,
        %gt3A_157 = arith.cmpf ogt, %gather3A_156, %max3A_153 : vector<16xf32>
        %max3A_158 = arith.maximumf %max3A_153, %gather3A_156 : vector<16xf32>
        %select_n3A_159 = arith.select %gt3A_157, %add3A_155, %select_n3A_154 : vector<16xi1>, vector<16xi32>
        %add3A_160 = arith.addi %add3A_155, %broadcast_in_dim3A_10 : vector<16xi32>
        %gather3A_161 = tpu.vector_load_idx %arg5[%add3A_160] : memref<36096xf32, #tpu.memory_space<vmem>>[vector<16xi32>], vector<16xf32>,
        %gt3A_162 = arith.cmpf ogt, %gather3A_161, %max3A_158 : vector<16xf32>
        %max3A_163 = arith.maximumf %max3A_158, %gather3A_161 : vector<16xf32>
        %select_n3A_164 = arith.select %gt3A_162, %add3A_160, %select_n3A_159 : vector<16xi1>, vector<16xi32>
        %add3A_165 = arith.addi %add3A_160, %broadcast_in_dim3A_10 : vector<16xi32>
        %gather3A_166 = tpu.vector_load_idx %arg5[%add3A_165] : memref<36096xf32, #tpu.memory_space<vmem>>[vector<16xi32>], vector<16xf32>,
        %gt3A_167 = arith.cmpf ogt, %gather3A_166, %max3A_163 : vector<16xf32>
        %max3A_168 = arith.maximumf %max3A_163, %gather3A_166 : vector<16xf32>
        %select_n3A_169 = arith.select %gt3A_167, %add3A_165, %select_n3A_164 : vector<16xi1>, vector<16xi32>
        %add3A_170 = arith.addi %add3A_165, %broadcast_in_dim3A_10 : vector<16xi32>
        %gather3A_171 = tpu.vector_load_idx %arg5[%add3A_170] : memref<36096xf32, #tpu.memory_space<vmem>>[vector<16xi32>], vector<16xf32>,
        %gt3A_172 = arith.cmpf ogt, %gather3A_171, %max3A_168 : vector<16xf32>
        %max3A_173 = arith.maximumf %max3A_168, %gather3A_171 : vector<16xf32>
        %select_n3A_174 = arith.select %gt3A_172, %add3A_170, %select_n3A_169 : vector<16xi1>, vector<16xi32>
        %add3A_175 = arith.addi %add3A_170, %broadcast_in_dim3A_10 : vector<16xi32>
        %gather3A_176 = tpu.vector_load_idx %arg5[%add3A_175] : memref<36096xf32, #tpu.memory_space<vmem>>[vector<16xi32>], vector<16xf32>,
        %gt3A_177 = arith.cmpf ogt, %gather3A_176, %max3A_173 : vector<16xf32>
        %max3A_178 = arith.maximumf %max3A_173, %gather3A_176 : vector<16xf32>
        %select_n3A_179 = arith.select %gt3A_177, %add3A_175, %select_n3A_174 : vector<16xi1>, vector<16xi32>
        %add3A_180 = arith.addi %add3A_175, %broadcast_in_dim3A_10 : vector<16xi32>
        %gather3A_181 = tpu.vector_load_idx %arg5[%add3A_180] : memref<36096xf32, #tpu.memory_space<vmem>>[vector<16xi32>], vector<16xf32>,
        %gt3A_182 = arith.cmpf ogt, %gather3A_181, %max3A_178 : vector<16xf32>
        %max3A_183 = arith.maximumf %max3A_178, %gather3A_181 : vector<16xf32>
        %select_n3A_184 = arith.select %gt3A_182, %add3A_180, %select_n3A_179 : vector<16xi1>, vector<16xi32>
        %add3A_185 = arith.addi %add3A_180, %broadcast_in_dim3A_10 : vector<16xi32>
        %gather3A_186 = tpu.vector_load_idx %arg5[%add3A_185] : memref<36096xf32, #tpu.memory_space<vmem>>[vector<16xi32>], vector<16xf32>,
        %gt3A_187 = arith.cmpf ogt, %gather3A_186, %max3A_183 : vector<16xf32>
        %max3A_188 = arith.maximumf %max3A_183, %gather3A_186 : vector<16xf32>
        %select_n3A_189 = arith.select %gt3A_187, %add3A_185, %select_n3A_184 : vector<16xi1>, vector<16xi32>
        %add3A_190 = arith.addi %add3A_185, %broadcast_in_dim3A_10 : vector<16xi32>
        %gather3A_191 = tpu.vector_load_idx %arg5[%add3A_190] : memref<36096xf32, #tpu.memory_space<vmem>>[vector<16xi32>], vector<16xf32>,
        %gt3A_192 = arith.cmpf ogt, %gather3A_191, %max3A_188 : vector<16xf32>
        %max3A_193 = arith.maximumf %max3A_188, %gather3A_191 : vector<16xf32>
        %select_n3A_194 = arith.select %gt3A_192, %add3A_190, %select_n3A_189 : vector<16xi1>, vector<16xi32>
        %add3A_195 = arith.addi %add3A_190, %broadcast_in_dim3A_10 : vector<16xi32>
        %gather3A_196 = tpu.vector_load_idx %arg5[%add3A_195] : memref<36096xf32, #tpu.memory_space<vmem>>[vector<16xi32>], vector<16xf32>,
        %gt3A_197 = arith.cmpf ogt, %gather3A_196, %max3A_193 : vector<16xf32>
        %max3A_198 = arith.maximumf %max3A_193, %gather3A_196 : vector<16xf32>
        %select_n3A_199 = arith.select %gt3A_197, %add3A_195, %select_n3A_194 : vector<16xi1>, vector<16xi32>
        %add3A_200 = arith.addi %add3A_195, %broadcast_in_dim3A_10 : vector<16xi32>
        %gather3A_201 = tpu.vector_load_idx %arg5[%add3A_200] : memref<36096xf32, #tpu.memory_space<vmem>>[vector<16xi32>], vector<16xf32>,
        %gt3A_202 = arith.cmpf ogt, %gather3A_201, %max3A_198 : vector<16xf32>
        %max3A_203 = arith.maximumf %max3A_198, %gather3A_201 : vector<16xf32>
        %select_n3A_204 = arith.select %gt3A_202, %add3A_200, %select_n3A_199 : vector<16xi1>, vector<16xi32>
        %add3A_205 = arith.addi %add3A_200, %broadcast_in_dim3A_10 : vector<16xi32>
        %gather3A_206 = tpu.vector_load_idx %arg5[%add3A_205] : memref<36096xf32, #tpu.memory_space<vmem>>[vector<16xi32>], vector<16xf32>,
        %gt3A_207 = arith.cmpf ogt, %gather3A_206, %max3A_203 : vector<16xf32>
        %max3A_208 = arith.maximumf %max3A_203, %gather3A_206 : vector<16xf32>
        %select_n3A_209 = arith.select %gt3A_207, %add3A_205, %select_n3A_204 : vector<16xi1>, vector<16xi32>
        %add3A_210 = arith.addi %add3A_205, %broadcast_in_dim3A_10 : vector<16xi32>
        %gather3A_211 = tpu.vector_load_idx %arg5[%add3A_210] : memref<36096xf32, #tpu.memory_space<vmem>>[vector<16xi32>], vector<16xf32>,
        %gt3A_212 = arith.cmpf ogt, %gather3A_211, %max3A_208 : vector<16xf32>
        %max3A_213 = arith.maximumf %max3A_208, %gather3A_211 : vector<16xf32>
        %select_n3A_214 = arith.select %gt3A_212, %add3A_210, %select_n3A_209 : vector<16xi1>, vector<16xi32>
        %add3A_215 = arith.addi %add3A_210, %broadcast_in_dim3A_10 : vector<16xi32>
        %gather3A_216 = tpu.vector_load_idx %arg5[%add3A_215] : memref<36096xf32, #tpu.memory_space<vmem>>[vector<16xi32>], vector<16xf32>,
        %gt3A_217 = arith.cmpf ogt, %gather3A_216, %max3A_213 : vector<16xf32>
        %max3A_218 = arith.maximumf %max3A_213, %gather3A_216 : vector<16xf32>
        %select_n3A_219 = arith.select %gt3A_217, %add3A_215, %select_n3A_214 : vector<16xi1>, vector<16xi32>
        %add3A_220 = arith.addi %add3A_215, %broadcast_in_dim3A_10 : vector<16xi32>
        %gather3A_221 = tpu.vector_load_idx %arg5[%add3A_220] : memref<36096xf32, #tpu.memory_space<vmem>>[vector<16xi32>], vector<16xf32>,
        %gt3A_222 = arith.cmpf ogt, %gather3A_221, %max3A_218 : vector<16xf32>
        %max3A_223 = arith.maximumf %max3A_218, %gather3A_221 : vector<16xf32>
        %select_n3A_224 = arith.select %gt3A_222, %add3A_220, %select_n3A_219 : vector<16xi1>, vector<16xi32>
        %add3A_225 = arith.addi %add3A_220, %broadcast_in_dim3A_10 : vector<16xi32>
        %gather3A_226 = tpu.vector_load_idx %arg5[%add3A_225] : memref<36096xf32, #tpu.memory_space<vmem>>[vector<16xi32>], vector<16xf32>,
        %gt3A_227 = arith.cmpf ogt, %gather3A_226, %max3A_223 : vector<16xf32>
        %max3A_228 = arith.maximumf %max3A_223, %gather3A_226 : vector<16xf32>
        %select_n3A_229 = arith.select %gt3A_227, %add3A_225, %select_n3A_224 : vector<16xi1>, vector<16xi32>
        %add3A_230 = arith.addi %add3A_225, %broadcast_in_dim3A_10 : vector<16xi32>
        %gather3A_231 = tpu.vector_load_idx %arg5[%add3A_230] : memref<36096xf32, #tpu.memory_space<vmem>>[vector<16xi32>], vector<16xf32>,
        %gt3A_232 = arith.cmpf ogt, %gather3A_231, %max3A_228 : vector<16xf32>
        %max3A_233 = arith.maximumf %max3A_228, %gather3A_231 : vector<16xf32>
        %select_n3A_234 = arith.select %gt3A_232, %add3A_230, %select_n3A_229 : vector<16xi1>, vector<16xi32>
        %add3A_235 = arith.addi %add3A_230, %broadcast_in_dim3A_10 : vector<16xi32>
        %gather3A_236 = tpu.vector_load_idx %arg5[%add3A_235] : memref<36096xf32, #tpu.memory_space<vmem>>[vector<16xi32>], vector<16xf32>,
        %gt3A_237 = arith.cmpf ogt, %gather3A_236, %max3A_233 : vector<16xf32>
        %max3A_238 = arith.maximumf %max3A_233, %gather3A_236 : vector<16xf32>
        %select_n3A_239 = arith.select %gt3A_237, %add3A_235, %select_n3A_234 : vector<16xi1>, vector<16xi32>
        %add3A_240 = arith.addi %add3A_235, %broadcast_in_dim3A_10 : vector<16xi32>
        %gather3A_241 = tpu.vector_load_idx %arg5[%add3A_240] : memref<36096xf32, #tpu.memory_space<vmem>>[vector<16xi32>], vector<16xf32>,
        %gt3A_242 = arith.cmpf ogt, %gather3A_241, %max3A_238 : vector<16xf32>
        %max3A_243 = arith.maximumf %max3A_238, %gather3A_241 : vector<16xf32>
        %select_n3A_244 = arith.select %gt3A_242, %add3A_240, %select_n3A_239 : vector<16xi1>, vector<16xi32>
        %add3A_245 = arith.addi %add3A_240, %broadcast_in_dim3A_10 : vector<16xi32>
        %gather3A_246 = tpu.vector_load_idx %arg5[%add3A_245] : memref<36096xf32, #tpu.memory_space<vmem>>[vector<16xi32>], vector<16xf32>,
        %gt3A_247 = arith.cmpf ogt, %gather3A_246, %max3A_243 : vector<16xf32>
        %max3A_248 = arith.maximumf %max3A_243, %gather3A_246 : vector<16xf32>
        %select_n3A_249 = arith.select %gt3A_247, %add3A_245, %select_n3A_244 : vector<16xi1>, vector<16xi32>
        %add3A_250 = arith.addi %add3A_245, %broadcast_in_dim3A_10 : vector<16xi32>
        %gather3A_251 = tpu.vector_load_idx %arg5[%add3A_250] : memref<36096xf32, #tpu.memory_space<vmem>>[vector<16xi32>], vector<16xf32>,
        %gt3A_252 = arith.cmpf ogt, %gather3A_251, %max3A_248 : vector<16xf32>
        %max3A_253 = arith.maximumf %max3A_248, %gather3A_251 : vector<16xf32>
        %select_n3A_254 = arith.select %gt3A_252, %add3A_250, %select_n3A_249 : vector<16xi1>, vector<16xi32>
        %add3A_255 = arith.addi %add3A_250, %broadcast_in_dim3A_10 : vector<16xi32>
        %gather3A_256 = tpu.vector_load_idx %arg5[%add3A_255] : memref<36096xf32, #tpu.memory_space<vmem>>[vector<16xi32>], vector<16xf32>,
        %gt3A_257 = arith.cmpf ogt, %gather3A_256, %max3A_253 : vector<16xf32>
        %max3A_258 = arith.maximumf %max3A_253, %gather3A_256 : vector<16xf32>
        %select_n3A_259 = arith.select %gt3A_257, %add3A_255, %select_n3A_254 : vector<16xi1>, vector<16xi32>
        %add3A_260 = arith.addi %add3A_255, %broadcast_in_dim3A_10 : vector<16xi32>
        %gather3A_261 = tpu.vector_load_idx %arg5[%add3A_260] : memref<36096xf32, #tpu.memory_space<vmem>>[vector<16xi32>], vector<16xf32>,
        %gt3A_262 = arith.cmpf ogt, %gather3A_261, %max3A_258 : vector<16xf32>
        %max3A_263 = arith.maximumf %max3A_258, %gather3A_261 : vector<16xf32>
        %select_n3A_264 = arith.select %gt3A_262, %add3A_260, %select_n3A_259 : vector<16xi1>, vector<16xi32>
        %add3A_265 = arith.addi %add3A_260, %broadcast_in_dim3A_10 : vector<16xi32>
        %gather3A_266 = tpu.vector_load_idx %arg5[%add3A_265] : memref<36096xf32, #tpu.memory_space<vmem>>[vector<16xi32>], vector<16xf32>,
        %gt3A_267 = arith.cmpf ogt, %gather3A_266, %max3A_263 : vector<16xf32>
        %max3A_268 = arith.maximumf %max3A_263, %gather3A_266 : vector<16xf32>
        %select_n3A_269 = arith.select %gt3A_267, %add3A_265, %select_n3A_264 : vector<16xi1>, vector<16xi32>
        %add3A_270 = arith.addi %add3A_265, %broadcast_in_dim3A_10 : vector<16xi32>
        %gather3A_271 = tpu.vector_load_idx %arg5[%add3A_270] : memref<36096xf32, #tpu.memory_space<vmem>>[vector<16xi32>], vector<16xf32>,
        %gt3A_272 = arith.cmpf ogt, %gather3A_271, %max3A_268 : vector<16xf32>
        %max3A_273 = arith.maximumf %max3A_268, %gather3A_271 : vector<16xf32>
        %select_n3A_274 = arith.select %gt3A_272, %add3A_270, %select_n3A_269 : vector<16xi1>, vector<16xi32>
        %add3A_275 = arith.addi %add3A_270, %broadcast_in_dim3A_10 : vector<16xi32>
        %gather3A_276 = tpu.vector_load_idx %arg5[%add3A_275] : memref<36096xf32, #tpu.memory_space<vmem>>[vector<16xi32>], vector<16xf32>,
        %gt3A_277 = arith.cmpf ogt, %gather3A_276, %max3A_273 : vector<16xf32>
        %max3A_278 = arith.maximumf %max3A_273, %gather3A_276 : vector<16xf32>
        %select_n3A_279 = arith.select %gt3A_277, %add3A_275, %select_n3A_274 : vector<16xi1>, vector<16xi32>
        %add3A_280 = arith.addi %add3A_275, %broadcast_in_dim3A_10 : vector<16xi32>
        %gather3A_281 = tpu.vector_load_idx %arg5[%add3A_280] : memref<36096xf32, #tpu.memory_space<vmem>>[vector<16xi32>], vector<16xf32>,
        %gt3A_282 = arith.cmpf ogt, %gather3A_281, %max3A_278 : vector<16xf32>
        %max3A_283 = arith.maximumf %max3A_278, %gather3A_281 : vector<16xf32>
        %select_n3A_284 = arith.select %gt3A_282, %add3A_280, %select_n3A_279 : vector<16xi1>, vector<16xi32>
        %add3A_285 = arith.addi %add3A_280, %broadcast_in_dim3A_10 : vector<16xi32>
        %gather3A_286 = tpu.vector_load_idx %arg5[%add3A_285] : memref<36096xf32, #tpu.memory_space<vmem>>[vector<16xi32>], vector<16xf32>,
        %gt3A_287 = arith.cmpf ogt, %gather3A_286, %max3A_283 : vector<16xf32>
        %max3A_288 = arith.maximumf %max3A_283, %gather3A_286 : vector<16xf32>
        %select_n3A_289 = arith.select %gt3A_287, %add3A_285, %select_n3A_284 : vector<16xi1>, vector<16xi32>
        %add3A_290 = arith.addi %add3A_285, %broadcast_in_dim3A_10 : vector<16xi32>
        %gather3A_291 = tpu.vector_load_idx %arg5[%add3A_290] : memref<36096xf32, #tpu.memory_space<vmem>>[vector<16xi32>], vector<16xf32>,
        %gt3A_292 = arith.cmpf ogt, %gather3A_291, %max3A_288 : vector<16xf32>
        %max3A_293 = arith.maximumf %max3A_288, %gather3A_291 : vector<16xf32>
        %select_n3A_294 = arith.select %gt3A_292, %add3A_290, %select_n3A_289 : vector<16xi1>, vector<16xi32>
        %add3A_295 = arith.addi %add3A_290, %broadcast_in_dim3A_10 : vector<16xi32>
        %gather3A_296 = tpu.vector_load_idx %arg5[%add3A_295] : memref<36096xf32, #tpu.memory_space<vmem>>[vector<16xi32>], vector<16xf32>,
        %gt3A_297 = arith.cmpf ogt, %gather3A_296, %max3A_293 : vector<16xf32>
        %max3A_298 = arith.maximumf %max3A_293, %gather3A_296 : vector<16xf32>
        %select_n3A_299 = arith.select %gt3A_297, %add3A_295, %select_n3A_294 : vector<16xi1>, vector<16xi32>
        %add3A_300 = arith.addi %add3A_295, %broadcast_in_dim3A_10 : vector<16xi32>
        %gather3A_301 = tpu.vector_load_idx %arg5[%add3A_300] : memref<36096xf32, #tpu.memory_space<vmem>>[vector<16xi32>], vector<16xf32>,
        %gt3A_302 = arith.cmpf ogt, %gather3A_301, %max3A_298 : vector<16xf32>
        %max3A_303 = arith.maximumf %max3A_298, %gather3A_301 : vector<16xf32>
        %select_n3A_304 = arith.select %gt3A_302, %add3A_300, %select_n3A_299 : vector<16xi1>, vector<16xi32>
        %add3A_305 = arith.addi %add3A_300, %broadcast_in_dim3A_10 : vector<16xi32>
        %gather3A_306 = tpu.vector_load_idx %arg5[%add3A_305] : memref<36096xf32, #tpu.memory_space<vmem>>[vector<16xi32>], vector<16xf32>,
        %gt3A_307 = arith.cmpf ogt, %gather3A_306, %max3A_303 : vector<16xf32>
        %max3A_308 = arith.maximumf %max3A_303, %gather3A_306 : vector<16xf32>
        %select_n3A_309 = arith.select %gt3A_307, %add3A_305, %select_n3A_304 : vector<16xi1>, vector<16xi32>
        %add3A_310 = arith.addi %add3A_305, %broadcast_in_dim3A_10 : vector<16xi32>
        %gather3A_311 = tpu.vector_load_idx %arg5[%add3A_310] : memref<36096xf32, #tpu.memory_space<vmem>>[vector<16xi32>], vector<16xf32>,
        %gt3A_312 = arith.cmpf ogt, %gather3A_311, %max3A_308 : vector<16xf32>
        %max3A_313 = arith.maximumf %max3A_308, %gather3A_311 : vector<16xf32>
        %select_n3A_314 = arith.select %gt3A_312, %add3A_310, %select_n3A_309 : vector<16xi1>, vector<16xi32>
        %add3A_315 = arith.addi %add3A_310, %broadcast_in_dim3A_10 : vector<16xi32>
        %gather3A_316 = tpu.vector_load_idx %arg5[%add3A_315] : memref<36096xf32, #tpu.memory_space<vmem>>[vector<16xi32>], vector<16xf32>,
        %gt3A_317 = arith.cmpf ogt, %gather3A_316, %max3A_313 : vector<16xf32>
        %max3A_318 = arith.maximumf %max3A_313, %gather3A_316 : vector<16xf32>
        %select_n3A_319 = arith.select %gt3A_317, %add3A_315, %select_n3A_314 : vector<16xi1>, vector<16xi32>
        %add3A_320 = arith.addi %add3A_315, %broadcast_in_dim3A_10 : vector<16xi32>
        %gather3A_321 = tpu.vector_load_idx %arg5[%add3A_320] : memref<36096xf32, #tpu.memory_space<vmem>>[vector<16xi32>], vector<16xf32>,
        %gt3A_322 = arith.cmpf ogt, %gather3A_321, %max3A_318 : vector<16xf32>
        %max3A_323 = arith.maximumf %max3A_318, %gather3A_321 : vector<16xf32>
        %select_n3A_324 = arith.select %gt3A_322, %add3A_320, %select_n3A_319 : vector<16xi1>, vector<16xi32>
        %add3A_325 = arith.addi %add3A_320, %broadcast_in_dim3A_10 : vector<16xi32>
        %gather3A_326 = tpu.vector_load_idx %arg5[%add3A_325] : memref<36096xf32, #tpu.memory_space<vmem>>[vector<16xi32>], vector<16xf32>,
        %gt3A_327 = arith.cmpf ogt, %gather3A_326, %max3A_323 : vector<16xf32>
        %max3A_328 = arith.maximumf %max3A_323, %gather3A_326 : vector<16xf32>
        %select_n3A_329 = arith.select %gt3A_327, %add3A_325, %select_n3A_324 : vector<16xi1>, vector<16xi32>
        %add3A_330 = arith.addi %add3A_325, %broadcast_in_dim3A_10 : vector<16xi32>
        %gather3A_331 = tpu.vector_load_idx %arg5[%add3A_330] : memref<36096xf32, #tpu.memory_space<vmem>>[vector<16xi32>], vector<16xf32>,
        %gt3A_332 = arith.cmpf ogt, %gather3A_331, %max3A_328 : vector<16xf32>
        %max3A_333 = arith.maximumf %max3A_328, %gather3A_331 : vector<16xf32>
        %select_n3A_334 = arith.select %gt3A_332, %add3A_330, %select_n3A_329 : vector<16xi1>, vector<16xi32>
        %add3A_335 = arith.addi %add3A_330, %broadcast_in_dim3A_10 : vector<16xi32>
        %gather3A_336 = tpu.vector_load_idx %arg5[%add3A_335] : memref<36096xf32, #tpu.memory_space<vmem>>[vector<16xi32>], vector<16xf32>,
        %gt3A_337 = arith.cmpf ogt, %gather3A_336, %max3A_333 : vector<16xf32>
        %max3A_338 = arith.maximumf %max3A_333, %gather3A_336 : vector<16xf32>
        %select_n3A_339 = arith.select %gt3A_337, %add3A_335, %select_n3A_334 : vector<16xi1>, vector<16xi32>
        %add3A_340 = arith.addi %add3A_335, %broadcast_in_dim3A_10 : vector<16xi32>
        %gather3A_341 = tpu.vector_load_idx %arg5[%add3A_340] : memref<36096xf32, #tpu.memory_space<vmem>>[vector<16xi32>], vector<16xf32>,
        %gt3A_342 = arith.cmpf ogt, %gather3A_341, %max3A_338 : vector<16xf32>
        %max3A_343 = arith.maximumf %max3A_338, %gather3A_341 : vector<16xf32>
        %select_n3A_344 = arith.select %gt3A_342, %add3A_340, %select_n3A_339 : vector<16xi1>, vector<16xi32>
        %add3A_345 = arith.addi %add3A_340, %broadcast_in_dim3A_10 : vector<16xi32>
        %gather3A_346 = tpu.vector_load_idx %arg5[%add3A_345] : memref<36096xf32, #tpu.memory_space<vmem>>[vector<16xi32>], vector<16xf32>,
        %gt3A_347 = arith.cmpf ogt, %gather3A_346, %max3A_343 : vector<16xf32>
        %max3A_348 = arith.maximumf %max3A_343, %gather3A_346 : vector<16xf32>
        %select_n3A_349 = arith.select %gt3A_347, %add3A_345, %select_n3A_344 : vector<16xi1>, vector<16xi32>
        %add3A_350 = arith.addi %add3A_345, %broadcast_in_dim3A_10 : vector<16xi32>
        %gather3A_351 = tpu.vector_load_idx %arg5[%add3A_350] : memref<36096xf32, #tpu.memory_space<vmem>>[vector<16xi32>], vector<16xf32>,
        %gt3A_352 = arith.cmpf ogt, %gather3A_351, %max3A_348 : vector<16xf32>
        %max3A_353 = arith.maximumf %max3A_348, %gather3A_351 : vector<16xf32>
        %select_n3A_354 = arith.select %gt3A_352, %add3A_350, %select_n3A_349 : vector<16xi1>, vector<16xi32>
        %add3A_355 = arith.addi %add3A_350, %broadcast_in_dim3A_10 : vector<16xi32>
        %gather3A_356 = tpu.vector_load_idx %arg5[%add3A_355] : memref<36096xf32, #tpu.memory_space<vmem>>[vector<16xi32>], vector<16xf32>,
        %gt3A_357 = arith.cmpf ogt, %gather3A_356, %max3A_353 : vector<16xf32>
        %max3A_358 = arith.maximumf %max3A_353, %gather3A_356 : vector<16xf32>
        %select_n3A_359 = arith.select %gt3A_357, %add3A_355, %select_n3A_354 : vector<16xi1>, vector<16xi32>
        %add3A_360 = arith.addi %add3A_355, %broadcast_in_dim3A_10 : vector<16xi32>
        %gather3A_361 = tpu.vector_load_idx %arg5[%add3A_360] : memref<36096xf32, #tpu.memory_space<vmem>>[vector<16xi32>], vector<16xf32>,
        %gt3A_362 = arith.cmpf ogt, %gather3A_361, %max3A_358 : vector<16xf32>
        %max3A_363 = arith.maximumf %max3A_358, %gather3A_361 : vector<16xf32>
        %select_n3A_364 = arith.select %gt3A_362, %add3A_360, %select_n3A_359 : vector<16xi1>, vector<16xi32>
        %add3A_365 = arith.addi %add3A_360, %broadcast_in_dim3A_10 : vector<16xi32>
        %gather3A_366 = tpu.vector_load_idx %arg5[%add3A_365] : memref<36096xf32, #tpu.memory_space<vmem>>[vector<16xi32>], vector<16xf32>,
        %gt3A_367 = arith.cmpf ogt, %gather3A_366, %max3A_363 : vector<16xf32>
        %max3A_368 = arith.maximumf %max3A_363, %gather3A_366 : vector<16xf32>
        %select_n3A_369 = arith.select %gt3A_367, %add3A_365, %select_n3A_364 : vector<16xi1>, vector<16xi32>
        %add3A_370 = arith.addi %add3A_365, %broadcast_in_dim3A_10 : vector<16xi32>
        %gather3A_371 = tpu.vector_load_idx %arg5[%add3A_370] : memref<36096xf32, #tpu.memory_space<vmem>>[vector<16xi32>], vector<16xf32>,
        %gt3A_372 = arith.cmpf ogt, %gather3A_371, %max3A_368 : vector<16xf32>
        %max3A_373 = arith.maximumf %max3A_368, %gather3A_371 : vector<16xf32>
        %select_n3A_374 = arith.select %gt3A_372, %add3A_370, %select_n3A_369 : vector<16xi1>, vector<16xi32>
        %add3A_375 = arith.addi %add3A_370, %broadcast_in_dim3A_10 : vector<16xi32>
        %gather3A_376 = tpu.vector_load_idx %arg5[%add3A_375] : memref<36096xf32, #tpu.memory_space<vmem>>[vector<16xi32>], vector<16xf32>,
        %gt3A_377 = arith.cmpf ogt, %gather3A_376, %max3A_373 : vector<16xf32>
        %max3A_378 = arith.maximumf %max3A_373, %gather3A_376 : vector<16xf32>
        %select_n3A_379 = arith.select %gt3A_377, %add3A_375, %select_n3A_374 : vector<16xi1>, vector<16xi32>
        %add3A_380 = arith.addi %add3A_375, %broadcast_in_dim3A_10 : vector<16xi32>
        %gather3A_381 = tpu.vector_load_idx %arg5[%add3A_380] : memref<36096xf32, #tpu.memory_space<vmem>>[vector<16xi32>], vector<16xf32>,
        %gt3A_382 = arith.cmpf ogt, %gather3A_381, %max3A_378 : vector<16xf32>
        %max3A_383 = arith.maximumf %max3A_378, %gather3A_381 : vector<16xf32>
        %select_n3A_384 = arith.select %gt3A_382, %add3A_380, %select_n3A_379 : vector<16xi1>, vector<16xi32>
        %add3A_385 = arith.addi %add3A_380, %broadcast_in_dim3A_10 : vector<16xi32>
        %gather3A_386 = tpu.vector_load_idx %arg5[%add3A_385] : memref<36096xf32, #tpu.memory_space<vmem>>[vector<16xi32>], vector<16xf32>,
        %gt3A_387 = arith.cmpf ogt, %gather3A_386, %max3A_383 : vector<16xf32>
        %max3A_388 = arith.maximumf %max3A_383, %gather3A_386 : vector<16xf32>
        %select_n3A_389 = arith.select %gt3A_387, %add3A_385, %select_n3A_384 : vector<16xi1>, vector<16xi32>
        %add3A_390 = arith.addi %add3A_385, %broadcast_in_dim3A_10 : vector<16xi32>
        %gather3A_391 = tpu.vector_load_idx %arg5[%add3A_390] : memref<36096xf32, #tpu.memory_space<vmem>>[vector<16xi32>], vector<16xf32>,
        %gt3A_392 = arith.cmpf ogt, %gather3A_391, %max3A_388 : vector<16xf32>
        %max3A_393 = arith.maximumf %max3A_388, %gather3A_391 : vector<16xf32>
        %select_n3A_394 = arith.select %gt3A_392, %add3A_390, %select_n3A_389 : vector<16xi1>, vector<16xi32>
        %add3A_395 = arith.addi %add3A_390, %broadcast_in_dim3A_10 : vector<16xi32>
        %gather3A_396 = tpu.vector_load_idx %arg5[%add3A_395] : memref<36096xf32, #tpu.memory_space<vmem>>[vector<16xi32>], vector<16xf32>,
        %gt3A_397 = arith.cmpf ogt, %gather3A_396, %max3A_393 : vector<16xf32>
        %max3A_398 = arith.maximumf %max3A_393, %gather3A_396 : vector<16xf32>
        %select_n3A_399 = arith.select %gt3A_397, %add3A_395, %select_n3A_394 : vector<16xi1>, vector<16xi32>
        %add3A_400 = arith.addi %add3A_395, %broadcast_in_dim3A_10 : vector<16xi32>
        %gather3A_401 = tpu.vector_load_idx %arg5[%add3A_400] : memref<36096xf32, #tpu.memory_space<vmem>>[vector<16xi32>], vector<16xf32>,
        %gt3A_402 = arith.cmpf ogt, %gather3A_401, %max3A_398 : vector<16xf32>
        %max3A_403 = arith.maximumf %max3A_398, %gather3A_401 : vector<16xf32>
        %select_n3A_404 = arith.select %gt3A_402, %add3A_400, %select_n3A_399 : vector<16xi1>, vector<16xi32>
        %add3A_405 = arith.addi %add3A_400, %broadcast_in_dim3A_10 : vector<16xi32>
        %gather3A_406 = tpu.vector_load_idx %arg5[%add3A_405] : memref<36096xf32, #tpu.memory_space<vmem>>[vector<16xi32>], vector<16xf32>,
        %gt3A_407 = arith.cmpf ogt, %gather3A_406, %max3A_403 : vector<16xf32>
        %max3A_408 = arith.maximumf %max3A_403, %gather3A_406 : vector<16xf32>
        %select_n3A_409 = arith.select %gt3A_407, %add3A_405, %select_n3A_404 : vector<16xi1>, vector<16xi32>
        %add3A_410 = arith.addi %add3A_405, %broadcast_in_dim3A_10 : vector<16xi32>
        %gather3A_411 = tpu.vector_load_idx %arg5[%add3A_410] : memref<36096xf32, #tpu.memory_space<vmem>>[vector<16xi32>], vector<16xf32>,
        %gt3A_412 = arith.cmpf ogt, %gather3A_411, %max3A_408 : vector<16xf32>
        %max3A_413 = arith.maximumf %max3A_408, %gather3A_411 : vector<16xf32>
        %select_n3A_414 = arith.select %gt3A_412, %add3A_410, %select_n3A_409 : vector<16xi1>, vector<16xi32>
        %add3A_415 = arith.addi %add3A_410, %broadcast_in_dim3A_10 : vector<16xi32>
        %gather3A_416 = tpu.vector_load_idx %arg5[%add3A_415] : memref<36096xf32, #tpu.memory_space<vmem>>[vector<16xi32>], vector<16xf32>,
        %gt3A_417 = arith.cmpf ogt, %gather3A_416, %max3A_413 : vector<16xf32>
        %max3A_418 = arith.maximumf %max3A_413, %gather3A_416 : vector<16xf32>
        %select_n3A_419 = arith.select %gt3A_417, %add3A_415, %select_n3A_414 : vector<16xi1>, vector<16xi32>
        %add3A_420 = arith.addi %add3A_415, %broadcast_in_dim3A_10 : vector<16xi32>
        %gather3A_421 = tpu.vector_load_idx %arg5[%add3A_420] : memref<36096xf32, #tpu.memory_space<vmem>>[vector<16xi32>], vector<16xf32>,
        %gt3A_422 = arith.cmpf ogt, %gather3A_421, %max3A_418 : vector<16xf32>
        %max3A_423 = arith.maximumf %max3A_418, %gather3A_421 : vector<16xf32>
        %select_n3A_424 = arith.select %gt3A_422, %add3A_420, %select_n3A_419 : vector<16xi1>, vector<16xi32>
        %add3A_425 = arith.addi %add3A_420, %broadcast_in_dim3A_10 : vector<16xi32>
        %gather3A_426 = tpu.vector_load_idx %arg5[%add3A_425] : memref<36096xf32, #tpu.memory_space<vmem>>[vector<16xi32>], vector<16xf32>,
        %gt3A_427 = arith.cmpf ogt, %gather3A_426, %max3A_423 : vector<16xf32>
        %max3A_428 = arith.maximumf %max3A_423, %gather3A_426 : vector<16xf32>
        %select_n3A_429 = arith.select %gt3A_427, %add3A_425, %select_n3A_424 : vector<16xi1>, vector<16xi32>
        %add3A_430 = arith.addi %add3A_425, %broadcast_in_dim3A_10 : vector<16xi32>
        %gather3A_431 = tpu.vector_load_idx %arg5[%add3A_430] : memref<36096xf32, #tpu.memory_space<vmem>>[vector<16xi32>], vector<16xf32>,
        %gt3A_432 = arith.cmpf ogt, %gather3A_431, %max3A_428 : vector<16xf32>
        %max3A_433 = arith.maximumf %max3A_428, %gather3A_431 : vector<16xf32>
        %select_n3A_434 = arith.select %gt3A_432, %add3A_430, %select_n3A_429 : vector<16xi1>, vector<16xi32>
        %add3A_435 = arith.addi %add3A_430, %broadcast_in_dim3A_10 : vector<16xi32>
        %gather3A_436 = tpu.vector_load_idx %arg5[%add3A_435] : memref<36096xf32, #tpu.memory_space<vmem>>[vector<16xi32>], vector<16xf32>,
        %gt3A_437 = arith.cmpf ogt, %gather3A_436, %max3A_433 : vector<16xf32>
        %max3A_438 = arith.maximumf %max3A_433, %gather3A_436 : vector<16xf32>
        %select_n3A_439 = arith.select %gt3A_437, %add3A_435, %select_n3A_434 : vector<16xi1>, vector<16xi32>
        %add3A_440 = arith.addi %add3A_435, %broadcast_in_dim3A_10 : vector<16xi32>
        %gather3A_441 = tpu.vector_load_idx %arg5[%add3A_440] : memref<36096xf32, #tpu.memory_space<vmem>>[vector<16xi32>], vector<16xf32>,
        %gt3A_442 = arith.cmpf ogt, %gather3A_441, %max3A_438 : vector<16xf32>
        %max3A_443 = arith.maximumf %max3A_438, %gather3A_441 : vector<16xf32>
        %select_n3A_444 = arith.select %gt3A_442, %add3A_440, %select_n3A_439 : vector<16xi1>, vector<16xi32>
        %add3A_445 = arith.addi %add3A_440, %broadcast_in_dim3A_10 : vector<16xi32>
        %gather3A_446 = tpu.vector_load_idx %arg5[%add3A_445] : memref<36096xf32, #tpu.memory_space<vmem>>[vector<16xi32>], vector<16xf32>,
        %gt3A_447 = arith.cmpf ogt, %gather3A_446, %max3A_443 : vector<16xf32>
        %max3A_448 = arith.maximumf %max3A_443, %gather3A_446 : vector<16xf32>
        %select_n3A_449 = arith.select %gt3A_447, %add3A_445, %select_n3A_444 : vector<16xi1>, vector<16xi32>
        %add3A_450 = arith.addi %add3A_445, %broadcast_in_dim3A_10 : vector<16xi32>
        %gather3A_451 = tpu.vector_load_idx %arg5[%add3A_450] : memref<36096xf32, #tpu.memory_space<vmem>>[vector<16xi32>], vector<16xf32>,
        %gt3A_452 = arith.cmpf ogt, %gather3A_451, %max3A_448 : vector<16xf32>
        %max3A_453 = arith.maximumf %max3A_448, %gather3A_451 : vector<16xf32>
        %select_n3A_454 = arith.select %gt3A_452, %add3A_450, %select_n3A_449 : vector<16xi1>, vector<16xi32>
        %add3A_455 = arith.addi %add3A_450, %broadcast_in_dim3A_10 : vector<16xi32>
        %gather3A_456 = tpu.vector_load_idx %arg5[%add3A_455] : memref<36096xf32, #tpu.memory_space<vmem>>[vector<16xi32>], vector<16xf32>,
        %gt3A_457 = arith.cmpf ogt, %gather3A_456, %max3A_453 : vector<16xf32>
        %max3A_458 = arith.maximumf %max3A_453, %gather3A_456 : vector<16xf32>
        %select_n3A_459 = arith.select %gt3A_457, %add3A_455, %select_n3A_454 : vector<16xi1>, vector<16xi32>
        %add3A_460 = arith.addi %add3A_455, %broadcast_in_dim3A_10 : vector<16xi32>
        %gather3A_461 = tpu.vector_load_idx %arg5[%add3A_460] : memref<36096xf32, #tpu.memory_space<vmem>>[vector<16xi32>], vector<16xf32>,
        %gt3A_462 = arith.cmpf ogt, %gather3A_461, %max3A_458 : vector<16xf32>
        %max3A_463 = arith.maximumf %max3A_458, %gather3A_461 : vector<16xf32>
        %select_n3A_464 = arith.select %gt3A_462, %add3A_460, %select_n3A_459 : vector<16xi1>, vector<16xi32>
        %add3A_465 = arith.addi %add3A_460, %broadcast_in_dim3A_10 : vector<16xi32>
        %gather3A_466 = tpu.vector_load_idx %arg5[%add3A_465] : memref<36096xf32, #tpu.memory_space<vmem>>[vector<16xi32>], vector<16xf32>,
        %gt3A_467 = arith.cmpf ogt, %gather3A_466, %max3A_463 : vector<16xf32>
        %max3A_468 = arith.maximumf %max3A_463, %gather3A_466 : vector<16xf32>
        %select_n3A_469 = arith.select %gt3A_467, %add3A_465, %select_n3A_464 : vector<16xi1>, vector<16xi32>
        %add3A_470 = arith.addi %add3A_465, %broadcast_in_dim3A_10 : vector<16xi32>
        %gather3A_471 = tpu.vector_load_idx %arg5[%add3A_470] : memref<36096xf32, #tpu.memory_space<vmem>>[vector<16xi32>], vector<16xf32>,
        %gt3A_472 = arith.cmpf ogt, %gather3A_471, %max3A_468 : vector<16xf32>
        %max3A_473 = arith.maximumf %max3A_468, %gather3A_471 : vector<16xf32>
        %select_n3A_474 = arith.select %gt3A_472, %add3A_470, %select_n3A_469 : vector<16xi1>, vector<16xi32>
        %add3A_475 = arith.addi %add3A_470, %broadcast_in_dim3A_10 : vector<16xi32>
        %gather3A_476 = tpu.vector_load_idx %arg5[%add3A_475] : memref<36096xf32, #tpu.memory_space<vmem>>[vector<16xi32>], vector<16xf32>,
        %gt3A_477 = arith.cmpf ogt, %gather3A_476, %max3A_473 : vector<16xf32>
        %max3A_478 = arith.maximumf %max3A_473, %gather3A_476 : vector<16xf32>
        %select_n3A_479 = arith.select %gt3A_477, %add3A_475, %select_n3A_474 : vector<16xi1>, vector<16xi32>
        %add3A_480 = arith.addi %add3A_475, %broadcast_in_dim3A_10 : vector<16xi32>
        %gather3A_481 = tpu.vector_load_idx %arg5[%add3A_480] : memref<36096xf32, #tpu.memory_space<vmem>>[vector<16xi32>], vector<16xf32>,
        %gt3A_482 = arith.cmpf ogt, %gather3A_481, %max3A_478 : vector<16xf32>
        %max3A_483 = arith.maximumf %max3A_478, %gather3A_481 : vector<16xf32>
        %select_n3A_484 = arith.select %gt3A_482, %add3A_480, %select_n3A_479 : vector<16xi1>, vector<16xi32>
        %add3A_485 = arith.addi %add3A_480, %broadcast_in_dim3A_10 : vector<16xi32>
        %gather3A_486 = tpu.vector_load_idx %arg5[%add3A_485] : memref<36096xf32, #tpu.memory_space<vmem>>[vector<16xi32>], vector<16xf32>,
        %gt3A_487 = arith.cmpf ogt, %gather3A_486, %max3A_483 : vector<16xf32>
        %max3A_488 = arith.maximumf %max3A_483, %gather3A_486 : vector<16xf32>
        %select_n3A_489 = arith.select %gt3A_487, %add3A_485, %select_n3A_484 : vector<16xi1>, vector<16xi32>
        %add3A_490 = arith.addi %add3A_485, %broadcast_in_dim3A_10 : vector<16xi32>
        %gather3A_491 = tpu.vector_load_idx %arg5[%add3A_490] : memref<36096xf32, #tpu.memory_space<vmem>>[vector<16xi32>], vector<16xf32>,
        %gt3A_492 = arith.cmpf ogt, %gather3A_491, %max3A_488 : vector<16xf32>
        %max3A_493 = arith.maximumf %max3A_488, %gather3A_491 : vector<16xf32>
        %select_n3A_494 = arith.select %gt3A_492, %add3A_490, %select_n3A_489 : vector<16xi1>, vector<16xi32>
        %add3A_495 = arith.addi %add3A_490, %broadcast_in_dim3A_10 : vector<16xi32>
        %gather3A_496 = tpu.vector_load_idx %arg5[%add3A_495] : memref<36096xf32, #tpu.memory_space<vmem>>[vector<16xi32>], vector<16xf32>,
        %gt3A_497 = arith.cmpf ogt, %gather3A_496, %max3A_493 : vector<16xf32>
        %max3A_498 = arith.maximumf %max3A_493, %gather3A_496 : vector<16xf32>
        %select_n3A_499 = arith.select %gt3A_497, %add3A_495, %select_n3A_494 : vector<16xi1>, vector<16xi32>
        %add3A_500 = arith.addi %add3A_495, %broadcast_in_dim3A_10 : vector<16xi32>
        %gather3A_501 = tpu.vector_load_idx %arg5[%add3A_500] : memref<36096xf32, #tpu.memory_space<vmem>>[vector<16xi32>], vector<16xf32>,
        %gt3A_502 = arith.cmpf ogt, %gather3A_501, %max3A_498 : vector<16xf32>
        %max3A_503 = arith.maximumf %max3A_498, %gather3A_501 : vector<16xf32>
        %select_n3A_504 = arith.select %gt3A_502, %add3A_500, %select_n3A_499 : vector<16xi1>, vector<16xi32>
        %add3A_505 = arith.addi %add3A_500, %broadcast_in_dim3A_10 : vector<16xi32>
        %gather3A_506 = tpu.vector_load_idx %arg5[%add3A_505] : memref<36096xf32, #tpu.memory_space<vmem>>[vector<16xi32>], vector<16xf32>,
        %gt3A_507 = arith.cmpf ogt, %gather3A_506, %max3A_503 : vector<16xf32>
        %max3A_508 = arith.maximumf %max3A_503, %gather3A_506 : vector<16xf32>
        %select_n3A_509 = arith.select %gt3A_507, %add3A_505, %select_n3A_504 : vector<16xi1>, vector<16xi32>
        %add3A_510 = arith.addi %add3A_505, %broadcast_in_dim3A_10 : vector<16xi32>
        %gather3A_511 = tpu.vector_load_idx %arg5[%add3A_510] : memref<36096xf32, #tpu.memory_space<vmem>>[vector<16xi32>], vector<16xf32>,
        %gt3A_512 = arith.cmpf ogt, %gather3A_511, %max3A_508 : vector<16xf32>
        %max3A_513 = arith.maximumf %max3A_508, %gather3A_511 : vector<16xf32>
        %select_n3A_514 = arith.select %gt3A_512, %add3A_510, %select_n3A_509 : vector<16xi1>, vector<16xi32>
        %add3A_515 = arith.addi %add3A_510, %broadcast_in_dim3A_10 : vector<16xi32>
        %gather3A_516 = tpu.vector_load_idx %arg5[%add3A_515] : memref<36096xf32, #tpu.memory_space<vmem>>[vector<16xi32>], vector<16xf32>,
        %gt3A_517 = arith.cmpf ogt, %gather3A_516, %max3A_513 : vector<16xf32>
        %max3A_518 = arith.maximumf %max3A_513, %gather3A_516 : vector<16xf32>
        %select_n3A_519 = arith.select %gt3A_517, %add3A_515, %select_n3A_514 : vector<16xi1>, vector<16xi32>
        %add3A_520 = arith.addi %add3A_515, %broadcast_in_dim3A_10 : vector<16xi32>
        %gather3A_521 = tpu.vector_load_idx %arg5[%add3A_520] : memref<36096xf32, #tpu.memory_space<vmem>>[vector<16xi32>], vector<16xf32>,
        %gt3A_522 = arith.cmpf ogt, %gather3A_521, %max3A_518 : vector<16xf32>
        %max3A_523 = arith.maximumf %max3A_518, %gather3A_521 : vector<16xf32>
        %select_n3A_524 = arith.select %gt3A_522, %add3A_520, %select_n3A_519 : vector<16xi1>, vector<16xi32>
        %add3A_525 = arith.addi %add3A_520, %broadcast_in_dim3A_10 : vector<16xi32>
        %gather3A_526 = tpu.vector_load_idx %arg5[%add3A_525] : memref<36096xf32, #tpu.memory_space<vmem>>[vector<16xi32>], vector<16xf32>,
        %gt3A_527 = arith.cmpf ogt, %gather3A_526, %max3A_523 : vector<16xf32>
        %max3A_528 = arith.maximumf %max3A_523, %gather3A_526 : vector<16xf32>
        %select_n3A_529 = arith.select %gt3A_527, %add3A_525, %select_n3A_524 : vector<16xi1>, vector<16xi32>
        %add3A_530 = arith.addi %add3A_525, %broadcast_in_dim3A_10 : vector<16xi32>
        %gather3A_531 = tpu.vector_load_idx %arg5[%add3A_530] : memref<36096xf32, #tpu.memory_space<vmem>>[vector<16xi32>], vector<16xf32>,
        %gt3A_532 = arith.cmpf ogt, %gather3A_531, %max3A_528 : vector<16xf32>
        %max3A_533 = arith.maximumf %max3A_528, %gather3A_531 : vector<16xf32>
        %select_n3A_534 = arith.select %gt3A_532, %add3A_530, %select_n3A_529 : vector<16xi1>, vector<16xi32>
        %add3A_535 = arith.addi %add3A_530, %broadcast_in_dim3A_10 : vector<16xi32>
        %gather3A_536 = tpu.vector_load_idx %arg5[%add3A_535] : memref<36096xf32, #tpu.memory_space<vmem>>[vector<16xi32>], vector<16xf32>,
        %gt3A_537 = arith.cmpf ogt, %gather3A_536, %max3A_533 : vector<16xf32>
        %max3A_538 = arith.maximumf %max3A_533, %gather3A_536 : vector<16xf32>
        %select_n3A_539 = arith.select %gt3A_537, %add3A_535, %select_n3A_534 : vector<16xi1>, vector<16xi32>
        %add3A_540 = arith.addi %add3A_535, %broadcast_in_dim3A_10 : vector<16xi32>
        %gather3A_541 = tpu.vector_load_idx %arg5[%add3A_540] : memref<36096xf32, #tpu.memory_space<vmem>>[vector<16xi32>], vector<16xf32>,
        %gt3A_542 = arith.cmpf ogt, %gather3A_541, %max3A_538 : vector<16xf32>
        %max3A_543 = arith.maximumf %max3A_538, %gather3A_541 : vector<16xf32>
        %select_n3A_544 = arith.select %gt3A_542, %add3A_540, %select_n3A_539 : vector<16xi1>, vector<16xi32>
        %add3A_545 = arith.addi %add3A_540, %broadcast_in_dim3A_10 : vector<16xi32>
        %gather3A_546 = tpu.vector_load_idx %arg5[%add3A_545] : memref<36096xf32, #tpu.memory_space<vmem>>[vector<16xi32>], vector<16xf32>,
        %gt3A_547 = arith.cmpf ogt, %gather3A_546, %max3A_543 : vector<16xf32>
        %max3A_548 = arith.maximumf %max3A_543, %gather3A_546 : vector<16xf32>
        %select_n3A_549 = arith.select %gt3A_547, %add3A_545, %select_n3A_544 : vector<16xi1>, vector<16xi32>
        %add3A_550 = arith.addi %add3A_545, %broadcast_in_dim3A_10 : vector<16xi32>
        %gather3A_551 = tpu.vector_load_idx %arg5[%add3A_550] : memref<36096xf32, #tpu.memory_space<vmem>>[vector<16xi32>], vector<16xf32>,
        %gt3A_552 = arith.cmpf ogt, %gather3A_551, %max3A_548 : vector<16xf32>
        %max3A_553 = arith.maximumf %max3A_548, %gather3A_551 : vector<16xf32>
        %select_n3A_554 = arith.select %gt3A_552, %add3A_550, %select_n3A_549 : vector<16xi1>, vector<16xi32>
        %add3A_555 = arith.addi %add3A_550, %broadcast_in_dim3A_10 : vector<16xi32>
        %gather3A_556 = tpu.vector_load_idx %arg5[%add3A_555] : memref<36096xf32, #tpu.memory_space<vmem>>[vector<16xi32>], vector<16xf32>,
        %gt3A_557 = arith.cmpf ogt, %gather3A_556, %max3A_553 : vector<16xf32>
        %max3A_558 = arith.maximumf %max3A_553, %gather3A_556 : vector<16xf32>
        %select_n3A_559 = arith.select %gt3A_557, %add3A_555, %select_n3A_554 : vector<16xi1>, vector<16xi32>
        %add3A_560 = arith.addi %add3A_555, %broadcast_in_dim3A_10 : vector<16xi32>
        %gather3A_561 = tpu.vector_load_idx %arg5[%add3A_560] : memref<36096xf32, #tpu.memory_space<vmem>>[vector<16xi32>], vector<16xf32>,
        %gt3A_562 = arith.cmpf ogt, %gather3A_561, %max3A_558 : vector<16xf32>
        %max3A_563 = arith.maximumf %max3A_558, %gather3A_561 : vector<16xf32>
        %select_n3A_564 = arith.select %gt3A_562, %add3A_560, %select_n3A_559 : vector<16xi1>, vector<16xi32>
        %add3A_565 = arith.addi %add3A_560, %broadcast_in_dim3A_10 : vector<16xi32>
        %gather3A_566 = tpu.vector_load_idx %arg5[%add3A_565] : memref<36096xf32, #tpu.memory_space<vmem>>[vector<16xi32>], vector<16xf32>,
        %gt3A_567 = arith.cmpf ogt, %gather3A_566, %max3A_563 : vector<16xf32>
        %max3A_568 = arith.maximumf %max3A_563, %gather3A_566 : vector<16xf32>
        %select_n3A_569 = arith.select %gt3A_567, %add3A_565, %select_n3A_564 : vector<16xi1>, vector<16xi32>
        %add3A_570 = arith.addi %add3A_565, %broadcast_in_dim3A_10 : vector<16xi32>
        %gather3A_571 = tpu.vector_load_idx %arg5[%add3A_570] : memref<36096xf32, #tpu.memory_space<vmem>>[vector<16xi32>], vector<16xf32>,
        %gt3A_572 = arith.cmpf ogt, %gather3A_571, %max3A_568 : vector<16xf32>
        %max3A_573 = arith.maximumf %max3A_568, %gather3A_571 : vector<16xf32>
        %select_n3A_574 = arith.select %gt3A_572, %add3A_570, %select_n3A_569 : vector<16xi1>, vector<16xi32>
        %add3A_575 = arith.addi %add3A_570, %broadcast_in_dim3A_10 : vector<16xi32>
        %gather3A_576 = tpu.vector_load_idx %arg5[%add3A_575] : memref<36096xf32, #tpu.memory_space<vmem>>[vector<16xi32>], vector<16xf32>,
        %gt3A_577 = arith.cmpf ogt, %gather3A_576, %max3A_573 : vector<16xf32>
        %max3A_578 = arith.maximumf %max3A_573, %gather3A_576 : vector<16xf32>
        %select_n3A_579 = arith.select %gt3A_577, %add3A_575, %select_n3A_574 : vector<16xi1>, vector<16xi32>
        %add3A_580 = arith.addi %add3A_575, %broadcast_in_dim3A_10 : vector<16xi32>
        %gather3A_581 = tpu.vector_load_idx %arg5[%add3A_580] : memref<36096xf32, #tpu.memory_space<vmem>>[vector<16xi32>], vector<16xf32>,
        %gt3A_582 = arith.cmpf ogt, %gather3A_581, %max3A_578 : vector<16xf32>
        %max3A_583 = arith.maximumf %max3A_578, %gather3A_581 : vector<16xf32>
        %select_n3A_584 = arith.select %gt3A_582, %add3A_580, %select_n3A_579 : vector<16xi1>, vector<16xi32>
        %add3A_585 = arith.addi %add3A_580, %broadcast_in_dim3A_10 : vector<16xi32>
        %gather3A_586 = tpu.vector_load_idx %arg5[%add3A_585] : memref<36096xf32, #tpu.memory_space<vmem>>[vector<16xi32>], vector<16xf32>,
        %gt3A_587 = arith.cmpf ogt, %gather3A_586, %max3A_583 : vector<16xf32>
        %max3A_588 = arith.maximumf %max3A_583, %gather3A_586 : vector<16xf32>
        %select_n3A_589 = arith.select %gt3A_587, %add3A_585, %select_n3A_584 : vector<16xi1>, vector<16xi32>
        %add3A_590 = arith.addi %add3A_585, %broadcast_in_dim3A_10 : vector<16xi32>
        %gather3A_591 = tpu.vector_load_idx %arg5[%add3A_590] : memref<36096xf32, #tpu.memory_space<vmem>>[vector<16xi32>], vector<16xf32>,
        %gt3A_592 = arith.cmpf ogt, %gather3A_591, %max3A_588 : vector<16xf32>
        %max3A_593 = arith.maximumf %max3A_588, %gather3A_591 : vector<16xf32>
        %select_n3A_594 = arith.select %gt3A_592, %add3A_590, %select_n3A_589 : vector<16xi1>, vector<16xi32>
        %add3A_595 = arith.addi %add3A_590, %broadcast_in_dim3A_10 : vector<16xi32>
        %gather3A_596 = tpu.vector_load_idx %arg5[%add3A_595] : memref<36096xf32, #tpu.memory_space<vmem>>[vector<16xi32>], vector<16xf32>,
        %gt3A_597 = arith.cmpf ogt, %gather3A_596, %max3A_593 : vector<16xf32>
        %max3A_598 = arith.maximumf %max3A_593, %gather3A_596 : vector<16xf32>
        %select_n3A_599 = arith.select %gt3A_597, %add3A_595, %select_n3A_594 : vector<16xi1>, vector<16xi32>
        %add3A_600 = arith.addi %add3A_595, %broadcast_in_dim3A_10 : vector<16xi32>
        %gather3A_601 = tpu.vector_load_idx %arg5[%add3A_600] : memref<36096xf32, #tpu.memory_space<vmem>>[vector<16xi32>], vector<16xf32>,
        %gt3A_602 = arith.cmpf ogt, %gather3A_601, %max3A_598 : vector<16xf32>
        %max3A_603 = arith.maximumf %max3A_598, %gather3A_601 : vector<16xf32>
        %select_n3A_604 = arith.select %gt3A_602, %add3A_600, %select_n3A_599 : vector<16xi1>, vector<16xi32>
        %add3A_605 = arith.addi %add3A_600, %broadcast_in_dim3A_10 : vector<16xi32>
        %gather3A_606 = tpu.vector_load_idx %arg5[%add3A_605] : memref<36096xf32, #tpu.memory_space<vmem>>[vector<16xi32>], vector<16xf32>,
        %gt3A_607 = arith.cmpf ogt, %gather3A_606, %max3A_603 : vector<16xf32>
        %max3A_608 = arith.maximumf %max3A_603, %gather3A_606 : vector<16xf32>
        %select_n3A_609 = arith.select %gt3A_607, %add3A_605, %select_n3A_604 : vector<16xi1>, vector<16xi32>
        %add3A_610 = arith.addi %add3A_605, %broadcast_in_dim3A_10 : vector<16xi32>
        %gather3A_611 = tpu.vector_load_idx %arg5[%add3A_610] : memref<36096xf32, #tpu.memory_space<vmem>>[vector<16xi32>], vector<16xf32>,
        %gt3A_612 = arith.cmpf ogt, %gather3A_611, %max3A_608 : vector<16xf32>
        %max3A_613 = arith.maximumf %max3A_608, %gather3A_611 : vector<16xf32>
        %select_n3A_614 = arith.select %gt3A_612, %add3A_610, %select_n3A_609 : vector<16xi1>, vector<16xi32>
        %add3A_615 = arith.addi %add3A_610, %broadcast_in_dim3A_10 : vector<16xi32>
        %gather3A_616 = tpu.vector_load_idx %arg5[%add3A_615] : memref<36096xf32, #tpu.memory_space<vmem>>[vector<16xi32>], vector<16xf32>,
        %gt3A_617 = arith.cmpf ogt, %gather3A_616, %max3A_613 : vector<16xf32>
        %max3A_618 = arith.maximumf %max3A_613, %gather3A_616 : vector<16xf32>
        %select_n3A_619 = arith.select %gt3A_617, %add3A_615, %select_n3A_614 : vector<16xi1>, vector<16xi32>
        %add3A_620 = arith.addi %add3A_615, %broadcast_in_dim3A_10 : vector<16xi32>
        %gather3A_621 = tpu.vector_load_idx %arg5[%add3A_620] : memref<36096xf32, #tpu.memory_space<vmem>>[vector<16xi32>], vector<16xf32>,
        %gt3A_622 = arith.cmpf ogt, %gather3A_621, %max3A_618 : vector<16xf32>
        %max3A_623 = arith.maximumf %max3A_618, %gather3A_621 : vector<16xf32>
        %select_n3A_624 = arith.select %gt3A_622, %add3A_620, %select_n3A_619 : vector<16xi1>, vector<16xi32>
        %add3A_625 = arith.addi %add3A_620, %broadcast_in_dim3A_10 : vector<16xi32>
        %gather3A_626 = tpu.vector_load_idx %arg5[%add3A_625] : memref<36096xf32, #tpu.memory_space<vmem>>[vector<16xi32>], vector<16xf32>,
        %gt3A_627 = arith.cmpf ogt, %gather3A_626, %max3A_623 : vector<16xf32>
        %max3A_628 = arith.maximumf %max3A_623, %gather3A_626 : vector<16xf32>
        %select_n3A_629 = arith.select %gt3A_627, %add3A_625, %select_n3A_624 : vector<16xi1>, vector<16xi32>
        %add3A_630 = arith.addi %add3A_625, %broadcast_in_dim3A_10 : vector<16xi32>
        %gather3A_631 = tpu.vector_load_idx %arg5[%add3A_630] : memref<36096xf32, #tpu.memory_space<vmem>>[vector<16xi32>], vector<16xf32>,
        %gt3A_632 = arith.cmpf ogt, %gather3A_631, %max3A_628 : vector<16xf32>
        %max3A_633 = arith.maximumf %max3A_628, %gather3A_631 : vector<16xf32>
        %select_n3A_634 = arith.select %gt3A_632, %add3A_630, %select_n3A_629 : vector<16xi1>, vector<16xi32>
        %add3A_635 = arith.addi %add3A_630, %broadcast_in_dim3A_10 : vector<16xi32>
        %gather3A_636 = tpu.vector_load_idx %arg5[%add3A_635] : memref<36096xf32, #tpu.memory_space<vmem>>[vector<16xi32>], vector<16xf32>,
        %gt3A_637 = arith.cmpf ogt, %gather3A_636, %max3A_633 : vector<16xf32>
        %max3A_638 = arith.maximumf %max3A_633, %gather3A_636 : vector<16xf32>
        %select_n3A_639 = arith.select %gt3A_637, %add3A_635, %select_n3A_634 : vector<16xi1>, vector<16xi32>
        %add3A_640 = arith.addi %add3A_635, %broadcast_in_dim3A_10 : vector<16xi32>
        %gather3A_641 = tpu.vector_load_idx %arg5[%add3A_640] : memref<36096xf32, #tpu.memory_space<vmem>>[vector<16xi32>], vector<16xf32>,
        %gt3A_642 = arith.cmpf ogt, %gather3A_641, %max3A_638 : vector<16xf32>
        %max3A_643 = arith.maximumf %max3A_638, %gather3A_641 : vector<16xf32>
        %select_n3A_644 = arith.select %gt3A_642, %add3A_640, %select_n3A_639 : vector<16xi1>, vector<16xi32>
        %add3A_645 = arith.addi %add3A_640, %broadcast_in_dim3A_10 : vector<16xi32>
        %gather3A_646 = tpu.vector_load_idx %arg5[%add3A_645] : memref<36096xf32, #tpu.memory_space<vmem>>[vector<16xi32>], vector<16xf32>,
        %gt3A_647 = arith.cmpf ogt, %gather3A_646, %max3A_643 : vector<16xf32>
        %max3A_648 = arith.maximumf %max3A_643, %gather3A_646 : vector<16xf32>
        %select_n3A_649 = arith.select %gt3A_647, %add3A_645, %select_n3A_644 : vector<16xi1>, vector<16xi32>
        %add3A_650 = arith.addi %add3A_645, %broadcast_in_dim3A_10 : vector<16xi32>
        %gather3A_651 = tpu.vector_load_idx %arg5[%add3A_650] : memref<36096xf32, #tpu.memory_space<vmem>>[vector<16xi32>], vector<16xf32>,
        %gt3A_652 = arith.cmpf ogt, %gather3A_651, %max3A_648 : vector<16xf32>
        %max3A_653 = arith.maximumf %max3A_648, %gather3A_651 : vector<16xf32>
        %select_n3A_654 = arith.select %gt3A_652, %add3A_650, %select_n3A_649 : vector<16xi1>, vector<16xi32>
        %add3A_655 = arith.addi %add3A_650, %broadcast_in_dim3A_10 : vector<16xi32>
        %gather3A_656 = tpu.vector_load_idx %arg5[%add3A_655] : memref<36096xf32, #tpu.memory_space<vmem>>[vector<16xi32>], vector<16xf32>,
        %gt3A_657 = arith.cmpf ogt, %gather3A_656, %max3A_653 : vector<16xf32>
        %max3A_658 = arith.maximumf %max3A_653, %gather3A_656 : vector<16xf32>
        %select_n3A_659 = arith.select %gt3A_657, %add3A_655, %select_n3A_654 : vector<16xi1>, vector<16xi32>
        %add3A_660 = arith.addi %add3A_655, %broadcast_in_dim3A_10 : vector<16xi32>
        %gather3A_661 = tpu.vector_load_idx %arg5[%add3A_660] : memref<36096xf32, #tpu.memory_space<vmem>>[vector<16xi32>], vector<16xf32>,
        %gt3A_662 = arith.cmpf ogt, %gather3A_661, %max3A_658 : vector<16xf32>
        %max3A_663 = arith.maximumf %max3A_658, %gather3A_661 : vector<16xf32>
        %select_n3A_664 = arith.select %gt3A_662, %add3A_660, %select_n3A_659 : vector<16xi1>, vector<16xi32>
        %add3A_665 = arith.addi %add3A_660, %broadcast_in_dim3A_10 : vector<16xi32>
        %gather3A_666 = tpu.vector_load_idx %arg5[%add3A_665] : memref<36096xf32, #tpu.memory_space<vmem>>[vector<16xi32>], vector<16xf32>,
        %gt3A_667 = arith.cmpf ogt, %gather3A_666, %max3A_663 : vector<16xf32>
        %max3A_668 = arith.maximumf %max3A_663, %gather3A_666 : vector<16xf32>
        %select_n3A_669 = arith.select %gt3A_667, %add3A_665, %select_n3A_664 : vector<16xi1>, vector<16xi32>
        %add3A_670 = arith.addi %add3A_665, %broadcast_in_dim3A_10 : vector<16xi32>
        %gather3A_671 = tpu.vector_load_idx %arg5[%add3A_670] : memref<36096xf32, #tpu.memory_space<vmem>>[vector<16xi32>], vector<16xf32>,
        %gt3A_672 = arith.cmpf ogt, %gather3A_671, %max3A_668 : vector<16xf32>
        %max3A_673 = arith.maximumf %max3A_668, %gather3A_671 : vector<16xf32>
        %select_n3A_674 = arith.select %gt3A_672, %add3A_670, %select_n3A_669 : vector<16xi1>, vector<16xi32>
        %add3A_675 = arith.addi %add3A_670, %broadcast_in_dim3A_10 : vector<16xi32>
        %gather3A_676 = tpu.vector_load_idx %arg5[%add3A_675] : memref<36096xf32, #tpu.memory_space<vmem>>[vector<16xi32>], vector<16xf32>,
        %gt3A_677 = arith.cmpf ogt, %gather3A_676, %max3A_673 : vector<16xf32>
        %max3A_678 = arith.maximumf %max3A_673, %gather3A_676 : vector<16xf32>
        %select_n3A_679 = arith.select %gt3A_677, %add3A_675, %select_n3A_674 : vector<16xi1>, vector<16xi32>
        %add3A_680 = arith.addi %add3A_675, %broadcast_in_dim3A_10 : vector<16xi32>
        %gather3A_681 = tpu.vector_load_idx %arg5[%add3A_680] : memref<36096xf32, #tpu.memory_space<vmem>>[vector<16xi32>], vector<16xf32>,
        %gt3A_682 = arith.cmpf ogt, %gather3A_681, %max3A_678 : vector<16xf32>
        %max3A_683 = arith.maximumf %max3A_678, %gather3A_681 : vector<16xf32>
        %select_n3A_684 = arith.select %gt3A_682, %add3A_680, %select_n3A_679 : vector<16xi1>, vector<16xi32>
        %add3A_685 = arith.addi %add3A_680, %broadcast_in_dim3A_10 : vector<16xi32>
        %gather3A_686 = tpu.vector_load_idx %arg5[%add3A_685] : memref<36096xf32, #tpu.memory_space<vmem>>[vector<16xi32>], vector<16xf32>,
        %gt3A_687 = arith.cmpf ogt, %gather3A_686, %max3A_683 : vector<16xf32>
        %max3A_688 = arith.maximumf %max3A_683, %gather3A_686 : vector<16xf32>
        %select_n3A_689 = arith.select %gt3A_687, %add3A_685, %select_n3A_684 : vector<16xi1>, vector<16xi32>
        %add3A_690 = arith.addi %add3A_685, %broadcast_in_dim3A_10 : vector<16xi32>
        %gather3A_691 = tpu.vector_load_idx %arg5[%add3A_690] : memref<36096xf32, #tpu.memory_space<vmem>>[vector<16xi32>], vector<16xf32>,
        %gt3A_692 = arith.cmpf ogt, %gather3A_691, %max3A_688 : vector<16xf32>
        %max3A_693 = arith.maximumf %max3A_688, %gather3A_691 : vector<16xf32>
        %select_n3A_694 = arith.select %gt3A_692, %add3A_690, %select_n3A_689 : vector<16xi1>, vector<16xi32>
        %add3A_695 = arith.addi %add3A_690, %broadcast_in_dim3A_10 : vector<16xi32>
        %gather3A_696 = tpu.vector_load_idx %arg5[%add3A_695] : memref<36096xf32, #tpu.memory_space<vmem>>[vector<16xi32>], vector<16xf32>,
        %gt3A_697 = arith.cmpf ogt, %gather3A_696, %max3A_693 : vector<16xf32>
        %max3A_698 = arith.maximumf %max3A_693, %gather3A_696 : vector<16xf32>
        %select_n3A_699 = arith.select %gt3A_697, %add3A_695, %select_n3A_694 : vector<16xi1>, vector<16xi32>
        %add3A_700 = arith.addi %add3A_695, %broadcast_in_dim3A_10 : vector<16xi32>
        %gather3A_701 = tpu.vector_load_idx %arg5[%add3A_700] : memref<36096xf32, #tpu.memory_space<vmem>>[vector<16xi32>], vector<16xf32>,
        %gt3A_702 = arith.cmpf ogt, %gather3A_701, %max3A_698 : vector<16xf32>
        %max3A_703 = arith.maximumf %max3A_698, %gather3A_701 : vector<16xf32>
        %select_n3A_704 = arith.select %gt3A_702, %add3A_700, %select_n3A_699 : vector<16xi1>, vector<16xi32>
        %add3A_705 = arith.addi %add3A_700, %broadcast_in_dim3A_10 : vector<16xi32>
        %gather3A_706 = tpu.vector_load_idx %arg5[%add3A_705] : memref<36096xf32, #tpu.memory_space<vmem>>[vector<16xi32>], vector<16xf32>,
        %gt3A_707 = arith.cmpf ogt, %gather3A_706, %max3A_703 : vector<16xf32>
        %max3A_708 = arith.maximumf %max3A_703, %gather3A_706 : vector<16xf32>
        %select_n3A_709 = arith.select %gt3A_707, %add3A_705, %select_n3A_704 : vector<16xi1>, vector<16xi32>
        %add3A_710 = arith.addi %add3A_705, %broadcast_in_dim3A_10 : vector<16xi32>
        %gather3A_711 = tpu.vector_load_idx %arg5[%add3A_710] : memref<36096xf32, #tpu.memory_space<vmem>>[vector<16xi32>], vector<16xf32>,
        %gt3A_712 = arith.cmpf ogt, %gather3A_711, %max3A_708 : vector<16xf32>
        %max3A_713 = arith.maximumf %max3A_708, %gather3A_711 : vector<16xf32>
        %select_n3A_714 = arith.select %gt3A_712, %add3A_710, %select_n3A_709 : vector<16xi1>, vector<16xi32>
        %add3A_715 = arith.addi %add3A_710, %broadcast_in_dim3A_10 : vector<16xi32>
        %gather3A_716 = tpu.vector_load_idx %arg5[%add3A_715] : memref<36096xf32, #tpu.memory_space<vmem>>[vector<16xi32>], vector<16xf32>,
        %gt3A_717 = arith.cmpf ogt, %gather3A_716, %max3A_713 : vector<16xf32>
        %max3A_718 = arith.maximumf %max3A_713, %gather3A_716 : vector<16xf32>
        %select_n3A_719 = arith.select %gt3A_717, %add3A_715, %select_n3A_714 : vector<16xi1>, vector<16xi32>
        %add3A_720 = arith.addi %add3A_715, %broadcast_in_dim3A_10 : vector<16xi32>
        %gather3A_721 = tpu.vector_load_idx %arg5[%add3A_720] : memref<36096xf32, #tpu.memory_space<vmem>>[vector<16xi32>], vector<16xf32>,
        %gt3A_722 = arith.cmpf ogt, %gather3A_721, %max3A_718 : vector<16xf32>
        %max3A_723 = arith.maximumf %max3A_718, %gather3A_721 : vector<16xf32>
        %select_n3A_724 = arith.select %gt3A_722, %add3A_720, %select_n3A_719 : vector<16xi1>, vector<16xi32>
        %add3A_725 = arith.addi %add3A_720, %broadcast_in_dim3A_10 : vector<16xi32>
        %gather3A_726 = tpu.vector_load_idx %arg5[%add3A_725] : memref<36096xf32, #tpu.memory_space<vmem>>[vector<16xi32>], vector<16xf32>,
        %gt3A_727 = arith.cmpf ogt, %gather3A_726, %max3A_723 : vector<16xf32>
        %max3A_728 = arith.maximumf %max3A_723, %gather3A_726 : vector<16xf32>
        %select_n3A_729 = arith.select %gt3A_727, %add3A_725, %select_n3A_724 : vector<16xi1>, vector<16xi32>
        %add3A_730 = arith.addi %add3A_725, %broadcast_in_dim3A_10 : vector<16xi32>
        %gather3A_731 = tpu.vector_load_idx %arg5[%add3A_730] : memref<36096xf32, #tpu.memory_space<vmem>>[vector<16xi32>], vector<16xf32>,
        %gt3A_732 = arith.cmpf ogt, %gather3A_731, %max3A_728 : vector<16xf32>
        %max3A_733 = arith.maximumf %max3A_728, %gather3A_731 : vector<16xf32>
        %select_n3A_734 = arith.select %gt3A_732, %add3A_730, %select_n3A_729 : vector<16xi1>, vector<16xi32>
        %add3A_735 = arith.addi %add3A_730, %broadcast_in_dim3A_10 : vector<16xi32>
        %gather3A_736 = tpu.vector_load_idx %arg5[%add3A_735] : memref<36096xf32, #tpu.memory_space<vmem>>[vector<16xi32>], vector<16xf32>,
        %gt3A_737 = arith.cmpf ogt, %gather3A_736, %max3A_733 : vector<16xf32>
        %max3A_738 = arith.maximumf %max3A_733, %gather3A_736 : vector<16xf32>
        %select_n3A_739 = arith.select %gt3A_737, %add3A_735, %select_n3A_734 : vector<16xi1>, vector<16xi32>
        %add3A_740 = arith.addi %add3A_735, %broadcast_in_dim3A_10 : vector<16xi32>
        %gather3A_741 = tpu.vector_load_idx %arg5[%add3A_740] : memref<36096xf32, #tpu.memory_space<vmem>>[vector<16xi32>], vector<16xf32>,
        %gt3A_742 = arith.cmpf ogt, %gather3A_741, %max3A_738 : vector<16xf32>
        %max3A_743 = arith.maximumf %max3A_738, %gather3A_741 : vector<16xf32>
        %select_n3A_744 = arith.select %gt3A_742, %add3A_740, %select_n3A_739 : vector<16xi1>, vector<16xi32>
        %add3A_745 = arith.addi %add3A_740, %broadcast_in_dim3A_10 : vector<16xi32>
        %gather3A_746 = tpu.vector_load_idx %arg5[%add3A_745] : memref<36096xf32, #tpu.memory_space<vmem>>[vector<16xi32>], vector<16xf32>,
        %gt3A_747 = arith.cmpf ogt, %gather3A_746, %max3A_743 : vector<16xf32>
        %max3A_748 = arith.maximumf %max3A_743, %gather3A_746 : vector<16xf32>
        %select_n3A_749 = arith.select %gt3A_747, %add3A_745, %select_n3A_744 : vector<16xi1>, vector<16xi32>
        %add3A_750 = arith.addi %add3A_745, %broadcast_in_dim3A_10 : vector<16xi32>
        %gather3A_751 = tpu.vector_load_idx %arg5[%add3A_750] : memref<36096xf32, #tpu.memory_space<vmem>>[vector<16xi32>], vector<16xf32>,
        %gt3A_752 = arith.cmpf ogt, %gather3A_751, %max3A_748 : vector<16xf32>
        %max3A_753 = arith.maximumf %max3A_748, %gather3A_751 : vector<16xf32>
        %select_n3A_754 = arith.select %gt3A_752, %add3A_750, %select_n3A_749 : vector<16xi1>, vector<16xi32>
        %add3A_755 = arith.addi %add3A_750, %broadcast_in_dim3A_10 : vector<16xi32>
        %gather3A_756 = tpu.vector_load_idx %arg5[%add3A_755] : memref<36096xf32, #tpu.memory_space<vmem>>[vector<16xi32>], vector<16xf32>,
        %gt3A_757 = arith.cmpf ogt, %gather3A_756, %max3A_753 : vector<16xf32>
        %max3A_758 = arith.maximumf %max3A_753, %gather3A_756 : vector<16xf32>
        %select_n3A_759 = arith.select %gt3A_757, %add3A_755, %select_n3A_754 : vector<16xi1>, vector<16xi32>
        %add3A_760 = arith.addi %add3A_755, %broadcast_in_dim3A_10 : vector<16xi32>
        %gather3A_761 = tpu.vector_load_idx %arg5[%add3A_760] : memref<36096xf32, #tpu.memory_space<vmem>>[vector<16xi32>], vector<16xf32>,
        %gt3A_762 = arith.cmpf ogt, %gather3A_761, %max3A_758 : vector<16xf32>
        %max3A_763 = arith.maximumf %max3A_758, %gather3A_761 : vector<16xf32>
        %select_n3A_764 = arith.select %gt3A_762, %add3A_760, %select_n3A_759 : vector<16xi1>, vector<16xi32>
        %add3A_765 = arith.addi %add3A_760, %broadcast_in_dim3A_10 : vector<16xi32>
        %gather3A_766 = tpu.vector_load_idx %arg5[%add3A_765] : memref<36096xf32, #tpu.memory_space<vmem>>[vector<16xi32>], vector<16xf32>,
        %gt3A_767 = arith.cmpf ogt, %gather3A_766, %max3A_763 : vector<16xf32>
        %max3A_768 = arith.maximumf %max3A_763, %gather3A_766 : vector<16xf32>
        %select_n3A_769 = arith.select %gt3A_767, %add3A_765, %select_n3A_764 : vector<16xi1>, vector<16xi32>
        %add3A_770 = arith.addi %add3A_765, %broadcast_in_dim3A_10 : vector<16xi32>
        %gather3A_771 = tpu.vector_load_idx %arg5[%add3A_770] : memref<36096xf32, #tpu.memory_space<vmem>>[vector<16xi32>], vector<16xf32>,
        %gt3A_772 = arith.cmpf ogt, %gather3A_771, %max3A_768 : vector<16xf32>
        %max3A_773 = arith.maximumf %max3A_768, %gather3A_771 : vector<16xf32>
        %select_n3A_774 = arith.select %gt3A_772, %add3A_770, %select_n3A_769 : vector<16xi1>, vector<16xi32>
        %add3A_775 = arith.addi %add3A_770, %broadcast_in_dim3A_10 : vector<16xi32>
        %gather3A_776 = tpu.vector_load_idx %arg5[%add3A_775] : memref<36096xf32, #tpu.memory_space<vmem>>[vector<16xi32>], vector<16xf32>,
        %gt3A_777 = arith.cmpf ogt, %gather3A_776, %max3A_773 : vector<16xf32>
        %max3A_778 = arith.maximumf %max3A_773, %gather3A_776 : vector<16xf32>
        %select_n3A_779 = arith.select %gt3A_777, %add3A_775, %select_n3A_774 : vector<16xi1>, vector<16xi32>
        %add3A_780 = arith.addi %add3A_775, %broadcast_in_dim3A_10 : vector<16xi32>
        %gather3A_781 = tpu.vector_load_idx %arg5[%add3A_780] : memref<36096xf32, #tpu.memory_space<vmem>>[vector<16xi32>], vector<16xf32>,
        %gt3A_782 = arith.cmpf ogt, %gather3A_781, %max3A_778 : vector<16xf32>
        %max3A_783 = arith.maximumf %max3A_778, %gather3A_781 : vector<16xf32>
        %select_n3A_784 = arith.select %gt3A_782, %add3A_780, %select_n3A_779 : vector<16xi1>, vector<16xi32>
        %add3A_785 = arith.addi %add3A_780, %broadcast_in_dim3A_10 : vector<16xi32>
        %gather3A_786 = tpu.vector_load_idx %arg5[%add3A_785] : memref<36096xf32, #tpu.memory_space<vmem>>[vector<16xi32>], vector<16xf32>,
        %gt3A_787 = arith.cmpf ogt, %gather3A_786, %max3A_783 : vector<16xf32>
        %max3A_788 = arith.maximumf %max3A_783, %gather3A_786 : vector<16xf32>
        %select_n3A_789 = arith.select %gt3A_787, %add3A_785, %select_n3A_784 : vector<16xi1>, vector<16xi32>
        %add3A_790 = arith.addi %add3A_785, %broadcast_in_dim3A_10 : vector<16xi32>
        %gather3A_791 = tpu.vector_load_idx %arg5[%add3A_790] : memref<36096xf32, #tpu.memory_space<vmem>>[vector<16xi32>], vector<16xf32>,
        %gt3A_792 = arith.cmpf ogt, %gather3A_791, %max3A_788 : vector<16xf32>
        %max3A_793 = arith.maximumf %max3A_788, %gather3A_791 : vector<16xf32>
        %select_n3A_794 = arith.select %gt3A_792, %add3A_790, %select_n3A_789 : vector<16xi1>, vector<16xi32>
        %add3A_795 = arith.addi %add3A_790, %broadcast_in_dim3A_10 : vector<16xi32>
        %gather3A_796 = tpu.vector_load_idx %arg5[%add3A_795] : memref<36096xf32, #tpu.memory_space<vmem>>[vector<16xi32>], vector<16xf32>,
        %gt3A_797 = arith.cmpf ogt, %gather3A_796, %max3A_793 : vector<16xf32>
        %max3A_798 = arith.maximumf %max3A_793, %gather3A_796 : vector<16xf32>
        %select_n3A_799 = arith.select %gt3A_797, %add3A_795, %select_n3A_794 : vector<16xi1>, vector<16xi32>
        %add3A_800 = arith.addi %add3A_795, %broadcast_in_dim3A_10 : vector<16xi32>
        %gather3A_801 = tpu.vector_load_idx %arg5[%add3A_800] : memref<36096xf32, #tpu.memory_space<vmem>>[vector<16xi32>], vector<16xf32>,
        %gt3A_802 = arith.cmpf ogt, %gather3A_801, %max3A_798 : vector<16xf32>
        %max3A_803 = arith.maximumf %max3A_798, %gather3A_801 : vector<16xf32>
        %select_n3A_804 = arith.select %gt3A_802, %add3A_800, %select_n3A_799 : vector<16xi1>, vector<16xi32>
        %add3A_805 = arith.addi %add3A_800, %broadcast_in_dim3A_10 : vector<16xi32>
        %gather3A_806 = tpu.vector_load_idx %arg5[%add3A_805] : memref<36096xf32, #tpu.memory_space<vmem>>[vector<16xi32>], vector<16xf32>,
        %gt3A_807 = arith.cmpf ogt, %gather3A_806, %max3A_803 : vector<16xf32>
        %max3A_808 = arith.maximumf %max3A_803, %gather3A_806 : vector<16xf32>
        %select_n3A_809 = arith.select %gt3A_807, %add3A_805, %select_n3A_804 : vector<16xi1>, vector<16xi32>
        %sub3A = arith.subi %select_n3A_809, %add3A_111 : vector<16xi32>
        %mul3A_810 = arith.constant 16 : i32
        %mul3A_811 = arith.muli %scan3A_106, %mul3A_810 : i32
        %add3A_812 = arith.constant 16 : i32
        %add3A_813 = arith.addi %add3A_812, %mul3A_811 : i32
        %swap3A_814 = arith.index_cast %add3A_813 : i32 to index
        %swap3A_815 = tpu.vector_load %arg7[%swap3A_814] {strides = array<i32>} : memref<272xi32, #tpu.memory_space<vmem>>, vector<16xi32>,
        tpu.vector_store %arg7[%swap3A_814], %sub3A {strides = array<i32>} : memref<272xi32, #tpu.memory_space<vmem>>, vector<16xi32>,
        %mul3A_816 = arith.constant 16 : i32
        %mul3A_817 = arith.muli %scan3A_106, %mul3A_816 : i32
        %add3A_818 = arith.constant 15 : i32
        %add3A_819 = arith.addi %add3A_818, %mul3A_817 : i32
        %add3A_820 = vector.broadcast %add3A_819 : i32 to vector<16xi32>
        %add3A_821 = arith.addi %add3A_820, %iota3A : vector<16xi32>
        %gather3A_822 = tpu.vector_load_idx %arg7[%add3A_821] : memref<272xi32, #tpu.memory_space<vmem>>[vector<16xi32>], vector<16xi32>,
        %ne3A_823 = arith.cmpi ne, %sub3A, %gather3A_822 : vector<16xi32>
        %ne3A_824 = arith.constant 140 : i32
        %ne3A_825 = vector.broadcast %ne3A_824 : i32 to vector<16xi32>
        %ne3A_826 = arith.cmpi ne, %sub3A, %ne3A_825 : vector<16xi32>
        %and3A_827 = arith.andi %ne3A_823, %ne3A_826 : vector<16xi1>
        %convert_element_type3A_828 = arith.extui %and3A_827 : vector<16xi1> to vector<16xi32>
        %mul3A_829 = arith.constant 16 : i32
        %mul3A_830 = arith.muli %scan3A_106, %mul3A_829 : i32
        %swap3A_831 = arith.index_cast %mul3A_830 : i32 to index
        %swap3A_832 = tpu.vector_load %arg8[%swap3A_831] {strides = array<i32>} : memref<256xi32, #tpu.memory_space<vmem>>, vector<16xi32>,
        tpu.vector_store %arg8[%swap3A_831], %convert_element_type3A_828 {strides = array<i32>} : memref<256xi32, #tpu.memory_space<vmem>>, vector<16xi32>,
        scf.yield %sub3A : vector<16xi32>
      }
      %scan3A_55 = arith.constant 16 : i32
      %mul3A_56 = arith.constant 256 : i32
      %mul3A_57 = arith.muli %mul3A_22, %mul3A_56 : i32
      %add3A_58 = arith.addi %mul3A_2, %mul3A_57 : i32
      "tpu.region"() ({
        %run_scoped3A = tpu.sem_alloc : memref<!tpu.dma_semaphore, #tpu.memory_space<semaphore_mem>>
        %dma_start3A_106 = arith.constant 16 : i32
        %dma_start3A_107 = tpu.memref_slice %arg7[%dma_start3A_106] : memref<272xi32, #tpu.memory_space<vmem>> -> memref<256xi32, #tpu.memory_space<vmem>>
        %dma_start3A_108 = tpu.memref_slice %arg3[%add3A_58] : memref<65536xi32, #tpu.memory_space<hbm>> -> memref<256xi32, #tpu.memory_space<hbm>>
        %dma_start3A_109 = tpu.memref_slice %arg3[%add3A_58] : memref<65536xi32, #tpu.memory_space<hbm>> -> memref<256xi32, #tpu.memory_space<hbm>>
        %dma_start3A_110 = arith.constant 16 : i32
        %dma_start3A_111 = tpu.memref_slice %arg7[%dma_start3A_110] : memref<272xi32, #tpu.memory_space<vmem>> -> memref<256xi32, #tpu.memory_space<vmem>>
        tpu.enqueue_dma source(%dma_start3A_111 : memref<256xi32, #tpu.memory_space<vmem>>) target(%dma_start3A_109 : memref<256xi32, #tpu.memory_space<hbm>>) target_semaphore(%run_scoped3A : memref<!tpu.dma_semaphore, #tpu.memory_space<semaphore_mem>>)
        %dma_wait3A_112 = arith.constant 16 : i32
        %dma_wait3A_113 = tpu.memref_slice %arg7[%dma_wait3A_112] : memref<272xi32, #tpu.memory_space<vmem>> -> memref<256xi32, #tpu.memory_space<vmem>>
        %dma_wait3A_114 = tpu.memref_slice %arg3[%add3A_58] : memref<65536xi32, #tpu.memory_space<hbm>> -> memref<256xi32, #tpu.memory_space<hbm>>
        %dma_wait3A_115 = tpu.memref_slice %arg3[%add3A_58] : memref<65536xi32, #tpu.memory_space<hbm>> -> memref<256xi32, #tpu.memory_space<hbm>>
        %dma_wait3A_116 = arith.constant 16 : i32
        %dma_wait3A_117 = tpu.memref_slice %arg7[%dma_wait3A_116] : memref<272xi32, #tpu.memory_space<vmem>> -> memref<256xi32, #tpu.memory_space<vmem>>
        tpu.wait_dma2 semaphore(%run_scoped3A : memref<!tpu.dma_semaphore, #tpu.memory_space<semaphore_mem>>) src(%dma_wait3A_117 : memref<256xi32, #tpu.memory_space<vmem>>) dst(%dma_wait3A_115 : memref<256xi32, #tpu.memory_space<hbm>>)
        tpu.yield
      }) : () -> ()
      "tpu.region"() ({
        %run_scoped3A = tpu.sem_alloc : memref<!tpu.dma_semaphore, #tpu.memory_space<semaphore_mem>>
        %dma_start3A_106 = tpu.memref_slice %arg4[%add3A_58] : memref<65536xi32, #tpu.memory_space<hbm>> -> memref<256xi32, #tpu.memory_space<hbm>>
        %dma_start3A_107 = tpu.memref_slice %arg4[%add3A_58] : memref<65536xi32, #tpu.memory_space<hbm>> -> memref<256xi32, #tpu.memory_space<hbm>>
        tpu.enqueue_dma source(%arg8 : memref<256xi32, #tpu.memory_space<vmem>>) target(%dma_start3A_107 : memref<256xi32, #tpu.memory_space<hbm>>) target_semaphore(%run_scoped3A : memref<!tpu.dma_semaphore, #tpu.memory_space<semaphore_mem>>)
        %dma_wait3A_108 = tpu.memref_slice %arg4[%add3A_58] : memref<65536xi32, #tpu.memory_space<hbm>> -> memref<256xi32, #tpu.memory_space<hbm>>
        %dma_wait3A_109 = tpu.memref_slice %arg4[%add3A_58] : memref<65536xi32, #tpu.memory_space<hbm>> -> memref<256xi32, #tpu.memory_space<hbm>>
        tpu.wait_dma2 semaphore(%run_scoped3A : memref<!tpu.dma_semaphore, #tpu.memory_space<semaphore_mem>>) src(%arg8 : memref<256xi32, #tpu.memory_space<vmem>>) dst(%dma_wait3A_109 : memref<256xi32, #tpu.memory_space<hbm>>)
        tpu.yield
      }) : () -> ()
      %add3A_59 = arith.constant 2 : i32
      %add3A_60 = arith.addi %mul3A_22, %add3A_59 : i32
      %lt3A_61 = arith.constant 8 : i32
      %lt3A_62 = arith.cmpi slt, %add3A_60, %lt3A_61 : i32
      %convert_element_type3A = arith.extui %lt3A_62 : i1 to i32
      %cond3A = arith.constant 0 : i32
      %cond3A_63 = arith.cmpi ne, %convert_element_type3A, %cond3A : i32
      scf.if %cond3A_63 {
        %add3A_106 = arith.constant 2 : i32
        %add3A_107 = arith.addi %mul3A_22, %add3A_106 : i32
        %mul3A_108 = arith.constant 36096 : i32
        %mul3A_109 = arith.muli %add3A_107, %mul3A_108 : i32
        %add3A_110 = arith.addi %mul3A_4, %mul3A_109 : i32
        %dma_start3A_111 = tpu.memref_slice %arg2[%add3A_110] : memref<9240576xf32, #tpu.memory_space<hbm>> -> memref<36096xf32, #tpu.memory_space<hbm>>
        %dma_start3A_112 = tpu.memref_slice %arg2[%add3A_110] : memref<9240576xf32, #tpu.memory_space<hbm>> -> memref<36096xf32, #tpu.memory_space<hbm>>
        tpu.enqueue_dma source(%dma_start3A_112 : memref<36096xf32, #tpu.memory_space<hbm>>) target(%arg5 : memref<36096xf32, #tpu.memory_space<vmem>>) target_semaphore(%arg9 : memref<!tpu.dma_semaphore, #tpu.memory_space<semaphore_mem>>)
      } else {
      }
      %add3A_64 = arith.constant 1 : i32
      %add3A_65 = arith.addi %mul3A_22, %add3A_64 : i32
      %mul3A_66 = arith.constant 36096 : i32
      %mul3A_67 = arith.muli %add3A_65, %mul3A_66 : i32
      %add3A_68 = arith.addi %mul3A_4, %mul3A_67 : i32
      %dma_wait3A_69 = tpu.memref_slice %arg2[%add3A_68] : memref<9240576xf32, #tpu.memory_space<hbm>> -> memref<36096xf32, #tpu.memory_space<hbm>>
      %dma_wait3A_70 = tpu.memref_slice %arg2[%add3A_68] : memref<9240576xf32, #tpu.memory_space<hbm>> -> memref<36096xf32, #tpu.memory_space<hbm>>
      tpu.wait_dma2 semaphore(%arg10 : memref<!tpu.dma_semaphore, #tpu.memory_space<semaphore_mem>>) src(%dma_wait3A_70 : memref<36096xf32, #tpu.memory_space<hbm>>) dst(%arg6 : memref<36096xf32, #tpu.memory_space<vmem>>)
      %add3A_71 = arith.constant 1 : i32
      %add3A_72 = arith.addi %mul3A_22, %add3A_71 : i32
      %mul3A_73 = arith.constant 8 : i32
      %mul3A_74 = arith.muli %add3A, %mul3A_73 : i32
      %add3A_75 = arith.addi %mul3A_74, %add3A_72 : i32
      %jit3A_76 = arith.constant 16 : i32
      %eq3A_77 = arith.constant 0 : i32
      %eq3A_78 = arith.cmpi eq, %jit3A_76, %eq3A_77 : i32
      %jit3A_79 = arith.constant 1 : i32
      %select_n3A_80 = arith.select %eq3A_78, %jit3A_79, %jit3A_76 : i32
      %rem3A_81 = arith.remsi %add3A_75, %select_n3A_80 : i32
      %ne3A_82 = arith.constant 0 : i32
      %ne3A_83 = arith.cmpi ne, %rem3A_81, %ne3A_82 : i32
      %lt3A_84 = arith.constant 0 : i32
      %lt3A_85 = arith.cmpi slt, %rem3A_81, %lt3A_84 : i32
      %lt3A_86 = arith.constant 0 : i32
      %lt3A_87 = arith.cmpi slt, %select_n3A_80, %lt3A_86 : i32
      %ne3A_88 = arith.xori %lt3A_85, %lt3A_87 : i1
      %and3A_89 = arith.andi %ne3A_88, %ne3A_83 : i1
      %add3A_90 = arith.addi %rem3A_81, %select_n3A_80 : i32
      %select_n3A_91 = arith.select %and3A_89, %add3A_90, %rem3A_81 : i32
      %eq3A_92 = arith.constant 0 : i32
      %eq3A_93 = arith.cmpi eq, %select_n3A_91, %eq3A_92 : i32
      %select_n3A_94 = arith.select %eq3A_93, %broadcast_in_dim3A_8, %scan3A_54 : vector<16xi32>
      %swap3A_95 = arith.constant 0 : index
      %swap3A_96 = tpu.vector_load %arg7[%swap3A_95] {strides = array<i32>} : memref<272xi32, #tpu.memory_space<vmem>>, vector<16xi32>,
      tpu.vector_store %arg7[%swap3A_95], %select_n3A_94 {strides = array<i32>} : memref<272xi32, #tpu.memory_space<vmem>>, vector<16xi32>,
      %scan3A_97 = arith.constant 0 : i32
      %scan3A_98 = arith.constant 16 : i32
      %scan3A_99 = arith.addi %scan3A_97, %scan3A_98 : i32
      %scan3A_100 = arith.constant 1 : i32
      %scan3A_101 = scf.for %scan3A_106 = %scan3A_97 to %scan3A_99 step %scan3A_100 iter_args(%scan3A_107 = %select_n3A_94) -> (vector<16xi32>)  : i32 {
        %mul3A_108 = arith.constant 2256 : i32
        %mul3A_109 = arith.muli %scan3A_106, %mul3A_108 : i32
        %add3A_110 = vector.broadcast %mul3A_109 : i32 to vector<16xi32>
        %add3A_111 = arith.addi %add3A_110, %mul3A_7 : vector<16xi32>
        %gather3A = tpu.vector_load_idx %arg6[%add3A_111] : memref<36096xf32, #tpu.memory_space<vmem>>[vector<16xi32>], vector<16xf32>,
        %add3A_112 = arith.addi %add3A_111, %broadcast_in_dim3A_10 : vector<16xi32>
        %gather3A_113 = tpu.vector_load_idx %arg6[%add3A_112] : memref<36096xf32, #tpu.memory_space<vmem>>[vector<16xi32>], vector<16xf32>,
        %gt3A = arith.cmpf ogt, %gather3A_113, %gather3A : vector<16xf32>
        %max3A = arith.maximumf %gather3A, %gather3A_113 : vector<16xf32>
        %select_n3A_114 = arith.select %gt3A, %add3A_112, %add3A_111 : vector<16xi1>, vector<16xi32>
        %add3A_115 = arith.addi %add3A_112, %broadcast_in_dim3A_10 : vector<16xi32>
        %gather3A_116 = tpu.vector_load_idx %arg6[%add3A_115] : memref<36096xf32, #tpu.memory_space<vmem>>[vector<16xi32>], vector<16xf32>,
        %gt3A_117 = arith.cmpf ogt, %gather3A_116, %max3A : vector<16xf32>
        %max3A_118 = arith.maximumf %max3A, %gather3A_116 : vector<16xf32>
        %select_n3A_119 = arith.select %gt3A_117, %add3A_115, %select_n3A_114 : vector<16xi1>, vector<16xi32>
        %add3A_120 = arith.addi %add3A_115, %broadcast_in_dim3A_10 : vector<16xi32>
        %gather3A_121 = tpu.vector_load_idx %arg6[%add3A_120] : memref<36096xf32, #tpu.memory_space<vmem>>[vector<16xi32>], vector<16xf32>,
        %gt3A_122 = arith.cmpf ogt, %gather3A_121, %max3A_118 : vector<16xf32>
        %max3A_123 = arith.maximumf %max3A_118, %gather3A_121 : vector<16xf32>
        %select_n3A_124 = arith.select %gt3A_122, %add3A_120, %select_n3A_119 : vector<16xi1>, vector<16xi32>
        %add3A_125 = arith.addi %add3A_120, %broadcast_in_dim3A_10 : vector<16xi32>
        %gather3A_126 = tpu.vector_load_idx %arg6[%add3A_125] : memref<36096xf32, #tpu.memory_space<vmem>>[vector<16xi32>], vector<16xf32>,
        %gt3A_127 = arith.cmpf ogt, %gather3A_126, %max3A_123 : vector<16xf32>
        %max3A_128 = arith.maximumf %max3A_123, %gather3A_126 : vector<16xf32>
        %select_n3A_129 = arith.select %gt3A_127, %add3A_125, %select_n3A_124 : vector<16xi1>, vector<16xi32>
        %add3A_130 = arith.addi %add3A_125, %broadcast_in_dim3A_10 : vector<16xi32>
        %gather3A_131 = tpu.vector_load_idx %arg6[%add3A_130] : memref<36096xf32, #tpu.memory_space<vmem>>[vector<16xi32>], vector<16xf32>,
        %gt3A_132 = arith.cmpf ogt, %gather3A_131, %max3A_128 : vector<16xf32>
        %max3A_133 = arith.maximumf %max3A_128, %gather3A_131 : vector<16xf32>
        %select_n3A_134 = arith.select %gt3A_132, %add3A_130, %select_n3A_129 : vector<16xi1>, vector<16xi32>
        %add3A_135 = arith.addi %add3A_130, %broadcast_in_dim3A_10 : vector<16xi32>
        %gather3A_136 = tpu.vector_load_idx %arg6[%add3A_135] : memref<36096xf32, #tpu.memory_space<vmem>>[vector<16xi32>], vector<16xf32>,
        %gt3A_137 = arith.cmpf ogt, %gather3A_136, %max3A_133 : vector<16xf32>
        %max3A_138 = arith.maximumf %max3A_133, %gather3A_136 : vector<16xf32>
        %select_n3A_139 = arith.select %gt3A_137, %add3A_135, %select_n3A_134 : vector<16xi1>, vector<16xi32>
        %add3A_140 = arith.addi %add3A_135, %broadcast_in_dim3A_10 : vector<16xi32>
        %gather3A_141 = tpu.vector_load_idx %arg6[%add3A_140] : memref<36096xf32, #tpu.memory_space<vmem>>[vector<16xi32>], vector<16xf32>,
        %gt3A_142 = arith.cmpf ogt, %gather3A_141, %max3A_138 : vector<16xf32>
        %max3A_143 = arith.maximumf %max3A_138, %gather3A_141 : vector<16xf32>
        %select_n3A_144 = arith.select %gt3A_142, %add3A_140, %select_n3A_139 : vector<16xi1>, vector<16xi32>
        %add3A_145 = arith.addi %add3A_140, %broadcast_in_dim3A_10 : vector<16xi32>
        %gather3A_146 = tpu.vector_load_idx %arg6[%add3A_145] : memref<36096xf32, #tpu.memory_space<vmem>>[vector<16xi32>], vector<16xf32>,
        %gt3A_147 = arith.cmpf ogt, %gather3A_146, %max3A_143 : vector<16xf32>
        %max3A_148 = arith.maximumf %max3A_143, %gather3A_146 : vector<16xf32>
        %select_n3A_149 = arith.select %gt3A_147, %add3A_145, %select_n3A_144 : vector<16xi1>, vector<16xi32>
        %add3A_150 = arith.addi %add3A_145, %broadcast_in_dim3A_10 : vector<16xi32>
        %gather3A_151 = tpu.vector_load_idx %arg6[%add3A_150] : memref<36096xf32, #tpu.memory_space<vmem>>[vector<16xi32>], vector<16xf32>,
        %gt3A_152 = arith.cmpf ogt, %gather3A_151, %max3A_148 : vector<16xf32>
        %max3A_153 = arith.maximumf %max3A_148, %gather3A_151 : vector<16xf32>
        %select_n3A_154 = arith.select %gt3A_152, %add3A_150, %select_n3A_149 : vector<16xi1>, vector<16xi32>
        %add3A_155 = arith.addi %add3A_150, %broadcast_in_dim3A_10 : vector<16xi32>
        %gather3A_156 = tpu.vector_load_idx %arg6[%add3A_155] : memref<36096xf32, #tpu.memory_space<vmem>>[vector<16xi32>], vector<16xf32>,
        %gt3A_157 = arith.cmpf ogt, %gather3A_156, %max3A_153 : vector<16xf32>
        %max3A_158 = arith.maximumf %max3A_153, %gather3A_156 : vector<16xf32>
        %select_n3A_159 = arith.select %gt3A_157, %add3A_155, %select_n3A_154 : vector<16xi1>, vector<16xi32>
        %add3A_160 = arith.addi %add3A_155, %broadcast_in_dim3A_10 : vector<16xi32>
        %gather3A_161 = tpu.vector_load_idx %arg6[%add3A_160] : memref<36096xf32, #tpu.memory_space<vmem>>[vector<16xi32>], vector<16xf32>,
        %gt3A_162 = arith.cmpf ogt, %gather3A_161, %max3A_158 : vector<16xf32>
        %max3A_163 = arith.maximumf %max3A_158, %gather3A_161 : vector<16xf32>
        %select_n3A_164 = arith.select %gt3A_162, %add3A_160, %select_n3A_159 : vector<16xi1>, vector<16xi32>
        %add3A_165 = arith.addi %add3A_160, %broadcast_in_dim3A_10 : vector<16xi32>
        %gather3A_166 = tpu.vector_load_idx %arg6[%add3A_165] : memref<36096xf32, #tpu.memory_space<vmem>>[vector<16xi32>], vector<16xf32>,
        %gt3A_167 = arith.cmpf ogt, %gather3A_166, %max3A_163 : vector<16xf32>
        %max3A_168 = arith.maximumf %max3A_163, %gather3A_166 : vector<16xf32>
        %select_n3A_169 = arith.select %gt3A_167, %add3A_165, %select_n3A_164 : vector<16xi1>, vector<16xi32>
        %add3A_170 = arith.addi %add3A_165, %broadcast_in_dim3A_10 : vector<16xi32>
        %gather3A_171 = tpu.vector_load_idx %arg6[%add3A_170] : memref<36096xf32, #tpu.memory_space<vmem>>[vector<16xi32>], vector<16xf32>,
        %gt3A_172 = arith.cmpf ogt, %gather3A_171, %max3A_168 : vector<16xf32>
        %max3A_173 = arith.maximumf %max3A_168, %gather3A_171 : vector<16xf32>
        %select_n3A_174 = arith.select %gt3A_172, %add3A_170, %select_n3A_169 : vector<16xi1>, vector<16xi32>
        %add3A_175 = arith.addi %add3A_170, %broadcast_in_dim3A_10 : vector<16xi32>
        %gather3A_176 = tpu.vector_load_idx %arg6[%add3A_175] : memref<36096xf32, #tpu.memory_space<vmem>>[vector<16xi32>], vector<16xf32>,
        %gt3A_177 = arith.cmpf ogt, %gather3A_176, %max3A_173 : vector<16xf32>
        %max3A_178 = arith.maximumf %max3A_173, %gather3A_176 : vector<16xf32>
        %select_n3A_179 = arith.select %gt3A_177, %add3A_175, %select_n3A_174 : vector<16xi1>, vector<16xi32>
        %add3A_180 = arith.addi %add3A_175, %broadcast_in_dim3A_10 : vector<16xi32>
        %gather3A_181 = tpu.vector_load_idx %arg6[%add3A_180] : memref<36096xf32, #tpu.memory_space<vmem>>[vector<16xi32>], vector<16xf32>,
        %gt3A_182 = arith.cmpf ogt, %gather3A_181, %max3A_178 : vector<16xf32>
        %max3A_183 = arith.maximumf %max3A_178, %gather3A_181 : vector<16xf32>
        %select_n3A_184 = arith.select %gt3A_182, %add3A_180, %select_n3A_179 : vector<16xi1>, vector<16xi32>
        %add3A_185 = arith.addi %add3A_180, %broadcast_in_dim3A_10 : vector<16xi32>
        %gather3A_186 = tpu.vector_load_idx %arg6[%add3A_185] : memref<36096xf32, #tpu.memory_space<vmem>>[vector<16xi32>], vector<16xf32>,
        %gt3A_187 = arith.cmpf ogt, %gather3A_186, %max3A_183 : vector<16xf32>
        %max3A_188 = arith.maximumf %max3A_183, %gather3A_186 : vector<16xf32>
        %select_n3A_189 = arith.select %gt3A_187, %add3A_185, %select_n3A_184 : vector<16xi1>, vector<16xi32>
        %add3A_190 = arith.addi %add3A_185, %broadcast_in_dim3A_10 : vector<16xi32>
        %gather3A_191 = tpu.vector_load_idx %arg6[%add3A_190] : memref<36096xf32, #tpu.memory_space<vmem>>[vector<16xi32>], vector<16xf32>,
        %gt3A_192 = arith.cmpf ogt, %gather3A_191, %max3A_188 : vector<16xf32>
        %max3A_193 = arith.maximumf %max3A_188, %gather3A_191 : vector<16xf32>
        %select_n3A_194 = arith.select %gt3A_192, %add3A_190, %select_n3A_189 : vector<16xi1>, vector<16xi32>
        %add3A_195 = arith.addi %add3A_190, %broadcast_in_dim3A_10 : vector<16xi32>
        %gather3A_196 = tpu.vector_load_idx %arg6[%add3A_195] : memref<36096xf32, #tpu.memory_space<vmem>>[vector<16xi32>], vector<16xf32>,
        %gt3A_197 = arith.cmpf ogt, %gather3A_196, %max3A_193 : vector<16xf32>
        %max3A_198 = arith.maximumf %max3A_193, %gather3A_196 : vector<16xf32>
        %select_n3A_199 = arith.select %gt3A_197, %add3A_195, %select_n3A_194 : vector<16xi1>, vector<16xi32>
        %add3A_200 = arith.addi %add3A_195, %broadcast_in_dim3A_10 : vector<16xi32>
        %gather3A_201 = tpu.vector_load_idx %arg6[%add3A_200] : memref<36096xf32, #tpu.memory_space<vmem>>[vector<16xi32>], vector<16xf32>,
        %gt3A_202 = arith.cmpf ogt, %gather3A_201, %max3A_198 : vector<16xf32>
        %max3A_203 = arith.maximumf %max3A_198, %gather3A_201 : vector<16xf32>
        %select_n3A_204 = arith.select %gt3A_202, %add3A_200, %select_n3A_199 : vector<16xi1>, vector<16xi32>
        %add3A_205 = arith.addi %add3A_200, %broadcast_in_dim3A_10 : vector<16xi32>
        %gather3A_206 = tpu.vector_load_idx %arg6[%add3A_205] : memref<36096xf32, #tpu.memory_space<vmem>>[vector<16xi32>], vector<16xf32>,
        %gt3A_207 = arith.cmpf ogt, %gather3A_206, %max3A_203 : vector<16xf32>
        %max3A_208 = arith.maximumf %max3A_203, %gather3A_206 : vector<16xf32>
        %select_n3A_209 = arith.select %gt3A_207, %add3A_205, %select_n3A_204 : vector<16xi1>, vector<16xi32>
        %add3A_210 = arith.addi %add3A_205, %broadcast_in_dim3A_10 : vector<16xi32>
        %gather3A_211 = tpu.vector_load_idx %arg6[%add3A_210] : memref<36096xf32, #tpu.memory_space<vmem>>[vector<16xi32>], vector<16xf32>,
        %gt3A_212 = arith.cmpf ogt, %gather3A_211, %max3A_208 : vector<16xf32>
        %max3A_213 = arith.maximumf %max3A_208, %gather3A_211 : vector<16xf32>
        %select_n3A_214 = arith.select %gt3A_212, %add3A_210, %select_n3A_209 : vector<16xi1>, vector<16xi32>
        %add3A_215 = arith.addi %add3A_210, %broadcast_in_dim3A_10 : vector<16xi32>
        %gather3A_216 = tpu.vector_load_idx %arg6[%add3A_215] : memref<36096xf32, #tpu.memory_space<vmem>>[vector<16xi32>], vector<16xf32>,
        %gt3A_217 = arith.cmpf ogt, %gather3A_216, %max3A_213 : vector<16xf32>
        %max3A_218 = arith.maximumf %max3A_213, %gather3A_216 : vector<16xf32>
        %select_n3A_219 = arith.select %gt3A_217, %add3A_215, %select_n3A_214 : vector<16xi1>, vector<16xi32>
        %add3A_220 = arith.addi %add3A_215, %broadcast_in_dim3A_10 : vector<16xi32>
        %gather3A_221 = tpu.vector_load_idx %arg6[%add3A_220] : memref<36096xf32, #tpu.memory_space<vmem>>[vector<16xi32>], vector<16xf32>,
        %gt3A_222 = arith.cmpf ogt, %gather3A_221, %max3A_218 : vector<16xf32>
        %max3A_223 = arith.maximumf %max3A_218, %gather3A_221 : vector<16xf32>
        %select_n3A_224 = arith.select %gt3A_222, %add3A_220, %select_n3A_219 : vector<16xi1>, vector<16xi32>
        %add3A_225 = arith.addi %add3A_220, %broadcast_in_dim3A_10 : vector<16xi32>
        %gather3A_226 = tpu.vector_load_idx %arg6[%add3A_225] : memref<36096xf32, #tpu.memory_space<vmem>>[vector<16xi32>], vector<16xf32>,
        %gt3A_227 = arith.cmpf ogt, %gather3A_226, %max3A_223 : vector<16xf32>
        %max3A_228 = arith.maximumf %max3A_223, %gather3A_226 : vector<16xf32>
        %select_n3A_229 = arith.select %gt3A_227, %add3A_225, %select_n3A_224 : vector<16xi1>, vector<16xi32>
        %add3A_230 = arith.addi %add3A_225, %broadcast_in_dim3A_10 : vector<16xi32>
        %gather3A_231 = tpu.vector_load_idx %arg6[%add3A_230] : memref<36096xf32, #tpu.memory_space<vmem>>[vector<16xi32>], vector<16xf32>,
        %gt3A_232 = arith.cmpf ogt, %gather3A_231, %max3A_228 : vector<16xf32>
        %max3A_233 = arith.maximumf %max3A_228, %gather3A_231 : vector<16xf32>
        %select_n3A_234 = arith.select %gt3A_232, %add3A_230, %select_n3A_229 : vector<16xi1>, vector<16xi32>
        %add3A_235 = arith.addi %add3A_230, %broadcast_in_dim3A_10 : vector<16xi32>
        %gather3A_236 = tpu.vector_load_idx %arg6[%add3A_235] : memref<36096xf32, #tpu.memory_space<vmem>>[vector<16xi32>], vector<16xf32>,
        %gt3A_237 = arith.cmpf ogt, %gather3A_236, %max3A_233 : vector<16xf32>
        %max3A_238 = arith.maximumf %max3A_233, %gather3A_236 : vector<16xf32>
        %select_n3A_239 = arith.select %gt3A_237, %add3A_235, %select_n3A_234 : vector<16xi1>, vector<16xi32>
        %add3A_240 = arith.addi %add3A_235, %broadcast_in_dim3A_10 : vector<16xi32>
        %gather3A_241 = tpu.vector_load_idx %arg6[%add3A_240] : memref<36096xf32, #tpu.memory_space<vmem>>[vector<16xi32>], vector<16xf32>,
        %gt3A_242 = arith.cmpf ogt, %gather3A_241, %max3A_238 : vector<16xf32>
        %max3A_243 = arith.maximumf %max3A_238, %gather3A_241 : vector<16xf32>
        %select_n3A_244 = arith.select %gt3A_242, %add3A_240, %select_n3A_239 : vector<16xi1>, vector<16xi32>
        %add3A_245 = arith.addi %add3A_240, %broadcast_in_dim3A_10 : vector<16xi32>
        %gather3A_246 = tpu.vector_load_idx %arg6[%add3A_245] : memref<36096xf32, #tpu.memory_space<vmem>>[vector<16xi32>], vector<16xf32>,
        %gt3A_247 = arith.cmpf ogt, %gather3A_246, %max3A_243 : vector<16xf32>
        %max3A_248 = arith.maximumf %max3A_243, %gather3A_246 : vector<16xf32>
        %select_n3A_249 = arith.select %gt3A_247, %add3A_245, %select_n3A_244 : vector<16xi1>, vector<16xi32>
        %add3A_250 = arith.addi %add3A_245, %broadcast_in_dim3A_10 : vector<16xi32>
        %gather3A_251 = tpu.vector_load_idx %arg6[%add3A_250] : memref<36096xf32, #tpu.memory_space<vmem>>[vector<16xi32>], vector<16xf32>,
        %gt3A_252 = arith.cmpf ogt, %gather3A_251, %max3A_248 : vector<16xf32>
        %max3A_253 = arith.maximumf %max3A_248, %gather3A_251 : vector<16xf32>
        %select_n3A_254 = arith.select %gt3A_252, %add3A_250, %select_n3A_249 : vector<16xi1>, vector<16xi32>
        %add3A_255 = arith.addi %add3A_250, %broadcast_in_dim3A_10 : vector<16xi32>
        %gather3A_256 = tpu.vector_load_idx %arg6[%add3A_255] : memref<36096xf32, #tpu.memory_space<vmem>>[vector<16xi32>], vector<16xf32>,
        %gt3A_257 = arith.cmpf ogt, %gather3A_256, %max3A_253 : vector<16xf32>
        %max3A_258 = arith.maximumf %max3A_253, %gather3A_256 : vector<16xf32>
        %select_n3A_259 = arith.select %gt3A_257, %add3A_255, %select_n3A_254 : vector<16xi1>, vector<16xi32>
        %add3A_260 = arith.addi %add3A_255, %broadcast_in_dim3A_10 : vector<16xi32>
        %gather3A_261 = tpu.vector_load_idx %arg6[%add3A_260] : memref<36096xf32, #tpu.memory_space<vmem>>[vector<16xi32>], vector<16xf32>,
        %gt3A_262 = arith.cmpf ogt, %gather3A_261, %max3A_258 : vector<16xf32>
        %max3A_263 = arith.maximumf %max3A_258, %gather3A_261 : vector<16xf32>
        %select_n3A_264 = arith.select %gt3A_262, %add3A_260, %select_n3A_259 : vector<16xi1>, vector<16xi32>
        %add3A_265 = arith.addi %add3A_260, %broadcast_in_dim3A_10 : vector<16xi32>
        %gather3A_266 = tpu.vector_load_idx %arg6[%add3A_265] : memref<36096xf32, #tpu.memory_space<vmem>>[vector<16xi32>], vector<16xf32>,
        %gt3A_267 = arith.cmpf ogt, %gather3A_266, %max3A_263 : vector<16xf32>
        %max3A_268 = arith.maximumf %max3A_263, %gather3A_266 : vector<16xf32>
        %select_n3A_269 = arith.select %gt3A_267, %add3A_265, %select_n3A_264 : vector<16xi1>, vector<16xi32>
        %add3A_270 = arith.addi %add3A_265, %broadcast_in_dim3A_10 : vector<16xi32>
        %gather3A_271 = tpu.vector_load_idx %arg6[%add3A_270] : memref<36096xf32, #tpu.memory_space<vmem>>[vector<16xi32>], vector<16xf32>,
        %gt3A_272 = arith.cmpf ogt, %gather3A_271, %max3A_268 : vector<16xf32>
        %max3A_273 = arith.maximumf %max3A_268, %gather3A_271 : vector<16xf32>
        %select_n3A_274 = arith.select %gt3A_272, %add3A_270, %select_n3A_269 : vector<16xi1>, vector<16xi32>
        %add3A_275 = arith.addi %add3A_270, %broadcast_in_dim3A_10 : vector<16xi32>
        %gather3A_276 = tpu.vector_load_idx %arg6[%add3A_275] : memref<36096xf32, #tpu.memory_space<vmem>>[vector<16xi32>], vector<16xf32>,
        %gt3A_277 = arith.cmpf ogt, %gather3A_276, %max3A_273 : vector<16xf32>
        %max3A_278 = arith.maximumf %max3A_273, %gather3A_276 : vector<16xf32>
        %select_n3A_279 = arith.select %gt3A_277, %add3A_275, %select_n3A_274 : vector<16xi1>, vector<16xi32>
        %add3A_280 = arith.addi %add3A_275, %broadcast_in_dim3A_10 : vector<16xi32>
        %gather3A_281 = tpu.vector_load_idx %arg6[%add3A_280] : memref<36096xf32, #tpu.memory_space<vmem>>[vector<16xi32>], vector<16xf32>,
        %gt3A_282 = arith.cmpf ogt, %gather3A_281, %max3A_278 : vector<16xf32>
        %max3A_283 = arith.maximumf %max3A_278, %gather3A_281 : vector<16xf32>
        %select_n3A_284 = arith.select %gt3A_282, %add3A_280, %select_n3A_279 : vector<16xi1>, vector<16xi32>
        %add3A_285 = arith.addi %add3A_280, %broadcast_in_dim3A_10 : vector<16xi32>
        %gather3A_286 = tpu.vector_load_idx %arg6[%add3A_285] : memref<36096xf32, #tpu.memory_space<vmem>>[vector<16xi32>], vector<16xf32>,
        %gt3A_287 = arith.cmpf ogt, %gather3A_286, %max3A_283 : vector<16xf32>
        %max3A_288 = arith.maximumf %max3A_283, %gather3A_286 : vector<16xf32>
        %select_n3A_289 = arith.select %gt3A_287, %add3A_285, %select_n3A_284 : vector<16xi1>, vector<16xi32>
        %add3A_290 = arith.addi %add3A_285, %broadcast_in_dim3A_10 : vector<16xi32>
        %gather3A_291 = tpu.vector_load_idx %arg6[%add3A_290] : memref<36096xf32, #tpu.memory_space<vmem>>[vector<16xi32>], vector<16xf32>,
        %gt3A_292 = arith.cmpf ogt, %gather3A_291, %max3A_288 : vector<16xf32>
        %max3A_293 = arith.maximumf %max3A_288, %gather3A_291 : vector<16xf32>
        %select_n3A_294 = arith.select %gt3A_292, %add3A_290, %select_n3A_289 : vector<16xi1>, vector<16xi32>
        %add3A_295 = arith.addi %add3A_290, %broadcast_in_dim3A_10 : vector<16xi32>
        %gather3A_296 = tpu.vector_load_idx %arg6[%add3A_295] : memref<36096xf32, #tpu.memory_space<vmem>>[vector<16xi32>], vector<16xf32>,
        %gt3A_297 = arith.cmpf ogt, %gather3A_296, %max3A_293 : vector<16xf32>
        %max3A_298 = arith.maximumf %max3A_293, %gather3A_296 : vector<16xf32>
        %select_n3A_299 = arith.select %gt3A_297, %add3A_295, %select_n3A_294 : vector<16xi1>, vector<16xi32>
        %add3A_300 = arith.addi %add3A_295, %broadcast_in_dim3A_10 : vector<16xi32>
        %gather3A_301 = tpu.vector_load_idx %arg6[%add3A_300] : memref<36096xf32, #tpu.memory_space<vmem>>[vector<16xi32>], vector<16xf32>,
        %gt3A_302 = arith.cmpf ogt, %gather3A_301, %max3A_298 : vector<16xf32>
        %max3A_303 = arith.maximumf %max3A_298, %gather3A_301 : vector<16xf32>
        %select_n3A_304 = arith.select %gt3A_302, %add3A_300, %select_n3A_299 : vector<16xi1>, vector<16xi32>
        %add3A_305 = arith.addi %add3A_300, %broadcast_in_dim3A_10 : vector<16xi32>
        %gather3A_306 = tpu.vector_load_idx %arg6[%add3A_305] : memref<36096xf32, #tpu.memory_space<vmem>>[vector<16xi32>], vector<16xf32>,
        %gt3A_307 = arith.cmpf ogt, %gather3A_306, %max3A_303 : vector<16xf32>
        %max3A_308 = arith.maximumf %max3A_303, %gather3A_306 : vector<16xf32>
        %select_n3A_309 = arith.select %gt3A_307, %add3A_305, %select_n3A_304 : vector<16xi1>, vector<16xi32>
        %add3A_310 = arith.addi %add3A_305, %broadcast_in_dim3A_10 : vector<16xi32>
        %gather3A_311 = tpu.vector_load_idx %arg6[%add3A_310] : memref<36096xf32, #tpu.memory_space<vmem>>[vector<16xi32>], vector<16xf32>,
        %gt3A_312 = arith.cmpf ogt, %gather3A_311, %max3A_308 : vector<16xf32>
        %max3A_313 = arith.maximumf %max3A_308, %gather3A_311 : vector<16xf32>
        %select_n3A_314 = arith.select %gt3A_312, %add3A_310, %select_n3A_309 : vector<16xi1>, vector<16xi32>
        %add3A_315 = arith.addi %add3A_310, %broadcast_in_dim3A_10 : vector<16xi32>
        %gather3A_316 = tpu.vector_load_idx %arg6[%add3A_315] : memref<36096xf32, #tpu.memory_space<vmem>>[vector<16xi32>], vector<16xf32>,
        %gt3A_317 = arith.cmpf ogt, %gather3A_316, %max3A_313 : vector<16xf32>
        %max3A_318 = arith.maximumf %max3A_313, %gather3A_316 : vector<16xf32>
        %select_n3A_319 = arith.select %gt3A_317, %add3A_315, %select_n3A_314 : vector<16xi1>, vector<16xi32>
        %add3A_320 = arith.addi %add3A_315, %broadcast_in_dim3A_10 : vector<16xi32>
        %gather3A_321 = tpu.vector_load_idx %arg6[%add3A_320] : memref<36096xf32, #tpu.memory_space<vmem>>[vector<16xi32>], vector<16xf32>,
        %gt3A_322 = arith.cmpf ogt, %gather3A_321, %max3A_318 : vector<16xf32>
        %max3A_323 = arith.maximumf %max3A_318, %gather3A_321 : vector<16xf32>
        %select_n3A_324 = arith.select %gt3A_322, %add3A_320, %select_n3A_319 : vector<16xi1>, vector<16xi32>
        %add3A_325 = arith.addi %add3A_320, %broadcast_in_dim3A_10 : vector<16xi32>
        %gather3A_326 = tpu.vector_load_idx %arg6[%add3A_325] : memref<36096xf32, #tpu.memory_space<vmem>>[vector<16xi32>], vector<16xf32>,
        %gt3A_327 = arith.cmpf ogt, %gather3A_326, %max3A_323 : vector<16xf32>
        %max3A_328 = arith.maximumf %max3A_323, %gather3A_326 : vector<16xf32>
        %select_n3A_329 = arith.select %gt3A_327, %add3A_325, %select_n3A_324 : vector<16xi1>, vector<16xi32>
        %add3A_330 = arith.addi %add3A_325, %broadcast_in_dim3A_10 : vector<16xi32>
        %gather3A_331 = tpu.vector_load_idx %arg6[%add3A_330] : memref<36096xf32, #tpu.memory_space<vmem>>[vector<16xi32>], vector<16xf32>,
        %gt3A_332 = arith.cmpf ogt, %gather3A_331, %max3A_328 : vector<16xf32>
        %max3A_333 = arith.maximumf %max3A_328, %gather3A_331 : vector<16xf32>
        %select_n3A_334 = arith.select %gt3A_332, %add3A_330, %select_n3A_329 : vector<16xi1>, vector<16xi32>
        %add3A_335 = arith.addi %add3A_330, %broadcast_in_dim3A_10 : vector<16xi32>
        %gather3A_336 = tpu.vector_load_idx %arg6[%add3A_335] : memref<36096xf32, #tpu.memory_space<vmem>>[vector<16xi32>], vector<16xf32>,
        %gt3A_337 = arith.cmpf ogt, %gather3A_336, %max3A_333 : vector<16xf32>
        %max3A_338 = arith.maximumf %max3A_333, %gather3A_336 : vector<16xf32>
        %select_n3A_339 = arith.select %gt3A_337, %add3A_335, %select_n3A_334 : vector<16xi1>, vector<16xi32>
        %add3A_340 = arith.addi %add3A_335, %broadcast_in_dim3A_10 : vector<16xi32>
        %gather3A_341 = tpu.vector_load_idx %arg6[%add3A_340] : memref<36096xf32, #tpu.memory_space<vmem>>[vector<16xi32>], vector<16xf32>,
        %gt3A_342 = arith.cmpf ogt, %gather3A_341, %max3A_338 : vector<16xf32>
        %max3A_343 = arith.maximumf %max3A_338, %gather3A_341 : vector<16xf32>
        %select_n3A_344 = arith.select %gt3A_342, %add3A_340, %select_n3A_339 : vector<16xi1>, vector<16xi32>
        %add3A_345 = arith.addi %add3A_340, %broadcast_in_dim3A_10 : vector<16xi32>
        %gather3A_346 = tpu.vector_load_idx %arg6[%add3A_345] : memref<36096xf32, #tpu.memory_space<vmem>>[vector<16xi32>], vector<16xf32>,
        %gt3A_347 = arith.cmpf ogt, %gather3A_346, %max3A_343 : vector<16xf32>
        %max3A_348 = arith.maximumf %max3A_343, %gather3A_346 : vector<16xf32>
        %select_n3A_349 = arith.select %gt3A_347, %add3A_345, %select_n3A_344 : vector<16xi1>, vector<16xi32>
        %add3A_350 = arith.addi %add3A_345, %broadcast_in_dim3A_10 : vector<16xi32>
        %gather3A_351 = tpu.vector_load_idx %arg6[%add3A_350] : memref<36096xf32, #tpu.memory_space<vmem>>[vector<16xi32>], vector<16xf32>,
        %gt3A_352 = arith.cmpf ogt, %gather3A_351, %max3A_348 : vector<16xf32>
        %max3A_353 = arith.maximumf %max3A_348, %gather3A_351 : vector<16xf32>
        %select_n3A_354 = arith.select %gt3A_352, %add3A_350, %select_n3A_349 : vector<16xi1>, vector<16xi32>
        %add3A_355 = arith.addi %add3A_350, %broadcast_in_dim3A_10 : vector<16xi32>
        %gather3A_356 = tpu.vector_load_idx %arg6[%add3A_355] : memref<36096xf32, #tpu.memory_space<vmem>>[vector<16xi32>], vector<16xf32>,
        %gt3A_357 = arith.cmpf ogt, %gather3A_356, %max3A_353 : vector<16xf32>
        %max3A_358 = arith.maximumf %max3A_353, %gather3A_356 : vector<16xf32>
        %select_n3A_359 = arith.select %gt3A_357, %add3A_355, %select_n3A_354 : vector<16xi1>, vector<16xi32>
        %add3A_360 = arith.addi %add3A_355, %broadcast_in_dim3A_10 : vector<16xi32>
        %gather3A_361 = tpu.vector_load_idx %arg6[%add3A_360] : memref<36096xf32, #tpu.memory_space<vmem>>[vector<16xi32>], vector<16xf32>,
        %gt3A_362 = arith.cmpf ogt, %gather3A_361, %max3A_358 : vector<16xf32>
        %max3A_363 = arith.maximumf %max3A_358, %gather3A_361 : vector<16xf32>
        %select_n3A_364 = arith.select %gt3A_362, %add3A_360, %select_n3A_359 : vector<16xi1>, vector<16xi32>
        %add3A_365 = arith.addi %add3A_360, %broadcast_in_dim3A_10 : vector<16xi32>
        %gather3A_366 = tpu.vector_load_idx %arg6[%add3A_365] : memref<36096xf32, #tpu.memory_space<vmem>>[vector<16xi32>], vector<16xf32>,
        %gt3A_367 = arith.cmpf ogt, %gather3A_366, %max3A_363 : vector<16xf32>
        %max3A_368 = arith.maximumf %max3A_363, %gather3A_366 : vector<16xf32>
        %select_n3A_369 = arith.select %gt3A_367, %add3A_365, %select_n3A_364 : vector<16xi1>, vector<16xi32>
        %add3A_370 = arith.addi %add3A_365, %broadcast_in_dim3A_10 : vector<16xi32>
        %gather3A_371 = tpu.vector_load_idx %arg6[%add3A_370] : memref<36096xf32, #tpu.memory_space<vmem>>[vector<16xi32>], vector<16xf32>,
        %gt3A_372 = arith.cmpf ogt, %gather3A_371, %max3A_368 : vector<16xf32>
        %max3A_373 = arith.maximumf %max3A_368, %gather3A_371 : vector<16xf32>
        %select_n3A_374 = arith.select %gt3A_372, %add3A_370, %select_n3A_369 : vector<16xi1>, vector<16xi32>
        %add3A_375 = arith.addi %add3A_370, %broadcast_in_dim3A_10 : vector<16xi32>
        %gather3A_376 = tpu.vector_load_idx %arg6[%add3A_375] : memref<36096xf32, #tpu.memory_space<vmem>>[vector<16xi32>], vector<16xf32>,
        %gt3A_377 = arith.cmpf ogt, %gather3A_376, %max3A_373 : vector<16xf32>
        %max3A_378 = arith.maximumf %max3A_373, %gather3A_376 : vector<16xf32>
        %select_n3A_379 = arith.select %gt3A_377, %add3A_375, %select_n3A_374 : vector<16xi1>, vector<16xi32>
        %add3A_380 = arith.addi %add3A_375, %broadcast_in_dim3A_10 : vector<16xi32>
        %gather3A_381 = tpu.vector_load_idx %arg6[%add3A_380] : memref<36096xf32, #tpu.memory_space<vmem>>[vector<16xi32>], vector<16xf32>,
        %gt3A_382 = arith.cmpf ogt, %gather3A_381, %max3A_378 : vector<16xf32>
        %max3A_383 = arith.maximumf %max3A_378, %gather3A_381 : vector<16xf32>
        %select_n3A_384 = arith.select %gt3A_382, %add3A_380, %select_n3A_379 : vector<16xi1>, vector<16xi32>
        %add3A_385 = arith.addi %add3A_380, %broadcast_in_dim3A_10 : vector<16xi32>
        %gather3A_386 = tpu.vector_load_idx %arg6[%add3A_385] : memref<36096xf32, #tpu.memory_space<vmem>>[vector<16xi32>], vector<16xf32>,
        %gt3A_387 = arith.cmpf ogt, %gather3A_386, %max3A_383 : vector<16xf32>
        %max3A_388 = arith.maximumf %max3A_383, %gather3A_386 : vector<16xf32>
        %select_n3A_389 = arith.select %gt3A_387, %add3A_385, %select_n3A_384 : vector<16xi1>, vector<16xi32>
        %add3A_390 = arith.addi %add3A_385, %broadcast_in_dim3A_10 : vector<16xi32>
        %gather3A_391 = tpu.vector_load_idx %arg6[%add3A_390] : memref<36096xf32, #tpu.memory_space<vmem>>[vector<16xi32>], vector<16xf32>,
        %gt3A_392 = arith.cmpf ogt, %gather3A_391, %max3A_388 : vector<16xf32>
        %max3A_393 = arith.maximumf %max3A_388, %gather3A_391 : vector<16xf32>
        %select_n3A_394 = arith.select %gt3A_392, %add3A_390, %select_n3A_389 : vector<16xi1>, vector<16xi32>
        %add3A_395 = arith.addi %add3A_390, %broadcast_in_dim3A_10 : vector<16xi32>
        %gather3A_396 = tpu.vector_load_idx %arg6[%add3A_395] : memref<36096xf32, #tpu.memory_space<vmem>>[vector<16xi32>], vector<16xf32>,
        %gt3A_397 = arith.cmpf ogt, %gather3A_396, %max3A_393 : vector<16xf32>
        %max3A_398 = arith.maximumf %max3A_393, %gather3A_396 : vector<16xf32>
        %select_n3A_399 = arith.select %gt3A_397, %add3A_395, %select_n3A_394 : vector<16xi1>, vector<16xi32>
        %add3A_400 = arith.addi %add3A_395, %broadcast_in_dim3A_10 : vector<16xi32>
        %gather3A_401 = tpu.vector_load_idx %arg6[%add3A_400] : memref<36096xf32, #tpu.memory_space<vmem>>[vector<16xi32>], vector<16xf32>,
        %gt3A_402 = arith.cmpf ogt, %gather3A_401, %max3A_398 : vector<16xf32>
        %max3A_403 = arith.maximumf %max3A_398, %gather3A_401 : vector<16xf32>
        %select_n3A_404 = arith.select %gt3A_402, %add3A_400, %select_n3A_399 : vector<16xi1>, vector<16xi32>
        %add3A_405 = arith.addi %add3A_400, %broadcast_in_dim3A_10 : vector<16xi32>
        %gather3A_406 = tpu.vector_load_idx %arg6[%add3A_405] : memref<36096xf32, #tpu.memory_space<vmem>>[vector<16xi32>], vector<16xf32>,
        %gt3A_407 = arith.cmpf ogt, %gather3A_406, %max3A_403 : vector<16xf32>
        %max3A_408 = arith.maximumf %max3A_403, %gather3A_406 : vector<16xf32>
        %select_n3A_409 = arith.select %gt3A_407, %add3A_405, %select_n3A_404 : vector<16xi1>, vector<16xi32>
        %add3A_410 = arith.addi %add3A_405, %broadcast_in_dim3A_10 : vector<16xi32>
        %gather3A_411 = tpu.vector_load_idx %arg6[%add3A_410] : memref<36096xf32, #tpu.memory_space<vmem>>[vector<16xi32>], vector<16xf32>,
        %gt3A_412 = arith.cmpf ogt, %gather3A_411, %max3A_408 : vector<16xf32>
        %max3A_413 = arith.maximumf %max3A_408, %gather3A_411 : vector<16xf32>
        %select_n3A_414 = arith.select %gt3A_412, %add3A_410, %select_n3A_409 : vector<16xi1>, vector<16xi32>
        %add3A_415 = arith.addi %add3A_410, %broadcast_in_dim3A_10 : vector<16xi32>
        %gather3A_416 = tpu.vector_load_idx %arg6[%add3A_415] : memref<36096xf32, #tpu.memory_space<vmem>>[vector<16xi32>], vector<16xf32>,
        %gt3A_417 = arith.cmpf ogt, %gather3A_416, %max3A_413 : vector<16xf32>
        %max3A_418 = arith.maximumf %max3A_413, %gather3A_416 : vector<16xf32>
        %select_n3A_419 = arith.select %gt3A_417, %add3A_415, %select_n3A_414 : vector<16xi1>, vector<16xi32>
        %add3A_420 = arith.addi %add3A_415, %broadcast_in_dim3A_10 : vector<16xi32>
        %gather3A_421 = tpu.vector_load_idx %arg6[%add3A_420] : memref<36096xf32, #tpu.memory_space<vmem>>[vector<16xi32>], vector<16xf32>,
        %gt3A_422 = arith.cmpf ogt, %gather3A_421, %max3A_418 : vector<16xf32>
        %max3A_423 = arith.maximumf %max3A_418, %gather3A_421 : vector<16xf32>
        %select_n3A_424 = arith.select %gt3A_422, %add3A_420, %select_n3A_419 : vector<16xi1>, vector<16xi32>
        %add3A_425 = arith.addi %add3A_420, %broadcast_in_dim3A_10 : vector<16xi32>
        %gather3A_426 = tpu.vector_load_idx %arg6[%add3A_425] : memref<36096xf32, #tpu.memory_space<vmem>>[vector<16xi32>], vector<16xf32>,
        %gt3A_427 = arith.cmpf ogt, %gather3A_426, %max3A_423 : vector<16xf32>
        %max3A_428 = arith.maximumf %max3A_423, %gather3A_426 : vector<16xf32>
        %select_n3A_429 = arith.select %gt3A_427, %add3A_425, %select_n3A_424 : vector<16xi1>, vector<16xi32>
        %add3A_430 = arith.addi %add3A_425, %broadcast_in_dim3A_10 : vector<16xi32>
        %gather3A_431 = tpu.vector_load_idx %arg6[%add3A_430] : memref<36096xf32, #tpu.memory_space<vmem>>[vector<16xi32>], vector<16xf32>,
        %gt3A_432 = arith.cmpf ogt, %gather3A_431, %max3A_428 : vector<16xf32>
        %max3A_433 = arith.maximumf %max3A_428, %gather3A_431 : vector<16xf32>
        %select_n3A_434 = arith.select %gt3A_432, %add3A_430, %select_n3A_429 : vector<16xi1>, vector<16xi32>
        %add3A_435 = arith.addi %add3A_430, %broadcast_in_dim3A_10 : vector<16xi32>
        %gather3A_436 = tpu.vector_load_idx %arg6[%add3A_435] : memref<36096xf32, #tpu.memory_space<vmem>>[vector<16xi32>], vector<16xf32>,
        %gt3A_437 = arith.cmpf ogt, %gather3A_436, %max3A_433 : vector<16xf32>
        %max3A_438 = arith.maximumf %max3A_433, %gather3A_436 : vector<16xf32>
        %select_n3A_439 = arith.select %gt3A_437, %add3A_435, %select_n3A_434 : vector<16xi1>, vector<16xi32>
        %add3A_440 = arith.addi %add3A_435, %broadcast_in_dim3A_10 : vector<16xi32>
        %gather3A_441 = tpu.vector_load_idx %arg6[%add3A_440] : memref<36096xf32, #tpu.memory_space<vmem>>[vector<16xi32>], vector<16xf32>,
        %gt3A_442 = arith.cmpf ogt, %gather3A_441, %max3A_438 : vector<16xf32>
        %max3A_443 = arith.maximumf %max3A_438, %gather3A_441 : vector<16xf32>
        %select_n3A_444 = arith.select %gt3A_442, %add3A_440, %select_n3A_439 : vector<16xi1>, vector<16xi32>
        %add3A_445 = arith.addi %add3A_440, %broadcast_in_dim3A_10 : vector<16xi32>
        %gather3A_446 = tpu.vector_load_idx %arg6[%add3A_445] : memref<36096xf32, #tpu.memory_space<vmem>>[vector<16xi32>], vector<16xf32>,
        %gt3A_447 = arith.cmpf ogt, %gather3A_446, %max3A_443 : vector<16xf32>
        %max3A_448 = arith.maximumf %max3A_443, %gather3A_446 : vector<16xf32>
        %select_n3A_449 = arith.select %gt3A_447, %add3A_445, %select_n3A_444 : vector<16xi1>, vector<16xi32>
        %add3A_450 = arith.addi %add3A_445, %broadcast_in_dim3A_10 : vector<16xi32>
        %gather3A_451 = tpu.vector_load_idx %arg6[%add3A_450] : memref<36096xf32, #tpu.memory_space<vmem>>[vector<16xi32>], vector<16xf32>,
        %gt3A_452 = arith.cmpf ogt, %gather3A_451, %max3A_448 : vector<16xf32>
        %max3A_453 = arith.maximumf %max3A_448, %gather3A_451 : vector<16xf32>
        %select_n3A_454 = arith.select %gt3A_452, %add3A_450, %select_n3A_449 : vector<16xi1>, vector<16xi32>
        %add3A_455 = arith.addi %add3A_450, %broadcast_in_dim3A_10 : vector<16xi32>
        %gather3A_456 = tpu.vector_load_idx %arg6[%add3A_455] : memref<36096xf32, #tpu.memory_space<vmem>>[vector<16xi32>], vector<16xf32>,
        %gt3A_457 = arith.cmpf ogt, %gather3A_456, %max3A_453 : vector<16xf32>
        %max3A_458 = arith.maximumf %max3A_453, %gather3A_456 : vector<16xf32>
        %select_n3A_459 = arith.select %gt3A_457, %add3A_455, %select_n3A_454 : vector<16xi1>, vector<16xi32>
        %add3A_460 = arith.addi %add3A_455, %broadcast_in_dim3A_10 : vector<16xi32>
        %gather3A_461 = tpu.vector_load_idx %arg6[%add3A_460] : memref<36096xf32, #tpu.memory_space<vmem>>[vector<16xi32>], vector<16xf32>,
        %gt3A_462 = arith.cmpf ogt, %gather3A_461, %max3A_458 : vector<16xf32>
        %max3A_463 = arith.maximumf %max3A_458, %gather3A_461 : vector<16xf32>
        %select_n3A_464 = arith.select %gt3A_462, %add3A_460, %select_n3A_459 : vector<16xi1>, vector<16xi32>
        %add3A_465 = arith.addi %add3A_460, %broadcast_in_dim3A_10 : vector<16xi32>
        %gather3A_466 = tpu.vector_load_idx %arg6[%add3A_465] : memref<36096xf32, #tpu.memory_space<vmem>>[vector<16xi32>], vector<16xf32>,
        %gt3A_467 = arith.cmpf ogt, %gather3A_466, %max3A_463 : vector<16xf32>
        %max3A_468 = arith.maximumf %max3A_463, %gather3A_466 : vector<16xf32>
        %select_n3A_469 = arith.select %gt3A_467, %add3A_465, %select_n3A_464 : vector<16xi1>, vector<16xi32>
        %add3A_470 = arith.addi %add3A_465, %broadcast_in_dim3A_10 : vector<16xi32>
        %gather3A_471 = tpu.vector_load_idx %arg6[%add3A_470] : memref<36096xf32, #tpu.memory_space<vmem>>[vector<16xi32>], vector<16xf32>,
        %gt3A_472 = arith.cmpf ogt, %gather3A_471, %max3A_468 : vector<16xf32>
        %max3A_473 = arith.maximumf %max3A_468, %gather3A_471 : vector<16xf32>
        %select_n3A_474 = arith.select %gt3A_472, %add3A_470, %select_n3A_469 : vector<16xi1>, vector<16xi32>
        %add3A_475 = arith.addi %add3A_470, %broadcast_in_dim3A_10 : vector<16xi32>
        %gather3A_476 = tpu.vector_load_idx %arg6[%add3A_475] : memref<36096xf32, #tpu.memory_space<vmem>>[vector<16xi32>], vector<16xf32>,
        %gt3A_477 = arith.cmpf ogt, %gather3A_476, %max3A_473 : vector<16xf32>
        %max3A_478 = arith.maximumf %max3A_473, %gather3A_476 : vector<16xf32>
        %select_n3A_479 = arith.select %gt3A_477, %add3A_475, %select_n3A_474 : vector<16xi1>, vector<16xi32>
        %add3A_480 = arith.addi %add3A_475, %broadcast_in_dim3A_10 : vector<16xi32>
        %gather3A_481 = tpu.vector_load_idx %arg6[%add3A_480] : memref<36096xf32, #tpu.memory_space<vmem>>[vector<16xi32>], vector<16xf32>,
        %gt3A_482 = arith.cmpf ogt, %gather3A_481, %max3A_478 : vector<16xf32>
        %max3A_483 = arith.maximumf %max3A_478, %gather3A_481 : vector<16xf32>
        %select_n3A_484 = arith.select %gt3A_482, %add3A_480, %select_n3A_479 : vector<16xi1>, vector<16xi32>
        %add3A_485 = arith.addi %add3A_480, %broadcast_in_dim3A_10 : vector<16xi32>
        %gather3A_486 = tpu.vector_load_idx %arg6[%add3A_485] : memref<36096xf32, #tpu.memory_space<vmem>>[vector<16xi32>], vector<16xf32>,
        %gt3A_487 = arith.cmpf ogt, %gather3A_486, %max3A_483 : vector<16xf32>
        %max3A_488 = arith.maximumf %max3A_483, %gather3A_486 : vector<16xf32>
        %select_n3A_489 = arith.select %gt3A_487, %add3A_485, %select_n3A_484 : vector<16xi1>, vector<16xi32>
        %add3A_490 = arith.addi %add3A_485, %broadcast_in_dim3A_10 : vector<16xi32>
        %gather3A_491 = tpu.vector_load_idx %arg6[%add3A_490] : memref<36096xf32, #tpu.memory_space<vmem>>[vector<16xi32>], vector<16xf32>,
        %gt3A_492 = arith.cmpf ogt, %gather3A_491, %max3A_488 : vector<16xf32>
        %max3A_493 = arith.maximumf %max3A_488, %gather3A_491 : vector<16xf32>
        %select_n3A_494 = arith.select %gt3A_492, %add3A_490, %select_n3A_489 : vector<16xi1>, vector<16xi32>
        %add3A_495 = arith.addi %add3A_490, %broadcast_in_dim3A_10 : vector<16xi32>
        %gather3A_496 = tpu.vector_load_idx %arg6[%add3A_495] : memref<36096xf32, #tpu.memory_space<vmem>>[vector<16xi32>], vector<16xf32>,
        %gt3A_497 = arith.cmpf ogt, %gather3A_496, %max3A_493 : vector<16xf32>
        %max3A_498 = arith.maximumf %max3A_493, %gather3A_496 : vector<16xf32>
        %select_n3A_499 = arith.select %gt3A_497, %add3A_495, %select_n3A_494 : vector<16xi1>, vector<16xi32>
        %add3A_500 = arith.addi %add3A_495, %broadcast_in_dim3A_10 : vector<16xi32>
        %gather3A_501 = tpu.vector_load_idx %arg6[%add3A_500] : memref<36096xf32, #tpu.memory_space<vmem>>[vector<16xi32>], vector<16xf32>,
        %gt3A_502 = arith.cmpf ogt, %gather3A_501, %max3A_498 : vector<16xf32>
        %max3A_503 = arith.maximumf %max3A_498, %gather3A_501 : vector<16xf32>
        %select_n3A_504 = arith.select %gt3A_502, %add3A_500, %select_n3A_499 : vector<16xi1>, vector<16xi32>
        %add3A_505 = arith.addi %add3A_500, %broadcast_in_dim3A_10 : vector<16xi32>
        %gather3A_506 = tpu.vector_load_idx %arg6[%add3A_505] : memref<36096xf32, #tpu.memory_space<vmem>>[vector<16xi32>], vector<16xf32>,
        %gt3A_507 = arith.cmpf ogt, %gather3A_506, %max3A_503 : vector<16xf32>
        %max3A_508 = arith.maximumf %max3A_503, %gather3A_506 : vector<16xf32>
        %select_n3A_509 = arith.select %gt3A_507, %add3A_505, %select_n3A_504 : vector<16xi1>, vector<16xi32>
        %add3A_510 = arith.addi %add3A_505, %broadcast_in_dim3A_10 : vector<16xi32>
        %gather3A_511 = tpu.vector_load_idx %arg6[%add3A_510] : memref<36096xf32, #tpu.memory_space<vmem>>[vector<16xi32>], vector<16xf32>,
        %gt3A_512 = arith.cmpf ogt, %gather3A_511, %max3A_508 : vector<16xf32>
        %max3A_513 = arith.maximumf %max3A_508, %gather3A_511 : vector<16xf32>
        %select_n3A_514 = arith.select %gt3A_512, %add3A_510, %select_n3A_509 : vector<16xi1>, vector<16xi32>
        %add3A_515 = arith.addi %add3A_510, %broadcast_in_dim3A_10 : vector<16xi32>
        %gather3A_516 = tpu.vector_load_idx %arg6[%add3A_515] : memref<36096xf32, #tpu.memory_space<vmem>>[vector<16xi32>], vector<16xf32>,
        %gt3A_517 = arith.cmpf ogt, %gather3A_516, %max3A_513 : vector<16xf32>
        %max3A_518 = arith.maximumf %max3A_513, %gather3A_516 : vector<16xf32>
        %select_n3A_519 = arith.select %gt3A_517, %add3A_515, %select_n3A_514 : vector<16xi1>, vector<16xi32>
        %add3A_520 = arith.addi %add3A_515, %broadcast_in_dim3A_10 : vector<16xi32>
        %gather3A_521 = tpu.vector_load_idx %arg6[%add3A_520] : memref<36096xf32, #tpu.memory_space<vmem>>[vector<16xi32>], vector<16xf32>,
        %gt3A_522 = arith.cmpf ogt, %gather3A_521, %max3A_518 : vector<16xf32>
        %max3A_523 = arith.maximumf %max3A_518, %gather3A_521 : vector<16xf32>
        %select_n3A_524 = arith.select %gt3A_522, %add3A_520, %select_n3A_519 : vector<16xi1>, vector<16xi32>
        %add3A_525 = arith.addi %add3A_520, %broadcast_in_dim3A_10 : vector<16xi32>
        %gather3A_526 = tpu.vector_load_idx %arg6[%add3A_525] : memref<36096xf32, #tpu.memory_space<vmem>>[vector<16xi32>], vector<16xf32>,
        %gt3A_527 = arith.cmpf ogt, %gather3A_526, %max3A_523 : vector<16xf32>
        %max3A_528 = arith.maximumf %max3A_523, %gather3A_526 : vector<16xf32>
        %select_n3A_529 = arith.select %gt3A_527, %add3A_525, %select_n3A_524 : vector<16xi1>, vector<16xi32>
        %add3A_530 = arith.addi %add3A_525, %broadcast_in_dim3A_10 : vector<16xi32>
        %gather3A_531 = tpu.vector_load_idx %arg6[%add3A_530] : memref<36096xf32, #tpu.memory_space<vmem>>[vector<16xi32>], vector<16xf32>,
        %gt3A_532 = arith.cmpf ogt, %gather3A_531, %max3A_528 : vector<16xf32>
        %max3A_533 = arith.maximumf %max3A_528, %gather3A_531 : vector<16xf32>
        %select_n3A_534 = arith.select %gt3A_532, %add3A_530, %select_n3A_529 : vector<16xi1>, vector<16xi32>
        %add3A_535 = arith.addi %add3A_530, %broadcast_in_dim3A_10 : vector<16xi32>
        %gather3A_536 = tpu.vector_load_idx %arg6[%add3A_535] : memref<36096xf32, #tpu.memory_space<vmem>>[vector<16xi32>], vector<16xf32>,
        %gt3A_537 = arith.cmpf ogt, %gather3A_536, %max3A_533 : vector<16xf32>
        %max3A_538 = arith.maximumf %max3A_533, %gather3A_536 : vector<16xf32>
        %select_n3A_539 = arith.select %gt3A_537, %add3A_535, %select_n3A_534 : vector<16xi1>, vector<16xi32>
        %add3A_540 = arith.addi %add3A_535, %broadcast_in_dim3A_10 : vector<16xi32>
        %gather3A_541 = tpu.vector_load_idx %arg6[%add3A_540] : memref<36096xf32, #tpu.memory_space<vmem>>[vector<16xi32>], vector<16xf32>,
        %gt3A_542 = arith.cmpf ogt, %gather3A_541, %max3A_538 : vector<16xf32>
        %max3A_543 = arith.maximumf %max3A_538, %gather3A_541 : vector<16xf32>
        %select_n3A_544 = arith.select %gt3A_542, %add3A_540, %select_n3A_539 : vector<16xi1>, vector<16xi32>
        %add3A_545 = arith.addi %add3A_540, %broadcast_in_dim3A_10 : vector<16xi32>
        %gather3A_546 = tpu.vector_load_idx %arg6[%add3A_545] : memref<36096xf32, #tpu.memory_space<vmem>>[vector<16xi32>], vector<16xf32>,
        %gt3A_547 = arith.cmpf ogt, %gather3A_546, %max3A_543 : vector<16xf32>
        %max3A_548 = arith.maximumf %max3A_543, %gather3A_546 : vector<16xf32>
        %select_n3A_549 = arith.select %gt3A_547, %add3A_545, %select_n3A_544 : vector<16xi1>, vector<16xi32>
        %add3A_550 = arith.addi %add3A_545, %broadcast_in_dim3A_10 : vector<16xi32>
        %gather3A_551 = tpu.vector_load_idx %arg6[%add3A_550] : memref<36096xf32, #tpu.memory_space<vmem>>[vector<16xi32>], vector<16xf32>,
        %gt3A_552 = arith.cmpf ogt, %gather3A_551, %max3A_548 : vector<16xf32>
        %max3A_553 = arith.maximumf %max3A_548, %gather3A_551 : vector<16xf32>
        %select_n3A_554 = arith.select %gt3A_552, %add3A_550, %select_n3A_549 : vector<16xi1>, vector<16xi32>
        %add3A_555 = arith.addi %add3A_550, %broadcast_in_dim3A_10 : vector<16xi32>
        %gather3A_556 = tpu.vector_load_idx %arg6[%add3A_555] : memref<36096xf32, #tpu.memory_space<vmem>>[vector<16xi32>], vector<16xf32>,
        %gt3A_557 = arith.cmpf ogt, %gather3A_556, %max3A_553 : vector<16xf32>
        %max3A_558 = arith.maximumf %max3A_553, %gather3A_556 : vector<16xf32>
        %select_n3A_559 = arith.select %gt3A_557, %add3A_555, %select_n3A_554 : vector<16xi1>, vector<16xi32>
        %add3A_560 = arith.addi %add3A_555, %broadcast_in_dim3A_10 : vector<16xi32>
        %gather3A_561 = tpu.vector_load_idx %arg6[%add3A_560] : memref<36096xf32, #tpu.memory_space<vmem>>[vector<16xi32>], vector<16xf32>,
        %gt3A_562 = arith.cmpf ogt, %gather3A_561, %max3A_558 : vector<16xf32>
        %max3A_563 = arith.maximumf %max3A_558, %gather3A_561 : vector<16xf32>
        %select_n3A_564 = arith.select %gt3A_562, %add3A_560, %select_n3A_559 : vector<16xi1>, vector<16xi32>
        %add3A_565 = arith.addi %add3A_560, %broadcast_in_dim3A_10 : vector<16xi32>
        %gather3A_566 = tpu.vector_load_idx %arg6[%add3A_565] : memref<36096xf32, #tpu.memory_space<vmem>>[vector<16xi32>], vector<16xf32>,
        %gt3A_567 = arith.cmpf ogt, %gather3A_566, %max3A_563 : vector<16xf32>
        %max3A_568 = arith.maximumf %max3A_563, %gather3A_566 : vector<16xf32>
        %select_n3A_569 = arith.select %gt3A_567, %add3A_565, %select_n3A_564 : vector<16xi1>, vector<16xi32>
        %add3A_570 = arith.addi %add3A_565, %broadcast_in_dim3A_10 : vector<16xi32>
        %gather3A_571 = tpu.vector_load_idx %arg6[%add3A_570] : memref<36096xf32, #tpu.memory_space<vmem>>[vector<16xi32>], vector<16xf32>,
        %gt3A_572 = arith.cmpf ogt, %gather3A_571, %max3A_568 : vector<16xf32>
        %max3A_573 = arith.maximumf %max3A_568, %gather3A_571 : vector<16xf32>
        %select_n3A_574 = arith.select %gt3A_572, %add3A_570, %select_n3A_569 : vector<16xi1>, vector<16xi32>
        %add3A_575 = arith.addi %add3A_570, %broadcast_in_dim3A_10 : vector<16xi32>
        %gather3A_576 = tpu.vector_load_idx %arg6[%add3A_575] : memref<36096xf32, #tpu.memory_space<vmem>>[vector<16xi32>], vector<16xf32>,
        %gt3A_577 = arith.cmpf ogt, %gather3A_576, %max3A_573 : vector<16xf32>
        %max3A_578 = arith.maximumf %max3A_573, %gather3A_576 : vector<16xf32>
        %select_n3A_579 = arith.select %gt3A_577, %add3A_575, %select_n3A_574 : vector<16xi1>, vector<16xi32>
        %add3A_580 = arith.addi %add3A_575, %broadcast_in_dim3A_10 : vector<16xi32>
        %gather3A_581 = tpu.vector_load_idx %arg6[%add3A_580] : memref<36096xf32, #tpu.memory_space<vmem>>[vector<16xi32>], vector<16xf32>,
        %gt3A_582 = arith.cmpf ogt, %gather3A_581, %max3A_578 : vector<16xf32>
        %max3A_583 = arith.maximumf %max3A_578, %gather3A_581 : vector<16xf32>
        %select_n3A_584 = arith.select %gt3A_582, %add3A_580, %select_n3A_579 : vector<16xi1>, vector<16xi32>
        %add3A_585 = arith.addi %add3A_580, %broadcast_in_dim3A_10 : vector<16xi32>
        %gather3A_586 = tpu.vector_load_idx %arg6[%add3A_585] : memref<36096xf32, #tpu.memory_space<vmem>>[vector<16xi32>], vector<16xf32>,
        %gt3A_587 = arith.cmpf ogt, %gather3A_586, %max3A_583 : vector<16xf32>
        %max3A_588 = arith.maximumf %max3A_583, %gather3A_586 : vector<16xf32>
        %select_n3A_589 = arith.select %gt3A_587, %add3A_585, %select_n3A_584 : vector<16xi1>, vector<16xi32>
        %add3A_590 = arith.addi %add3A_585, %broadcast_in_dim3A_10 : vector<16xi32>
        %gather3A_591 = tpu.vector_load_idx %arg6[%add3A_590] : memref<36096xf32, #tpu.memory_space<vmem>>[vector<16xi32>], vector<16xf32>,
        %gt3A_592 = arith.cmpf ogt, %gather3A_591, %max3A_588 : vector<16xf32>
        %max3A_593 = arith.maximumf %max3A_588, %gather3A_591 : vector<16xf32>
        %select_n3A_594 = arith.select %gt3A_592, %add3A_590, %select_n3A_589 : vector<16xi1>, vector<16xi32>
        %add3A_595 = arith.addi %add3A_590, %broadcast_in_dim3A_10 : vector<16xi32>
        %gather3A_596 = tpu.vector_load_idx %arg6[%add3A_595] : memref<36096xf32, #tpu.memory_space<vmem>>[vector<16xi32>], vector<16xf32>,
        %gt3A_597 = arith.cmpf ogt, %gather3A_596, %max3A_593 : vector<16xf32>
        %max3A_598 = arith.maximumf %max3A_593, %gather3A_596 : vector<16xf32>
        %select_n3A_599 = arith.select %gt3A_597, %add3A_595, %select_n3A_594 : vector<16xi1>, vector<16xi32>
        %add3A_600 = arith.addi %add3A_595, %broadcast_in_dim3A_10 : vector<16xi32>
        %gather3A_601 = tpu.vector_load_idx %arg6[%add3A_600] : memref<36096xf32, #tpu.memory_space<vmem>>[vector<16xi32>], vector<16xf32>,
        %gt3A_602 = arith.cmpf ogt, %gather3A_601, %max3A_598 : vector<16xf32>
        %max3A_603 = arith.maximumf %max3A_598, %gather3A_601 : vector<16xf32>
        %select_n3A_604 = arith.select %gt3A_602, %add3A_600, %select_n3A_599 : vector<16xi1>, vector<16xi32>
        %add3A_605 = arith.addi %add3A_600, %broadcast_in_dim3A_10 : vector<16xi32>
        %gather3A_606 = tpu.vector_load_idx %arg6[%add3A_605] : memref<36096xf32, #tpu.memory_space<vmem>>[vector<16xi32>], vector<16xf32>,
        %gt3A_607 = arith.cmpf ogt, %gather3A_606, %max3A_603 : vector<16xf32>
        %max3A_608 = arith.maximumf %max3A_603, %gather3A_606 : vector<16xf32>
        %select_n3A_609 = arith.select %gt3A_607, %add3A_605, %select_n3A_604 : vector<16xi1>, vector<16xi32>
        %add3A_610 = arith.addi %add3A_605, %broadcast_in_dim3A_10 : vector<16xi32>
        %gather3A_611 = tpu.vector_load_idx %arg6[%add3A_610] : memref<36096xf32, #tpu.memory_space<vmem>>[vector<16xi32>], vector<16xf32>,
        %gt3A_612 = arith.cmpf ogt, %gather3A_611, %max3A_608 : vector<16xf32>
        %max3A_613 = arith.maximumf %max3A_608, %gather3A_611 : vector<16xf32>
        %select_n3A_614 = arith.select %gt3A_612, %add3A_610, %select_n3A_609 : vector<16xi1>, vector<16xi32>
        %add3A_615 = arith.addi %add3A_610, %broadcast_in_dim3A_10 : vector<16xi32>
        %gather3A_616 = tpu.vector_load_idx %arg6[%add3A_615] : memref<36096xf32, #tpu.memory_space<vmem>>[vector<16xi32>], vector<16xf32>,
        %gt3A_617 = arith.cmpf ogt, %gather3A_616, %max3A_613 : vector<16xf32>
        %max3A_618 = arith.maximumf %max3A_613, %gather3A_616 : vector<16xf32>
        %select_n3A_619 = arith.select %gt3A_617, %add3A_615, %select_n3A_614 : vector<16xi1>, vector<16xi32>
        %add3A_620 = arith.addi %add3A_615, %broadcast_in_dim3A_10 : vector<16xi32>
        %gather3A_621 = tpu.vector_load_idx %arg6[%add3A_620] : memref<36096xf32, #tpu.memory_space<vmem>>[vector<16xi32>], vector<16xf32>,
        %gt3A_622 = arith.cmpf ogt, %gather3A_621, %max3A_618 : vector<16xf32>
        %max3A_623 = arith.maximumf %max3A_618, %gather3A_621 : vector<16xf32>
        %select_n3A_624 = arith.select %gt3A_622, %add3A_620, %select_n3A_619 : vector<16xi1>, vector<16xi32>
        %add3A_625 = arith.addi %add3A_620, %broadcast_in_dim3A_10 : vector<16xi32>
        %gather3A_626 = tpu.vector_load_idx %arg6[%add3A_625] : memref<36096xf32, #tpu.memory_space<vmem>>[vector<16xi32>], vector<16xf32>,
        %gt3A_627 = arith.cmpf ogt, %gather3A_626, %max3A_623 : vector<16xf32>
        %max3A_628 = arith.maximumf %max3A_623, %gather3A_626 : vector<16xf32>
        %select_n3A_629 = arith.select %gt3A_627, %add3A_625, %select_n3A_624 : vector<16xi1>, vector<16xi32>
        %add3A_630 = arith.addi %add3A_625, %broadcast_in_dim3A_10 : vector<16xi32>
        %gather3A_631 = tpu.vector_load_idx %arg6[%add3A_630] : memref<36096xf32, #tpu.memory_space<vmem>>[vector<16xi32>], vector<16xf32>,
        %gt3A_632 = arith.cmpf ogt, %gather3A_631, %max3A_628 : vector<16xf32>
        %max3A_633 = arith.maximumf %max3A_628, %gather3A_631 : vector<16xf32>
        %select_n3A_634 = arith.select %gt3A_632, %add3A_630, %select_n3A_629 : vector<16xi1>, vector<16xi32>
        %add3A_635 = arith.addi %add3A_630, %broadcast_in_dim3A_10 : vector<16xi32>
        %gather3A_636 = tpu.vector_load_idx %arg6[%add3A_635] : memref<36096xf32, #tpu.memory_space<vmem>>[vector<16xi32>], vector<16xf32>,
        %gt3A_637 = arith.cmpf ogt, %gather3A_636, %max3A_633 : vector<16xf32>
        %max3A_638 = arith.maximumf %max3A_633, %gather3A_636 : vector<16xf32>
        %select_n3A_639 = arith.select %gt3A_637, %add3A_635, %select_n3A_634 : vector<16xi1>, vector<16xi32>
        %add3A_640 = arith.addi %add3A_635, %broadcast_in_dim3A_10 : vector<16xi32>
        %gather3A_641 = tpu.vector_load_idx %arg6[%add3A_640] : memref<36096xf32, #tpu.memory_space<vmem>>[vector<16xi32>], vector<16xf32>,
        %gt3A_642 = arith.cmpf ogt, %gather3A_641, %max3A_638 : vector<16xf32>
        %max3A_643 = arith.maximumf %max3A_638, %gather3A_641 : vector<16xf32>
        %select_n3A_644 = arith.select %gt3A_642, %add3A_640, %select_n3A_639 : vector<16xi1>, vector<16xi32>
        %add3A_645 = arith.addi %add3A_640, %broadcast_in_dim3A_10 : vector<16xi32>
        %gather3A_646 = tpu.vector_load_idx %arg6[%add3A_645] : memref<36096xf32, #tpu.memory_space<vmem>>[vector<16xi32>], vector<16xf32>,
        %gt3A_647 = arith.cmpf ogt, %gather3A_646, %max3A_643 : vector<16xf32>
        %max3A_648 = arith.maximumf %max3A_643, %gather3A_646 : vector<16xf32>
        %select_n3A_649 = arith.select %gt3A_647, %add3A_645, %select_n3A_644 : vector<16xi1>, vector<16xi32>
        %add3A_650 = arith.addi %add3A_645, %broadcast_in_dim3A_10 : vector<16xi32>
        %gather3A_651 = tpu.vector_load_idx %arg6[%add3A_650] : memref<36096xf32, #tpu.memory_space<vmem>>[vector<16xi32>], vector<16xf32>,
        %gt3A_652 = arith.cmpf ogt, %gather3A_651, %max3A_648 : vector<16xf32>
        %max3A_653 = arith.maximumf %max3A_648, %gather3A_651 : vector<16xf32>
        %select_n3A_654 = arith.select %gt3A_652, %add3A_650, %select_n3A_649 : vector<16xi1>, vector<16xi32>
        %add3A_655 = arith.addi %add3A_650, %broadcast_in_dim3A_10 : vector<16xi32>
        %gather3A_656 = tpu.vector_load_idx %arg6[%add3A_655] : memref<36096xf32, #tpu.memory_space<vmem>>[vector<16xi32>], vector<16xf32>,
        %gt3A_657 = arith.cmpf ogt, %gather3A_656, %max3A_653 : vector<16xf32>
        %max3A_658 = arith.maximumf %max3A_653, %gather3A_656 : vector<16xf32>
        %select_n3A_659 = arith.select %gt3A_657, %add3A_655, %select_n3A_654 : vector<16xi1>, vector<16xi32>
        %add3A_660 = arith.addi %add3A_655, %broadcast_in_dim3A_10 : vector<16xi32>
        %gather3A_661 = tpu.vector_load_idx %arg6[%add3A_660] : memref<36096xf32, #tpu.memory_space<vmem>>[vector<16xi32>], vector<16xf32>,
        %gt3A_662 = arith.cmpf ogt, %gather3A_661, %max3A_658 : vector<16xf32>
        %max3A_663 = arith.maximumf %max3A_658, %gather3A_661 : vector<16xf32>
        %select_n3A_664 = arith.select %gt3A_662, %add3A_660, %select_n3A_659 : vector<16xi1>, vector<16xi32>
        %add3A_665 = arith.addi %add3A_660, %broadcast_in_dim3A_10 : vector<16xi32>
        %gather3A_666 = tpu.vector_load_idx %arg6[%add3A_665] : memref<36096xf32, #tpu.memory_space<vmem>>[vector<16xi32>], vector<16xf32>,
        %gt3A_667 = arith.cmpf ogt, %gather3A_666, %max3A_663 : vector<16xf32>
        %max3A_668 = arith.maximumf %max3A_663, %gather3A_666 : vector<16xf32>
        %select_n3A_669 = arith.select %gt3A_667, %add3A_665, %select_n3A_664 : vector<16xi1>, vector<16xi32>
        %add3A_670 = arith.addi %add3A_665, %broadcast_in_dim3A_10 : vector<16xi32>
        %gather3A_671 = tpu.vector_load_idx %arg6[%add3A_670] : memref<36096xf32, #tpu.memory_space<vmem>>[vector<16xi32>], vector<16xf32>,
        %gt3A_672 = arith.cmpf ogt, %gather3A_671, %max3A_668 : vector<16xf32>
        %max3A_673 = arith.maximumf %max3A_668, %gather3A_671 : vector<16xf32>
        %select_n3A_674 = arith.select %gt3A_672, %add3A_670, %select_n3A_669 : vector<16xi1>, vector<16xi32>
        %add3A_675 = arith.addi %add3A_670, %broadcast_in_dim3A_10 : vector<16xi32>
        %gather3A_676 = tpu.vector_load_idx %arg6[%add3A_675] : memref<36096xf32, #tpu.memory_space<vmem>>[vector<16xi32>], vector<16xf32>,
        %gt3A_677 = arith.cmpf ogt, %gather3A_676, %max3A_673 : vector<16xf32>
        %max3A_678 = arith.maximumf %max3A_673, %gather3A_676 : vector<16xf32>
        %select_n3A_679 = arith.select %gt3A_677, %add3A_675, %select_n3A_674 : vector<16xi1>, vector<16xi32>
        %add3A_680 = arith.addi %add3A_675, %broadcast_in_dim3A_10 : vector<16xi32>
        %gather3A_681 = tpu.vector_load_idx %arg6[%add3A_680] : memref<36096xf32, #tpu.memory_space<vmem>>[vector<16xi32>], vector<16xf32>,
        %gt3A_682 = arith.cmpf ogt, %gather3A_681, %max3A_678 : vector<16xf32>
        %max3A_683 = arith.maximumf %max3A_678, %gather3A_681 : vector<16xf32>
        %select_n3A_684 = arith.select %gt3A_682, %add3A_680, %select_n3A_679 : vector<16xi1>, vector<16xi32>
        %add3A_685 = arith.addi %add3A_680, %broadcast_in_dim3A_10 : vector<16xi32>
        %gather3A_686 = tpu.vector_load_idx %arg6[%add3A_685] : memref<36096xf32, #tpu.memory_space<vmem>>[vector<16xi32>], vector<16xf32>,
        %gt3A_687 = arith.cmpf ogt, %gather3A_686, %max3A_683 : vector<16xf32>
        %max3A_688 = arith.maximumf %max3A_683, %gather3A_686 : vector<16xf32>
        %select_n3A_689 = arith.select %gt3A_687, %add3A_685, %select_n3A_684 : vector<16xi1>, vector<16xi32>
        %add3A_690 = arith.addi %add3A_685, %broadcast_in_dim3A_10 : vector<16xi32>
        %gather3A_691 = tpu.vector_load_idx %arg6[%add3A_690] : memref<36096xf32, #tpu.memory_space<vmem>>[vector<16xi32>], vector<16xf32>,
        %gt3A_692 = arith.cmpf ogt, %gather3A_691, %max3A_688 : vector<16xf32>
        %max3A_693 = arith.maximumf %max3A_688, %gather3A_691 : vector<16xf32>
        %select_n3A_694 = arith.select %gt3A_692, %add3A_690, %select_n3A_689 : vector<16xi1>, vector<16xi32>
        %add3A_695 = arith.addi %add3A_690, %broadcast_in_dim3A_10 : vector<16xi32>
        %gather3A_696 = tpu.vector_load_idx %arg6[%add3A_695] : memref<36096xf32, #tpu.memory_space<vmem>>[vector<16xi32>], vector<16xf32>,
        %gt3A_697 = arith.cmpf ogt, %gather3A_696, %max3A_693 : vector<16xf32>
        %max3A_698 = arith.maximumf %max3A_693, %gather3A_696 : vector<16xf32>
        %select_n3A_699 = arith.select %gt3A_697, %add3A_695, %select_n3A_694 : vector<16xi1>, vector<16xi32>
        %add3A_700 = arith.addi %add3A_695, %broadcast_in_dim3A_10 : vector<16xi32>
        %gather3A_701 = tpu.vector_load_idx %arg6[%add3A_700] : memref<36096xf32, #tpu.memory_space<vmem>>[vector<16xi32>], vector<16xf32>,
        %gt3A_702 = arith.cmpf ogt, %gather3A_701, %max3A_698 : vector<16xf32>
        %max3A_703 = arith.maximumf %max3A_698, %gather3A_701 : vector<16xf32>
        %select_n3A_704 = arith.select %gt3A_702, %add3A_700, %select_n3A_699 : vector<16xi1>, vector<16xi32>
        %add3A_705 = arith.addi %add3A_700, %broadcast_in_dim3A_10 : vector<16xi32>
        %gather3A_706 = tpu.vector_load_idx %arg6[%add3A_705] : memref<36096xf32, #tpu.memory_space<vmem>>[vector<16xi32>], vector<16xf32>,
        %gt3A_707 = arith.cmpf ogt, %gather3A_706, %max3A_703 : vector<16xf32>
        %max3A_708 = arith.maximumf %max3A_703, %gather3A_706 : vector<16xf32>
        %select_n3A_709 = arith.select %gt3A_707, %add3A_705, %select_n3A_704 : vector<16xi1>, vector<16xi32>
        %add3A_710 = arith.addi %add3A_705, %broadcast_in_dim3A_10 : vector<16xi32>
        %gather3A_711 = tpu.vector_load_idx %arg6[%add3A_710] : memref<36096xf32, #tpu.memory_space<vmem>>[vector<16xi32>], vector<16xf32>,
        %gt3A_712 = arith.cmpf ogt, %gather3A_711, %max3A_708 : vector<16xf32>
        %max3A_713 = arith.maximumf %max3A_708, %gather3A_711 : vector<16xf32>
        %select_n3A_714 = arith.select %gt3A_712, %add3A_710, %select_n3A_709 : vector<16xi1>, vector<16xi32>
        %add3A_715 = arith.addi %add3A_710, %broadcast_in_dim3A_10 : vector<16xi32>
        %gather3A_716 = tpu.vector_load_idx %arg6[%add3A_715] : memref<36096xf32, #tpu.memory_space<vmem>>[vector<16xi32>], vector<16xf32>,
        %gt3A_717 = arith.cmpf ogt, %gather3A_716, %max3A_713 : vector<16xf32>
        %max3A_718 = arith.maximumf %max3A_713, %gather3A_716 : vector<16xf32>
        %select_n3A_719 = arith.select %gt3A_717, %add3A_715, %select_n3A_714 : vector<16xi1>, vector<16xi32>
        %add3A_720 = arith.addi %add3A_715, %broadcast_in_dim3A_10 : vector<16xi32>
        %gather3A_721 = tpu.vector_load_idx %arg6[%add3A_720] : memref<36096xf32, #tpu.memory_space<vmem>>[vector<16xi32>], vector<16xf32>,
        %gt3A_722 = arith.cmpf ogt, %gather3A_721, %max3A_718 : vector<16xf32>
        %max3A_723 = arith.maximumf %max3A_718, %gather3A_721 : vector<16xf32>
        %select_n3A_724 = arith.select %gt3A_722, %add3A_720, %select_n3A_719 : vector<16xi1>, vector<16xi32>
        %add3A_725 = arith.addi %add3A_720, %broadcast_in_dim3A_10 : vector<16xi32>
        %gather3A_726 = tpu.vector_load_idx %arg6[%add3A_725] : memref<36096xf32, #tpu.memory_space<vmem>>[vector<16xi32>], vector<16xf32>,
        %gt3A_727 = arith.cmpf ogt, %gather3A_726, %max3A_723 : vector<16xf32>
        %max3A_728 = arith.maximumf %max3A_723, %gather3A_726 : vector<16xf32>
        %select_n3A_729 = arith.select %gt3A_727, %add3A_725, %select_n3A_724 : vector<16xi1>, vector<16xi32>
        %add3A_730 = arith.addi %add3A_725, %broadcast_in_dim3A_10 : vector<16xi32>
        %gather3A_731 = tpu.vector_load_idx %arg6[%add3A_730] : memref<36096xf32, #tpu.memory_space<vmem>>[vector<16xi32>], vector<16xf32>,
        %gt3A_732 = arith.cmpf ogt, %gather3A_731, %max3A_728 : vector<16xf32>
        %max3A_733 = arith.maximumf %max3A_728, %gather3A_731 : vector<16xf32>
        %select_n3A_734 = arith.select %gt3A_732, %add3A_730, %select_n3A_729 : vector<16xi1>, vector<16xi32>
        %add3A_735 = arith.addi %add3A_730, %broadcast_in_dim3A_10 : vector<16xi32>
        %gather3A_736 = tpu.vector_load_idx %arg6[%add3A_735] : memref<36096xf32, #tpu.memory_space<vmem>>[vector<16xi32>], vector<16xf32>,
        %gt3A_737 = arith.cmpf ogt, %gather3A_736, %max3A_733 : vector<16xf32>
        %max3A_738 = arith.maximumf %max3A_733, %gather3A_736 : vector<16xf32>
        %select_n3A_739 = arith.select %gt3A_737, %add3A_735, %select_n3A_734 : vector<16xi1>, vector<16xi32>
        %add3A_740 = arith.addi %add3A_735, %broadcast_in_dim3A_10 : vector<16xi32>
        %gather3A_741 = tpu.vector_load_idx %arg6[%add3A_740] : memref<36096xf32, #tpu.memory_space<vmem>>[vector<16xi32>], vector<16xf32>,
        %gt3A_742 = arith.cmpf ogt, %gather3A_741, %max3A_738 : vector<16xf32>
        %max3A_743 = arith.maximumf %max3A_738, %gather3A_741 : vector<16xf32>
        %select_n3A_744 = arith.select %gt3A_742, %add3A_740, %select_n3A_739 : vector<16xi1>, vector<16xi32>
        %add3A_745 = arith.addi %add3A_740, %broadcast_in_dim3A_10 : vector<16xi32>
        %gather3A_746 = tpu.vector_load_idx %arg6[%add3A_745] : memref<36096xf32, #tpu.memory_space<vmem>>[vector<16xi32>], vector<16xf32>,
        %gt3A_747 = arith.cmpf ogt, %gather3A_746, %max3A_743 : vector<16xf32>
        %max3A_748 = arith.maximumf %max3A_743, %gather3A_746 : vector<16xf32>
        %select_n3A_749 = arith.select %gt3A_747, %add3A_745, %select_n3A_744 : vector<16xi1>, vector<16xi32>
        %add3A_750 = arith.addi %add3A_745, %broadcast_in_dim3A_10 : vector<16xi32>
        %gather3A_751 = tpu.vector_load_idx %arg6[%add3A_750] : memref<36096xf32, #tpu.memory_space<vmem>>[vector<16xi32>], vector<16xf32>,
        %gt3A_752 = arith.cmpf ogt, %gather3A_751, %max3A_748 : vector<16xf32>
        %max3A_753 = arith.maximumf %max3A_748, %gather3A_751 : vector<16xf32>
        %select_n3A_754 = arith.select %gt3A_752, %add3A_750, %select_n3A_749 : vector<16xi1>, vector<16xi32>
        %add3A_755 = arith.addi %add3A_750, %broadcast_in_dim3A_10 : vector<16xi32>
        %gather3A_756 = tpu.vector_load_idx %arg6[%add3A_755] : memref<36096xf32, #tpu.memory_space<vmem>>[vector<16xi32>], vector<16xf32>,
        %gt3A_757 = arith.cmpf ogt, %gather3A_756, %max3A_753 : vector<16xf32>
        %max3A_758 = arith.maximumf %max3A_753, %gather3A_756 : vector<16xf32>
        %select_n3A_759 = arith.select %gt3A_757, %add3A_755, %select_n3A_754 : vector<16xi1>, vector<16xi32>
        %add3A_760 = arith.addi %add3A_755, %broadcast_in_dim3A_10 : vector<16xi32>
        %gather3A_761 = tpu.vector_load_idx %arg6[%add3A_760] : memref<36096xf32, #tpu.memory_space<vmem>>[vector<16xi32>], vector<16xf32>,
        %gt3A_762 = arith.cmpf ogt, %gather3A_761, %max3A_758 : vector<16xf32>
        %max3A_763 = arith.maximumf %max3A_758, %gather3A_761 : vector<16xf32>
        %select_n3A_764 = arith.select %gt3A_762, %add3A_760, %select_n3A_759 : vector<16xi1>, vector<16xi32>
        %add3A_765 = arith.addi %add3A_760, %broadcast_in_dim3A_10 : vector<16xi32>
        %gather3A_766 = tpu.vector_load_idx %arg6[%add3A_765] : memref<36096xf32, #tpu.memory_space<vmem>>[vector<16xi32>], vector<16xf32>,
        %gt3A_767 = arith.cmpf ogt, %gather3A_766, %max3A_763 : vector<16xf32>
        %max3A_768 = arith.maximumf %max3A_763, %gather3A_766 : vector<16xf32>
        %select_n3A_769 = arith.select %gt3A_767, %add3A_765, %select_n3A_764 : vector<16xi1>, vector<16xi32>
        %add3A_770 = arith.addi %add3A_765, %broadcast_in_dim3A_10 : vector<16xi32>
        %gather3A_771 = tpu.vector_load_idx %arg6[%add3A_770] : memref<36096xf32, #tpu.memory_space<vmem>>[vector<16xi32>], vector<16xf32>,
        %gt3A_772 = arith.cmpf ogt, %gather3A_771, %max3A_768 : vector<16xf32>
        %max3A_773 = arith.maximumf %max3A_768, %gather3A_771 : vector<16xf32>
        %select_n3A_774 = arith.select %gt3A_772, %add3A_770, %select_n3A_769 : vector<16xi1>, vector<16xi32>
        %add3A_775 = arith.addi %add3A_770, %broadcast_in_dim3A_10 : vector<16xi32>
        %gather3A_776 = tpu.vector_load_idx %arg6[%add3A_775] : memref<36096xf32, #tpu.memory_space<vmem>>[vector<16xi32>], vector<16xf32>,
        %gt3A_777 = arith.cmpf ogt, %gather3A_776, %max3A_773 : vector<16xf32>
        %max3A_778 = arith.maximumf %max3A_773, %gather3A_776 : vector<16xf32>
        %select_n3A_779 = arith.select %gt3A_777, %add3A_775, %select_n3A_774 : vector<16xi1>, vector<16xi32>
        %add3A_780 = arith.addi %add3A_775, %broadcast_in_dim3A_10 : vector<16xi32>
        %gather3A_781 = tpu.vector_load_idx %arg6[%add3A_780] : memref<36096xf32, #tpu.memory_space<vmem>>[vector<16xi32>], vector<16xf32>,
        %gt3A_782 = arith.cmpf ogt, %gather3A_781, %max3A_778 : vector<16xf32>
        %max3A_783 = arith.maximumf %max3A_778, %gather3A_781 : vector<16xf32>
        %select_n3A_784 = arith.select %gt3A_782, %add3A_780, %select_n3A_779 : vector<16xi1>, vector<16xi32>
        %add3A_785 = arith.addi %add3A_780, %broadcast_in_dim3A_10 : vector<16xi32>
        %gather3A_786 = tpu.vector_load_idx %arg6[%add3A_785] : memref<36096xf32, #tpu.memory_space<vmem>>[vector<16xi32>], vector<16xf32>,
        %gt3A_787 = arith.cmpf ogt, %gather3A_786, %max3A_783 : vector<16xf32>
        %max3A_788 = arith.maximumf %max3A_783, %gather3A_786 : vector<16xf32>
        %select_n3A_789 = arith.select %gt3A_787, %add3A_785, %select_n3A_784 : vector<16xi1>, vector<16xi32>
        %add3A_790 = arith.addi %add3A_785, %broadcast_in_dim3A_10 : vector<16xi32>
        %gather3A_791 = tpu.vector_load_idx %arg6[%add3A_790] : memref<36096xf32, #tpu.memory_space<vmem>>[vector<16xi32>], vector<16xf32>,
        %gt3A_792 = arith.cmpf ogt, %gather3A_791, %max3A_788 : vector<16xf32>
        %max3A_793 = arith.maximumf %max3A_788, %gather3A_791 : vector<16xf32>
        %select_n3A_794 = arith.select %gt3A_792, %add3A_790, %select_n3A_789 : vector<16xi1>, vector<16xi32>
        %add3A_795 = arith.addi %add3A_790, %broadcast_in_dim3A_10 : vector<16xi32>
        %gather3A_796 = tpu.vector_load_idx %arg6[%add3A_795] : memref<36096xf32, #tpu.memory_space<vmem>>[vector<16xi32>], vector<16xf32>,
        %gt3A_797 = arith.cmpf ogt, %gather3A_796, %max3A_793 : vector<16xf32>
        %max3A_798 = arith.maximumf %max3A_793, %gather3A_796 : vector<16xf32>
        %select_n3A_799 = arith.select %gt3A_797, %add3A_795, %select_n3A_794 : vector<16xi1>, vector<16xi32>
        %add3A_800 = arith.addi %add3A_795, %broadcast_in_dim3A_10 : vector<16xi32>
        %gather3A_801 = tpu.vector_load_idx %arg6[%add3A_800] : memref<36096xf32, #tpu.memory_space<vmem>>[vector<16xi32>], vector<16xf32>,
        %gt3A_802 = arith.cmpf ogt, %gather3A_801, %max3A_798 : vector<16xf32>
        %max3A_803 = arith.maximumf %max3A_798, %gather3A_801 : vector<16xf32>
        %select_n3A_804 = arith.select %gt3A_802, %add3A_800, %select_n3A_799 : vector<16xi1>, vector<16xi32>
        %add3A_805 = arith.addi %add3A_800, %broadcast_in_dim3A_10 : vector<16xi32>
        %gather3A_806 = tpu.vector_load_idx %arg6[%add3A_805] : memref<36096xf32, #tpu.memory_space<vmem>>[vector<16xi32>], vector<16xf32>,
        %gt3A_807 = arith.cmpf ogt, %gather3A_806, %max3A_803 : vector<16xf32>
        %max3A_808 = arith.maximumf %max3A_803, %gather3A_806 : vector<16xf32>
        %select_n3A_809 = arith.select %gt3A_807, %add3A_805, %select_n3A_804 : vector<16xi1>, vector<16xi32>
        %sub3A = arith.subi %select_n3A_809, %add3A_111 : vector<16xi32>
        %mul3A_810 = arith.constant 16 : i32
        %mul3A_811 = arith.muli %scan3A_106, %mul3A_810 : i32
        %add3A_812 = arith.constant 16 : i32
        %add3A_813 = arith.addi %add3A_812, %mul3A_811 : i32
        %swap3A_814 = arith.index_cast %add3A_813 : i32 to index
        %swap3A_815 = tpu.vector_load %arg7[%swap3A_814] {strides = array<i32>} : memref<272xi32, #tpu.memory_space<vmem>>, vector<16xi32>,
        tpu.vector_store %arg7[%swap3A_814], %sub3A {strides = array<i32>} : memref<272xi32, #tpu.memory_space<vmem>>, vector<16xi32>,
        %mul3A_816 = arith.constant 16 : i32
        %mul3A_817 = arith.muli %scan3A_106, %mul3A_816 : i32
        %add3A_818 = arith.constant 15 : i32
        %add3A_819 = arith.addi %add3A_818, %mul3A_817 : i32
        %add3A_820 = vector.broadcast %add3A_819 : i32 to vector<16xi32>
        %add3A_821 = arith.addi %add3A_820, %iota3A : vector<16xi32>
        %gather3A_822 = tpu.vector_load_idx %arg7[%add3A_821] : memref<272xi32, #tpu.memory_space<vmem>>[vector<16xi32>], vector<16xi32>,
        %ne3A_823 = arith.cmpi ne, %sub3A, %gather3A_822 : vector<16xi32>
        %ne3A_824 = arith.constant 140 : i32
        %ne3A_825 = vector.broadcast %ne3A_824 : i32 to vector<16xi32>
        %ne3A_826 = arith.cmpi ne, %sub3A, %ne3A_825 : vector<16xi32>
        %and3A_827 = arith.andi %ne3A_823, %ne3A_826 : vector<16xi1>
        %convert_element_type3A_828 = arith.extui %and3A_827 : vector<16xi1> to vector<16xi32>
        %mul3A_829 = arith.constant 16 : i32
        %mul3A_830 = arith.muli %scan3A_106, %mul3A_829 : i32
        %swap3A_831 = arith.index_cast %mul3A_830 : i32 to index
        %swap3A_832 = tpu.vector_load %arg8[%swap3A_831] {strides = array<i32>} : memref<256xi32, #tpu.memory_space<vmem>>, vector<16xi32>,
        tpu.vector_store %arg8[%swap3A_831], %convert_element_type3A_828 {strides = array<i32>} : memref<256xi32, #tpu.memory_space<vmem>>, vector<16xi32>,
        scf.yield %sub3A : vector<16xi32>
      }
      %scan3A_102 = arith.constant 16 : i32
      %mul3A_103 = arith.constant 256 : i32
      %mul3A_104 = arith.muli %add3A_72, %mul3A_103 : i32
      %add3A_105 = arith.addi %mul3A_2, %mul3A_104 : i32
      "tpu.region"() ({
        %run_scoped3A = tpu.sem_alloc : memref<!tpu.dma_semaphore, #tpu.memory_space<semaphore_mem>>
        %dma_start3A_106 = arith.constant 16 : i32
        %dma_start3A_107 = tpu.memref_slice %arg7[%dma_start3A_106] : memref<272xi32, #tpu.memory_space<vmem>> -> memref<256xi32, #tpu.memory_space<vmem>>
        %dma_start3A_108 = tpu.memref_slice %arg3[%add3A_105] : memref<65536xi32, #tpu.memory_space<hbm>> -> memref<256xi32, #tpu.memory_space<hbm>>
        %dma_start3A_109 = tpu.memref_slice %arg3[%add3A_105] : memref<65536xi32, #tpu.memory_space<hbm>> -> memref<256xi32, #tpu.memory_space<hbm>>
        %dma_start3A_110 = arith.constant 16 : i32
        %dma_start3A_111 = tpu.memref_slice %arg7[%dma_start3A_110] : memref<272xi32, #tpu.memory_space<vmem>> -> memref<256xi32, #tpu.memory_space<vmem>>
        tpu.enqueue_dma source(%dma_start3A_111 : memref<256xi32, #tpu.memory_space<vmem>>) target(%dma_start3A_109 : memref<256xi32, #tpu.memory_space<hbm>>) target_semaphore(%run_scoped3A : memref<!tpu.dma_semaphore, #tpu.memory_space<semaphore_mem>>)
        %dma_wait3A_112 = arith.constant 16 : i32
        %dma_wait3A_113 = tpu.memref_slice %arg7[%dma_wait3A_112] : memref<272xi32, #tpu.memory_space<vmem>> -> memref<256xi32, #tpu.memory_space<vmem>>
        %dma_wait3A_114 = tpu.memref_slice %arg3[%add3A_105] : memref<65536xi32, #tpu.memory_space<hbm>> -> memref<256xi32, #tpu.memory_space<hbm>>
        %dma_wait3A_115 = tpu.memref_slice %arg3[%add3A_105] : memref<65536xi32, #tpu.memory_space<hbm>> -> memref<256xi32, #tpu.memory_space<hbm>>
        %dma_wait3A_116 = arith.constant 16 : i32
        %dma_wait3A_117 = tpu.memref_slice %arg7[%dma_wait3A_116] : memref<272xi32, #tpu.memory_space<vmem>> -> memref<256xi32, #tpu.memory_space<vmem>>
        tpu.wait_dma2 semaphore(%run_scoped3A : memref<!tpu.dma_semaphore, #tpu.memory_space<semaphore_mem>>) src(%dma_wait3A_117 : memref<256xi32, #tpu.memory_space<vmem>>) dst(%dma_wait3A_115 : memref<256xi32, #tpu.memory_space<hbm>>)
        tpu.yield
      }) : () -> ()
      "tpu.region"() ({
        %run_scoped3A = tpu.sem_alloc : memref<!tpu.dma_semaphore, #tpu.memory_space<semaphore_mem>>
        %dma_start3A_106 = tpu.memref_slice %arg4[%add3A_105] : memref<65536xi32, #tpu.memory_space<hbm>> -> memref<256xi32, #tpu.memory_space<hbm>>
        %dma_start3A_107 = tpu.memref_slice %arg4[%add3A_105] : memref<65536xi32, #tpu.memory_space<hbm>> -> memref<256xi32, #tpu.memory_space<hbm>>
        tpu.enqueue_dma source(%arg8 : memref<256xi32, #tpu.memory_space<vmem>>) target(%dma_start3A_107 : memref<256xi32, #tpu.memory_space<hbm>>) target_semaphore(%run_scoped3A : memref<!tpu.dma_semaphore, #tpu.memory_space<semaphore_mem>>)
        %dma_wait3A_108 = tpu.memref_slice %arg4[%add3A_105] : memref<65536xi32, #tpu.memory_space<hbm>> -> memref<256xi32, #tpu.memory_space<hbm>>
        %dma_wait3A_109 = tpu.memref_slice %arg4[%add3A_105] : memref<65536xi32, #tpu.memory_space<hbm>> -> memref<256xi32, #tpu.memory_space<hbm>>
        tpu.wait_dma2 semaphore(%run_scoped3A : memref<!tpu.dma_semaphore, #tpu.memory_space<semaphore_mem>>) src(%arg8 : memref<256xi32, #tpu.memory_space<vmem>>) dst(%dma_wait3A_109 : memref<256xi32, #tpu.memory_space<hbm>>)
        tpu.yield
      }) : () -> ()
      scf.yield %scan3A_101 : vector<16xi32>
    }
    %scan3A_18 = arith.constant 4 : i32
    return
  }
}

module attributes {stable_mosaic.version = 14 : i64} {
  func.func @_tc_body(%arg0: i32, %arg1: memref<64x4096x141xf32, #tpu.memory_space<any>>, %arg2: memref<8x4096xi32, #tpu.memory_space<vmem>>, %arg3: memref<8x4096xi32, #tpu.memory_space<vmem>>, %arg4: memref<2x4096x141xf32, #tpu.memory_space<vmem>>, %arg5: memref<4224xi32, #tpu.memory_space<vmem>>, %arg6: memref<2x!tpu.dma_semaphore, #tpu.memory_space<semaphore_mem>>) attributes {dimension_semantics = [#tpu.dimension_semantics<arbitrary>], iteration_bounds = array<i64: 48>, scalar_prefetch = 0 : i64, scratch_operands = 3 : i64, tpu.core_type = #tpu.core_type<tc>, window_params = [{}, {transform_indices = @transform_1, window_bounds = array<i64: 8, 4096>}, {transform_indices = @transform_2, window_bounds = array<i64: 8, 4096>}]} {
    %rem3A = arith.constant 2 : i32
    %rem3A_0 = arith.remsi %arg0, %rem3A : i32
    %add3A = arith.constant 1 : i32
    %add3A_1 = arith.addi %arg0, %add3A : i32
    %rem3A_2 = arith.constant 2 : i32
    %rem3A_3 = arith.remsi %add3A_1, %rem3A_2 : i32
    %eq3A = arith.constant 0 : i32
    %eq3A_4 = arith.cmpi eq, %arg0, %eq3A : i32
    %convert_element_type3A = arith.extui %eq3A_4 : i1 to i32
    %cond3A = arith.constant 0 : i32
    %cond3A_5 = arith.cmpi ne, %convert_element_type3A, %cond3A : i32
    scf.if %cond3A_5 {
      %broadcast_in_dim3A = arith.constant -1 : i32
      %broadcast_in_dim3A_43 = vector.broadcast %broadcast_in_dim3A : i32 to vector<128xi32>
      %swap3A_44 = arith.constant 0 : index
      %swap3A_45 = vector.load %arg5[%swap3A_44] : memref<4224xi32, #tpu.memory_space<vmem>>, vector<128xi32>
      tpu.vector_store %arg5[%swap3A_44], %broadcast_in_dim3A_43 {strides = array<i32>} : memref<4224xi32, #tpu.memory_space<vmem>>, vector<128xi32>,
      %dma_start3A = arith.constant 16 : i32
      %dma_start3A_46 = arith.constant 0 : i32
      %dma_start3A_47 = arith.constant 0 : i32
      %dma_start3A_48 = tpu.memref_slice %arg6[%dma_start3A_47] : memref<2x!tpu.dma_semaphore, #tpu.memory_space<semaphore_mem>> -> memref<1x!tpu.dma_semaphore, #tpu.memory_space<semaphore_mem>>
      %dma_start3A_49 = tpu.memref_squeeze %dma_start3A_48 : memref<1x!tpu.dma_semaphore, #tpu.memory_space<semaphore_mem>> -> memref<!tpu.dma_semaphore, #tpu.memory_space<semaphore_mem>>
      %dma_start3A_50 = arith.constant 0 : i32
      %dma_start3A_51 = arith.constant 0 : i32
      %dma_start3A_52 = tpu.memref_slice %arg4[%dma_start3A_46, %dma_start3A_50, %dma_start3A_51] : memref<2x4096x141xf32, #tpu.memory_space<vmem>> -> memref<1x4096x141xf32, #tpu.memory_space<vmem>>
      %dma_start3A_53 = tpu.memref_squeeze %dma_start3A_52 : memref<1x4096x141xf32, #tpu.memory_space<vmem>> -> memref<4096x141xf32, #tpu.memory_space<vmem>>
      %dma_start3A_54 = arith.constant 0 : i32
      %dma_start3A_55 = arith.constant 0 : i32
      %dma_start3A_56 = tpu.memref_slice %arg1[%dma_start3A, %dma_start3A_54, %dma_start3A_55] : memref<64x4096x141xf32, #tpu.memory_space<any>> -> memref<1x4096x141xf32, #tpu.memory_space<any>>
      %dma_start3A_57 = tpu.memref_squeeze %dma_start3A_56 : memref<1x4096x141xf32, #tpu.memory_space<any>> -> memref<4096x141xf32, #tpu.memory_space<any>>
      tpu.enqueue_dma source(%dma_start3A_57 : memref<4096x141xf32, #tpu.memory_space<any>>) target(%dma_start3A_53 : memref<4096x141xf32, #tpu.memory_space<vmem>>) target_semaphore(%dma_start3A_49 : memref<!tpu.dma_semaphore, #tpu.memory_space<semaphore_mem>>)
    } else {
    }
    %add3A_6 = arith.constant 1 : i32
    %add3A_7 = arith.addi %arg0, %add3A_6 : i32
    %lt3A = arith.constant 48 : i32
    %lt3A_8 = arith.cmpi slt, %add3A_7, %lt3A : i32
    %convert_element_type3A_9 = arith.extui %lt3A_8 : i1 to i32
    %cond3A_10 = arith.constant 0 : i32
    %cond3A_11 = arith.cmpi ne, %convert_element_type3A_9, %cond3A_10 : i32
    scf.if %cond3A_11 {
      %add3A_43 = arith.constant 1 : i32
      %add3A_44 = arith.addi %arg0, %add3A_43 : i32
      %add3A_45 = arith.constant 16 : i32
      %add3A_46 = arith.addi %add3A_45, %add3A_44 : i32
      %dma_start3A = tpu.memref_slice %arg6[%rem3A_3] : memref<2x!tpu.dma_semaphore, #tpu.memory_space<semaphore_mem>> -> memref<1x!tpu.dma_semaphore, #tpu.memory_space<semaphore_mem>>
      %dma_start3A_47 = tpu.memref_squeeze %dma_start3A : memref<1x!tpu.dma_semaphore, #tpu.memory_space<semaphore_mem>> -> memref<!tpu.dma_semaphore, #tpu.memory_space<semaphore_mem>>
      %dma_start3A_48 = arith.constant 0 : i32
      %dma_start3A_49 = arith.constant 0 : i32
      %dma_start3A_50 = tpu.memref_slice %arg4[%rem3A_3, %dma_start3A_48, %dma_start3A_49] : memref<2x4096x141xf32, #tpu.memory_space<vmem>> -> memref<1x4096x141xf32, #tpu.memory_space<vmem>>
      %dma_start3A_51 = tpu.memref_squeeze %dma_start3A_50 : memref<1x4096x141xf32, #tpu.memory_space<vmem>> -> memref<4096x141xf32, #tpu.memory_space<vmem>>
      %dma_start3A_52 = arith.constant 0 : i32
      %dma_start3A_53 = arith.constant 0 : i32
      %dma_start3A_54 = tpu.memref_slice %arg1[%add3A_46, %dma_start3A_52, %dma_start3A_53] : memref<64x4096x141xf32, #tpu.memory_space<any>> -> memref<1x4096x141xf32, #tpu.memory_space<any>>
      %dma_start3A_55 = tpu.memref_squeeze %dma_start3A_54 : memref<1x4096x141xf32, #tpu.memory_space<any>> -> memref<4096x141xf32, #tpu.memory_space<any>>
      tpu.enqueue_dma source(%dma_start3A_55 : memref<4096x141xf32, #tpu.memory_space<any>>) target(%dma_start3A_51 : memref<4096x141xf32, #tpu.memory_space<vmem>>) target_semaphore(%dma_start3A_47 : memref<!tpu.dma_semaphore, #tpu.memory_space<semaphore_mem>>)
    } else {
    }
    %add3A_12 = arith.constant 16 : i32
    %add3A_13 = arith.addi %add3A_12, %arg0 : i32
    %dma_wait3A = tpu.memref_slice %arg6[%rem3A_0] : memref<2x!tpu.dma_semaphore, #tpu.memory_space<semaphore_mem>> -> memref<1x!tpu.dma_semaphore, #tpu.memory_space<semaphore_mem>>
    %dma_wait3A_14 = tpu.memref_squeeze %dma_wait3A : memref<1x!tpu.dma_semaphore, #tpu.memory_space<semaphore_mem>> -> memref<!tpu.dma_semaphore, #tpu.memory_space<semaphore_mem>>
    %dma_wait3A_15 = arith.constant 0 : i32
    %dma_wait3A_16 = arith.constant 0 : i32
    %dma_wait3A_17 = tpu.memref_slice %arg4[%rem3A_0, %dma_wait3A_15, %dma_wait3A_16] : memref<2x4096x141xf32, #tpu.memory_space<vmem>> -> memref<1x4096x141xf32, #tpu.memory_space<vmem>>
    %dma_wait3A_18 = tpu.memref_squeeze %dma_wait3A_17 : memref<1x4096x141xf32, #tpu.memory_space<vmem>> -> memref<4096x141xf32, #tpu.memory_space<vmem>>
    %dma_wait3A_19 = arith.constant 0 : i32
    %dma_wait3A_20 = arith.constant 0 : i32
    %dma_wait3A_21 = tpu.memref_slice %arg1[%add3A_13, %dma_wait3A_19, %dma_wait3A_20] : memref<64x4096x141xf32, #tpu.memory_space<any>> -> memref<1x4096x141xf32, #tpu.memory_space<any>>
    %dma_wait3A_22 = tpu.memref_squeeze %dma_wait3A_21 : memref<1x4096x141xf32, #tpu.memory_space<any>> -> memref<4096x141xf32, #tpu.memory_space<any>>
    tpu.wait_dma2 semaphore(%dma_wait3A_14 : memref<!tpu.dma_semaphore, #tpu.memory_space<semaphore_mem>>) src(%dma_wait3A_22 : memref<4096x141xf32, #tpu.memory_space<any>>) dst(%dma_wait3A_18 : memref<4096x141xf32, #tpu.memory_space<vmem>>)
    %get3A = arith.index_cast %rem3A_0 : i32 to index
    %get3A_23 = arith.constant 0 : index
    %get3A_24 = arith.constant 0 : index
    %get3A_25 = vector.load %arg4[%get3A, %get3A_23, %get3A_24] : memref<2x4096x141xf32, #tpu.memory_space<vmem>>, vector<1x4096x141xf32>
    %get3A_26 = vector.shape_cast %get3A_25 : vector<1x4096x141xf32> to vector<4096x141xf32>
    %transpose3A = tpu.transpose %get3A_26, [1, 0] : vector<4096x141xf32> -> vector<141x4096xf32>
    %argmax3A = tpu.reduce_index %transpose3A {axis = 0 : i32, kind = #tpu.reduction_kind<arg_max>} : vector<141x4096xf32> -> vector<4096xi32>
    %swap3A = arith.constant 128 : index
    %swap3A_27 = vector.load %arg5[%swap3A] : memref<4224xi32, #tpu.memory_space<vmem>>, vector<4096xi32>
    tpu.vector_store %arg5[%swap3A], %argmax3A {strides = array<i32>} : memref<4224xi32, #tpu.memory_space<vmem>>, vector<4096xi32>,
    %get3A_28 = arith.constant 127 : index
    %get3A_29 = vector.load %arg5[%get3A_28] : memref<4224xi32, #tpu.memory_space<vmem>>, vector<4096xi32>
    %ne3A = arith.cmpi ne, %argmax3A, %get3A_29 : vector<4096xi32>
    %ne3A_30 = arith.constant 140 : i32
    %ne3A_31 = vector.broadcast %ne3A_30 : i32 to vector<4096xi32>
    %ne3A_32 = arith.cmpi ne, %argmax3A, %ne3A_31 : vector<4096xi32>
    %and3A = arith.andi %ne3A, %ne3A_32 : vector<4096xi1>
    %convert_element_type3A_33 = arith.extui %and3A : vector<4096xi1> to vector<4096xi32>
    %rem3A_34 = arith.constant 8 : i32
    %rem3A_35 = arith.remsi %arg0, %rem3A_34 : i32
    %reshape3A = vector.shape_cast %argmax3A : vector<4096xi32> to vector<1x4096xi32>
    %swap3A_36 = arith.index_cast %rem3A_35 : i32 to index
    %swap3A_37 = arith.constant 0 : index
    %swap3A_38 = vector.load %arg2[%swap3A_36, %swap3A_37] : memref<8x4096xi32, #tpu.memory_space<vmem>>, vector<1x4096xi32>
    tpu.vector_store %arg2[%swap3A_36, %swap3A_37], %reshape3A {strides = array<i32>} : memref<8x4096xi32, #tpu.memory_space<vmem>>, vector<1x4096xi32>,
    %reshape3A_39 = vector.shape_cast %convert_element_type3A_33 : vector<4096xi32> to vector<1x4096xi32>
    %swap3A_40 = arith.index_cast %rem3A_35 : i32 to index
    %swap3A_41 = arith.constant 0 : index
    %swap3A_42 = vector.load %arg3[%swap3A_40, %swap3A_41] : memref<8x4096xi32, #tpu.memory_space<vmem>>, vector<1x4096xi32>
    tpu.vector_store %arg3[%swap3A_40, %swap3A_41], %reshape3A_39 {strides = array<i32>} : memref<8x4096xi32, #tpu.memory_space<vmem>>, vector<1x4096xi32>,
    return
  }
  func.func @transform_1(%arg0: i32) -> (i32, i32) {
    %jit3A = arith.constant 8 : i32
    %div3A = arith.divsi %arg0, %jit3A : i32
    %sign3A = arith.constant 0 : i32
    %sign3A_0 = arith.cmpi sgt, %arg0, %sign3A : i32
    %sign3A_1 = arith.extui %sign3A_0 : i1 to i32
    %sign3A_2 = arith.constant 0 : i32
    %sign3A_3 = arith.cmpi slt, %arg0, %sign3A_2 : i32
    %sign3A_4 = arith.extui %sign3A_3 : i1 to i32
    %sign3A_5 = arith.subi %sign3A_1, %sign3A_4 : i32
    %sign3A_6 = arith.constant 0 : i32
    %sign3A_7 = arith.cmpi sgt, %jit3A, %sign3A_6 : i32
    %sign3A_8 = arith.extui %sign3A_7 : i1 to i32
    %sign3A_9 = arith.constant 0 : i32
    %sign3A_10 = arith.cmpi slt, %jit3A, %sign3A_9 : i32
    %sign3A_11 = arith.extui %sign3A_10 : i1 to i32
    %sign3A_12 = arith.subi %sign3A_8, %sign3A_11 : i32
    %ne3A = arith.cmpi ne, %sign3A_5, %sign3A_12 : i32
    %rem3A = arith.remsi %arg0, %jit3A : i32
    %ne3A_13 = arith.constant 0 : i32
    %ne3A_14 = arith.cmpi ne, %rem3A, %ne3A_13 : i32
    %and3A = arith.andi %ne3A, %ne3A_14 : i1
    %sub3A = arith.constant 1 : i32
    %sub3A_15 = arith.subi %div3A, %sub3A : i32
    %select_n3A = arith.select %and3A, %sub3A_15, %div3A : i32
    %c0_i32 = arith.constant 0 : i32
    %c0_i32_16 = arith.constant 0 : i32
    return %select_n3A, %c0_i32 : i32, i32
  }
  func.func @transform_2(%arg0: i32) -> (i32, i32) {
    %jit3A = arith.constant 8 : i32
    %div3A = arith.divsi %arg0, %jit3A : i32
    %sign3A = arith.constant 0 : i32
    %sign3A_0 = arith.cmpi sgt, %arg0, %sign3A : i32
    %sign3A_1 = arith.extui %sign3A_0 : i1 to i32
    %sign3A_2 = arith.constant 0 : i32
    %sign3A_3 = arith.cmpi slt, %arg0, %sign3A_2 : i32
    %sign3A_4 = arith.extui %sign3A_3 : i1 to i32
    %sign3A_5 = arith.subi %sign3A_1, %sign3A_4 : i32
    %sign3A_6 = arith.constant 0 : i32
    %sign3A_7 = arith.cmpi sgt, %jit3A, %sign3A_6 : i32
    %sign3A_8 = arith.extui %sign3A_7 : i1 to i32
    %sign3A_9 = arith.constant 0 : i32
    %sign3A_10 = arith.cmpi slt, %jit3A, %sign3A_9 : i32
    %sign3A_11 = arith.extui %sign3A_10 : i1 to i32
    %sign3A_12 = arith.subi %sign3A_8, %sign3A_11 : i32
    %ne3A = arith.cmpi ne, %sign3A_5, %sign3A_12 : i32
    %rem3A = arith.remsi %arg0, %jit3A : i32
    %ne3A_13 = arith.constant 0 : i32
    %ne3A_14 = arith.cmpi ne, %rem3A, %ne3A_13 : i32
    %and3A = arith.andi %ne3A, %ne3A_14 : i1
    %sub3A = arith.constant 1 : i32
    %sub3A_15 = arith.subi %div3A, %sub3A : i32
    %select_n3A = arith.select %and3A, %sub3A_15, %div3A : i32
    %c0_i32 = arith.constant 0 : i32
    %c0_i32_16 = arith.constant 0 : i32
    return %select_n3A, %c0_i32 : i32, i32
  }
}

</mosaic_0001>

<sc_bundles>
// kernel: kernel.4.cloned.1.call-start
scs
__scs_entry_jumppad:
0x0: {  	(pc) =	sbr.rel $0x88, $3  }
0x1: {  	(tag) =	ssettag $0x0;
	lr =	simm.s32 $0x1  }
0x2: {  	[smem:$0x3FA0] =	sst lr;
	_ =	strace $0xD0000000  }
0x3: {  	_ = 	snop  }
0x4: {  	_ = 	snop  }
0x5: {  	_ = 	snop  }
0x6: {  	_ = 	snop  }
0x7: {  	_ = 	snop  }
__scs_overlays_trampoline_lowered:
0x8: {  	[smem:$0x3FAF] =	sst s0  }
0x9: {  	[smem:$0x3FB0] =	sst s1  }
0xa: {  	[smem:$0x3FB1] =	sst s2  }
0xb: {  	[smem:$0x3FB2] =	sst s3  }
0xc: {  	[smem:$0x3FB3] =	sst s4  }
0xd: {  	[smem:$0x3FB4] =	sst s5  }
0xe: {  	[smem:$0x3FB5] =	sst s6  }
0xf: {  	[smem:$0x3FB6] =	sst s7  }
0x10: {  	[smem:$0x3FB7] =	sst s8  }
0x11: {  	[smem:$0x3FB8] =	sst s9;
	s0 =	simm.s32 @!p0 $0x0  }
0x12: {  	s1 =	sld [smem:$0x3F9E];
	s0 =	simm.s32 @p0 $0x1  }
0x13: {  	[smem:$0x3FB9] =	sst s0;
	s0 =	simm.s32 @!p1 $0x0  }
0x14: {  	s2 =	sld [smem:$0x3F9D];
	s0 =	simm.s32 @p1 $0x1  }
0x15: {  	[smem:$0x3FBA] =	sst s0;
	s0 =	simm.s32 @!p2 $0x0  }
0x16: {  	s3 =	sld [smem:$0x3FDB];
	s0 =	simm.s32 @p2 $0x1  }
0x17: {  	s4 =	simm.s32 $0x1BF5;
	[smem:$0x3FBC] =	sst s0  }
0x18: {  	s0 =	sld [smem:$0x3F9F];
	_ =	swait.ge [sflag:s4], $0x0  }
0x19: {  	s7 =	sld [smem:$0x3FA0]  }
0x1a: {  	s8 =	sadd.s32 $0xFFFFE003, lr  }
0x1b: {  	s9 =	sadd.s32 $0xFFFFFEF7, lr;
	s5 =	simm.s32 $0xFFFFFFFF;
	p2 =	slt.u32 s8, $0xFFFFF086  }
0x1c: {  	p1 =	slt.u32 s9, $0xF7A;
	s5 =	simm.s32 @!p2 $0x0  }
0x1d: {  	s5 =	simm.s32 @p1 $0x1;
	p0 =	seq.s32 s7, s2  }
0x1e: {  	s7 =	smul.u32 @!p0 $0xF7A, s2;
	p2 =	seq.s32 @!p0 s5, $0x0  }
0x1f: {  	s9 =	smul.u32 $0xF7A, s1;
	s8 =	simm.s32 @!p0 $0x1BF5;
	p2 =	por !p2, p0  }
0x20: {  	[sflag:s8] =	ssyncset.s32 @!p0 $0xFFFFF086;
	s6 =	sadd.s32 @!p0 s3, s7;
	s7 =	simm.s32 @!p0 $0x108  }
0x21: {  	s3 =	sadd.s32 s3, s9;
	s6 =	sadd.s32 @!p0 $0x88, s6;
	s7 =	simm.s32 @p2 $0x1082  }
0x22: {  	[simem:s7], [sflag:s8] =	dma.local @!p0 [hbm:s6], $0xF7A  }
0x23: {  	s9 =	sor.u32 $0xD0000000, s2;
	s6 =	simm.s32 $0x108;
	_ =	swait.ge @!p0 [sflag:s8], $0x0  }
0x24: {  	s3 =	sadd.s32 $0x88, s3;
	s6 =	simm.s32 @!p1 $0x1082;
	[sflag:s4] =	ssyncset.s32 $0xFFFFF086  }
0x25: {  	[simem:s6], [sflag:s4] =	dma.local [hbm:s3], $0xF7A  }
0x26: {  	[smem:$0x3FA0] =	sst s1;
	(tag) =	ssettag s2;
	_ =	strace s9  }
0x27: {  	s1 =	sld [smem:$0x3FB0]  }
0x28: {  	s2 =	sld [smem:$0x3FB1]  }
0x29: {  	s4 =	sld [smem:$0x3FB3]  }
0x2a: {  	p0 =	seq.s32 s5, $0x0;
	s5 =	sld [smem:$0x3FB4]  }
0x2b: {  	s6 =	sld [smem:$0x3FB5]  }
0x2c: {  	s7 =	sld [smem:$0x3FB6]  }
0x2d: {  	s3 =	simm.s32 $0x108;
	s8 =	sld [smem:$0x3FB7]  }
0x2e: {  	s3 =	simm.s32 @!p0 $0x1082;
	s9 =	sld [smem:$0x3FB8]  }
0x2f: {  	lr =	sadd.s32 s0, s3;
	s0 =	sld [smem:$0x3FAF]  }
0x30: {  	s3 =	sld [smem:$0x3FB2]  }
0x31: {  	[smem:$0x3FBB] =	sst s10  }
0x32: {  	s10 =	sld [smem:$0x3FB9];
	_ =	sdelay $0x3  }
0x33: {  	p0 =	seq.s32 s10, $0x1;
	s10 =	sld [smem:$0x3FBB];
	_ =	sdelay $0x3  }
0x34: {  	[smem:$0x3FBB] =	sst s10  }
0x35: {  	s10 =	sld [smem:$0x3FBA];
	_ =	sdelay $0x3  }
0x36: {  	p1 =	seq.s32 s10, $0x1;
	s10 =	sld [smem:$0x3FBB];
	_ =	sdelay $0x3  }
0x37: {  	[smem:$0x3FBB] =	sst s10  }
0x38: {  	s10 =	sld [smem:$0x3FBC]  }
0x39: {  	_ = 	snop;
	(pc) =	sbr.ind lr, $3  }
0x3a: {  	_ = 	snop  }
0x3b: {  	_ = 	snop  }
0x3c: {  	p2 =	seq.s32 s10, $0x1;
	s10 =	sld [smem:$0x3FBB]  }
0x3d: {  	_ =	shalt  }
0x3e: {  	_ =	shalt  }
0x3f: {  	_ =	shalt  }
0x40: {  	_ =	shalt  }
0x41: {  	_ =	shalt  }
0x42: {  	_ =	shalt  }
0x43: {  	_ =	shalt  }
0x44: {  	_ =	shalt  }
0x45: {  	_ =	shalt  }
0x46: {  	_ =	shalt  }
0x47: {  	_ =	shalt  }
0x48: {  	_ =	shalt  }
0x49: {  	_ =	shalt  }
0x4a: {  	_ =	shalt  }
0x4b: {  	_ =	shalt  }
0x4c: {  	_ =	shalt  }
0x4d: {  	_ =	shalt  }
0x4e: {  	_ =	shalt  }
0x4f: {  	_ =	shalt  }
0x50: {  	_ =	shalt  }
0x51: {  	_ =	shalt  }
0x52: {  	_ =	shalt  }
0x53: {  	_ =	shalt  }
0x54: {  	_ =	shalt  }
0x55: {  	_ =	shalt  }
0x56: {  	_ =	shalt  }
0x57: {  	_ =	shalt  }
0x58: {  	_ =	shalt  }
0x59: {  	_ =	shalt  }
0x5a: {  	_ =	shalt  }
0x5b: {  	_ =	shalt  }
0x5c: {  	_ =	shalt  }
0x5d: {  	_ =	shalt  }
0x5e: {  	_ =	shalt  }
0x5f: {  	_ =	shalt  }
0x60: {  	_ =	shalt  }
0x61: {  	_ =	shalt  }
0x62: {  	_ =	shalt  }
0x63: {  	_ =	shalt  }
0x64: {  	_ =	shalt  }
0x65: {  	_ =	shalt  }
0x66: {  	_ =	shalt  }
0x67: {  	_ =	shalt  }
0x68: {  	_ =	shalt  }
0x69: {  	_ =	shalt  }
0x6a: {  	_ =	shalt  }
0x6b: {  	_ =	shalt  }
0x6c: {  	_ =	shalt  }
0x6d: {  	_ =	shalt  }
0x6e: {  	_ =	shalt  }
0x6f: {  	_ =	shalt  }
0x70: {  	_ =	shalt  }
0x71: {  	_ =	shalt  }
0x72: {  	_ =	shalt  }
0x73: {  	_ =	shalt  }
0x74: {  	_ =	shalt  }
0x75: {  	_ =	shalt  }
0x76: {  	_ =	shalt  }
0x77: {  	_ =	shalt  }
0x78: {  	_ =	shalt  }
0x79: {  	_ =	shalt  }
0x7a: {  	_ =	shalt  }
0x7b: {  	_ =	shalt  }
0x7c: {  	_ =	shalt  }
0x7d: {  	_ =	shalt  }
0x7e: {  	_ =	shalt  }
0x7f: {  	_ =	shalt  }
0x80: {  	_ =	shalt  }
0x81: {  	_ =	shalt  }
0x82: {  	_ =	shalt  }
0x83: {  	_ =	shalt  }
0x84: {  	_ =	shalt  }
0x85: {  	_ =	shalt  }
0x86: {  	_ =	shalt  }
0x87: {  	_ =	shalt  }
.Lfunc_end0:
.L_simem_size_0:
called_computation.1_lowered:
.L_overlay_start_0:
0x88: {  	s2 =	sld [smem:$0x3FD9]  }
0x89: {  	s3 =	sld [smem:$0x3FFE];
	_ =	sdelay $0x1  }
0x8a: {  	s1 =	srdreg.scid  }
0x8b: {  	s0 =	sand.u32 $0x1, s1  }
0x8c: {  	s14 =	sshll.u32 s0, $0xA;
	s2 =	sadd.s32 s3, s2  }
0x8d: {  	s2 =	sadd.s32 s2, s14  }
0x8e: {  	[smem:$0x3FC7] =	sst s2  }
0x8f: {  	_ = 	snop  }
0x90: {  	s2 =	sld [smem:$0x3FD0];
	_ =	sdelay $0x2  }
0x91: {  	s15 =	simm.s32 $0xA;
	s4 =	simm.s32 $0x10  }
0x92: {  	[smem:s4], [sflag:s15] =	dma.local [hbm:s2], $0x1  }
0x93: {  	_ =	swait.eq [sflag:s15], $0x1  }
0x94: {  	[sflag:s15] =	ssyncset.done $0x0  }
0x95: {  	s16 =	sld [smem:$0x10];
	[sflag:s15] =	ssyncadd.s32 $0xFFFFFFFF  }
0x96: {  	s17 =	sld [smem:$0x11];
	(tm) =	ssettm $0x1  }
0x97: {  	s18 =	sld [smem:$0x3FFB];
	_ =	sdelay $0x3  }
0x98: {  	_ =	strace s18  }
0x99: {  	s4 =	sld [smem:$0x3FFC];
	_ =	sdelay $0x3  }
0x9a: {  	_ =	strace s4  }
0x9b: {  	s4 =	sld [smem:$0x3FFD];
	_ =	sdelay $0x3  }
0x9c: {  	_ =	strace s4  }
0x9d: {  	_ =	strace $0x8FFFFFFF  }
0x9e: {  	s19 =	sld [smem:$0x3FDB];
	_ =	sdelay $0x1  }
0x9f: {  	s5 =	simm.s32 $_scs_section_size  }
0xa0: {  	s6 =	simm.s32 $_size__tile_overlayer_lowered;
	s7 =	simm.s32 $_tile_overlayer_lowered  }
0xa1: {  	s22 =	simm.s32 $0x1BFF;
	s21 =	sshll.u32 s7, $0x1;
	s4 =	sadd.s32 s5, s19  }
0xa2: {  	s8 =	simm.s32 $0x0;
	s20 =	sshll.u32 s6, $0x1;
	s6 =	sadd.s32 s21, s4  }
0xa3: {  	[timem:s8], [sflag:s22] =	dma.local [hbm:s6], s20  }
0xa4: {  	_ =	swait.ge [sflag:s22], s20  }
0xa5: {  	s5 =	ssub.s32 $0x0, s20;
	[sflag:s22] =	ssyncset.done $0x0  }
0xa6: {  	[sflag:s22] =	ssyncadd.s32 s5;
	_ =	sdelay $0x1  }
0xa7: {  	s23 =	simm.s32 $0x1B8B  }
0xa8: {  	_ =	swait.ge [sflag:s23], $0x1  }
0xa9: {  	[sflag:s23] =	ssyncset.done $0x0  }
0xaa: {  	s25 =	simm.s32 $0x1B8E;
	s24 =	sld [smem:$0x3FFE];
	[sflag:s23] =	ssyncadd.s32 $0xFFFFFFFF  }
0xab: {  	s26 =	simm.s32 $execute0_lowered;
	[smem:$0x3FD2] =	sst s25  }
0xac: {  	s6 =	sshll.u32 s26, $0x1;
	_ =	strace $0x80000049;
	[dreg:$0x1] =	wrdreg $0xFFFFFFFF  }
0xad: {  	s28 =	simm.s32 $_size_execute0_lowered;
	s4 =	sadd.s32 s4, s6;
	[dreg:$0x0] =	wrdreg $0x0  }
0xae: {  	s6 =	sshll.u32 s28, $0x1;
	[dreg:$0x2] =	wrdreg s4  }
0xaf: {  	[dreg:$0x3] =	wrdreg s6  }
0xb0: {  	[dreg:$0x4] =	wrdreg $0xC0  }
0xb1: {  	_ =	task [dreg:s8], $0x5FFFF  }
0xb2: {  	[dreg:$0x1] =	wrdreg $0xFFFFFFFF  }
0xb3: {  	[dreg:$0x0] =	wrdreg $0x60  }
0xb4: {  	[dreg:$0x2] =	wrdreg s24  }
0xb5: {  	[dreg:$0x3] =	wrdreg s17  }
0xb6: {  	[dreg:$0x4] =	wrdreg s16  }
0xb7: {  	[dreg:$0x5] =	wrdreg $0x9  }
0xb8: {  	_ =	task.clear_ibuf [dreg:s8], $0x6FFFF;
	_ =	strace $0x90000049  }
0xb9: {  	s29 =	simm.s32 $0x9;
	_ =	strace $0x8000004B  }
0xba: {  	_ =	swait.ge [sflag:s29], $0x1  }
0xbb: {  	[sflag:s29] =	ssyncadd.s32 $0xFFFFFFFF  }
0xbc: {  	_ =	strace $0x9000004B  }
0xbd: {  	_ =	sfence  }
0xbe: {  	s30 =	sld [smem:$0x0];
	_ =	sdelay $0x2  }
0xbf: {  	s31 =	sshll.u32 s1, $0xD;
	s1 =	sshrl.u32 s1, $0x2  }
0xc0: {  	s3 =	sand.u32 $0x4000, s31;
	s1 =	sadd.s32 s1, s30  }
0xc1: {  	s0 =	sor.u32 s3, s0;
	s1 =	sshll.u32 s1, $0x11  }
0xc2: {  	s0 =	sor.u32 s1, s0  }
0xc3: {  	s0 =	sadd.s32 $0x8F2B, s0  }
0xc4: {  	[sflag:s0] =	ssyncadd.remote.s32 $0x1  }
0xc5: {  	_ =	sfence.sel $0xFFFF  }
0xc6: {  	[dreg:$0x0] =	wrdreg $0xFFFFFFFF;
	(pc) =	sbr.abs _section_cstart, $3  }
0xc7: {  	[dreg:$0x1] =	wrdreg $0xFFFFFFFF  }
0xc8: {  	_ =	task.clear_ibuf [dreg:s8], $0x2FFFF;
	_ =	strace $0x9FFFFFFF  }
0xc9: {  	(tm) =	ssettm $0x7FFFFFFF  }
tec
execute0_lowered:
.L_overlay_start_1:
0x0: {  	(tag) =	ssettag $0x1  }
0x1: {  	v19 =	vlaneseq.u32  }
0x2: {  	v20 =	vmul.u32 $0x8D, v19;
	_ =	sdelay $0x1  }
0x3: {  	v0 =	vadd.s32 $0x13, v20  }
0x4: {  	v55 =	vadd.s32 $0x18, v20;
	[tilespmem:$0x1FD10] =	vst v0  }
0x5: {  	v56 =	vadd.s32 $0x19, v20;
	[tilespmem:$0x1FD20] =	vst v55  }
0x6: {  	v57 =	vadd.s32 $0x1A, v20;
	[tilespmem:$0x1FD30] =	vst v56  }
0x7: {  	v58 =	vadd.s32 $0x1C, v20;
	[tilespmem:$0x1FD40] =	vst v57  }
0x8: {  	v59 =	vadd.s32 $0x1D, v20;
	[tilespmem:$0x1FD50] =	vst v58  }
0x9: {  	s7 =	rddreg [dreg:$0x0];
	v61 =	vadd.s32 $0x20, v20;
	[tilespmem:$0x1FD60] =	vst v59  }
0xa: {  	s0 =	rddreg [dreg:$0x1];
	v62 =	vadd.s32 $0x21, v20;
	[tilespmem:$0x1FD70] =	vst v61  }
0xb: {  	s3 =	rddreg [dreg:$0x2];
	s5 =	simm.s32 $0x0;
	v63 =	vadd.s32 $0x22, v20;
	[tilespmem:$0x1FD80] =	vst v62  }
0xc: {  	s2 =	srdreg.scid;
	[smem:$0x7FF] =	sst s5;
	v54 =	vadd.s32 $0xE, v20;
	[tilespmem:$0x1FD90] =	vst v63  }
0xd: {  	s4 =	sand.u32 $0x1, s2;
	s2 =	rddreg [dreg:$0x3];
	v41 =	vadd.s32 $0xF, v20;
	_ =	strace $0x8000004A;
	[tilespmem:$0x1FDA0] =	vst v54  }
0xe: {  	v43 =	vadd.s32 $0x10, v20;
	[tilespmem:$0x1FDB0] =	vst v41  }
0xf: {  	v15 =	vadd.s32 $0x11, v20;
	[tilespmem:$0x1FDC0] =	vst v43  }
0x10: {  	v36 =	vadd.s32 $0xD, v20;
	[tilespmem:$0x1FDD0] =	vst v15  }
0x11: {  	v60 =	vadd.s32 $0x14, v20;
	[tilespmem:$0x1FDE0] =	vst v36  }
0x12: {  	v40 =	vadd.s32 $0x15, v20;
	[tilespmem:$0x1FDF0] =	vst v60  }
0x13: {  	v42 =	vadd.s32 $0x16, v20;
	[tilespmem:$0x1FE00] =	vst v40  }
0x14: {  	v35 =	vadd.s32 $0xC, v20;
	[tilespmem:$0x1FE10] =	vst v42  }
0x15: {  	v53 =	vadd.s32 $0xB, v20;
	[tilespmem:$0x1FE20] =	vst v35  }
0x16: {  	v45 =	vadd.s32 $0x1B, v20;
	[tilespmem:$0x1FE30] =	vst v53  }
0x17: {  	v33 =	vadd.s32 $0xA, v20;
	[tilespmem:$0x1FE40] =	vst v45  }
0x18: {  	v31 =	vadd.s32 $0x1E, v20;
	[tilespmem:$0x1FE50] =	vst v33  }
0x19: {  	v58 =	vadd.s32 $0x1F, v20;
	[tilespmem:$0x1FE60] =	vst v31  }
0x1a: {  	v32 =	vadd.s32 $0x9, v20;
	[tilespmem:$0x1FE70] =	vst v58  }
0x1b: {  	v38 =	vadd.s32 $0x23, v20;
	[tilespmem:$0x1FE80] =	vst v32  }
0x1c: {  	v44 =	vadd.s32 $0x2F, v20;
	[tilespmem:$0x1FE90] =	vst v38  }
0x1d: {  	v55 =	vadd.s32 $0x2B, v20;
	[tilespmem:$0x1FEA0] =	vst v44  }
0x1e: {  	v62 =	vadd.s32 $0x30, v20;
	[tilespmem:$0x1FEB0] =	vst v55  }
0x1f: {  	v56 =	vadd.s32 $0x2C, v20;
	[tilespmem:$0x1FEC0] =	vst v62  }
0x20: {  	v1 =	vadd.s32 $0x35, v20;
	[tilespmem:$0x1FED0] =	vst v56  }
0x21: {  	v2 =	vadd.s32 $0x36, v20;
	[tilespmem:$0x1FEE0] =	vst v1  }
0x22: {  	v3 =	vadd.s32 $0x37, v20;
	[tilespmem:$0x1FEF0] =	vst v2  }
0x23: {  	v4 =	vadd.s32 $0x38, v20;
	[tilespmem:$0x1FF00] =	vst v3  }
0x24: {  	v5 =	vadd.s32 $0x39, v20;
	[tilespmem:$0x1FF10] =	vst v4  }
0x25: {  	v6 =	vadd.s32 $0x3A, v20;
	[tilespmem:$0x1FF20] =	vst v5  }
0x26: {  	v7 =	vadd.s32 $0x3B, v20;
	[tilespmem:$0x1FF30] =	vst v6  }
0x27: {  	v8 =	vadd.s32 $0x3C, v20;
	[tilespmem:$0x1FF40] =	vst v7  }
0x28: {  	v9 =	vadd.s32 $0x3D, v20;
	[tilespmem:$0x1FF50] =	vst v8  }
0x29: {  	v24 =	vadd.s32 $0x17, v20;
	[tilespmem:$0x1FF60] =	vst v9  }
0x2a: {  	v29 =	vadd.s32 $0x24, v20;
	[tilespmem:$0x1FF70] =	vst v24  }
0x2b: {  	v28 =	vadd.s32 $0x25, v20;
	[tilespmem:$0x1FF80] =	vst v29  }
0x2c: {  	s1 =	stileid.u32;
	s12 =	simm.s32 $0x8D00;
	s13 =	simm.s32 $0x1;
	v21 =	vadd.s32 $0x1, v20;
	v34 =	vadd.s32 $0x26, v20;
	[tilespmem:$0x1FF90] =	vst v28  }
0x2d: {  	s14 =	simm.s32 $0x11A00;
	s15 =	simm.s32 $0x11A10;
	s6 =	sshll.u32 s1, $0x1;
	v22 =	vadd.s32 $0x2, v20;
	v23 =	vadd.s32 $0x3, v20;
	v39 =	vadd.s32 $0x27, v20;
	[tilespmem:$0x1FFA0] =	vst v34  }
0x2e: {  	s16 =	simm.s32 $0x3;
	s17 =	simm.s32 $0x11B80;
	s8 =	sor.u32 s4, s6;
	v27 =	vadd.s32 $0x4, v20;
	v26 =	vadd.s32 $0x5, v20;
	v47 =	vadd.s32 $0x28, v20;
	[tilespmem:$0x1FFB0] =	vst v39  }
0x2f: {  	s18 =	simm.s32 $0x2;
	s9 =	ssub.s32 $0x2, s4;
	v25 =	vadd.s32 $0x6, v20;
	v46 =	vadd.s32 $0x7, v20;
	s6 =	smul.u32 $0x46800, s8;
	v37 =	vadd.s32 $0x34, v20;
	[tilespmem:$0x1FFC0] =	vst v47  }
0x30: {  	s19 =	simm.s32 $0x0;
	s7 =	sadd.s32 $0xE00, s7;
	v50 =	vadd.s32 $0x8, v20;
	v30 =	vadd.s32 $0x12, v20;
	s10 =	sshrl.u32 s9, $0x1;
	v59 =	vadd.s32 $0x33, v20;
	[tilespmem:$0x1FFD0] =	vst v37  }
0x31: {  	v17 =	vadd.s32 $0x29, v20;
	v52 =	vadd.s32 $0x2A, v20;
	v51 =	vadd.s32 $0x32, v20;
	s8 =	sshll.u32 s8, $0xB;
	s11 =	ssub.s32 s9, s10;
	s31 =	sshrl.u32 s6, $0x3;
	[tilespmem:$0x1FFE0] =	vst v59  }
0x32: {  	v48 =	vadd.s32 $0x2E, v20;
	v57 =	vadd.s32 $0x2D, v20;
	v61 =	vadd.s32 $0x31, v20;
	s10 =	sadd.s32 $0x11A00, s6;
	s11 =	smax.u32 s11, $0x1;
	[tilespmem:$0x1FFF0] =	vst v51;
	s9 =	sadd.s32 s7, s31  }
.LBB2_1:
0x33: {  	[tilespmem:s5], [sflag:$0x1] =	stream.linear.gather [hbm4b:s9+s5], $0x8D00, $0x38;
	[tilespmem:$0x11C80] =	vst v63  }
0x34: {  	v0 =	vimm.s32 $0xFFFFFFFF;
	s20 =	simm.s32 $0x0  }
.LBB2_2:
0x35: {  	s21 =	sshllo.u32 s20, $0x1  }
0x36: {  	s22 =	smul.u32 $0x8D00, s21;
	_ =	sdelay $0x1  }
0x37: {  	s22 =	sadd.s32 s6, s22  }
0x38: {  	s22 =	sshrl.u32 s22, $0x3  }
0x39: {  	s23 =	sadd.s32 s7, s22;
	s22 =	simm.s32 $0x0  }
0x3a: {  	[tilespmem:s12], [sflag:$0x2] =	stream.linear.gather [hbm4b:s23+s22], $0x8D00, $0x38;
	[tilespmem:$0x11C80] =	vst v63  }
0x3b: {  	s31 =	sor.u32 s4, s20;
	_ =	swait.ge [sflag:s13], $0x8D00  }
0x3c: {  	p0 =	seq.s32 s31, $0x0;
	[sflag:s13] =	ssyncset.done $0x0  }
0x3d: {  	v0 =	vpsel p0, $0xFFFFFFFF, v0;
	[sflag:s13] =	ssyncadd.s32 $0xFFFF7300  }
0x3e: {  	s24 =	simm.s32 $0x11B80;
	s25 =	simm.s32 $0x11A10;
	s23 =	simm.s32 $0xF;
	[tilespmem:$0x11A00] =	vst v0  }
.LBB2_3:
0x3f: {  	v16 =	vadd.s32 s22, v20  }
0x40: {  	v0 =	vadd.s32 s22, v21  }
0x41: {  	v1 =	vadd.s32 s22, v22;
	_ =	sdelay $0x1  }
0x42: {  	v2 =	vadd.s32 s22, v23  }
0x43: {  	v5 =	vadd.s32 s22, v27;
	v3 =	vld.idx.msk [tilespmem:v16+s5+$0x0], $0xffff  }
0x44: {  	v6 =	vadd.s32 s22, v26;
	v4 =	vld.idx.msk [tilespmem:v0+s5+$0x0], $0xffff  }
0x45: {  	v7 =	vld.idx.msk [tilespmem:v1+s5+$0x0], $0xffff;
	_ =	sdelay $0x1  }
0x46: {  	v9 =	vadd.s32 s22, v25;
	v8 =	vld.idx.msk [tilespmem:v2+s5+$0x0], $0xffff  }
0x47: {  	v10 =	vadd.s32 s22, v46;
	v11 =	vld.idx.msk [tilespmem:v5+s5+$0x0], $0xffff  }
0x48: {  	v12 =	vadd.s32 s22, v50;
	v63 =	vld.idx.msk [tilespmem:v6+s5+$0x0], $0xffff;
	vm0 =	vgt.f32 v4, v3;
	v3 =	vmax.f32 v3, v4  }
0x49: {  	v0 =	vsel vm0, v0, v16;
	vm8 =	vgt.f32 v7, v3  }
0x4a: {  	v3 =	vmax.f32 v3, v7;
	v7 =	vadd.s32 s22, v32;
	v0 =	vsel vm8, v1, v0  }
0x4b: {  	vm9 =	vgt.f32 v8, v3;
	v1 =	vld.idx.msk [tilespmem:v9+s5+$0x0], $0xffff;
	v3 =	vmax.f32 v3, v8;
	v8 =	vadd.s32 s22, v33  }
0x4c: {  	v0 =	vsel vm9, v2, v0;
	v2 =	vld.idx.msk [tilespmem:v10+s5+$0x0], $0xffff;
	vm10 =	vgt.f32 v11, v3;
	v3 =	vmax.f32 v3, v11  }
0x4d: {  	v11 =	vadd.s32 s22, v53;
	v0 =	vsel vm10, v5, v0;
	vm11 =	vgt.f32 v63, v3;
	v5 =	vld.idx.msk [tilespmem:v12+s5+$0x0], $0xffff  }
0x4e: {  	v0 =	vsel vm11, v6, v0;
	v6 =	vadd.s32 s22, v35  }
0x4f: {  	v3 =	vmax.f32 v3, v63  }
0x50: {  	v49 =	vld.idx.msk [tilespmem:v7+s5+$0x0], $0xffff;
	vm12 =	vgt.f32 v1, v3;
	v1 =	vmax.f32 v3, v1  }
0x51: {  	v63 =	vld.idx.msk [tilespmem:v8+s5+$0x0], $0xffff;
	v0 =	vsel vm12, v9, v0;
	vm13 =	vgt.f32 v2, v1;
	v1 =	vmax.f32 v1, v2  }
0x52: {  	v2 =	vld.idx.msk [tilespmem:v11+s5+$0x0], $0xffff;
	v0 =	vsel vm13, v10, v0;
	vm14 =	vgt.f32 v5, v1  }
0x53: {  	v0 =	vsel vm14, v12, v0;
	v12 =	vld.idx.msk [tilespmem:v6+s5+$0x0], $0xffff  }
0x54: {  	v1 =	vmax.f32 v1, v5  }
0x55: {  	v3 =	vadd.s32 s22, v36;
	vm15 =	vgt.f32 v49, v1;
	v1 =	vmax.f32 v1, v49  }
0x56: {  	vm4 =	vgt.f32 v63, v1;
	v1 =	vmax.f32 v1, v63  }
0x57: {  	v10 =	vadd.s32 s22, v54;
	vm5 =	vgt.f32 v2, v1;
	v1 =	vmax.f32 v1, v2  }
0x58: {  	v5 =	vadd.s32 s22, v41;
	vm6 =	vgt.f32 v12, v1;
	v1 =	vmax.f32 v1, v12;
	v12 =	vld [tilespmem:$0x1FD10];
	_ =	sdelay $0x1  }
0x59: {  	v0 =	vsel vm15, v7, v0;
	v4 =	vld.idx.msk [tilespmem:v3+s5+$0x0], $0xffff;
	v7 =	vadd.s32 s22, v43  }
0x5a: {  	v9 =	vadd.s32 s22, v15;
	v0 =	vsel vm4, v8, v0  }
0x5b: {  	v49 =	vld.idx.msk [tilespmem:v10+s5+$0x0], $0xffff;
	v0 =	vsel vm5, v11, v0;
	v11 =	vadd.s32 s22, v30  }
0x5c: {  	v2 =	vld.idx.msk [tilespmem:v5+s5+$0x0], $0xffff;
	v12 =	vadd.s32 s22, v12;
	_ =	sdelay $0x1  }
0x5d: {  	v0 =	vsel vm6, v6, v0;
	vm7 =	vgt.f32 v4, v1;
	v63 =	vld.idx.msk [tilespmem:v7+s5+$0x0], $0xffff  }
0x5e: {  	v1 =	vmax.f32 v1, v4;
	v0 =	vsel vm7, v3, v0;
	v3 =	vld.idx.msk [tilespmem:v9+s5+$0x0], $0xffff  }
0x5f: {  	v4 =	vadd.s32 s22, v60;
	vm8 =	vgt.f32 v49, v1;
	v1 =	vmax.f32 v1, v49;
	v49 =	vld.idx.msk [tilespmem:v11+s5+$0x0], $0xffff  }
0x60: {  	v0 =	vsel vm8, v10, v0;
	vm9 =	vgt.f32 v2, v1;
	v1 =	vmax.f32 v1, v2;
	v2 =	vld.idx.msk [tilespmem:v12+s5+$0x0], $0xffff  }
0x61: {  	v8 =	vadd.s32 s22, v40;
	v0 =	vsel vm9, v5, v0  }
0x62: {  	v5 =	vadd.s32 s22, v42;
	vm10 =	vgt.f32 v63, v1;
	v1 =	vmax.f32 v1, v63  }
0x63: {  	v63 =	vld [tilespmem:$0x1FD20];
	v0 =	vsel vm10, v7, v0;
	vm11 =	vgt.f32 v3, v1;
	v1 =	vmax.f32 v1, v3  }
0x64: {  	v7 =	vld.idx.msk [tilespmem:v4+s5+$0x0], $0xffff;
	v0 =	vsel vm11, v9, v0;
	vm12 =	vgt.f32 v49, v1;
	v1 =	vmax.f32 v1, v49  }
0x65: {  	v49 =	vld [tilespmem:$0x1FD30];
	v0 =	vsel vm12, v11, v0;
	vm13 =	vgt.f32 v2, v1  }
0x66: {  	v0 =	vsel vm13, v12, v0;
	v12 =	vld [tilespmem:$0x1FD40]  }
0x67: {  	v6 =	vadd.s32 s22, v24;
	v3 =	vld.idx.msk [tilespmem:v8+s5+$0x0], $0xffff  }
0x68: {  	v9 =	vadd.s32 s22, v63;
	v63 =	vld.idx.msk [tilespmem:v5+s5+$0x0], $0xffff;
	_ =	sdelay $0x1  }
0x69: {  	v10 =	vadd.s32 s22, v49;
	v1 =	vmax.f32 v1, v2  }
0x6a: {  	v49 =	vld [tilespmem:$0x1FD50];
	vm14 =	vgt.f32 v7, v1;
	v1 =	vmax.f32 v1, v7;
	v12 =	vadd.s32 s22, v12  }
0x6b: {  	v2 =	vld.idx.msk [tilespmem:v6+s5+$0x0], $0xffff;
	vm15 =	vgt.f32 v3, v1;
	v1 =	vmax.f32 v1, v3  }
0x6c: {  	vm4 =	vgt.f32 v63, v1;
	v1 =	vmax.f32 v1, v63;
	v63 =	vld [tilespmem:$0x1FD60]  }
0x6d: {  	v0 =	vsel vm14, v4, v0;
	v4 =	vld.idx.msk [tilespmem:v9+s5+$0x0], $0xffff  }
0x6e: {  	v3 =	vld.idx.msk [tilespmem:v10+s5+$0x0], $0xffff  }
0x6f: {  	v0 =	vsel vm15, v8, v0;
	v8 =	vadd.s32 s22, v49;
	v49 =	vld.idx.msk [tilespmem:v12+s5+$0x0], $0xffff  }
0x70: {  	v7 =	vadd.s32 s22, v45  }
0x71: {  	vm5 =	vgt.f32 v2, v1;
	v1 =	vmax.f32 v1, v2;
	v11 =	vadd.s32 s22, v63;
	v63 =	vld [tilespmem:$0x1FD70]  }
0x72: {  	vm6 =	vgt.f32 v4, v1;
	v1 =	vmax.f32 v1, v4  }
0x73: {  	v0 =	vsel vm4, v5, v0;
	vm7 =	vgt.f32 v3, v1;
	v1 =	vmax.f32 v1, v3  }
0x74: {  	v0 =	vsel vm5, v6, v0;
	vm8 =	vgt.f32 v49, v1;
	v1 =	vmax.f32 v1, v49;
	v49 =	vld [tilespmem:$0x1FD80]  }
0x75: {  	v2 =	vld.idx.msk [tilespmem:v7+s5+$0x0], $0xffff;
	v6 =	vadd.s32 s22, v31;
	v0 =	vsel vm6, v9, v0  }
0x76: {  	v4 =	vadd.s32 s22, v58;
	v0 =	vsel vm7, v10, v0;
	v10 =	vadd.s32 s22, v63;
	v63 =	vld [tilespmem:$0x1FD90]  }
0x77: {  	v9 =	vld.idx.msk [tilespmem:v8+s5+$0x0], $0xffff  }
0x78: {  	v3 =	vld.idx.msk [tilespmem:v11+s5+$0x0], $0xffff  }
0x79: {  	v5 =	vadd.s32 s22, v49  }
0x7a: {  	v0 =	vsel vm8, v12, v0;
	vm9 =	vgt.f32 v2, v1;
	v12 =	vld.idx.msk [tilespmem:v6+s5+$0x0], $0xffff  }
0x7b: {  	v1 =	vmax.f32 v1, v2;
	v2 =	vld.idx.msk [tilespmem:v4+s5+$0x0], $0xffff;
	v0 =	vsel vm9, v7, v0;
	v7 =	vadd.s32 s22, v63  }
0x7c: {  	vm10 =	vgt.f32 v9, v1;
	v1 =	vmax.f32 v1, v9;
	v9 =	vadd.s32 s22, v38  }
0x7d: {  	v0 =	vsel vm10, v8, v0;
	vm11 =	vgt.f32 v3, v1;
	v49 =	vld.idx.msk [tilespmem:v10+s5+$0x0], $0xffff  }
0x7e: {  	v1 =	vmax.f32 v1, v3;
	v0 =	vsel vm11, v11, v0;
	v11 =	vadd.s32 s22, v29;
	v3 =	vld.idx.msk [tilespmem:v5+s5+$0x0], $0xffff  }
0x7f: {  	vm12 =	vgt.f32 v12, v1;
	v1 =	vmax.f32 v1, v12;
	v12 =	vadd.s32 s22, v28  }
0x80: {  	v0 =	vsel vm12, v6, v0;
	vm13 =	vgt.f32 v2, v1;
	v63 =	vld.idx.msk [tilespmem:v7+s5+$0x0], $0xffff  }
0x81: {  	v1 =	vmax.f32 v1, v2;
	v2 =	vld.idx.msk [tilespmem:v9+s5+$0x0], $0xffff;
	v0 =	vsel vm13, v4, v0;
	v4 =	vadd.s32 s22, v34  }
0x82: {  	v8 =	vadd.s32 s22, v39;
	vm14 =	vgt.f32 v49, v1;
	v1 =	vmax.f32 v1, v49  }
0x83: {  	v49 =	vld.idx.msk [tilespmem:v11+s5+$0x0], $0xffff;
	v0 =	vsel vm14, v10, v0;
	vm15 =	vgt.f32 v3, v1  }
0x84: {  	v1 =	vmax.f32 v1, v3;
	v3 =	vld.idx.msk [tilespmem:v12+s5+$0x0], $0xffff;
	v0 =	vsel vm15, v5, v0;
	v5 =	vadd.s32 s22, v47  }
0x85: {  	v6 =	vadd.s32 s22, v17;
	vm4 =	vgt.f32 v63, v1;
	v1 =	vmax.f32 v1, v63  }
0x86: {  	v63 =	vld.idx.msk [tilespmem:v4+s5+$0x0], $0xffff;
	v0 =	vsel vm4, v7, v0;
	vm5 =	vgt.f32 v2, v1  }
0x87: {  	v1 =	vmax.f32 v1, v2;
	v2 =	vld.idx.msk [tilespmem:v8+s5+$0x0], $0xffff;
	v0 =	vsel vm5, v9, v0;
	v9 =	vadd.s32 s22, v52  }
0x88: {  	v10 =	vadd.s32 s22, v55;
	vm6 =	vgt.f32 v49, v1;
	v1 =	vmax.f32 v1, v49  }
0x89: {  	v0 =	vsel vm6, v11, v0;
	vm7 =	vgt.f32 v3, v1;
	v49 =	vld.idx.msk [tilespmem:v5+s5+$0x0], $0xffff  }
0x8a: {  	v1 =	vmax.f32 v1, v3;
	v3 =	vld.idx.msk [tilespmem:v6+s5+$0x0], $0xffff;
	v0 =	vsel vm7, v12, v0;
	v12 =	vadd.s32 s22, v56  }
0x8b: {  	vm8 =	vgt.f32 v63, v1;
	v1 =	vmax.f32 v1, v63  }
0x8c: {  	v7 =	vadd.s32 s22, v57;
	v0 =	vsel vm8, v4, v0;
	vm9 =	vgt.f32 v2, v1;
	v63 =	vld.idx.msk [tilespmem:v9+s5+$0x0], $0xffff  }
0x8d: {  	v1 =	vmax.f32 v1, v2;
	v2 =	vld.idx.msk [tilespmem:v10+s5+$0x0], $0xffff;
	v0 =	vsel vm9, v8, v0  }
0x8e: {  	v8 =	vadd.s32 s22, v48;
	vm10 =	vgt.f32 v49, v1;
	v1 =	vmax.f32 v1, v49  }
0x8f: {  	v49 =	vld.idx.msk [tilespmem:v12+s5+$0x0], $0xffff;
	v0 =	vsel vm10, v5, v0;
	vm11 =	vgt.f32 v3, v1  }
0x90: {  	v11 =	vadd.s32 s22, v44;
	v1 =	vmax.f32 v1, v3;
	v0 =	vsel vm11, v6, v0  }
0x91: {  	v3 =	vld.idx.msk [tilespmem:v7+s5+$0x0], $0xffff;
	v6 =	vadd.s32 s22, v62;
	vm12 =	vgt.f32 v63, v1;
	v1 =	vmax.f32 v1, v63  }
0x92: {  	v13 =	vld [tilespmem:$0x1FEF0];
	v4 =	vadd.s32 s22, v61;
	v0 =	vsel vm12, v9, v0;
	vm13 =	vgt.f32 v2, v1  }
0x93: {  	v63 =	vld.idx.msk [tilespmem:v8+s5+$0x0], $0xffff;
	v1 =	vmax.f32 v1, v2;
	v0 =	vsel vm13, v10, v0;
	v10 =	vadd.s32 s22, v51  }
0x94: {  	vm14 =	vgt.f32 v49, v1;
	v1 =	vmax.f32 v1, v49;
	v49 =	vld [tilespmem:$0x1FEE0]  }
0x95: {  	v5 =	vadd.s32 s22, v59;
	v2 =	vld.idx.msk [tilespmem:v11+s5+$0x0], $0xffff  }
0x96: {  	v0 =	vsel vm14, v12, v0;
	vm15 =	vgt.f32 v3, v1;
	v12 =	vld.idx.msk [tilespmem:v6+s5+$0x0], $0xffff  }
0x97: {  	v1 =	vmax.f32 v1, v3;
	v3 =	vld.idx.msk [tilespmem:v4+s5+$0x0], $0xffff;
	v0 =	vsel vm15, v7, v0;
	v7 =	vadd.s32 s22, v37  }
0x98: {  	vm4 =	vgt.f32 v63, v1;
	v1 =	vmax.f32 v1, v63;
	v63 =	vld.idx.msk [tilespmem:v10+s5+$0x0], $0xffff  }
0x99: {  	v13 =	vadd.s32 s22, v13;
	v9 =	vadd.s32 s22, v49;
	v49 =	vld [tilespmem:$0x1FF00]  }
0x9a: {  	v0 =	vsel vm4, v8, v0;
	vm5 =	vgt.f32 v2, v1;
	v1 =	vmax.f32 v1, v2;
	v2 =	vld.idx.msk [tilespmem:v5+s5+$0x0], $0xffff  }
0x9b: {  	v0 =	vsel vm5, v11, v0;
	vm6 =	vgt.f32 v12, v1;
	v1 =	vmax.f32 v1, v12;
	v12 =	vld [tilespmem:$0x1FF10]  }
0x9c: {  	v0 =	vsel vm6, v6, v0;
	vm7 =	vgt.f32 v3, v1;
	v6 =	vld.idx.msk [tilespmem:v7+s5+$0x0], $0xffff;
	v1 =	vmax.f32 v1, v3  }
0x9d: {  	vm8 =	vgt.f32 v63, v1;
	v1 =	vmax.f32 v1, v63;
	v63 =	vld [tilespmem:$0x1FF20]  }
0x9e: {  	v11 =	vadd.s32 s22, v49;
	v3 =	vld.idx.msk [tilespmem:v9+s5+$0x0], $0xffff  }
0x9f: {  	v0 =	vsel vm7, v4, v0;
	v49 =	vld [tilespmem:$0x1FF30]  }
0xa0: {  	v0 =	vsel vm8, v10, v0;
	vm9 =	vgt.f32 v2, v1  }
0xa1: {  	v4 =	vld.idx.msk [tilespmem:v13+s5+$0x0], $0xffff;
	v1 =	vmax.f32 v1, v2;
	v0 =	vsel vm9, v5, v0;
	v12 =	vadd.s32 s22, v12  }
0xa2: {  	vm10 =	vgt.f32 v6, v1;
	v1 =	vmax.f32 v1, v6;
	v8 =	vadd.s32 s22, v63;
	v63 =	vld [tilespmem:$0x1FF40]  }
0xa3: {  	v0 =	vsel vm10, v7, v0;
	v2 =	vld.idx.msk [tilespmem:v11+s5+$0x0], $0xffff;
	vm11 =	vgt.f32 v3, v1  }
0xa4: {  	v10 =	vadd.s32 s22, v49;
	v0 =	vsel vm11, v9, v0;
	v9 =	vld [tilespmem:$0x1FF50]  }
0xa5: {  	v49 =	vld [tilespmem:$0x1FF60];
	_ =	sdelay $0x1  }
0xa6: {  	v1 =	vmax.f32 v1, v3;
	v5 =	vld.idx.msk [tilespmem:v12+s5+$0x0], $0xffff;
	v6 =	vadd.s32 s22, v63  }
0xa7: {  	vm12 =	vgt.f32 v4, v1;
	v1 =	vmax.f32 v1, v4;
	v3 =	vld.idx.msk [tilespmem:v8+s5+$0x0], $0xffff  }
0xa8: {  	v0 =	vsel vm12, v13, v0;
	v13 =	vadd.s32 $0x3E, v20;
	v4 =	vld.idx.msk [tilespmem:v10+s5+$0x0], $0xffff;
	v7 =	vadd.s32 s22, v9  }
0xa9: {  	v63 =	vadd.s32 $0x3F, v20;
	vm13 =	vgt.f32 v2, v1;
	v9 =	vadd.s32 s22, v49  }
0xaa: {  	v1 =	vmax.f32 v1, v2;
	v0 =	vsel vm13, v11, v0;
	v11 =	vadd.s32 s22, v13  }
0xab: {  	vm14 =	vgt.f32 v5, v1;
	v1 =	vmax.f32 v1, v5;
	v5 =	vadd.s32 s22, v63;
	v2 =	vld.idx.msk [tilespmem:v6+s5+$0x0], $0xffff  }
0xac: {  	v0 =	vsel vm14, v12, v0;
	vm15 =	vgt.f32 v3, v1;
	v1 =	vmax.f32 v1, v3  }
0xad: {  	v12 =	vadd.s32 $0x40, v20;
	v0 =	vsel vm15, v8, v0;
	vm4 =	vgt.f32 v4, v1;
	v3 =	vld.idx.msk [tilespmem:v7+s5+$0x0], $0xffff  }
0xae: {  	[tilespmem:$0x1F840] =	vst v12;
	v1 =	vmax.f32 v1, v4;
	v4 =	vadd.s32 s22, v12;
	v12 =	vadd.s32 $0x41, v20;
	v8 =	vld.idx.msk [tilespmem:v9+s5+$0x0], $0xffff  }
0xaf: {  	v49 =	vadd.s32 $0x42, v20;
	[tilespmem:$0x1F850] =	vst v12;
	v12 =	vadd.s32 s22, v12  }
0xb0: {  	[tilespmem:$0x1F820] =	vst v13;
	v13 =	vadd.s32 $0x44, v20;
	v0 =	vsel vm4, v10, v0;
	v10 =	vld.idx.msk [tilespmem:v11+s5+$0x0], $0xffff;
	vm5 =	vgt.f32 v2, v1  }
0xb1: {  	[tilespmem:$0x1F830] =	vst v63;
	v63 =	vadd.s32 $0x43, v20;
	v1 =	vmax.f32 v1, v2;
	v0 =	vsel vm5, v6, v0  }
0xb2: {  	v2 =	vld.idx.msk [tilespmem:v5+s5+$0x0], $0xffff;
	vm6 =	vgt.f32 v3, v1;
	v1 =	vmax.f32 v1, v3;
	v3 =	vadd.s32 s22, v49  }
0xb3: {  	[tilespmem:$0x1F860] =	vst v49;
	v49 =	vld.idx.msk [tilespmem:v4+s5+$0x0], $0xffff;
	v0 =	vsel vm6, v7, v0;
	vm7 =	vgt.f32 v8, v1;
	v7 =	vadd.s32 s22, v63  }
0xb4: {  	v1 =	vmax.f32 v1, v8;
	v8 =	vld.idx.msk [tilespmem:v12+s5+$0x0], $0xffff;
	v0 =	vsel vm7, v9, v0;
	v9 =	vadd.s32 s22, v13  }
0xb5: {  	[tilespmem:$0x1F870] =	vst v63;
	v63 =	vadd.s32 $0x45, v20;
	vm8 =	vgt.f32 v10, v1;
	v1 =	vmax.f32 v1, v10  }
0xb6: {  	[tilespmem:$0x1F880] =	vst v13;
	v13 =	vadd.s32 $0x46, v20;
	v0 =	vsel vm8, v11, v0;
	v11 =	vadd.s32 s22, v63  }
0xb7: {  	[tilespmem:$0x1F890] =	vst v63;
	vm9 =	vgt.f32 v2, v1;
	v1 =	vmax.f32 v1, v2;
	v2 =	vadd.s32 s22, v13;
	v10 =	vld.idx.msk [tilespmem:v3+s5+$0x0], $0xffff  }
0xb8: {  	v0 =	vsel vm9, v5, v0;
	vm10 =	vgt.f32 v49, v1;
	v1 =	vmax.f32 v1, v49;
	v5 =	vld.idx.msk [tilespmem:v7+s5+$0x0], $0xffff  }
0xb9: {  	[tilespmem:$0x1F8A0] =	vst v13;
	v49 =	vadd.s32 $0x47, v20;
	v0 =	vsel vm10, v4, v0;
	vm11 =	vgt.f32 v8, v1;
	v63 =	vld.idx.msk [tilespmem:v9+s5+$0x0], $0xffff  }
0xba: {  	[tilespmem:$0x1F8B0] =	vst v49;
	v6 =	vadd.s32 s22, v49;
	v0 =	vsel vm11, v12, v0;
	v12 =	vadd.s32 $0x48, v20  }
0xbb: {  	v13 =	vadd.s32 $0x49, v20;
	v1 =	vmax.f32 v1, v8;
	v49 =	vld.idx.msk [tilespmem:v11+s5+$0x0], $0xffff;
	[tilespmem:$0x1F8C0] =	vst v12;
	v12 =	vadd.s32 s22, v12  }
0xbc: {  	vm12 =	vgt.f32 v10, v1;
	v1 =	vmax.f32 v1, v10;
	v10 =	vadd.s32 s22, v13  }
0xbd: {  	v0 =	vsel vm12, v3, v0;
	v3 =	vld.idx.msk [tilespmem:v2+s5+$0x0], $0xffff;
	vm13 =	vgt.f32 v5, v1;
	v1 =	vmax.f32 v1, v5  }
0xbe: {  	[tilespmem:$0x1F8D0] =	vst v13;
	v13 =	vadd.s32 $0x4A, v20;
	v0 =	vsel vm13, v7, v0;
	vm14 =	vgt.f32 v63, v1  }
0xbf: {  	v5 =	vld.idx.msk [tilespmem:v6+s5+$0x0], $0xffff;
	v7 =	vadd.s32 s22, v13;
	v1 =	vmax.f32 v1, v63;
	v63 =	vadd.s32 $0x4B, v20  }
0xc0: {  	v0 =	vsel vm14, v9, v0;
	vm15 =	vgt.f32 v49, v1;
	v1 =	vmax.f32 v1, v49;
	v4 =	vld.idx.msk [tilespmem:v12+s5+$0x0], $0xffff  }
0xc1: {  	[tilespmem:$0x1F8F0] =	vst v63;
	v8 =	vadd.s32 s22, v63;
	v49 =	vadd.s32 $0x4C, v20;
	v63 =	vadd.s32 $0x4D, v20  }
0xc2: {  	v0 =	vsel vm15, v11, v0;
	v11 =	vadd.s32 s22, v63;
	v9 =	vld.idx.msk [tilespmem:v10+s5+$0x0], $0xffff;
	vm4 =	vgt.f32 v3, v1  }
0xc3: {  	[tilespmem:$0x1F900] =	vst v49;
	v1 =	vmax.f32 v1, v3;
	v3 =	vadd.s32 s22, v49;
	v49 =	vadd.s32 $0x4E, v20  }
0xc4: {  	v0 =	vsel vm4, v2, v0;
	vm5 =	vgt.f32 v5, v1;
	v2 =	vld.idx.msk [tilespmem:v7+s5+$0x0], $0xffff;
	v1 =	vmax.f32 v1, v5  }
0xc5: {  	[tilespmem:$0x1F8E0] =	vst v13;
	v5 =	vadd.s32 s22, v49;
	v0 =	vsel vm5, v6, v0;
	vm6 =	vgt.f32 v4, v1  }
0xc6: {  	[tilespmem:$0x1F910] =	vst v63;
	v1 =	vmax.f32 v1, v4;
	v4 =	vld.idx.msk [tilespmem:v8+s5+$0x0], $0xffff;
	v0 =	vsel vm6, v12, v0;
	v12 =	vadd.s32 $0x4F, v20  }
0xc7: {  	[tilespmem:$0x1F920] =	vst v49;
	vm7 =	vgt.f32 v9, v1;
	v1 =	vmax.f32 v1, v9;
	v9 =	vadd.s32 s22, v12  }
0xc8: {  	v13 =	vadd.s32 $0x52, v20;
	v49 =	vadd.s32 $0x51, v20;
	[tilespmem:$0x1F930] =	vst v12;
	v12 =	vadd.s32 $0x50, v20;
	v63 =	vld.idx.msk [tilespmem:v3+s5+$0x0], $0xffff  }
0xc9: {  	v0 =	vsel vm7, v10, v0;
	v10 =	vld.idx.msk [tilespmem:v11+s5+$0x0], $0xffff;
	[tilespmem:$0x1F940] =	vst v12;
	v12 =	vadd.s32 s22, v12;
	vm8 =	vgt.f32 v2, v1  }
0xca: {  	v1 =	vmax.f32 v1, v2;
	v0 =	vsel vm8, v7, v0;
	v7 =	vadd.s32 s22, v49  }
0xcb: {  	[tilespmem:$0x1F960] =	vst v13;
	v2 =	vld.idx.msk [tilespmem:v5+s5+$0x0], $0xffff;
	vm9 =	vgt.f32 v4, v1;
	v1 =	vmax.f32 v1, v4  }
0xcc: {  	[tilespmem:$0x1F950] =	vst v49;
	v4 =	vadd.s32 s22, v13;
	v49 =	vadd.s32 $0x54, v20;
	v13 =	vadd.s32 $0x55, v20;
	v6 =	vld.idx.msk [tilespmem:v9+s5+$0x0], $0xffff  }
0xcd: {  	v0 =	vsel vm9, v8, v0;
	vm10 =	vgt.f32 v63, v1;
	v1 =	vmax.f32 v1, v63  }
0xce: {  	v63 =	vadd.s32 $0x53, v20;
	v0 =	vsel vm10, v3, v0;
	vm11 =	vgt.f32 v10, v1;
	v3 =	vld.idx.msk [tilespmem:v12+s5+$0x0], $0xffff  }
0xcf: {  	[tilespmem:$0x1F970] =	vst v63;
	v8 =	vadd.s32 s22, v63;
	v1 =	vmax.f32 v1, v10;
	v0 =	vsel vm11, v11, v0;
	v63 =	vld.idx.msk [tilespmem:v7+s5+$0x0], $0xffff  }
0xd0: {  	vm12 =	vgt.f32 v2, v1;
	v11 =	vadd.s32 s22, v49;
	v1 =	vmax.f32 v1, v2  }
0xd1: {  	v2 =	vld.idx.msk [tilespmem:v4+s5+$0x0], $0xffff;
	v0 =	vsel vm12, v5, v0;
	v5 =	vadd.s32 s22, v13;
	vm13 =	vgt.f32 v6, v1  }
0xd2: {  	[tilespmem:$0x1F990] =	vst v13;
	v13 =	vadd.s32 $0x56, v20;
	v1 =	vmax.f32 v1, v6;
	v0 =	vsel vm13, v9, v0  }
0xd3: {  	v9 =	vadd.s32 s22, v13;
	vm14 =	vgt.f32 v3, v1;
	v1 =	vmax.f32 v1, v3  }
0xd4: {  	[tilespmem:$0x1F980] =	vst v49;
	v49 =	vld.idx.msk [tilespmem:v8+s5+$0x0], $0xffff;
	v0 =	vsel vm14, v12, v0;
	v12 =	vadd.s32 $0x57, v20;
	vm15 =	vgt.f32 v63, v1  }
0xd5: {  	[tilespmem:$0x1F9A0] =	vst v13;
	v1 =	vmax.f32 v1, v63;
	v3 =	vld.idx.msk [tilespmem:v11+s5+$0x0], $0xffff;
	v63 =	vadd.s32 $0x5A, v20;
	v10 =	vadd.s32 s22, v12  }
0xd6: {  	[tilespmem:$0x1F9B0] =	vst v12;
	v0 =	vsel vm15, v7, v0;
	vm4 =	vgt.f32 v2, v1;
	v12 =	vadd.s32 $0x58, v20  }
0xd7: {  	v7 =	vld.idx.msk [tilespmem:v5+s5+$0x0], $0xffff;
	v1 =	vmax.f32 v1, v2;
	[tilespmem:$0x1F9C0] =	vst v12;
	v2 =	vadd.s32 s22, v12;
	v12 =	vadd.s32 $0x59, v20  }
0xd8: {  	v13 =	vadd.s32 $0x5E, v20;
	v6 =	vadd.s32 s22, v63;
	[tilespmem:$0x1F9D0] =	vst v12;
	v12 =	vadd.s32 s22, v12  }
0xd9: {  	v0 =	vsel vm4, v4, v0;
	v4 =	vld.idx.msk [tilespmem:v9+s5+$0x0], $0xffff;
	vm5 =	vgt.f32 v49, v1;
	v1 =	vmax.f32 v1, v49  }
0xda: {  	v49 =	vadd.s32 $0x5B, v20;
	vm6 =	vgt.f32 v3, v1;
	v1 =	vmax.f32 v1, v3;
	v3 =	vld.idx.msk [tilespmem:v10+s5+$0x0], $0xffff  }
0xdb: {  	[tilespmem:$0x1F9E0] =	vst v63;
	v63 =	vadd.s32 $0x5C, v20;
	v0 =	vsel vm5, v8, v0;
	v8 =	vadd.s32 s22, v49  }
0xdc: {  	v0 =	vsel vm6, v11, v0;
	vm7 =	vgt.f32 v7, v1;
	v1 =	vmax.f32 v1, v7;
	v7 =	vld.idx.msk [tilespmem:v2+s5+$0x0], $0xffff  }
0xdd: {  	[tilespmem:$0x1F9F0] =	vst v49;
	v49 =	vadd.s32 $0x5D, v20;
	v11 =	vadd.s32 s22, v63;
	v0 =	vsel vm7, v5, v0;
	v5 =	vld.idx.msk [tilespmem:v12+s5+$0x0], $0xffff  }
0xde: {  	[tilespmem:$0x1FA00] =	vst v63;
	v63 =	vadd.s32 $0x5F, v20;
	vm8 =	vgt.f32 v4, v1;
	v1 =	vmax.f32 v1, v4  }
0xdf: {  	v0 =	vsel vm8, v9, v0;
	v9 =	vadd.s32 s22, v49;
	vm9 =	vgt.f32 v3, v1  }
0xe0: {  	[tilespmem:$0x1FA20] =	vst v13;
	v4 =	vld.idx.msk [tilespmem:v6+s5+$0x0], $0xffff;
	v1 =	vmax.f32 v1, v3;
	v3 =	vadd.s32 s22, v13;
	v13 =	vadd.s32 $0x61, v20  }
0xe1: {  	v0 =	vsel vm9, v10, v0;
	vm10 =	vgt.f32 v7, v1;
	v1 =	vmax.f32 v1, v7;
	v7 =	vld.idx.msk [tilespmem:v8+s5+$0x0], $0xffff  }
0xe2: {  	[tilespmem:$0x1FA10] =	vst v49;
	v10 =	vadd.s32 s22, v63;
	v0 =	vsel vm10, v2, v0;
	vm11 =	vgt.f32 v5, v1  }
0xe3: {  	[tilespmem:$0x1FA30] =	vst v63;
	v63 =	vadd.s32 $0x63, v20;
	v2 =	vld.idx.msk [tilespmem:v11+s5+$0x0], $0xffff;
	v0 =	vsel vm11, v12, v0;
	v12 =	vadd.s32 $0x60, v20  }
0xe4: {  	v1 =	vmax.f32 v1, v5;
	v5 =	vadd.s32 s22, v63;
	v49 =	vld.idx.msk [tilespmem:v9+s5+$0x0], $0xffff;
	[tilespmem:$0x1FA40] =	vst v12;
	v12 =	vadd.s32 s22, v12  }
0xe5: {  	[tilespmem:$0x1FA70] =	vst v63;
	v63 =	vadd.s32 $0x65, v20;
	vm12 =	vgt.f32 v4, v1;
	v1 =	vmax.f32 v1, v4  }
0xe6: {  	v0 =	vsel vm12, v6, v0;
	v6 =	vadd.s32 s22, v13;
	v4 =	vld.idx.msk [tilespmem:v3+s5+$0x0], $0xffff;
	vm13 =	vgt.f32 v7, v1  }
0xe7: {  	[tilespmem:$0x1FA50] =	vst v13;
	v13 =	vadd.s32 $0x62, v20;
	v1 =	vmax.f32 v1, v7;
	v7 =	vld.idx.msk [tilespmem:v10+s5+$0x0], $0xffff;
	v0 =	vsel vm13, v8, v0  }
0xe8: {  	vm14 =	vgt.f32 v2, v1;
	v8 =	vadd.s32 s22, v13;
	v1 =	vmax.f32 v1, v2  }
0xe9: {  	v0 =	vsel vm14, v11, v0;
	vm15 =	vgt.f32 v49, v1;
	v1 =	vmax.f32 v1, v49;
	v2 =	vld.idx.msk [tilespmem:v12+s5+$0x0], $0xffff  }
0xea: {  	v49 =	vadd.s32 $0x64, v20;
	v11 =	vadd.s32 s22, v63;
	v0 =	vsel vm15, v9, v0  }
0xeb: {  	vm4 =	vgt.f32 v4, v1;
	v1 =	vmax.f32 v1, v4;
	v4 =	vadd.s32 s22, v49  }
0xec: {  	v9 =	vld.idx.msk [tilespmem:v6+s5+$0x0], $0xffff;
	[tilespmem:$0x1FA80] =	vst v49;
	v49 =	vadd.s32 $0x67, v20;
	v0 =	vsel vm4, v3, v0;
	vm5 =	vgt.f32 v7, v1  }
0xed: {  	[tilespmem:$0x1FA90] =	vst v63;
	v1 =	vmax.f32 v1, v7;
	v3 =	vld.idx.msk [tilespmem:v8+s5+$0x0], $0xffff;
	v0 =	vsel vm5, v10, v0;
	v10 =	vadd.s32 $0x66, v20  }
0xee: {  	[tilespmem:$0x1FA60] =	vst v13;
	v7 =	vadd.s32 s22, v10;
	vm6 =	vgt.f32 v2, v1;
	v1 =	vmax.f32 v1, v2;
	v2 =	vld.idx.msk [tilespmem:v5+s5+$0x0], $0xffff  }
0xef: {  	v13 =	vadd.s32 $0x6A, v20;
	[tilespmem:$0x1FAA0] =	vst v10;
	v10 =	vadd.s32 s22, v49  }
0xf0: {  	[tilespmem:$0x1FAB0] =	vst v49;
	v49 =	vadd.s32 $0x69, v20;
	v0 =	vsel vm6, v12, v0;
	v63 =	vld.idx.msk [tilespmem:v4+s5+$0x0], $0xffff;
	v12 =	vadd.s32 $0x68, v20  }
0xf1: {  	vm7 =	vgt.f32 v9, v1;
	v1 =	vmax.f32 v1, v9;
	[tilespmem:$0x1FAC0] =	vst v12;
	v12 =	vadd.s32 s22, v12  }
0xf2: {  	v0 =	vsel vm7, v6, v0;
	v6 =	vld.idx.msk [tilespmem:v11+s5+$0x0], $0xffff;
	vm8 =	vgt.f32 v3, v1;
	v1 =	vmax.f32 v1, v3  }
0xf3: {  	v0 =	vsel vm8, v8, v0;
	v3 =	vld.idx.msk [tilespmem:v7+s5+$0x0], $0xffff;
	v8 =	vadd.s32 s22, v49;
	vm9 =	vgt.f32 v2, v1  }
0xf4: {  	v1 =	vmax.f32 v1, v2;
	v2 =	vadd.s32 s22, v13;
	v0 =	vsel vm9, v5, v0  }
0xf5: {  	vm10 =	vgt.f32 v63, v1;
	v1 =	vmax.f32 v1, v63;
	v5 =	vld.idx.msk [tilespmem:v10+s5+$0x0], $0xffff;
	v63 =	vadd.s32 $0x6B, v20  }
0xf6: {  	[tilespmem:$0x1FAD0] =	vst v49;
	v49 =	vadd.s32 $0x6C, v20;
	v0 =	vsel vm10, v4, v0;
	v4 =	vld.idx.msk [tilespmem:v12+s5+$0x0], $0xffff;
	v9 =	vadd.s32 s22, v63  }
0xf7: {  	[tilespmem:$0x1FAE0] =	vst v13;
	v13 =	vadd.s32 $0x6D, v20;
	vm11 =	vgt.f32 v6, v1;
	v1 =	vmax.f32 v1, v6  }
0xf8: {  	[tilespmem:$0x1FAF0] =	vst v63;
	v0 =	vsel vm11, v11, v0;
	v11 =	vadd.s32 s22, v49;
	vm12 =	vgt.f32 v3, v1;
	v63 =	vld.idx.msk [tilespmem:v8+s5+$0x0], $0xffff  }
0xf9: {  	v1 =	vmax.f32 v1, v3;
	v0 =	vsel vm12, v7, v0;
	v3 =	vld.idx.msk [tilespmem:v2+s5+$0x0], $0xffff;
	v7 =	vadd.s32 s22, v13  }
0xfa: {  	[tilespmem:$0x1FB10] =	vst v13;
	v13 =	vadd.s32 $0x6E, v20;
	vm13 =	vgt.f32 v5, v1;
	v1 =	vmax.f32 v1, v5  }
0xfb: {  	v0 =	vsel vm13, v10, v0;
	vm14 =	vgt.f32 v4, v1;
	v5 =	vld.idx.msk [tilespmem:v9+s5+$0x0], $0xffff;
	v10 =	vadd.s32 s22, v13  }
0xfc: {  	v1 =	vmax.f32 v1, v4;
	v0 =	vsel vm14, v12, v0;
	v12 =	vadd.s32 $0x6F, v20  }
0xfd: {  	[tilespmem:$0x1FB00] =	vst v49;
	v49 =	vld.idx.msk [tilespmem:v11+s5+$0x0], $0xffff;
	vm15 =	vgt.f32 v63, v1;
	v1 =	vmax.f32 v1, v63;
	v6 =	vadd.s32 s22, v12  }
0xfe: {  	[tilespmem:$0x1FB30] =	vst v12;
	v12 =	vadd.s32 $0x70, v20;
	v0 =	vsel vm15, v8, v0;
	vm4 =	vgt.f32 v3, v1  }
0xff: {  	v63 =	vld.idx.msk [tilespmem:v7+s5+$0x0], $0xffff;
	v1 =	vmax.f32 v1, v3;
	[tilespmem:$0x1FB40] =	vst v12;
	v3 =	vadd.s32 s22, v12;
	v12 =	vadd.s32 $0x71, v20  }
0x100: {  	v0 =	vsel vm4, v2, v0;
	[tilespmem:$0x1FB50] =	vst v12;
	v12 =	vadd.s32 s22, v12;
	vm5 =	vgt.f32 v5, v1  }
0x101: {  	v2 =	vld.idx.msk [tilespmem:v10+s5+$0x0], $0xffff;
	v1 =	vmax.f32 v1, v5;
	v0 =	vsel vm5, v9, v0;
	v9 =	vadd.s32 $0x72, v20  }
0x102: {  	v14 =	vadd.s32 $0x89, v20;
	vm6 =	vgt.f32 v49, v1;
	v5 =	vadd.s32 s22, v9  }
0x103: {  	v1 =	vmax.f32 v1, v49;
	v49 =	vadd.s32 $0x73, v20;
	v4 =	vld.idx.msk [tilespmem:v6+s5+$0x0], $0xffff;
	[tilespmem:$0x1FB60] =	vst v9;
	v0 =	vsel vm6, v11, v0  }
0x104: {  	[tilespmem:$0x1FB70] =	vst v49;
	v9 =	vadd.s32 s22, v49;
	v49 =	vadd.s32 $0x76, v20;
	vm7 =	vgt.f32 v63, v1;
	v8 =	vld.idx.msk [tilespmem:v3+s5+$0x0], $0xffff  }
0x105: {  	v1 =	vmax.f32 v1, v63;
	v63 =	vadd.s32 $0x74, v20;
	v0 =	vsel vm7, v7, v0  }
0x106: {  	v7 =	vld.idx.msk [tilespmem:v12+s5+$0x0], $0xffff;
	[tilespmem:$0x1FB80] =	vst v63;
	v11 =	vadd.s32 s22, v63;
	v63 =	vadd.s32 $0x77, v20;
	vm8 =	vgt.f32 v2, v1  }
0x107: {  	v1 =	vmax.f32 v1, v2;
	v0 =	vsel vm8, v10, v0;
	v10 =	vadd.s32 $0x75, v20;
	v2 =	vld.idx.msk [tilespmem:v5+s5+$0x0], $0xffff  }
0x108: {  	vm9 =	vgt.f32 v4, v1;
	v1 =	vmax.f32 v1, v4;
	v4 =	vadd.s32 s22, v10  }
0x109: {  	v0 =	vsel vm9, v6, v0;
	vm10 =	vgt.f32 v8, v1;
	v1 =	vmax.f32 v1, v8;
	v6 =	vld.idx.msk [tilespmem:v9+s5+$0x0], $0xffff  }
0x10a: {  	[tilespmem:$0x1FBA0] =	vst v49;
	v8 =	vadd.s32 s22, v49;
	v49 =	vadd.s32 $0x78, v20;
	v0 =	vsel vm10, v3, v0  }
0x10b: {  	vm11 =	vgt.f32 v7, v1;
	v3 =	vld.idx.msk [tilespmem:v11+s5+$0x0], $0xffff;
	v1 =	vmax.f32 v1, v7;
	v7 =	vadd.s32 s22, v63  }
0x10c: {  	[tilespmem:$0x1FBB0] =	vst v63;
	v63 =	vadd.s32 $0x79, v20;
	v0 =	vsel vm11, v12, v0;
	vm12 =	vgt.f32 v2, v1  }
0x10d: {  	[tilespmem:$0x1FB20] =	vst v13;
	v1 =	vmax.f32 v1, v2;
	v2 =	vld.idx.msk [tilespmem:v4+s5+$0x0], $0xffff;
	v0 =	vsel vm12, v5, v0;
	v5 =	vadd.s32 s22, v49  }
0x10e: {  	[tilespmem:$0x1FB90] =	vst v10;
	v10 =	vadd.s32 s22, v63;
	v12 =	vadd.s32 $0x7B, v20;
	vm13 =	vgt.f32 v6, v1  }
0x10f: {  	[tilespmem:$0x1FBC0] =	vst v49;
	v1 =	vmax.f32 v1, v6;
	v6 =	vld.idx.msk [tilespmem:v8+s5+$0x0], $0xffff;
	v49 =	vadd.s32 $0x7A, v20;
	v0 =	vsel vm13, v9, v0  }
0x110: {  	[tilespmem:$0x1FBD0] =	vst v63;
	vm14 =	vgt.f32 v3, v1;
	v1 =	vmax.f32 v1, v3;
	v3 =	vld.idx.msk [tilespmem:v7+s5+$0x0], $0xffff;
	v9 =	vadd.s32 s22, v49  }
0x111: {  	[tilespmem:$0x1FBF0] =	vst v12;
	v0 =	vsel vm14, v11, v0;
	v11 =	vadd.s32 s22, v12;
	v12 =	vadd.s32 $0x7C, v20  }
0x112: {  	[tilespmem:$0x1FC00] =	vst v12;
	v12 =	vadd.s32 s22, v12;
	vm15 =	vgt.f32 v2, v1;
	v1 =	vmax.f32 v1, v2;
	v2 =	vld.idx.msk [tilespmem:v5+s5+$0x0], $0xffff  }
0x113: {  	v13 =	vadd.s32 $0x7D, v20;
	[tilespmem:$0x1FBE0] =	vst v49;
	v49 =	vadd.s32 $0x7F, v20;
	v63 =	vld.idx.msk [tilespmem:v10+s5+$0x0], $0xffff;
	v0 =	vsel vm15, v4, v0  }
0x114: {  	vm4 =	vgt.f32 v6, v1;
	v1 =	vmax.f32 v1, v6;
	v6 =	vadd.s32 s22, v13  }
0x115: {  	[tilespmem:$0x1FC10] =	vst v13;
	v13 =	vadd.s32 $0x7E, v20;
	v0 =	vsel vm4, v8, v0;
	vm5 =	vgt.f32 v3, v1;
	v8 =	vld.idx.msk [tilespmem:v9+s5+$0x0], $0xffff  }
0x116: {  	[tilespmem:$0x1FC20] =	vst v13;
	v13 =	vadd.s32 s22, v13;
	v1 =	vmax.f32 v1, v3;
	v0 =	vsel vm5, v7, v0;
	v3 =	vld.idx.msk [tilespmem:v11+s5+$0x0], $0xffff  }
0x117: {  	v7 =	vadd.s32 s22, v49;
	vm6 =	vgt.f32 v2, v1;
	v1 =	vmax.f32 v1, v2;
	v2 =	vld.idx.msk [tilespmem:v12+s5+$0x0], $0xffff  }
0x118: {  	[tilespmem:$0x1FC30] =	vst v49;
	v49 =	vadd.s32 $0x81, v20;
	v0 =	vsel vm6, v5, v0;
	vm7 =	vgt.f32 v63, v1  }
0x119: {  	v4 =	vld.idx.msk [tilespmem:v6+s5+$0x0], $0xffff;
	v1 =	vmax.f32 v1, v63;
	v63 =	vadd.s32 $0x80, v20;
	v0 =	vsel vm7, v10, v0  }
0x11a: {  	vm8 =	vgt.f32 v8, v1;
	v1 =	vmax.f32 v1, v8;
	v8 =	vadd.s32 s22, v63  }
0x11b: {  	v5 =	vld.idx.msk [tilespmem:v13+s5+$0x0], $0xffff;
	v0 =	vsel vm8, v9, v0;
	vm9 =	vgt.f32 v3, v1;
	v1 =	vmax.f32 v1, v3  }
0x11c: {  	[tilespmem:$0x1FC40] =	vst v63;
	v63 =	vadd.s32 $0x82, v20;
	v0 =	vsel vm9, v11, v0;
	vm10 =	vgt.f32 v2, v1  }
0x11d: {  	[tilespmem:$0x1FC50] =	vst v49;
	v3 =	vld.idx.msk [tilespmem:v7+s5+$0x0], $0xffff;
	v1 =	vmax.f32 v1, v2;
	v2 =	vadd.s32 s22, v49;
	v49 =	vadd.s32 $0x83, v20  }
0x11e: {  	v0 =	vsel vm10, v12, v0;
	vm11 =	vgt.f32 v4, v1;
	v1 =	vmax.f32 v1, v4  }
0x11f: {  	[tilespmem:$0x1FCD0] =	vst v14;
	v12 =	vadd.s32 $0x87, v20;
	v0 =	vsel vm11, v6, v0;
	v4 =	vld.idx.msk [tilespmem:v8+s5+$0x0], $0xffff;
	v6 =	vadd.s32 s22, v63  }
0x120: {  	[tilespmem:$0x1FC60] =	vst v63;
	vm12 =	vgt.f32 v5, v1;
	v1 =	vmax.f32 v1, v5;
	v5 =	vadd.s32 s22, v49  }
0x121: {  	[tilespmem:$0x1FC70] =	vst v49;
	v63 =	vadd.s32 $0x84, v20;
	v49 =	vadd.s32 $0x85, v20;
	v0 =	vsel vm12, v13, v0  }
0x122: {  	[tilespmem:$0x1FCB0] =	vst v12;
	vm13 =	vgt.f32 v3, v1;
	v1 =	vmax.f32 v1, v3;
	v9 =	vadd.s32 s22, v63;
	v3 =	vld.idx.msk [tilespmem:v2+s5+$0x0], $0xffff  }
0x123: {  	[tilespmem:$0x1FC80] =	vst v63;
	v63 =	vadd.s32 $0x86, v20;
	v0 =	vsel vm13, v7, v0;
	v7 =	vadd.s32 s22, v49  }
0x124: {  	[tilespmem:$0x1FC90] =	vst v49;
	v11 =	vadd.s32 s22, v63;
	vm14 =	vgt.f32 v4, v1;
	v49 =	vld.idx.msk [tilespmem:v6+s5+$0x0], $0xffff  }
0x125: {  	[tilespmem:$0x1FCA0] =	vst v63;
	v1 =	vmax.f32 v1, v4;
	v4 =	vadd.s32 s22, v12;
	v12 =	vadd.s32 $0x88, v20  }
0x126: {  	v18 =	vadd.s32 $0x8A, v20;
	v14 =	vadd.s32 s22, v14;
	v63 =	vld.idx.msk [tilespmem:v5+s5+$0x0], $0xffff;
	[tilespmem:$0x1FCC0] =	vst v12;
	v12 =	vadd.s32 s22, v12  }
0x127: {  	v0 =	vsel vm14, v8, v0;
	v13 =	vld.idx.msk [tilespmem:v9+s5+$0x0], $0xffff;
	vm15 =	vgt.f32 v3, v1;
	v1 =	vmax.f32 v1, v3  }
0x128: {  	[tilespmem:$0x1FCE0] =	vst v18;
	v3 =	vadd.s32 s22, v18;
	v18 =	vadd.s32 $0x8B, v20;
	v0 =	vsel vm15, v2, v0;
	v2 =	vld.idx.msk [tilespmem:v7+s5+$0x0], $0xffff  }
0x129: {  	v10 =	vld.idx.msk [tilespmem:v11+s5+$0x0], $0xffff;
	[tilespmem:$0x1FCF0] =	vst v18;
	v18 =	vadd.s32 s22, v18;
	vm4 =	vgt.f32 v49, v1  }
0x12a: {  	v1 =	vmax.f32 v1, v49;
	v49 =	vadd.s32 $0x8C, v20;
	v0 =	vsel vm4, v6, v0;
	v6 =	vld.idx.msk [tilespmem:v4+s5+$0x0], $0xffff  }
0x12b: {  	vm5 =	vgt.f32 v63, v1;
	v1 =	vmax.f32 v1, v63;
	v63 =	vld.idx.msk [tilespmem:v12+s5+$0x0], $0xffff;
	[tilespmem:$0x1FD00] =	vst v49;
	v49 =	vadd.s32 s22, v49  }
0x12c: {  	v0 =	vsel vm5, v5, v0;
	vm6 =	vgt.f32 v13, v1;
	v1 =	vmax.f32 v1, v13;
	v5 =	vld.idx.msk [tilespmem:v14+s5+$0x0], $0xffff  }
0x12d: {  	v0 =	vsel vm6, v9, v0;
	vm7 =	vgt.f32 v2, v1;
	v1 =	vmax.f32 v1, v2  }
0x12e: {  	v2 =	vld.idx.msk [tilespmem:v3+s5+$0x0], $0xffff;
	v0 =	vsel vm7, v7, v0;
	vm8 =	vgt.f32 v10, v1;
	v1 =	vmax.f32 v1, v10  }
0x12f: {  	v0 =	vsel vm8, v11, v0;
	vm9 =	vgt.f32 v6, v1;
	v1 =	vmax.f32 v1, v6;
	v11 =	vld.idx.msk [tilespmem:v18+s5+$0x0], $0xffff  }
0x130: {  	v0 =	vsel vm9, v4, v0;
	vm10 =	vgt.f32 v63, v1;
	v1 =	vmax.f32 v1, v63;
	v63 =	vld.idx.msk [tilespmem:v49+s5+$0x0], $0xffff  }
0x131: {  	v0 =	vsel vm10, v12, v0;
	vm11 =	vgt.f32 v5, v1  }
0x132: {  	v1 =	vmax.f32 v1, v5;
	v0 =	vsel vm11, v14, v0  }
0x133: {  	vm12 =	vgt.f32 v2, v1;
	v1 =	vmax.f32 v1, v2;
	v2 =	vadd.s32 s23, v19  }
0x134: {  	v0 =	vsel vm12, v3, v0;
	vm13 =	vgt.f32 v11, v1;
	v1 =	vmax.f32 v1, v11  }
0x135: {  	vm1 =	vgt.f32 v63, v1;
	v0 =	vsel vm13, v18, v0  }
0x136: {  	v0 =	vsel vm1, v49, v0  }
0x137: {  	v0 =	vsub.s32 v0, v16  }
0x138: {  	[tilespmem:s25+$0x0] =	vst v0  }
0x139: {  	v1 =	vld.idx.msk [tilespmem:v2+s14+$0x0], $0xffff;
	_ =	sdelay $0x2  }
0x13a: {  	p0 =	sne.s32 s23, $0xFF  }
.Ltmp0:
0x13b: {  	_ = 	snop;
	(pc) =	sbr.rel @p0 .LBB2_3-.Ltmp0, $4  }
0x13c: {  	vm15 =	vne.s32 v0, $0x8C;
	vm14 =	vne.s32 v0, v1  }
0x13d: {  	v1 =	vimm.s32 $0x0;
	vm0 =	vmand vm14, vm15  }
0x13e: {  	s22 =	sadd.s32 $0x8D0, s22;
	v1 =	vsel vm0, $0x1, v1  }
0x13f: {  	s23 =	sadd.s32 $0x10, s23;
	s25 =	sadd.s32 $0x10, s25;
	[tilespmem:s24+$0x0] =	vst v1;
	s24 =	sadd.s32 $0x10, s24  }
0x140: {  	s22 =	sshll.u32 s20, $0x9  }
0x141: {  	s22 =	sadd.s32 s8, s22  }
0x142: {  	s22 =	sshrl.u32 s22, $0x3  }
0x143: {  	s23 =	sadd.s32 s0, s22  }
0x144: {  	[hbm4b:s23+s5] =	stream.linear.scatter [tilespmem:s15], [sflag:$0x3], $0x100, $0x38;
	[tilespmem:$0x11C80] =	vst v63  }
0x145: {  	_ =	swait.ge [sflag:s16], $0x100  }
0x146: {  	[sflag:s16] =	ssyncset.done $0x0  }
0x147: {  	p0 =	seq.s32 s20, $0x3;
	s22 =	sadd.s32 s3, s22;
	[sflag:s16] =	ssyncadd.s32 $0xFFFFFF00  }
0x148: {  	[hbm4b:s22+s5] =	stream.linear.scatter [tilespmem:s17], [sflag:$0x3], $0x100, $0x38;
	[tilespmem:$0x11C80] =	vst v63  }
0x149: {  	s22 =	smul.u32 @!p0 $0x11A00, s20;
	_ =	sdelay $0x1  }
0x14a: {  	_ =	swait.ge [sflag:s16], $0x100;
	s22 =	sadd.s32 @!p0 s22, s10  }
0x14b: {  	s30 =	simm.s32 $0x0;
	[sflag:s16] =	ssyncset.done $0x0;
	s22 =	sshrl.u32 @!p0 s22, $0x3  }
0x14c: {  	s24 =	simm.s32 @!p0 $0x0;
	[sflag:s16] =	ssyncadd.s32 $0xFFFFFF00;
	s23 =	sadd.s32 @!p0 s7, s22  }
0x14d: {  	v16 =	vadd.s32 s30, v20;
	[tilespmem:s24], [sflag:$0x1] =	stream.linear.gather @!p0 [hbm4b:s23+s24], $0x8D00, $0x38;
	[tilespmem:$0x11C80] =	vst v63  }
0x14e: {  	v1 =	vadd.s32 s30, v21;
	_ =	swait.ge [sflag:s18], $0x8D00  }
0x14f: {  	v2 =	vadd.s32 s30, v22;
	[sflag:s18] =	ssyncset.done $0x0  }
0x150: {  	v3 =	vadd.s32 s30, v23;
	v11 =	vld [tilespmem:$0x1FCE0];
	[sflag:s18] =	ssyncadd.s32 $0xFFFF7300  }
0x151: {  	v12 =	vld [tilespmem:$0x1FCA0];
	[tilespmem:$0x11A00] =	vst v0  }
0x152: {  	v0 =	vadd.s32 s30, v27;
	v4 =	vld.idx.msk [tilespmem:v16+s12+$0x0], $0xffff  }
0x153: {  	v5 =	vadd.s32 s30, v26;
	v6 =	vld.idx.msk [tilespmem:v1+s12+$0x0], $0xffff  }
0x154: {  	v7 =	vadd.s32 s30, v25;
	v8 =	vld.idx.msk [tilespmem:v2+s12+$0x0], $0xffff  }
0x155: {  	v10 =	vld.idx.msk [tilespmem:v3+s12+$0x0], $0xffff  }
0x156: {  	v9 =	vadd.s32 s30, v46  }
0x157: {  	v13 =	vadd.s32 s30, v32;
	v18 =	vadd.s32 s30, v12;
	v12 =	vadd.s32 s30, v50;
	v63 =	vld.idx.msk [tilespmem:v0+s12+$0x0], $0xffff  }
0x158: {  	v14 =	vld.idx.msk [tilespmem:v5+s12+$0x0], $0xffff;
	vm0 =	vgt.f32 v6, v4;
	v4 =	vmax.f32 v4, v6;
	v6 =	vadd.s32 s30, v33  }
0x159: {  	v1 =	vsel vm0, v1, v16;
	vm0 =	vgt.f32 v8, v4;
	v4 =	vmax.f32 v4, v8;
	v8 =	vld.idx.msk [tilespmem:v7+s12+$0x0], $0xffff  }
0x15a: {  	v49 =	vadd.s32 s30, v11;
	v1 =	vsel vm0, v2, v1;
	vm0 =	vgt.f32 v10, v4  }
0x15b: {  	v2 =	vld.idx.msk [tilespmem:v9+s12+$0x0], $0xffff;
	v4 =	vmax.f32 v4, v10;
	v10 =	vadd.s32 s30, v53;
	v1 =	vsel vm0, v3, v1  }
0x15c: {  	v11 =	vld.idx.msk [tilespmem:v12+s12+$0x0], $0xffff;
	v3 =	vadd.s32 s30, v35;
	vm0 =	vgt.f32 v63, v4;
	v4 =	vmax.f32 v4, v63  }
0x15d: {  	v0 =	vsel vm0, v0, v1;
	vm0 =	vgt.f32 v14, v4;
	v4 =	vmax.f32 v4, v14;
	v14 =	vld.idx.msk [tilespmem:v13+s12+$0x0], $0xffff  }
0x15e: {  	v1 =	vadd.s32 s30, v36;
	v63 =	vld.idx.msk [tilespmem:v6+s12+$0x0], $0xffff;
	v0 =	vsel vm0, v5, v0;
	vm0 =	vgt.f32 v8, v4  }
0x15f: {  	v4 =	vmax.f32 v4, v8;
	v8 =	vadd.s32 s30, v54;
	v0 =	vsel vm0, v7, v0  }
0x160: {  	vm0 =	vgt.f32 v2, v4;
	v7 =	vadd.s32 s30, v41;
	v2 =	vmax.f32 v4, v2  }
0x161: {  	v0 =	vsel vm0, v9, v0;
	vm0 =	vgt.f32 v11, v2;
	v2 =	vmax.f32 v2, v11  }
0x162: {  	v0 =	vsel vm0, v12, v0;
	vm0 =	vgt.f32 v14, v2;
	v2 =	vmax.f32 v2, v14  }
0x163: {  	v0 =	vsel vm0, v13, v0;
	vm0 =	vgt.f32 v63, v2;
	v2 =	vmax.f32 v2, v63;
	v63 =	vld [tilespmem:$0x1FD10]  }
0x164: {  	v4 =	vld.idx.msk [tilespmem:v10+s12+$0x0], $0xffff  }
0x165: {  	v11 =	vld.idx.msk [tilespmem:v3+s12+$0x0], $0xffff  }
0x166: {  	v12 =	vld.idx.msk [tilespmem:v1+s12+$0x0], $0xffff  }
0x167: {  	v5 =	vld.idx.msk [tilespmem:v8+s12+$0x0], $0xffff  }
0x168: {  	v0 =	vsel vm0, v6, v0;
	v6 =	vadd.s32 s30, v63;
	v63 =	vld.idx.msk [tilespmem:v7+s12+$0x0], $0xffff  }
0x169: {  	v9 =	vadd.s32 s30, v43;
	vm0 =	vgt.f32 v4, v2;
	v2 =	vmax.f32 v2, v4  }
0x16a: {  	v0 =	vsel vm0, v10, v0;
	vm0 =	vgt.f32 v11, v2;
	v2 =	vmax.f32 v2, v11  }
0x16b: {  	v0 =	vsel vm0, v3, v0;
	vm0 =	vgt.f32 v12, v2;
	v2 =	vmax.f32 v2, v12  }
0x16c: {  	v0 =	vsel vm0, v1, v0;
	vm0 =	vgt.f32 v5, v2;
	v2 =	vmax.f32 v2, v5  }
0x16d: {  	v0 =	vsel vm0, v8, v0;
	vm0 =	vgt.f32 v63, v2;
	v2 =	vmax.f32 v2, v63;
	v63 =	vld [tilespmem:$0x1FD20];
	_ =	sdelay $0x2  }
0x16e: {  	v14 =	vadd.s32 s30, v15  }
0x16f: {  	v13 =	vadd.s32 s30, v30;
	v10 =	vld.idx.msk [tilespmem:v9+s12+$0x0], $0xffff  }
0x170: {  	v0 =	vsel vm0, v7, v0;
	v7 =	vadd.s32 s30, v63;
	v63 =	vld [tilespmem:$0x1FD30];
	_ =	sdelay $0x2  }
0x171: {  	v12 =	vld.idx.msk [tilespmem:v14+s12+$0x0], $0xffff  }
0x172: {  	v5 =	vld.idx.msk [tilespmem:v13+s12+$0x0], $0xffff;
	vm0 =	vgt.f32 v10, v2  }
0x173: {  	v0 =	vsel vm0, v9, v0;
	v9 =	vadd.s32 s30, v63;
	v63 =	vld [tilespmem:$0x1FD40]  }
0x174: {  	v11 =	vadd.s32 s30, v60  }
0x175: {  	v3 =	vadd.s32 s30, v40;
	v2 =	vmax.f32 v2, v10  }
0x176: {  	v1 =	vadd.s32 s30, v42;
	vm0 =	vgt.f32 v12, v2  }
0x177: {  	v4 =	vadd.s32 s30, v24;
	v8 =	vld.idx.msk [tilespmem:v6+s12+$0x0], $0xffff;
	v2 =	vmax.f32 v2, v12;
	v0 =	vsel vm0, v14, v0  }
0x178: {  	vm0 =	vgt.f32 v5, v2;
	v2 =	vmax.f32 v2, v5;
	v5 =	vadd.s32 s30, v63;
	v63 =	vld [tilespmem:$0x1FD50]  }
0x179: {  	v10 =	vld.idx.msk [tilespmem:v11+s12+$0x0], $0xffff  }
0x17a: {  	v12 =	vld.idx.msk [tilespmem:v3+s12+$0x0], $0xffff  }
0x17b: {  	v14 =	vld.idx.msk [tilespmem:v1+s12+$0x0], $0xffff  }
0x17c: {  	v0 =	vsel vm0, v13, v0;
	vm0 =	vgt.f32 v8, v2;
	v2 =	vmax.f32 v2, v8;
	v8 =	vld.idx.msk [tilespmem:v4+s12+$0x0], $0xffff  }
0x17d: {  	v0 =	vsel vm0, v6, v0;
	v6 =	vadd.s32 s30, v63;
	v63 =	vld.idx.msk [tilespmem:v7+s12+$0x0], $0xffff  }
0x17e: {  	vm0 =	vgt.f32 v10, v2;
	v2 =	vmax.f32 v2, v10  }
0x17f: {  	v0 =	vsel vm0, v11, v0;
	vm0 =	vgt.f32 v12, v2;
	v2 =	vmax.f32 v2, v12  }
0x180: {  	v0 =	vsel vm0, v3, v0;
	vm0 =	vgt.f32 v14, v2;
	v2 =	vmax.f32 v2, v14  }
0x181: {  	v0 =	vsel vm0, v1, v0;
	vm0 =	vgt.f32 v8, v2;
	v2 =	vmax.f32 v2, v8  }
0x182: {  	v0 =	vsel vm0, v4, v0;
	vm0 =	vgt.f32 v63, v2;
	v2 =	vmax.f32 v2, v63;
	v63 =	vld [tilespmem:$0x1FD70];
	_ =	sdelay $0x3  }
0x183: {  	v12 =	vld [tilespmem:$0x1FD60]  }
0x184: {  	v10 =	vadd.s32 s30, v63;
	v63 =	vld [tilespmem:$0x1FD80]  }
0x185: {  	v13 =	vadd.s32 s30, v45;
	_ =	sdelay $0x1  }
0x186: {  	v11 =	vld.idx.msk [tilespmem:v9+s12+$0x0], $0xffff  }
0x187: {  	v12 =	vadd.s32 s30, v12;
	v14 =	vld.idx.msk [tilespmem:v5+s12+$0x0], $0xffff  }
0x188: {  	v3 =	vadd.s32 s30, v31;
	v0 =	vsel vm0, v7, v0;
	v7 =	vadd.s32 s30, v63;
	v63 =	vld [tilespmem:$0x1FD90]  }
0x189: {  	v1 =	vadd.s32 s30, v58;
	v8 =	vld.idx.msk [tilespmem:v13+s12+$0x0], $0xffff  }
0x18a: {  	v4 =	vld.idx.msk [tilespmem:v6+s12+$0x0], $0xffff  }
0x18b: {  	vm0 =	vgt.f32 v11, v2;
	v2 =	vmax.f32 v2, v11  }
0x18c: {  	v11 =	vld.idx.msk [tilespmem:v12+s12+$0x0], $0xffff;
	v0 =	vsel vm0, v9, v0;
	vm0 =	vgt.f32 v14, v2  }
0x18d: {  	v2 =	vmax.f32 v2, v14;
	v14 =	vld.idx.msk [tilespmem:v3+s12+$0x0], $0xffff;
	v0 =	vsel vm0, v5, v0;
	v9 =	vadd.s32 s30, v63  }
0x18e: {  	v5 =	vld.idx.msk [tilespmem:v1+s12+$0x0], $0xffff;
	vm0 =	vgt.f32 v8, v2;
	v2 =	vmax.f32 v2, v8;
	v8 =	vadd.s32 s30, v38  }
0x18f: {  	v0 =	vsel vm0, v13, v0;
	v13 =	vadd.s32 s30, v29;
	vm0 =	vgt.f32 v4, v2  }
0x190: {  	v2 =	vmax.f32 v2, v4;
	v0 =	vsel vm0, v6, v0;
	v6 =	vadd.s32 s30, v28;
	v4 =	vld.idx.msk [tilespmem:v10+s12+$0x0], $0xffff  }
0x191: {  	vm0 =	vgt.f32 v11, v2;
	v2 =	vmax.f32 v2, v11;
	v11 =	vadd.s32 s30, v17;
	v63 =	vld.idx.msk [tilespmem:v7+s12+$0x0], $0xffff  }
0x192: {  	v0 =	vsel vm0, v12, v0;
	vm0 =	vgt.f32 v14, v2;
	v2 =	vmax.f32 v2, v14;
	v12 =	vld.idx.msk [tilespmem:v9+s12+$0x0], $0xffff  }
0x193: {  	v14 =	vadd.s32 s30, v34;
	v0 =	vsel vm0, v3, v0;
	vm0 =	vgt.f32 v5, v2  }
0x194: {  	v3 =	vadd.s32 s30, v39;
	v2 =	vmax.f32 v2, v5;
	v34 =	vld.idx.msk [tilespmem:v8+s12+$0x0], $0xffff;
	v0 =	vsel vm0, v1, v0  }
0x195: {  	v1 =	vadd.s32 s30, v47;
	v39 =	vld.idx.msk [tilespmem:v13+s12+$0x0], $0xffff;
	vm0 =	vgt.f32 v4, v2;
	v2 =	vmax.f32 v2, v4  }
0x196: {  	v47 =	vld.idx.msk [tilespmem:v6+s12+$0x0], $0xffff;
	v0 =	vsel vm0, v10, v0;
	vm0 =	vgt.f32 v63, v2;
	v2 =	vmax.f32 v2, v63  }
0x197: {  	v5 =	vadd.s32 s30, v44;
	v0 =	vsel vm0, v7, v0;
	vm0 =	vgt.f32 v12, v2  }
0x198: {  	v7 =	vadd.s32 s30, v52;
	v2 =	vmax.f32 v2, v12;
	v12 =	vld.idx.msk [tilespmem:v14+s12+$0x0], $0xffff;
	v0 =	vsel vm0, v9, v0  }
0x199: {  	v63 =	vld.idx.msk [tilespmem:v3+s12+$0x0], $0xffff;
	v9 =	vadd.s32 s30, v55;
	vm0 =	vgt.f32 v34, v2;
	v2 =	vmax.f32 v2, v34  }
0x19a: {  	v34 =	vld.idx.msk [tilespmem:v1+s12+$0x0], $0xffff;
	v0 =	vsel vm0, v8, v0;
	vm0 =	vgt.f32 v39, v2;
	v2 =	vmax.f32 v2, v39  }
0x19b: {  	v4 =	vadd.s32 s30, v56;
	v0 =	vsel vm0, v13, v0;
	vm0 =	vgt.f32 v47, v2  }
0x19c: {  	v39 =	vld.idx.msk [tilespmem:v11+s12+$0x0], $0xffff;
	v13 =	vadd.s32 s30, v57;
	v2 =	vmax.f32 v2, v47;
	v0 =	vsel vm0, v6, v0  }
0x19d: {  	v6 =	vadd.s32 s30, v48;
	vm0 =	vgt.f32 v12, v2;
	v2 =	vmax.f32 v2, v12;
	v12 =	vld.idx.msk [tilespmem:v7+s12+$0x0], $0xffff  }
0x19e: {  	v0 =	vsel vm0, v14, v0;
	v14 =	vld.idx.msk [tilespmem:v9+s12+$0x0], $0xffff;
	vm0 =	vgt.f32 v63, v2;
	v2 =	vmax.f32 v2, v63  }
0x19f: {  	v0 =	vsel vm0, v3, v0;
	vm0 =	vgt.f32 v34, v2;
	v3 =	vadd.s32 s30, v62  }
0x1a0: {  	v47 =	vld.idx.msk [tilespmem:v4+s12+$0x0], $0xffff;
	v2 =	vmax.f32 v2, v34;
	v0 =	vsel vm0, v1, v0  }
0x1a1: {  	v1 =	vadd.s32 s30, v61;
	vm0 =	vgt.f32 v39, v2;
	v2 =	vmax.f32 v2, v39;
	v63 =	vld.idx.msk [tilespmem:v13+s12+$0x0], $0xffff  }
0x1a2: {  	v0 =	vsel vm0, v11, v0;
	v34 =	vld.idx.msk [tilespmem:v6+s12+$0x0], $0xffff;
	vm0 =	vgt.f32 v12, v2;
	v2 =	vmax.f32 v2, v12  }
0x1a3: {  	v0 =	vsel vm0, v7, v0;
	vm0 =	vgt.f32 v14, v2;
	v2 =	vmax.f32 v2, v14;
	v14 =	vld.idx.msk [tilespmem:v5+s12+$0x0], $0xffff  }
0x1a4: {  	v12 =	vadd.s32 s30, v51;
	v7 =	vadd.s32 s30, v59;
	v39 =	vld.idx.msk [tilespmem:v3+s12+$0x0], $0xffff  }
0x1a5: {  	v0 =	vsel vm0, v9, v0;
	vm0 =	vgt.f32 v47, v2;
	v2 =	vmax.f32 v2, v47;
	v47 =	vld [tilespmem:$0x1FEE0]  }
0x1a6: {  	v9 =	vadd.s32 s30, v37;
	v0 =	vsel vm0, v4, v0;
	v4 =	vld.idx.msk [tilespmem:v1+s12+$0x0], $0xffff;
	vm0 =	vgt.f32 v63, v2  }
0x1a7: {  	v2 =	vmax.f32 v2, v63;
	v0 =	vsel vm0, v13, v0;
	v13 =	vld [tilespmem:$0x1FEF0]  }
0x1a8: {  	vm0 =	vgt.f32 v34, v2;
	v2 =	vmax.f32 v2, v34;
	v34 =	vld [tilespmem:$0x1FF00]  }
0x1a9: {  	v63 =	vld.idx.msk [tilespmem:v12+s12+$0x0], $0xffff  }
0x1aa: {  	v0 =	vsel vm0, v6, v0;
	vm0 =	vgt.f32 v14, v2;
	v2 =	vmax.f32 v2, v14;
	v14 =	vld.idx.msk [tilespmem:v7+s12+$0x0], $0xffff  }
0x1ab: {  	v0 =	vsel vm0, v5, v0;
	v5 =	vld.idx.msk [tilespmem:v9+s12+$0x0], $0xffff  }
0x1ac: {  	v10 =	vadd.s32 s30, v47;
	vm0 =	vgt.f32 v39, v2;
	v2 =	vmax.f32 v2, v39;
	v39 =	vld [tilespmem:$0x1FF10]  }
0x1ad: {  	v0 =	vsel vm0, v3, v0;
	vm0 =	vgt.f32 v4, v2;
	v3 =	vld [tilespmem:$0x1FF20]  }
0x1ae: {  	v2 =	vmax.f32 v2, v4;
	v13 =	vadd.s32 s30, v13;
	v0 =	vsel vm0, v1, v0;
	v1 =	vld [tilespmem:$0x1FF30]  }
0x1af: {  	v6 =	vadd.s32 s30, v34;
	v34 =	vld [tilespmem:$0x1FF50];
	vm0 =	vgt.f32 v63, v2;
	v2 =	vmax.f32 v2, v63  }
0x1b0: {  	v0 =	vsel vm0, v12, v0;
	vm0 =	vgt.f32 v14, v2;
	v2 =	vmax.f32 v2, v14;
	v14 =	vld [tilespmem:$0x1FF40]  }
0x1b1: {  	v8 =	vadd.s32 s30, v39;
	v47 =	vld.idx.msk [tilespmem:v10+s12+$0x0], $0xffff  }
0x1b2: {  	v39 =	vld [tilespmem:$0x1FF60];
	v3 =	vadd.s32 s30, v3  }
0x1b3: {  	v1 =	vadd.s32 s30, v1;
	v63 =	vld.idx.msk [tilespmem:v13+s12+$0x0], $0xffff  }
0x1b4: {  	v12 =	vld.idx.msk [tilespmem:v6+s12+$0x0], $0xffff  }
0x1b5: {  	v0 =	vsel vm0, v7, v0;
	vm0 =	vgt.f32 v5, v2;
	v7 =	vadd.s32 s30, v34;
	v34 =	vld [tilespmem:$0x1F840]  }
0x1b6: {  	v2 =	vmax.f32 v2, v5;
	v0 =	vsel vm0, v9, v0;
	v5 =	vld.idx.msk [tilespmem:v8+s12+$0x0], $0xffff  }
0x1b7: {  	v14 =	vadd.s32 s30, v14;
	vm0 =	vgt.f32 v47, v2;
	v2 =	vmax.f32 v2, v47;
	v47 =	vld.idx.msk [tilespmem:v3+s12+$0x0], $0xffff  }
0x1b8: {  	v0 =	vsel vm0, v10, v0;
	v10 =	vld.idx.msk [tilespmem:v1+s12+$0x0], $0xffff  }
0x1b9: {  	vm0 =	vgt.f32 v63, v2;
	v2 =	vmax.f32 v2, v63;
	v63 =	vld [tilespmem:$0x1F820]  }
0x1ba: {  	v9 =	vadd.s32 s30, v39;
	v39 =	vld.idx.msk [tilespmem:v7+s12+$0x0], $0xffff  }
0x1bb: {  	v0 =	vsel vm0, v13, v0;
	vm0 =	vgt.f32 v12, v2;
	v13 =	vld [tilespmem:$0x1F830]  }
0x1bc: {  	v2 =	vmax.f32 v2, v12;
	v12 =	vld.idx.msk [tilespmem:v14+s12+$0x0], $0xffff;
	v0 =	vsel vm0, v6, v0  }
0x1bd: {  	v6 =	vadd.s32 s30, v34;
	v34 =	vld [tilespmem:$0x1F880];
	vm0 =	vgt.f32 v5, v2;
	v2 =	vmax.f32 v2, v5  }
0x1be: {  	v0 =	vsel vm0, v8, v0;
	vm0 =	vgt.f32 v47, v2;
	v2 =	vmax.f32 v2, v47;
	v47 =	vld [tilespmem:$0x1F850]  }
0x1bf: {  	v11 =	vadd.s32 s30, v63;
	v0 =	vsel vm0, v3, v0;
	vm0 =	vgt.f32 v10, v2;
	v3 =	vld [tilespmem:$0x1F860]  }
0x1c0: {  	v2 =	vmax.f32 v2, v10;
	v0 =	vsel vm0, v1, v0;
	v1 =	vld [tilespmem:$0x1F870]  }
0x1c1: {  	v8 =	vld.idx.msk [tilespmem:v9+s12+$0x0], $0xffff;
	v13 =	vadd.s32 s30, v13;
	vm0 =	vgt.f32 v12, v2;
	v2 =	vmax.f32 v2, v12  }
0x1c2: {  	v0 =	vsel vm0, v14, v0;
	vm0 =	vgt.f32 v39, v2;
	v2 =	vmax.f32 v2, v39;
	v39 =	vld [tilespmem:$0x1F890]  }
0x1c3: {  	v14 =	vld.idx.msk [tilespmem:v6+s12+$0x0], $0xffff;
	v4 =	vadd.s32 s30, v47  }
0x1c4: {  	v3 =	vadd.s32 s30, v3;
	v63 =	vld.idx.msk [tilespmem:v11+s12+$0x0], $0xffff  }
0x1c5: {  	v47 =	vld [tilespmem:$0x1F8A0];
	v1 =	vadd.s32 s30, v1  }
0x1c6: {  	v12 =	vld.idx.msk [tilespmem:v13+s12+$0x0], $0xffff  }
0x1c7: {  	v0 =	vsel vm0, v7, v0;
	v7 =	vadd.s32 s30, v39;
	v39 =	vld [tilespmem:$0x1F8D0]  }
0x1c8: {  	v5 =	vadd.s32 s30, v34;
	vm0 =	vgt.f32 v8, v2;
	v2 =	vmax.f32 v2, v8;
	v8 =	vld.idx.msk [tilespmem:v4+s12+$0x0], $0xffff  }
0x1c9: {  	v0 =	vsel vm0, v9, v0;
	vm0 =	vgt.f32 v63, v2;
	v2 =	vmax.f32 v2, v63;
	v63 =	vld.idx.msk [tilespmem:v3+s12+$0x0], $0xffff  }
0x1ca: {  	v9 =	vadd.s32 s30, v47;
	v34 =	vld.idx.msk [tilespmem:v1+s12+$0x0], $0xffff  }
0x1cb: {  	v0 =	vsel vm0, v11, v0;
	vm0 =	vgt.f32 v12, v2;
	v2 =	vmax.f32 v2, v12;
	v12 =	vld [tilespmem:$0x1F8B0]  }
0x1cc: {  	v0 =	vsel vm0, v13, v0;
	v13 =	vld [tilespmem:$0x1F8C0]  }
0x1cd: {  	vm0 =	vgt.f32 v14, v2;
	v2 =	vmax.f32 v2, v14;
	v14 =	vld.idx.msk [tilespmem:v5+s12+$0x0], $0xffff  }
0x1ce: {  	v47 =	vld.idx.msk [tilespmem:v7+s12+$0x0], $0xffff  }
0x1cf: {  	v0 =	vsel vm0, v6, v0;
	v6 =	vadd.s32 s30, v39;
	v39 =	vld [tilespmem:$0x1F910];
	vm0 =	vgt.f32 v8, v2  }
0x1d0: {  	v2 =	vmax.f32 v2, v8;
	v0 =	vsel vm0, v4, v0;
	v4 =	vld.idx.msk [tilespmem:v9+s12+$0x0], $0xffff  }
0x1d1: {  	vm0 =	vgt.f32 v63, v2;
	v2 =	vmax.f32 v2, v63;
	v63 =	vld [tilespmem:$0x1F8E0];
	v12 =	vadd.s32 s30, v12  }
0x1d2: {  	v0 =	vsel vm0, v3, v0;
	vm0 =	vgt.f32 v34, v2;
	v3 =	vld [tilespmem:$0x1F8F0];
	v2 =	vmax.f32 v2, v34  }
0x1d3: {  	v13 =	vadd.s32 s30, v13;
	v0 =	vsel vm0, v1, v0;
	v1 =	vld [tilespmem:$0x1F900];
	vm0 =	vgt.f32 v14, v2  }
0x1d4: {  	v2 =	vmax.f32 v2, v14;
	v0 =	vsel vm0, v5, v0;
	v5 =	vld.idx.msk [tilespmem:v6+s12+$0x0], $0xffff;
	v8 =	vadd.s32 s30, v39  }
0x1d5: {  	vm0 =	vgt.f32 v47, v2;
	v2 =	vmax.f32 v2, v47;
	v47 =	vld [tilespmem:$0x1F920]  }
0x1d6: {  	v10 =	vadd.s32 s30, v63;
	v63 =	vld [tilespmem:$0x1F930]  }
0x1d7: {  	v3 =	vadd.s32 s30, v3;
	v34 =	vld.idx.msk [tilespmem:v12+s12+$0x0], $0xffff  }
0x1d8: {  	v1 =	vadd.s32 s30, v1;
	v14 =	vld.idx.msk [tilespmem:v13+s12+$0x0], $0xffff  }
0x1d9: {  	v39 =	vld.idx.msk [tilespmem:v8+s12+$0x0], $0xffff  }
0x1da: {  	v0 =	vsel vm0, v7, v0;
	v7 =	vadd.s32 s30, v47;
	v47 =	vld [tilespmem:$0x1F960]  }
0x1db: {  	vm0 =	vgt.f32 v4, v2;
	v2 =	vmax.f32 v2, v4;
	v4 =	vld.idx.msk [tilespmem:v10+s12+$0x0], $0xffff  }
0x1dc: {  	v0 =	vsel vm0, v9, v0;
	vm0 =	vgt.f32 v34, v2;
	v2 =	vmax.f32 v2, v34;
	v34 =	vld.idx.msk [tilespmem:v3+s12+$0x0], $0xffff  }
0x1dd: {  	v9 =	vadd.s32 s30, v63;
	v0 =	vsel vm0, v12, v0;
	v12 =	vld.idx.msk [tilespmem:v1+s12+$0x0], $0xffff  }
0x1de: {  	vm0 =	vgt.f32 v14, v2;
	v2 =	vmax.f32 v2, v14;
	v14 =	vld [tilespmem:$0x1F940]  }
0x1df: {  	v0 =	vsel vm0, v13, v0;
	v13 =	vld [tilespmem:$0x1F950]  }
0x1e0: {  	vm0 =	vgt.f32 v5, v2;
	v2 =	vmax.f32 v2, v5;
	v63 =	vld.idx.msk [tilespmem:v7+s12+$0x0], $0xffff  }
0x1e1: {  	v0 =	vsel vm0, v6, v0;
	v6 =	vadd.s32 s30, v47;
	v47 =	vld [tilespmem:$0x1F9A0];
	vm0 =	vgt.f32 v4, v2  }
0x1e2: {  	v2 =	vmax.f32 v2, v4;
	v0 =	vsel vm0, v10, v0;
	v10 =	vld.idx.msk [tilespmem:v9+s12+$0x0], $0xffff  }
0x1e3: {  	vm0 =	vgt.f32 v34, v2;
	v2 =	vmax.f32 v2, v34;
	v34 =	vld [tilespmem:$0x1F970];
	v14 =	vadd.s32 s30, v14  }
0x1e4: {  	v0 =	vsel vm0, v3, v0;
	vm0 =	vgt.f32 v12, v2;
	v3 =	vld [tilespmem:$0x1F980];
	v2 =	vmax.f32 v2, v12  }
0x1e5: {  	v13 =	vadd.s32 s30, v13;
	v0 =	vsel vm0, v1, v0;
	v1 =	vld [tilespmem:$0x1F990];
	vm0 =	vgt.f32 v39, v2  }
0x1e6: {  	v2 =	vmax.f32 v2, v39;
	v0 =	vsel vm0, v8, v0;
	v8 =	vld.idx.msk [tilespmem:v6+s12+$0x0], $0xffff;
	v4 =	vadd.s32 s30, v47  }
0x1e7: {  	vm0 =	vgt.f32 v63, v2;
	v2 =	vmax.f32 v2, v63;
	v63 =	vld [tilespmem:$0x1F9B0]  }
0x1e8: {  	v11 =	vadd.s32 s30, v34;
	v34 =	vld [tilespmem:$0x1F9C0]  }
0x1e9: {  	v3 =	vadd.s32 s30, v3;
	v12 =	vld.idx.msk [tilespmem:v14+s12+$0x0], $0xffff  }
0x1ea: {  	v1 =	vadd.s32 s30, v1;
	v39 =	vld.idx.msk [tilespmem:v13+s12+$0x0], $0xffff  }
0x1eb: {  	v47 =	vld.idx.msk [tilespmem:v4+s12+$0x0], $0xffff  }
0x1ec: {  	v0 =	vsel vm0, v7, v0;
	v7 =	vadd.s32 s30, v63;
	v63 =	vld [tilespmem:$0x1F9F0]  }
0x1ed: {  	vm0 =	vgt.f32 v10, v2;
	v2 =	vmax.f32 v2, v10;
	v10 =	vld.idx.msk [tilespmem:v11+s12+$0x0], $0xffff  }
0x1ee: {  	v0 =	vsel vm0, v9, v0;
	vm0 =	vgt.f32 v12, v2;
	v2 =	vmax.f32 v2, v12;
	v12 =	vld.idx.msk [tilespmem:v3+s12+$0x0], $0xffff  }
0x1ef: {  	v0 =	vsel vm0, v14, v0;
	v14 =	vld.idx.msk [tilespmem:v1+s12+$0x0], $0xffff  }
0x1f0: {  	v9 =	vadd.s32 s30, v34;
	vm0 =	vgt.f32 v39, v2;
	v2 =	vmax.f32 v2, v39;
	v39 =	vld [tilespmem:$0x1F9D0]  }
0x1f1: {  	v0 =	vsel vm0, v13, v0;
	vm0 =	vgt.f32 v8, v2;
	v13 =	vld [tilespmem:$0x1F9E0]  }
0x1f2: {  	v2 =	vmax.f32 v2, v8;
	v34 =	vld.idx.msk [tilespmem:v7+s12+$0x0], $0xffff;
	v0 =	vsel vm0, v6, v0  }
0x1f3: {  	v6 =	vadd.s32 s30, v63;
	v63 =	vld [tilespmem:$0x1FA30];
	vm0 =	vgt.f32 v10, v2;
	v2 =	vmax.f32 v2, v10  }
0x1f4: {  	v0 =	vsel vm0, v11, v0;
	vm0 =	vgt.f32 v12, v2;
	v2 =	vmax.f32 v2, v12;
	v12 =	vld [tilespmem:$0x1FA00]  }
0x1f5: {  	v5 =	vadd.s32 s30, v39;
	v39 =	vld.idx.msk [tilespmem:v9+s12+$0x0], $0xffff  }
0x1f6: {  	v0 =	vsel vm0, v3, v0;
	vm0 =	vgt.f32 v14, v2;
	v3 =	vld [tilespmem:$0x1FA10];
	v2 =	vmax.f32 v2, v14  }
0x1f7: {  	v13 =	vadd.s32 s30, v13;
	v0 =	vsel vm0, v1, v0;
	v1 =	vld [tilespmem:$0x1FA20];
	vm0 =	vgt.f32 v47, v2  }
0x1f8: {  	v2 =	vmax.f32 v2, v47;
	v0 =	vsel vm0, v4, v0;
	v4 =	vld.idx.msk [tilespmem:v6+s12+$0x0], $0xffff;
	v10 =	vadd.s32 s30, v63  }
0x1f9: {  	vm0 =	vgt.f32 v34, v2;
	v2 =	vmax.f32 v2, v34;
	v34 =	vld [tilespmem:$0x1FA40]  }
0x1fa: {  	v0 =	vsel vm0, v7, v0;
	v12 =	vadd.s32 s30, v12;
	v14 =	vld.idx.msk [tilespmem:v5+s12+$0x0], $0xffff  }
0x1fb: {  	v3 =	vadd.s32 s30, v3;
	vm0 =	vgt.f32 v39, v2;
	v2 =	vmax.f32 v2, v39;
	v39 =	vld [tilespmem:$0x1FA50]  }
0x1fc: {  	v1 =	vadd.s32 s30, v1;
	v47 =	vld.idx.msk [tilespmem:v13+s12+$0x0], $0xffff  }
0x1fd: {  	v63 =	vld.idx.msk [tilespmem:v10+s12+$0x0], $0xffff  }
0x1fe: {  	v7 =	vadd.s32 s30, v34;
	v34 =	vld [tilespmem:$0x1FA80]  }
0x1ff: {  	v11 =	vld.idx.msk [tilespmem:v12+s12+$0x0], $0xffff  }
0x200: {  	v0 =	vsel vm0, v9, v0;
	vm0 =	vgt.f32 v14, v2;
	v2 =	vmax.f32 v2, v14;
	v14 =	vld.idx.msk [tilespmem:v3+s12+$0x0], $0xffff  }
0x201: {  	v9 =	vadd.s32 s30, v39;
	v0 =	vsel vm0, v5, v0;
	v5 =	vld.idx.msk [tilespmem:v1+s12+$0x0], $0xffff  }
0x202: {  	vm0 =	vgt.f32 v47, v2;
	v2 =	vmax.f32 v2, v47;
	v47 =	vld [tilespmem:$0x1FA60]  }
0x203: {  	v0 =	vsel vm0, v13, v0;
	v13 =	vld [tilespmem:$0x1FA70]  }
0x204: {  	vm0 =	vgt.f32 v4, v2;
	v2 =	vmax.f32 v2, v4;
	v39 =	vld.idx.msk [tilespmem:v7+s12+$0x0], $0xffff  }
0x205: {  	v0 =	vsel vm0, v6, v0;
	v6 =	vadd.s32 s30, v34;
	v34 =	vld [tilespmem:$0x1FAD0];
	vm0 =	vgt.f32 v11, v2  }
0x206: {  	v2 =	vmax.f32 v2, v11;
	v0 =	vsel vm0, v12, v0;
	v12 =	vld.idx.msk [tilespmem:v9+s12+$0x0], $0xffff  }
0x207: {  	vm0 =	vgt.f32 v14, v2;
	v2 =	vmax.f32 v2, v14;
	v14 =	vld [tilespmem:$0x1FA90]  }
0x208: {  	v8 =	vadd.s32 s30, v47;
	v0 =	vsel vm0, v3, v0;
	vm0 =	vgt.f32 v5, v2;
	v3 =	vld [tilespmem:$0x1FAA0]  }
0x209: {  	v2 =	vmax.f32 v2, v5;
	v13 =	vadd.s32 s30, v13;
	v0 =	vsel vm0, v1, v0;
	v1 =	vld [tilespmem:$0x1FAB0]  }
0x20a: {  	vm0 =	vgt.f32 v63, v2;
	v2 =	vmax.f32 v2, v63;
	v63 =	vld [tilespmem:$0x1FAC0]  }
0x20b: {  	v0 =	vsel vm0, v10, v0;
	vm0 =	vgt.f32 v39, v2;
	v2 =	vmax.f32 v2, v39;
	v39 =	vld [tilespmem:$0x1FAE0]  }
0x20c: {  	v10 =	vld.idx.msk [tilespmem:v6+s12+$0x0], $0xffff;
	v14 =	vadd.s32 s30, v14  }
0x20d: {  	v3 =	vadd.s32 s30, v3;
	v47 =	vld.idx.msk [tilespmem:v8+s12+$0x0], $0xffff  }
0x20e: {  	v1 =	vadd.s32 s30, v1;
	v4 =	vld.idx.msk [tilespmem:v13+s12+$0x0], $0xffff  }
0x20f: {  	v0 =	vsel vm0, v7, v0;
	vm0 =	vgt.f32 v12, v2;
	v11 =	vadd.s32 s30, v63;
	v63 =	vld [tilespmem:$0x1FAF0]  }
0x210: {  	v0 =	vsel vm0, v9, v0;
	v9 =	vadd.s32 s30, v39;
	v39 =	vld [tilespmem:$0x1FB10]  }
0x211: {  	v2 =	vmax.f32 v2, v12;
	v12 =	vld.idx.msk [tilespmem:v14+s12+$0x0], $0xffff  }
0x212: {  	v7 =	vadd.s32 s30, v34;
	vm0 =	vgt.f32 v47, v2;
	v2 =	vmax.f32 v2, v47;
	v47 =	vld.idx.msk [tilespmem:v3+s12+$0x0], $0xffff  }
0x213: {  	v0 =	vsel vm0, v8, v0;
	v8 =	vld.idx.msk [tilespmem:v1+s12+$0x0], $0xffff  }
0x214: {  	vm0 =	vgt.f32 v4, v2;
	v2 =	vmax.f32 v2, v4;
	v34 =	vld.idx.msk [tilespmem:v11+s12+$0x0], $0xffff  }
0x215: {  	v0 =	vsel vm0, v13, v0;
	vm0 =	vgt.f32 v10, v2;
	v13 =	vld [tilespmem:$0x1FB00]  }
0x216: {  	v2 =	vmax.f32 v2, v10;
	v0 =	vsel vm0, v6, v0;
	v6 =	vadd.s32 s30, v39;
	v39 =	vld [tilespmem:$0x1FB60]  }
0x217: {  	v4 =	vadd.s32 s30, v63;
	vm0 =	vgt.f32 v12, v2;
	v2 =	vmax.f32 v2, v12;
	v12 =	vld.idx.msk [tilespmem:v7+s12+$0x0], $0xffff  }
0x218: {  	v0 =	vsel vm0, v14, v0;
	vm0 =	vgt.f32 v47, v2;
	v2 =	vmax.f32 v2, v47;
	v47 =	vld [tilespmem:$0x1FB20]  }
0x219: {  	v0 =	vsel vm0, v3, v0;
	vm0 =	vgt.f32 v8, v2;
	v3 =	vld [tilespmem:$0x1FB30]  }
0x21a: {  	v2 =	vmax.f32 v2, v8;
	v0 =	vsel vm0, v1, v0;
	v1 =	vld [tilespmem:$0x1FB40]  }
0x21b: {  	v14 =	vld.idx.msk [tilespmem:v9+s12+$0x0], $0xffff;
	v13 =	vadd.s32 s30, v13;
	vm0 =	vgt.f32 v34, v2  }
0x21c: {  	v8 =	vld.idx.msk [tilespmem:v4+s12+$0x0], $0xffff;
	v2 =	vmax.f32 v2, v34;
	v0 =	vsel vm0, v11, v0  }
0x21d: {  	vm0 =	vgt.f32 v12, v2;
	v2 =	vmax.f32 v2, v12;
	v12 =	vld [tilespmem:$0x1FB50];
	v5 =	vadd.s32 s30, v47  }
0x21e: {  	v34 =	vld.idx.msk [tilespmem:v6+s12+$0x0], $0xffff;
	v3 =	vadd.s32 s30, v3  }
0x21f: {  	v47 =	vld [tilespmem:$0x1FB70];
	v1 =	vadd.s32 s30, v1  }
0x220: {  	v63 =	vld.idx.msk [tilespmem:v13+s12+$0x0], $0xffff  }
0x221: {  	v0 =	vsel vm0, v7, v0;
	v7 =	vadd.s32 s30, v39;
	v39 =	vld [tilespmem:$0x1FBA0]  }
0x222: {  	vm0 =	vgt.f32 v14, v2;
	v2 =	vmax.f32 v2, v14;
	v12 =	vadd.s32 s30, v12;
	v14 =	vld.idx.msk [tilespmem:v5+s12+$0x0], $0xffff  }
0x223: {  	v0 =	vsel vm0, v9, v0;
	vm0 =	vgt.f32 v8, v2;
	v2 =	vmax.f32 v2, v8;
	v8 =	vld.idx.msk [tilespmem:v3+s12+$0x0], $0xffff  }
0x224: {  	v0 =	vsel vm0, v4, v0;
	v4 =	vld.idx.msk [tilespmem:v1+s12+$0x0], $0xffff  }
0x225: {  	vm0 =	vgt.f32 v63, v2;
	v2 =	vmax.f32 v2, v63;
	v63 =	vld [tilespmem:$0x1FB80]  }
0x226: {  	v0 =	vsel vm0, v13, v0;
	v13 =	vld [tilespmem:$0x1FB90]  }
0x227: {  	v9 =	vadd.s32 s30, v47;
	vm0 =	vgt.f32 v34, v2;
	v2 =	vmax.f32 v2, v34;
	v34 =	vld.idx.msk [tilespmem:v12+s12+$0x0], $0xffff  }
0x228: {  	v0 =	vsel vm0, v6, v0;
	v6 =	vadd.s32 s30, v39;
	v39 =	vld [tilespmem:$0x1FBF0]  }
0x229: {  	vm0 =	vgt.f32 v14, v2;
	v2 =	vmax.f32 v2, v14;
	v14 =	vld.idx.msk [tilespmem:v7+s12+$0x0], $0xffff  }
0x22a: {  	v0 =	vsel vm0, v5, v0;
	vm0 =	vgt.f32 v8, v2;
	v10 =	vadd.s32 s30, v63;
	v63 =	vld [tilespmem:$0x1FBB0]  }
0x22b: {  	v2 =	vmax.f32 v2, v8;
	v0 =	vsel vm0, v3, v0;
	v3 =	vld [tilespmem:$0x1FBC0]  }
0x22c: {  	v47 =	vld.idx.msk [tilespmem:v9+s12+$0x0], $0xffff;
	vm0 =	vgt.f32 v4, v2;
	v2 =	vmax.f32 v2, v4;
	v13 =	vadd.s32 s30, v13  }
0x22d: {  	v0 =	vsel vm0, v1, v0;
	v1 =	vld [tilespmem:$0x1FBD0];
	vm0 =	vgt.f32 v34, v2  }
0x22e: {  	v2 =	vmax.f32 v2, v34;
	v0 =	vsel vm0, v12, v0;
	v12 =	vld.idx.msk [tilespmem:v6+s12+$0x0], $0xffff  }
0x22f: {  	vm0 =	vgt.f32 v14, v2;
	v2 =	vmax.f32 v2, v14;
	v14 =	vld [tilespmem:$0x1FBE0];
	v8 =	vadd.s32 s30, v63  }
0x230: {  	v3 =	vadd.s32 s30, v3;
	v4 =	vld.idx.msk [tilespmem:v10+s12+$0x0], $0xffff  }
0x231: {  	v34 =	vld.idx.msk [tilespmem:v13+s12+$0x0], $0xffff  }
0x232: {  	v0 =	vsel vm0, v7, v0;
	v7 =	vadd.s32 s30, v39;
	v39 =	vld [tilespmem:$0x1FC30];
	v1 =	vadd.s32 s30, v1  }
0x233: {  	v63 =	vld [tilespmem:$0x1FC00]  }
0x234: {  	vm0 =	vgt.f32 v47, v2;
	v2 =	vmax.f32 v2, v47;
	v14 =	vadd.s32 s30, v14;
	v47 =	vld.idx.msk [tilespmem:v8+s12+$0x0], $0xffff  }
0x235: {  	v0 =	vsel vm0, v9, v0;
	vm0 =	vgt.f32 v4, v2;
	v2 =	vmax.f32 v2, v4;
	v4 =	vld.idx.msk [tilespmem:v3+s12+$0x0], $0xffff  }
0x236: {  	v0 =	vsel vm0, v10, v0;
	vm0 =	vgt.f32 v34, v2;
	v2 =	vmax.f32 v2, v34;
	v34 =	vld [tilespmem:$0x1FC10]  }
0x237: {  	v10 =	vld.idx.msk [tilespmem:v1+s12+$0x0], $0xffff  }
0x238: {  	v0 =	vsel vm0, v13, v0;
	vm0 =	vgt.f32 v12, v2;
	v13 =	vld [tilespmem:$0x1FC20]  }
0x239: {  	v9 =	vadd.s32 s30, v63;
	v2 =	vmax.f32 v2, v12;
	v12 =	vld.idx.msk [tilespmem:v14+s12+$0x0], $0xffff;
	v0 =	vsel vm0, v6, v0  }
0x23a: {  	v6 =	vadd.s32 s30, v39;
	v39 =	vld [tilespmem:$0x1FC70];
	vm0 =	vgt.f32 v47, v2;
	v2 =	vmax.f32 v2, v47  }
0x23b: {  	v11 =	vadd.s32 s30, v34;
	v0 =	vsel vm0, v8, v0;
	vm0 =	vgt.f32 v4, v2;
	v34 =	vld [tilespmem:$0x1FC40]  }
0x23c: {  	v2 =	vmax.f32 v2, v4;
	v0 =	vsel vm0, v3, v0;
	v3 =	vld [tilespmem:$0x1FC50]  }
0x23d: {  	v47 =	vld.idx.msk [tilespmem:v7+s12+$0x0], $0xffff;
	v13 =	vadd.s32 s30, v13;
	vm0 =	vgt.f32 v10, v2  }
0x23e: {  	v2 =	vmax.f32 v2, v10;
	v0 =	vsel vm0, v1, v0;
	v1 =	vld [tilespmem:$0x1FC60]  }
0x23f: {  	v63 =	vld.idx.msk [tilespmem:v9+s12+$0x0], $0xffff;
	vm0 =	vgt.f32 v12, v2  }
0x240: {  	v0 =	vsel vm0, v14, v0;
	v14 =	vld.idx.msk [tilespmem:v6+s12+$0x0], $0xffff;
	v4 =	vadd.s32 s30, v34  }
0x241: {  	v10 =	vld.idx.msk [tilespmem:v11+s12+$0x0], $0xffff;
	v3 =	vadd.s32 s30, v3  }
0x242: {  	v2 =	vmax.f32 v2, v12;
	v12 =	vld.idx.msk [tilespmem:v13+s12+$0x0], $0xffff  }
0x243: {  	vm0 =	vgt.f32 v47, v2;
	v2 =	vmax.f32 v2, v47;
	v47 =	vld [tilespmem:$0x1FC80];
	v1 =	vadd.s32 s30, v1  }
0x244: {  	v5 =	vadd.s32 s30, v39;
	v34 =	vld [tilespmem:$0x1FC90]  }
0x245: {  	v0 =	vsel vm0, v7, v0;
	vm0 =	vgt.f32 v63, v2;
	v2 =	vmax.f32 v2, v63;
	v63 =	vld.idx.msk [tilespmem:v4+s12+$0x0], $0xffff  }
0x246: {  	v0 =	vsel vm0, v9, v0;
	vm0 =	vgt.f32 v10, v2;
	v2 =	vmax.f32 v2, v10;
	v39 =	vld.idx.msk [tilespmem:v3+s12+$0x0], $0xffff  }
0x247: {  	v0 =	vsel vm0, v11, v0;
	vm0 =	vgt.f32 v12, v2;
	v2 =	vmax.f32 v2, v12;
	v12 =	vld [tilespmem:$0x1FCB0]  }
0x248: {  	v11 =	vld.idx.msk [tilespmem:v1+s12+$0x0], $0xffff  }
0x249: {  	v7 =	vadd.s32 s30, v47;
	v0 =	vsel vm0, v13, v0;
	v13 =	vld [tilespmem:$0x1FCC0]  }
0x24a: {  	v9 =	vadd.s32 s30, v34;
	vm0 =	vgt.f32 v14, v2;
	v2 =	vmax.f32 v2, v14  }
0x24b: {  	v47 =	vld [tilespmem:$0x1FCD0];
	v0 =	vsel vm0, v6, v0;
	vm0 =	vgt.f32 v63, v2;
	v2 =	vmax.f32 v2, v63  }
0x24c: {  	v14 =	vld.idx.msk [tilespmem:v5+s12+$0x0], $0xffff;
	v0 =	vsel vm0, v4, v0;
	vm0 =	vgt.f32 v39, v2;
	v2 =	vmax.f32 v2, v39  }
0x24d: {  	v12 =	vadd.s32 s30, v12;
	v0 =	vsel vm0, v3, v0;
	vm0 =	vgt.f32 v11, v2;
	v3 =	vld [tilespmem:$0x1FCF0]  }
0x24e: {  	v13 =	vadd.s32 s30, v13;
	v0 =	vsel vm0, v1, v0;
	v1 =	vld [tilespmem:$0x1FD00]  }
0x24f: {  	v63 =	vld.idx.msk [tilespmem:v7+s12+$0x0], $0xffff  }
0x250: {  	v6 =	vadd.s32 s30, v47;
	v34 =	vld.idx.msk [tilespmem:v9+s12+$0x0], $0xffff  }
0x251: {  	v39 =	vld.idx.msk [tilespmem:v18+s12+$0x0], $0xffff  }
0x252: {  	v2 =	vmax.f32 v2, v11;
	v47 =	vld.idx.msk [tilespmem:v12+s12+$0x0], $0xffff;
	v3 =	vadd.s32 s30, v3  }
0x253: {  	vm0 =	vgt.f32 v14, v2;
	v2 =	vmax.f32 v2, v14;
	v14 =	vld.idx.msk [tilespmem:v13+s12+$0x0], $0xffff;
	v1 =	vadd.s32 s30, v1  }
0x254: {  	v0 =	vsel vm0, v5, v0;
	vm0 =	vgt.f32 v63, v2;
	v2 =	vmax.f32 v2, v63  }
0x255: {  	v63 =	vld.idx.msk [tilespmem:v6+s12+$0x0], $0xffff;
	v0 =	vsel vm0, v7, v0;
	vm0 =	vgt.f32 v34, v2;
	v2 =	vmax.f32 v2, v34  }
0x256: {  	v34 =	vld.idx.msk [tilespmem:v49+s12+$0x0], $0xffff;
	v0 =	vsel vm0, v9, v0;
	vm0 =	vgt.f32 v39, v2;
	v2 =	vmax.f32 v2, v39  }
0x257: {  	v0 =	vsel vm0, v18, v0;
	vm0 =	vgt.f32 v47, v2;
	v2 =	vmax.f32 v2, v47;
	v39 =	vld.idx.msk [tilespmem:v3+s12+$0x0], $0xffff  }
0x258: {  	v0 =	vsel vm0, v12, v0;
	vm0 =	vgt.f32 v14, v2;
	v47 =	vld.idx.msk [tilespmem:v1+s12+$0x0], $0xffff  }
0x259: {  	s31 =	simm.s32 $0xF;
	v2 =	vmax.f32 v2, v14;
	v0 =	vsel vm0, v13, v0  }
0x25a: {  	vm0 =	vgt.f32 v63, v2;
	v2 =	vmax.f32 v2, v63;
	v63 =	vadd.s32 s31, v19  }
0x25b: {  	v0 =	vsel vm0, v6, v0;
	vm0 =	vgt.f32 v34, v2;
	v2 =	vmax.f32 v2, v34  }
0x25c: {  	v0 =	vsel vm0, v49, v0;
	vm0 =	vgt.f32 v39, v2;
	v2 =	vmax.f32 v2, v39  }
0x25d: {  	vm1 =	vgt.f32 v47, v2;
	v0 =	vsel vm0, v3, v0  }
0x25e: {  	v0 =	vsel vm1, v1, v0  }
0x25f: {  	s22 =	simm.s32 $0x11A10;
	v0 =	vsub.s32 v0, v16  }
0x260: {  	s25 =	simm.s32 $0x1F;
	[tilespmem:s22+$0x0] =	vst v0  }
0x261: {  	s26 =	simm.s32 $0x8D0;
	s24 =	simm.s32 $0x11B80;
	s23 =	simm.s32 $0x11B80;
	vm0 =	vne.s32 v0, $0x8C;
	v1 =	vld.idx.msk [tilespmem:v63+s14+$0x0], $0xffff  }
.LBB2_5:
0x262: {  	_ =	sdelay $0x3  }
0x263: {  	vm1 =	vne.s32 v0, v1;
	v0 =	vld [tilespmem:$0x1FC20];
	_ =	sdelay $0x4  }
0x264: {  	v0 =	vadd.s32 s26, v0  }
0x265: {  	[tilespmem:$0x1F710] =	vst v0;
	v0 =	vld [tilespmem:$0x1FC30];
	_ =	sdelay $0x4  }
0x266: {  	v0 =	vadd.s32 s26, v0  }
0x267: {  	[tilespmem:$0x1F720] =	vst v0;
	v0 =	vld [tilespmem:$0x1FC00];
	_ =	sdelay $0x4  }
0x268: {  	v0 =	vadd.s32 s26, v0  }
0x269: {  	[tilespmem:$0x1F6F0] =	vst v0;
	v0 =	vld [tilespmem:$0x1FC10];
	_ =	sdelay $0x4  }
0x26a: {  	v0 =	vadd.s32 s26, v0  }
0x26b: {  	vm0 =	vmand vm1, vm0;
	[tilespmem:$0x1F700] =	vst v0;
	v0 =	vimm.s32 $0x0  }
0x26c: {  	v0 =	vsel vm0, $0x1, v0  }
0x26d: {  	[tilespmem:s23+$0x0] =	vst v0;
	v0 =	vld [tilespmem:$0x1FBA0];
	_ =	sdelay $0x4  }
0x26e: {  	v0 =	vadd.s32 s26, v0  }
0x26f: {  	[tilespmem:$0x1F690] =	vst v0;
	v0 =	vld [tilespmem:$0x1FBB0];
	_ =	sdelay $0x4  }
0x270: {  	v0 =	vadd.s32 s26, v0  }
0x271: {  	[tilespmem:$0x1F6A0] =	vst v0;
	v0 =	vld [tilespmem:$0x1FBC0];
	_ =	sdelay $0x4  }
0x272: {  	v0 =	vadd.s32 s26, v0  }
0x273: {  	[tilespmem:$0x1F6B0] =	vst v0;
	v0 =	vld [tilespmem:$0x1FB70];
	_ =	sdelay $0x4  }
0x274: {  	v0 =	vadd.s32 s26, v0  }
0x275: {  	[tilespmem:$0x1F660] =	vst v0;
	v0 =	vld [tilespmem:$0x1FB80];
	_ =	sdelay $0x4  }
0x276: {  	v0 =	vadd.s32 s26, v0  }
0x277: {  	[tilespmem:$0x1F670] =	vst v0;
	v0 =	vld [tilespmem:$0x1FB90];
	_ =	sdelay $0x4  }
0x278: {  	v0 =	vadd.s32 s26, v0  }
0x279: {  	[tilespmem:$0x1F680] =	vst v0;
	v0 =	vld [tilespmem:$0x1FB40];
	_ =	sdelay $0x4  }
0x27a: {  	v0 =	vadd.s32 s26, v0  }
0x27b: {  	[tilespmem:$0x1F630] =	vst v0;
	v0 =	vld [tilespmem:$0x1FB50];
	_ =	sdelay $0x4  }
0x27c: {  	v0 =	vadd.s32 s26, v0  }
0x27d: {  	[tilespmem:$0x1F640] =	vst v0;
	v0 =	vld [tilespmem:$0x1FB60];
	_ =	sdelay $0x4  }
0x27e: {  	v0 =	vadd.s32 s26, v0  }
0x27f: {  	[tilespmem:$0x1F650] =	vst v0;
	v0 =	vld [tilespmem:$0x1FB10];
	_ =	sdelay $0x4  }
0x280: {  	v0 =	vadd.s32 s26, v0  }
0x281: {  	[tilespmem:$0x1F600] =	vst v0;
	v0 =	vld [tilespmem:$0x1FB20];
	_ =	sdelay $0x4  }
0x282: {  	v0 =	vadd.s32 s26, v0  }
0x283: {  	[tilespmem:$0x1F610] =	vst v0;
	v0 =	vld [tilespmem:$0x1FB30];
	_ =	sdelay $0x4  }
0x284: {  	v0 =	vadd.s32 s26, v0  }
0x285: {  	[tilespmem:$0x1F620] =	vst v0;
	v0 =	vld [tilespmem:$0x1FAE0];
	_ =	sdelay $0x4  }
0x286: {  	v0 =	vadd.s32 s26, v0  }
0x287: {  	[tilespmem:$0x1F5D0] =	vst v0;
	v0 =	vld [tilespmem:$0x1FAF0];
	_ =	sdelay $0x4  }
0x288: {  	v0 =	vadd.s32 s26, v0  }
0x289: {  	[tilespmem:$0x1F5E0] =	vst v0;
	v0 =	vld [tilespmem:$0x1FB00];
	_ =	sdelay $0x4  }
0x28a: {  	v0 =	vadd.s32 s26, v0  }
0x28b: {  	[tilespmem:$0x1F5F0] =	vst v0;
	v0 =	vld [tilespmem:$0x1FAB0];
	_ =	sdelay $0x4  }
0x28c: {  	v0 =	vadd.s32 s26, v0  }
0x28d: {  	[tilespmem:$0x1F5A0] =	vst v0;
	v0 =	vld [tilespmem:$0x1FAC0];
	_ =	sdelay $0x4  }
0x28e: {  	v0 =	vadd.s32 s26, v0  }
0x28f: {  	[tilespmem:$0x1F5B0] =	vst v0;
	v0 =	vld [tilespmem:$0x1FAD0];
	_ =	sdelay $0x4  }
0x290: {  	v0 =	vadd.s32 s26, v0  }
0x291: {  	[tilespmem:$0x1F5C0] =	vst v0;
	v0 =	vld [tilespmem:$0x1FA80];
	_ =	sdelay $0x4  }
0x292: {  	v0 =	vadd.s32 s26, v0  }
0x293: {  	[tilespmem:$0x1F570] =	vst v0;
	v0 =	vld [tilespmem:$0x1FA90];
	_ =	sdelay $0x4  }
0x294: {  	v0 =	vadd.s32 s26, v0  }
0x295: {  	[tilespmem:$0x1F580] =	vst v0;
	v0 =	vld [tilespmem:$0x1FAA0];
	_ =	sdelay $0x4  }
0x296: {  	v0 =	vadd.s32 s26, v0  }
0x297: {  	[tilespmem:$0x1F590] =	vst v0;
	v0 =	vld [tilespmem:$0x1FA50];
	_ =	sdelay $0x4  }
0x298: {  	v0 =	vadd.s32 s26, v0  }
0x299: {  	[tilespmem:$0x1F540] =	vst v0;
	v0 =	vld [tilespmem:$0x1FA60];
	_ =	sdelay $0x4  }
0x29a: {  	v0 =	vadd.s32 s26, v0  }
0x29b: {  	[tilespmem:$0x1F550] =	vst v0;
	v0 =	vld [tilespmem:$0x1FA70];
	_ =	sdelay $0x4  }
0x29c: {  	v0 =	vadd.s32 s26, v0  }
0x29d: {  	[tilespmem:$0x1F560] =	vst v0;
	v0 =	vld [tilespmem:$0x1FA20];
	_ =	sdelay $0x4  }
0x29e: {  	v0 =	vadd.s32 s26, v0  }
0x29f: {  	[tilespmem:$0x1F510] =	vst v0;
	v0 =	vld [tilespmem:$0x1FA30];
	_ =	sdelay $0x4  }
0x2a0: {  	v0 =	vadd.s32 s26, v0  }
0x2a1: {  	[tilespmem:$0x1F520] =	vst v0;
	v0 =	vld [tilespmem:$0x1FA40];
	_ =	sdelay $0x4  }
0x2a2: {  	v0 =	vadd.s32 s26, v0  }
0x2a3: {  	[tilespmem:$0x1F530] =	vst v0;
	v0 =	vld [tilespmem:$0x1F9F0];
	_ =	sdelay $0x4  }
0x2a4: {  	v0 =	vadd.s32 s26, v0  }
0x2a5: {  	[tilespmem:$0x1F4E0] =	vst v0;
	v0 =	vld [tilespmem:$0x1FA00];
	_ =	sdelay $0x4  }
0x2a6: {  	v0 =	vadd.s32 s26, v0  }
0x2a7: {  	[tilespmem:$0x1F4F0] =	vst v0;
	v0 =	vld [tilespmem:$0x1FA10];
	_ =	sdelay $0x4  }
0x2a8: {  	v0 =	vadd.s32 s26, v0  }
0x2a9: {  	[tilespmem:$0x1F500] =	vst v0;
	v0 =	vld [tilespmem:$0x1F9C0];
	_ =	sdelay $0x4  }
0x2aa: {  	v0 =	vadd.s32 s26, v0  }
0x2ab: {  	[tilespmem:$0x1F4B0] =	vst v0;
	v0 =	vld [tilespmem:$0x1F9D0];
	_ =	sdelay $0x4  }
0x2ac: {  	v0 =	vadd.s32 s26, v0  }
0x2ad: {  	[tilespmem:$0x1F4C0] =	vst v0;
	v0 =	vld [tilespmem:$0x1F9E0];
	_ =	sdelay $0x4  }
0x2ae: {  	v0 =	vadd.s32 s26, v0  }
0x2af: {  	[tilespmem:$0x1F4D0] =	vst v0;
	v0 =	vld [tilespmem:$0x1F990];
	_ =	sdelay $0x4  }
0x2b0: {  	v0 =	vadd.s32 s26, v0  }
0x2b1: {  	[tilespmem:$0x1F480] =	vst v0;
	v0 =	vld [tilespmem:$0x1F9A0];
	_ =	sdelay $0x4  }
0x2b2: {  	v0 =	vadd.s32 s26, v0  }
0x2b3: {  	[tilespmem:$0x1F490] =	vst v0;
	v0 =	vld [tilespmem:$0x1F9B0];
	_ =	sdelay $0x4  }
0x2b4: {  	v0 =	vadd.s32 s26, v0  }
0x2b5: {  	[tilespmem:$0x1F4A0] =	vst v0;
	v0 =	vld [tilespmem:$0x1F960];
	_ =	sdelay $0x4  }
0x2b6: {  	v0 =	vadd.s32 s26, v0  }
0x2b7: {  	[tilespmem:$0x1F450] =	vst v0;
	v0 =	vld [tilespmem:$0x1F970];
	_ =	sdelay $0x4  }
0x2b8: {  	v0 =	vadd.s32 s26, v0  }
0x2b9: {  	[tilespmem:$0x1F460] =	vst v0;
	v0 =	vld [tilespmem:$0x1F980];
	_ =	sdelay $0x4  }
0x2ba: {  	v0 =	vadd.s32 s26, v0  }
0x2bb: {  	[tilespmem:$0x1F470] =	vst v0;
	v0 =	vld [tilespmem:$0x1F930];
	_ =	sdelay $0x4  }
0x2bc: {  	v0 =	vadd.s32 s26, v0  }
0x2bd: {  	[tilespmem:$0x1F420] =	vst v0;
	v0 =	vld [tilespmem:$0x1F940];
	_ =	sdelay $0x4  }
0x2be: {  	v0 =	vadd.s32 s26, v0  }
0x2bf: {  	[tilespmem:$0x1F430] =	vst v0;
	v0 =	vld [tilespmem:$0x1F950];
	_ =	sdelay $0x4  }
0x2c0: {  	v0 =	vadd.s32 s26, v0  }
0x2c1: {  	[tilespmem:$0x1F440] =	vst v0;
	v0 =	vld [tilespmem:$0x1F900];
	_ =	sdelay $0x4  }
0x2c2: {  	v0 =	vadd.s32 s26, v0  }
0x2c3: {  	[tilespmem:$0x1F3F0] =	vst v0;
	v0 =	vld [tilespmem:$0x1F910];
	_ =	sdelay $0x4  }
0x2c4: {  	v0 =	vadd.s32 s26, v0  }
0x2c5: {  	[tilespmem:$0x1F400] =	vst v0;
	v0 =	vld [tilespmem:$0x1F920];
	_ =	sdelay $0x4  }
0x2c6: {  	v0 =	vadd.s32 s26, v0  }
0x2c7: {  	[tilespmem:$0x1F410] =	vst v0;
	v0 =	vld [tilespmem:$0x1F8D0];
	_ =	sdelay $0x4  }
0x2c8: {  	v0 =	vadd.s32 s26, v0  }
0x2c9: {  	[tilespmem:$0x1F3C0] =	vst v0;
	v0 =	vld [tilespmem:$0x1F8E0];
	_ =	sdelay $0x4  }
0x2ca: {  	v0 =	vadd.s32 s26, v0  }
0x2cb: {  	[tilespmem:$0x1F3D0] =	vst v0;
	v0 =	vld [tilespmem:$0x1F8F0];
	_ =	sdelay $0x4  }
0x2cc: {  	v0 =	vadd.s32 s26, v0  }
0x2cd: {  	[tilespmem:$0x1F3E0] =	vst v0;
	v0 =	vld [tilespmem:$0x1F8A0];
	_ =	sdelay $0x4  }
0x2ce: {  	v0 =	vadd.s32 s26, v0  }
0x2cf: {  	[tilespmem:$0x1F390] =	vst v0;
	v0 =	vld [tilespmem:$0x1F8B0];
	_ =	sdelay $0x4  }
0x2d0: {  	v0 =	vadd.s32 s26, v0  }
0x2d1: {  	[tilespmem:$0x1F3A0] =	vst v0;
	v0 =	vld [tilespmem:$0x1F8C0];
	_ =	sdelay $0x4  }
0x2d2: {  	v0 =	vadd.s32 s26, v0  }
0x2d3: {  	[tilespmem:$0x1F3B0] =	vst v0;
	v0 =	vld [tilespmem:$0x1F870];
	_ =	sdelay $0x4  }
0x2d4: {  	v0 =	vadd.s32 s26, v0  }
0x2d5: {  	[tilespmem:$0x1F360] =	vst v0;
	v0 =	vld [tilespmem:$0x1F880];
	_ =	sdelay $0x3  }
0x2d6: {  	v3 =	vld [tilespmem:$0x1FCE0]  }
0x2d7: {  	v0 =	vadd.s32 s26, v0  }
0x2d8: {  	[tilespmem:$0x1F370] =	vst v0;
	v0 =	vld [tilespmem:$0x1F890];
	_ =	sdelay $0x2  }
0x2d9: {  	v3 =	vadd.s32 s26, v3  }
0x2da: {  	[tilespmem:$0x1F7D0] =	vst v3;
	v3 =	vld [tilespmem:$0x1FCF0]  }
0x2db: {  	v0 =	vadd.s32 s26, v0  }
0x2dc: {  	[tilespmem:$0x1F380] =	vst v0;
	v0 =	vld [tilespmem:$0x1F840];
	_ =	sdelay $0x2  }
0x2dd: {  	v3 =	vadd.s32 s26, v3  }
0x2de: {  	[tilespmem:$0x1F7E0] =	vst v3;
	v3 =	vld [tilespmem:$0x1FD00]  }
0x2df: {  	v0 =	vadd.s32 s26, v0  }
0x2e0: {  	[tilespmem:$0x1F330] =	vst v0;
	v0 =	vld [tilespmem:$0x1F850];
	_ =	sdelay $0x2  }
0x2e1: {  	v3 =	vadd.s32 s26, v3  }
0x2e2: {  	[tilespmem:$0x1F7F0] =	vst v3;
	v3 =	vld [tilespmem:$0x1FCA0]  }
0x2e3: {  	v0 =	vadd.s32 s26, v0  }
0x2e4: {  	[tilespmem:$0x1F340] =	vst v0;
	v0 =	vld [tilespmem:$0x1F860];
	_ =	sdelay $0x2  }
0x2e5: {  	v3 =	vadd.s32 s26, v3  }
0x2e6: {  	[tilespmem:$0x1F790] =	vst v3;
	v3 =	vld [tilespmem:$0x1FCB0]  }
0x2e7: {  	v0 =	vadd.s32 s26, v0  }
0x2e8: {  	[tilespmem:$0x1F350] =	vst v0;
	v0 =	vld [tilespmem:$0x1FF60];
	_ =	sdelay $0x2  }
0x2e9: {  	v3 =	vadd.s32 s26, v3  }
0x2ea: {  	[tilespmem:$0x1F7A0] =	vst v3;
	v3 =	vld [tilespmem:$0x1FCC0]  }
0x2eb: {  	v1 =	vld [tilespmem:$0x1FBD0];
	v0 =	vadd.s32 s26, v0  }
0x2ec: {  	[tilespmem:$0x1F300] =	vst v0;
	v0 =	vld [tilespmem:$0x1F820];
	_ =	sdelay $0x2  }
0x2ed: {  	v3 =	vadd.s32 s26, v3  }
0x2ee: {  	v1 =	vadd.s32 s26, v1;
	[tilespmem:$0x1F7B0] =	vst v3;
	v3 =	vld [tilespmem:$0x1FC80]  }
0x2ef: {  	[tilespmem:$0x1F6C0] =	vst v1;
	v1 =	vld [tilespmem:$0x1FBE0];
	v0 =	vadd.s32 s26, v0  }
0x2f0: {  	[tilespmem:$0x1F310] =	vst v0;
	v0 =	vld [tilespmem:$0x1F830];
	_ =	sdelay $0x2  }
0x2f1: {  	v3 =	vadd.s32 s26, v3  }
0x2f2: {  	v1 =	vadd.s32 s26, v1;
	[tilespmem:$0x1F770] =	vst v3;
	v3 =	vld [tilespmem:$0x1FC90]  }
0x2f3: {  	[tilespmem:$0x1F6D0] =	vst v1;
	v1 =	vld [tilespmem:$0x1FBF0];
	v0 =	vadd.s32 s26, v0  }
0x2f4: {  	[tilespmem:$0x1F320] =	vst v0;
	v0 =	vld [tilespmem:$0x1FF30];
	_ =	sdelay $0x2  }
0x2f5: {  	v3 =	vadd.s32 s26, v3  }
0x2f6: {  	v1 =	vadd.s32 s26, v1;
	[tilespmem:$0x1F780] =	vst v3;
	v3 =	vld [tilespmem:$0x1FCD0]  }
0x2f7: {  	[tilespmem:$0x1F6E0] =	vst v1;
	v1 =	vadd.s32 s26, v62;
	v0 =	vadd.s32 s26, v0  }
0x2f8: {  	[tilespmem:$0x1F2D0] =	vst v0;
	v0 =	vld [tilespmem:$0x1FF40];
	_ =	sdelay $0x1  }
0x2f9: {  	v39 =	vadd.s32 s26, v30;
	[tilespmem:$0x1F230] =	vst v1;
	v1 =	vmov v46  }
0x2fa: {  	v2 =	vmovc v38;
	v38 =	vmovc v30;
	v30 =	vadd.s32 s26, v54;
	v54 =	vmov v1;
	v1 =	vld [tilespmem:$0x1FFB0];
	v3 =	vadd.s32 s26, v3  }
0x2fb: {  	[tilespmem:$0x1F7C0] =	vst v3;
	v3 =	vld [tilespmem:$0x1FC60]  }
0x2fc: {  	v0 =	vadd.s32 s26, v0  }
0x2fd: {  	[tilespmem:$0x1F2E0] =	vst v0;
	v0 =	vld [tilespmem:$0x1FF50];
	_ =	sdelay $0x1  }
0x2fe: {  	v1 =	vadd.s32 s26, v1  }
0x2ff: {  	[tilespmem:$0x1F1A0] =	vst v1;
	v1 =	vld [tilespmem:$0x1FFC0];
	v3 =	vadd.s32 s26, v3  }
0x300: {  	[tilespmem:$0x1F750] =	vst v3;
	v3 =	vld [tilespmem:$0x1FC70]  }
0x301: {  	v0 =	vadd.s32 s26, v0  }
0x302: {  	[tilespmem:$0x1F2F0] =	vst v0;
	v0 =	vld [tilespmem:$0x1FF00];
	_ =	sdelay $0x1  }
0x303: {  	v1 =	vadd.s32 s26, v1  }
0x304: {  	s28 =	smov.u32 s25;
	[tilespmem:$0x1F1B0] =	vst v1;
	v3 =	vadd.s32 s26, v3  }
0x305: {  	v1 =	vld [tilespmem:$0x1FF80];
	[tilespmem:$0x1F760] =	vst v3;
	v3 =	vadd.s32 s28, v19  }
0x306: {  	[tilespmem:$0x1F810] =	vst v3;
	v3 =	vld [tilespmem:$0x1FC40];
	v0 =	vadd.s32 s26, v0  }
0x307: {  	[tilespmem:$0x1F2A0] =	vst v0;
	v0 =	vld [tilespmem:$0x1FF10];
	_ =	sdelay $0x2  }
0x308: {  	v1 =	vadd.s32 s26, v1  }
0x309: {  	[tilespmem:$0x1F170] =	vst v1;
	v1 =	vld [tilespmem:$0x1FF90];
	v3 =	vadd.s32 s26, v3  }
0x30a: {  	[tilespmem:$0x1F730] =	vst v3;
	v3 =	vld [tilespmem:$0x1FC50];
	v0 =	vadd.s32 s26, v0  }
0x30b: {  	[tilespmem:$0x1F2B0] =	vst v0;
	v0 =	vld [tilespmem:$0x1FF20];
	_ =	sdelay $0x2  }
0x30c: {  	v13 =	vadd.s32 s26, v20;
	v1 =	vadd.s32 s26, v1  }
0x30d: {  	v24 =	vadd.s32 s26, v23;
	[tilespmem:$0x1F180] =	vst v1;
	v3 =	vadd.s32 s26, v3  }
0x30e: {  	[tilespmem:$0x1F740] =	vst v3;
	v0 =	vadd.s32 s26, v0  }
0x30f: {  	v3 =	vadd.s32 s26, v48;
	[tilespmem:$0x1F2C0] =	vst v0;
	v0 =	vld [tilespmem:$0x1FEF0]  }
0x310: {  	v29 =	vadd.s32 s26, v27;
	v63 =	vadd.s32 s26, v2;
	v2 =	vld [tilespmem:$0x1FD70];
	[tilespmem:$0x1F210] =	vst v3;
	v3 =	vadd.s32 s26, v57  }
0x311: {  	v10 =	vld.idx.msk [tilespmem:v13+s12+$0x0], $0xffff;
	[tilespmem:$0x1F200] =	vst v3;
	v3 =	vadd.s32 s26, v52  }
0x312: {  	v28 =	vadd.s32 s26, v26;
	v11 =	vld.idx.msk [tilespmem:v24+s12+$0x0], $0xffff;
	[tilespmem:$0x1F1D0] =	vst v3;
	v3 =	vadd.s32 s26, v55  }
0x313: {  	v14 =	vadd.s32 s26, v33;
	v1 =	vld [tilespmem:$0x1FFA0];
	[tilespmem:$0x1F1E0] =	vst v3;
	v3 =	vadd.s32 s26, v17  }
0x314: {  	[tilespmem:$0x1F1C0] =	vst v3;
	v3 =	vld [tilespmem:$0x1FD10];
	v0 =	vadd.s32 s26, v0  }
0x315: {  	v8 =	vld.idx.msk [tilespmem:v29+s12+$0x0], $0xffff;
	[tilespmem:$0x1F290] =	vst v0;
	v0 =	vadd.s32 s26, v37  }
0x316: {  	v9 =	vadd.s32 s26, v56;
	v34 =	vadd.s32 s26, v15;
	v15 =	vadd.s32 s26, v35;
	[tilespmem:$0x1F270] =	vst v0;
	v0 =	vld [tilespmem:$0x1FEE0]  }
0x317: {  	[tilespmem:$0x1F1F0] =	vst v9;
	v9 =	vld.idx.msk [tilespmem:v28+s12+$0x0], $0xffff;
	v19 =	vadd.s32 s26, v22  }
0x318: {  	v5 =	vadd.s32 s26, v44;
	v6 =	vld.idx.msk [tilespmem:v14+s12+$0x0], $0xffff  }
0x319: {  	v44 =	vadd.s32 s26, v40;
	v1 =	vadd.s32 s26, v1;
	v40 =	vadd.s32 s26, v3;
	v3 =	vld [tilespmem:$0x1FD50]  }
0x31a: {  	v16 =	vadd.s32 s26, v21;
	v4 =	vadd.s32 s26, v61;
	v49 =	vmovc v61;
	v56 =	vadd.s32 s26, v58;
	[tilespmem:$0x1F190] =	vst v1;
	v1 =	vld [tilespmem:$0x1FD80]  }
0x31b: {  	v61 =	vmovc v48;
	v58 =	vadd.s32 s26, v2;
	v2 =	vld.idx.msk [tilespmem:v15+s12+$0x0], $0xffff;
	v48 =	vmovc v21;
	v21 =	vadd.s32 s26, v25;
	v0 =	vadd.s32 s26, v0  }
0x31c: {  	v12 =	vld.idx.msk [tilespmem:v19+s12+$0x0], $0xffff;
	[tilespmem:$0x1F280] =	vst v0;
	v0 =	vadd.s32 s26, v51  }
0x31d: {  	v18 =	vadd.s32 s26, v53;
	v51 =	vadd.s32 s26, v31;
	v31 =	vld [tilespmem:$0x1FD20];
	[tilespmem:$0x1F250] =	vst v0;
	v0 =	vadd.s32 s26, v59  }
0x31e: {  	v33 =	vadd.s32 s26, v43;
	v53 =	vmovc v17;
	v17 =	vadd.s32 s26, v36;
	v43 =	vadd.s32 s26, v3;
	v3 =	vld [tilespmem:$0x1FD60]  }
0x31f: {  	v47 =	vmov v20;
	v20 =	vadd.s32 s26, v50;
	v59 =	vadd.s32 s26, v1;
	v1 =	vld [tilespmem:$0x1FD90]  }
0x320: {  	v55 =	vmovc v50;
	v50 =	vadd.s32 s26, v42;
	v42 =	vadd.s32 s26, v60;
	v7 =	vld.idx.msk [tilespmem:v21+s12+$0x0], $0xffff;
	[tilespmem:$0x1F260] =	vst v0;
	v0 =	vmovc v25;
	v25 =	vadd.s32 s26, v46  }
0x321: {  	v60 =	vmovc v57;
	v57 =	vmovc v52;
	v46 =	vmov v22;
	v22 =	vadd.s32 s26, v32;
	v52 =	vmov v0;
	v0 =	vld.idx.msk [tilespmem:v16+s12+$0x0], $0xffff  }
0x322: {  	v35 =	vadd.s32 s26, v31;
	v31 =	vld [tilespmem:$0x1FD30]  }
0x323: {  	v32 =	vadd.s32 s26, v41;
	v41 =	vadd.s32 s26, v45;
	v45 =	vadd.s32 s26, v3;
	v3 =	vld.idx.msk [tilespmem:v17+s12+$0x0], $0xffff  }
0x324: {  	v62 =	vadd.s32 s26, v1;
	v1 =	vld.idx.msk [tilespmem:v18+s12+$0x0], $0xffff  }
0x325: {  	[tilespmem:$0x1F240] =	vst v4;
	v4 =	vld.idx.msk [tilespmem:v25+s12+$0x0], $0xffff  }
0x326: {  	[tilespmem:$0x1F220] =	vst v5;
	v5 =	vld.idx.msk [tilespmem:v22+s12+$0x0], $0xffff  }
0x327: {  	v36 =	vadd.s32 s26, v31;
	v31 =	vld [tilespmem:$0x1FD40];
	vm0 =	vgt.f32 v0, v10;
	v0 =	vmax.f32 v10, v0  }
0x328: {  	v10 =	vld.idx.msk [tilespmem:v20+s12+$0x0], $0xffff;
	v16 =	vsel vm0, v16, v13;
	vm0 =	vgt.f32 v12, v0;
	v0 =	vmax.f32 v0, v12  }
0x329: {  	[tilespmem:$0x1F800] =	vst v13;
	v13 =	vld [tilespmem:$0x1F1C0];
	v12 =	vsel vm0, v19, v16;
	vm0 =	vgt.f32 v11, v0;
	v0 =	vmax.f32 v0, v11  }
0x32a: {  	v16 =	vld [tilespmem:$0x1F190];
	v11 =	vsel vm0, v24, v12;
	vm0 =	vgt.f32 v8, v0  }
0x32b: {  	v0 =	vmax.f32 v0, v8;
	v8 =	vld.idx.msk [tilespmem:v34+s12+$0x0], $0xffff;
	v11 =	vsel vm0, v29, v11  }
0x32c: {  	v12 =	vld [tilespmem:$0x1F1B0];
	vm0 =	vgt.f32 v9, v0;
	v0 =	vmax.f32 v0, v9;
	v37 =	vadd.s32 s26, v31  }
0x32d: {  	v31 =	vld [tilespmem:$0x1FF70];
	v9 =	vsel vm0, v28, v11;
	vm0 =	vgt.f32 v7, v0;
	v0 =	vmax.f32 v0, v7  }
0x32e: {  	v11 =	vsel vm0, v21, v9;
	v21 =	vmovc v48;
	v48 =	vmov v61;
	v61 =	vmov v49;
	v49 =	vld.idx.msk [tilespmem:v30+s12+$0x0], $0xffff  }
0x32f: {  	vm0 =	vgt.f32 v4, v0;
	v0 =	vmax.f32 v0, v4;
	v9 =	vld.idx.msk [tilespmem:v32+s12+$0x0], $0xffff  }
0x330: {  	v4 =	vld.idx.msk [tilespmem:v43+s12+$0x0], $0xffff;
	v7 =	vsel vm0, v25, v11;
	vm0 =	vgt.f32 v10, v0  }
0x331: {  	v0 =	vmax.f32 v0, v10;
	v11 =	vld.idx.msk [tilespmem:v33+s12+$0x0], $0xffff;
	v25 =	vmovc v52;
	v52 =	vmov v57;
	v57 =	vmov v60  }
0x332: {  	v60 =	vld [tilespmem:$0x1FDF0];
	v7 =	vsel vm0, v20, v7;
	v20 =	vmovc v47;
	vm0 =	vgt.f32 v5, v0;
	v0 =	vmax.f32 v0, v5  }
0x333: {  	v5 =	vld.idx.msk [tilespmem:v51+s12+$0x0], $0xffff;
	v7 =	vsel vm0, v22, v7;
	vm0 =	vgt.f32 v6, v0;
	v0 =	vmax.f32 v0, v6  }
0x334: {  	v47 =	vsel vm0, v14, v7;
	vm0 =	vgt.f32 v1, v0;
	v0 =	vmax.f32 v0, v1;
	v1 =	vld.idx.msk [tilespmem:v39+s12+$0x0], $0xffff  }
0x335: {  	v7 =	vld.idx.msk [tilespmem:v45+s12+$0x0], $0xffff  }
0x336: {  	v22 =	vmov v46;
	v46 =	vmov v54;
	v31 =	vadd.s32 s26, v31;
	v14 =	vld [tilespmem:$0x1F1A0]  }
0x337: {  	v6 =	vsel vm0, v18, v47;
	vm0 =	vgt.f32 v2, v0;
	v0 =	vmax.f32 v0, v2;
	v2 =	vld.idx.msk [tilespmem:v40+s12+$0x0], $0xffff  }
0x338: {  	v47 =	vld.idx.msk [tilespmem:v16+s12+$0x0], $0xffff;
	v6 =	vsel vm0, v15, v6;
	vm0 =	vgt.f32 v3, v0;
	v0 =	vmax.f32 v0, v3  }
0x339: {  	v3 =	vld.idx.msk [tilespmem:v42+s12+$0x0], $0xffff;
	v6 =	vsel vm0, v17, v6;
	vm0 =	vgt.f32 v49, v0;
	v0 =	vmax.f32 v0, v49  }
0x33a: {  	v49 =	vld.idx.msk [tilespmem:v44+s12+$0x0], $0xffff;
	v6 =	vsel vm0, v30, v6;
	vm0 =	vgt.f32 v9, v0;
	v0 =	vmax.f32 v0, v9  }
0x33b: {  	v18 =	vld [tilespmem:$0x1F180];
	v17 =	vmovc v53;
	v6 =	vsel vm0, v32, v6;
	vm0 =	vgt.f32 v11, v0;
	v0 =	vmax.f32 v0, v11  }
0x33c: {  	v53 =	vld.idx.msk [tilespmem:v50+s12+$0x0], $0xffff;
	v6 =	vsel vm0, v33, v6;
	vm0 =	vgt.f32 v8, v0;
	v0 =	vmax.f32 v0, v8  }
0x33d: {  	v54 =	vld.idx.msk [tilespmem:v31+s12+$0x0], $0xffff;
	v6 =	vsel vm0, v34, v6;
	vm0 =	vgt.f32 v1, v0;
	v0 =	vmax.f32 v0, v1  }
0x33e: {  	v8 =	vld.idx.msk [tilespmem:v35+s12+$0x0], $0xffff;
	v6 =	vsel vm0, v39, v6;
	vm0 =	vgt.f32 v2, v0;
	v0 =	vmax.f32 v0, v2  }
0x33f: {  	v1 =	vld.idx.msk [tilespmem:v36+s12+$0x0], $0xffff;
	v6 =	vsel vm0, v40, v6;
	vm0 =	vgt.f32 v3, v0;
	v0 =	vmax.f32 v0, v3  }
0x340: {  	v2 =	vld.idx.msk [tilespmem:v37+s12+$0x0], $0xffff;
	v6 =	vsel vm0, v42, v6;
	vm0 =	vgt.f32 v49, v0;
	v0 =	vmax.f32 v0, v49  }
0x341: {  	v3 =	vld.idx.msk [tilespmem:v41+s12+$0x0], $0xffff;
	v6 =	vsel vm0, v44, v6;
	vm0 =	vgt.f32 v53, v0;
	v0 =	vmax.f32 v0, v53  }
0x342: {  	v15 =	vld [tilespmem:$0x1FDD0];
	v6 =	vsel vm0, v50, v6;
	vm0 =	vgt.f32 v54, v0;
	v0 =	vmax.f32 v0, v54  }
0x343: {  	v30 =	vmovc v38;
	v38 =	vld [tilespmem:$0x1FE90];
	v6 =	vsel vm0, v31, v6;
	vm0 =	vgt.f32 v8, v0;
	v0 =	vmax.f32 v0, v8  }
0x344: {  	v8 =	vld.idx.msk [tilespmem:v56+s12+$0x0], $0xffff;
	v6 =	vsel vm0, v35, v6;
	vm0 =	vgt.f32 v1, v0;
	v0 =	vmax.f32 v0, v1  }
0x345: {  	v1 =	vld.idx.msk [tilespmem:v58+s12+$0x0], $0xffff;
	v6 =	vsel vm0, v36, v6;
	vm0 =	vgt.f32 v2, v0;
	v0 =	vmax.f32 v0, v2  }
0x346: {  	v2 =	vld.idx.msk [tilespmem:v59+s12+$0x0], $0xffff;
	v6 =	vsel vm0, v37, v6;
	vm0 =	vgt.f32 v3, v0;
	v0 =	vmax.f32 v0, v3  }
0x347: {  	v6 =	vsel vm0, v41, v6;
	vm0 =	vgt.f32 v4, v0;
	v0 =	vmax.f32 v0, v4;
	v4 =	vld.idx.msk [tilespmem:v63+s12+$0x0], $0xffff  }
0x348: {  	v9 =	vmov v63;
	v63 =	vld [tilespmem:$0x1F170]  }
0x349: {  	v3 =	vld.idx.msk [tilespmem:v62+s12+$0x0], $0xffff;
	v6 =	vsel vm0, v43, v6;
	vm0 =	vgt.f32 v7, v0;
	v0 =	vmax.f32 v0, v7  }
0x34a: {  	v32 =	vld [tilespmem:$0x1FE80];
	v6 =	vsel vm0, v45, v6;
	vm0 =	vgt.f32 v5, v0;
	v0 =	vmax.f32 v0, v5  }
0x34b: {  	v33 =	vld [tilespmem:$0x1FE50];
	v6 =	vsel vm0, v51, v6;
	vm0 =	vgt.f32 v8, v0;
	v0 =	vmax.f32 v0, v8  }
0x34c: {  	v40 =	vld [tilespmem:$0x1FE00];
	v6 =	vsel vm0, v56, v6;
	vm0 =	vgt.f32 v1, v0;
	v0 =	vmax.f32 v0, v1  }
0x34d: {  	v11 =	vmovc v59;
	v42 =	vld [tilespmem:$0x1FE10];
	v6 =	vsel vm0, v58, v6;
	vm0 =	vgt.f32 v2, v0;
	v0 =	vmax.f32 v0, v2  }
0x34e: {  	v10 =	vmov v62;
	v6 =	vsel vm0, v11, v6;
	vm0 =	vgt.f32 v3, v0;
	v11 =	vld [tilespmem:$0x1F1D0]  }
0x34f: {  	v0 =	vmax.f32 v0, v3;
	v6 =	vsel vm0, v10, v6;
	v10 =	vld [tilespmem:$0x1F1E0]  }
0x350: {  	vm0 =	vgt.f32 v4, v0;
	v34 =	vld.idx.msk [tilespmem:v63+s12+$0x0], $0xffff  }
0x351: {  	v6 =	vsel vm0, v9, v6;
	v9 =	vld [tilespmem:$0x1F1F0]  }
0x352: {  	v5 =	vld.idx.msk [tilespmem:v18+s12+$0x0], $0xffff  }
0x353: {  	v1 =	vld.idx.msk [tilespmem:v14+s12+$0x0], $0xffff  }
0x354: {  	v2 =	vld.idx.msk [tilespmem:v12+s12+$0x0], $0xffff  }
0x355: {  	v3 =	vld.idx.msk [tilespmem:v13+s12+$0x0], $0xffff;
	v0 =	vmax.f32 v0, v4  }
0x356: {  	vm0 =	vgt.f32 v34, v0;
	v0 =	vmax.f32 v0, v34;
	v49 =	vld.idx.msk [tilespmem:v11+s12+$0x0], $0xffff  }
0x357: {  	v6 =	vsel vm0, v63, v6;
	vm0 =	vgt.f32 v5, v0;
	v34 =	vld.idx.msk [tilespmem:v10+s12+$0x0], $0xffff  }
0x358: {  	v0 =	vmax.f32 v0, v5;
	v6 =	vsel vm0, v18, v6;
	v18 =	vld [tilespmem:$0x1F200]  }
0x359: {  	vm0 =	vgt.f32 v47, v0;
	v0 =	vmax.f32 v0, v47;
	v39 =	vld.idx.msk [tilespmem:v9+s12+$0x0], $0xffff  }
0x35a: {  	v6 =	vsel vm0, v16, v6;
	vm0 =	vgt.f32 v1, v0;
	v0 =	vmax.f32 v0, v1;
	v16 =	vld [tilespmem:$0x1F210]  }
0x35b: {  	v6 =	vsel vm0, v14, v6;
	vm0 =	vgt.f32 v2, v0;
	v0 =	vmax.f32 v0, v2;
	v14 =	vld [tilespmem:$0x1F220]  }
0x35c: {  	v6 =	vsel vm0, v12, v6;
	vm0 =	vgt.f32 v3, v0;
	v0 =	vmax.f32 v0, v3;
	v12 =	vld [tilespmem:$0x1F230]  }
0x35d: {  	v6 =	vsel vm0, v13, v6;
	vm0 =	vgt.f32 v49, v0;
	v0 =	vmax.f32 v0, v49;
	v13 =	vld [tilespmem:$0x1F240]  }
0x35e: {  	v6 =	vsel vm0, v11, v6;
	vm0 =	vgt.f32 v34, v0;
	v0 =	vmax.f32 v0, v34;
	v11 =	vld [tilespmem:$0x1F250]  }
0x35f: {  	v6 =	vsel vm0, v10, v6;
	vm0 =	vgt.f32 v39, v0;
	v10 =	vld [tilespmem:$0x1F260]  }
0x360: {  	v6 =	vsel vm0, v9, v6;
	v9 =	vld [tilespmem:$0x1F270]  }
0x361: {  	v47 =	vld.idx.msk [tilespmem:v18+s12+$0x0], $0xffff  }
0x362: {  	v1 =	vld.idx.msk [tilespmem:v16+s12+$0x0], $0xffff  }
0x363: {  	v2 =	vld.idx.msk [tilespmem:v14+s12+$0x0], $0xffff  }
0x364: {  	v3 =	vld.idx.msk [tilespmem:v12+s12+$0x0], $0xffff  }
0x365: {  	v49 =	vld.idx.msk [tilespmem:v13+s12+$0x0], $0xffff  }
0x366: {  	v0 =	vmax.f32 v0, v39;
	v63 =	vld.idx.msk [tilespmem:v11+s12+$0x0], $0xffff  }
0x367: {  	vm0 =	vgt.f32 v47, v0;
	v34 =	vld.idx.msk [tilespmem:v10+s12+$0x0], $0xffff  }
0x368: {  	v0 =	vmax.f32 v0, v47;
	v6 =	vsel vm0, v18, v6;
	v18 =	vld [tilespmem:$0x1F280]  }
0x369: {  	vm0 =	vgt.f32 v1, v0;
	v0 =	vmax.f32 v0, v1;
	v39 =	vld.idx.msk [tilespmem:v9+s12+$0x0], $0xffff  }
0x36a: {  	v6 =	vsel vm0, v16, v6;
	vm0 =	vgt.f32 v2, v0;
	v0 =	vmax.f32 v0, v2;
	v16 =	vld [tilespmem:$0x1F290]  }
0x36b: {  	v6 =	vsel vm0, v14, v6;
	vm0 =	vgt.f32 v3, v0;
	v0 =	vmax.f32 v0, v3;
	v14 =	vld [tilespmem:$0x1F2A0]  }
0x36c: {  	v6 =	vsel vm0, v12, v6;
	vm0 =	vgt.f32 v49, v0;
	v0 =	vmax.f32 v0, v49;
	v12 =	vld [tilespmem:$0x1F2B0]  }
0x36d: {  	v6 =	vsel vm0, v13, v6;
	vm0 =	vgt.f32 v63, v0;
	v0 =	vmax.f32 v0, v63;
	v13 =	vld [tilespmem:$0x1F2C0]  }
0x36e: {  	v6 =	vsel vm0, v11, v6;
	vm0 =	vgt.f32 v34, v0;
	v11 =	vld [tilespmem:$0x1F2D0]  }
0x36f: {  	v0 =	vmax.f32 v0, v34;
	v6 =	vsel vm0, v10, v6;
	v10 =	vld [tilespmem:$0x1F2E0]  }
0x370: {  	vm0 =	vgt.f32 v39, v0;
	v0 =	vmax.f32 v0, v39;
	v39 =	vld [tilespmem:$0x1F2F0]  }
0x371: {  	v6 =	vsel vm0, v9, v6;
	v9 =	vld [tilespmem:$0x1F370]  }
0x372: {  	v1 =	vld.idx.msk [tilespmem:v18+s12+$0x0], $0xffff  }
0x373: {  	v2 =	vld.idx.msk [tilespmem:v16+s12+$0x0], $0xffff  }
0x374: {  	v3 =	vld.idx.msk [tilespmem:v14+s12+$0x0], $0xffff  }
0x375: {  	v47 =	vld.idx.msk [tilespmem:v12+s12+$0x0], $0xffff  }
0x376: {  	v49 =	vld.idx.msk [tilespmem:v13+s12+$0x0], $0xffff  }
0x377: {  	v63 =	vld.idx.msk [tilespmem:v11+s12+$0x0], $0xffff  }
0x378: {  	vm0 =	vgt.f32 v1, v0;
	v0 =	vmax.f32 v0, v1;
	v34 =	vld.idx.msk [tilespmem:v10+s12+$0x0], $0xffff  }
0x379: {  	v6 =	vsel vm0, v18, v6;
	vm0 =	vgt.f32 v2, v0;
	v0 =	vmax.f32 v0, v2;
	v18 =	vld [tilespmem:$0x1F300]  }
0x37a: {  	v6 =	vsel vm0, v16, v6;
	vm0 =	vgt.f32 v3, v0;
	v0 =	vmax.f32 v0, v3;
	v16 =	vld [tilespmem:$0x1F310]  }
0x37b: {  	v6 =	vsel vm0, v14, v6;
	vm0 =	vgt.f32 v47, v0;
	v0 =	vmax.f32 v0, v47;
	v14 =	vld [tilespmem:$0x1F320]  }
0x37c: {  	v6 =	vsel vm0, v12, v6;
	vm0 =	vgt.f32 v49, v0;
	v0 =	vmax.f32 v0, v49;
	v12 =	vld [tilespmem:$0x1F330]  }
0x37d: {  	v6 =	vsel vm0, v13, v6;
	vm0 =	vgt.f32 v63, v0;
	v13 =	vld [tilespmem:$0x1F340]  }
0x37e: {  	v0 =	vmax.f32 v0, v63;
	v6 =	vsel vm0, v11, v6;
	v11 =	vld [tilespmem:$0x1F350]  }
0x37f: {  	v1 =	vld.idx.msk [tilespmem:v39+s12+$0x0], $0xffff;
	vm0 =	vgt.f32 v34, v0  }
0x380: {  	v6 =	vsel vm0, v10, v6;
	v10 =	vld [tilespmem:$0x1F360]  }
0x381: {  	v2 =	vld.idx.msk [tilespmem:v18+s12+$0x0], $0xffff  }
0x382: {  	v3 =	vld.idx.msk [tilespmem:v16+s12+$0x0], $0xffff  }
0x383: {  	v47 =	vld.idx.msk [tilespmem:v14+s12+$0x0], $0xffff  }
0x384: {  	v49 =	vld.idx.msk [tilespmem:v12+s12+$0x0], $0xffff  }
0x385: {  	v0 =	vmax.f32 v0, v34;
	v63 =	vld.idx.msk [tilespmem:v13+s12+$0x0], $0xffff  }
0x386: {  	vm0 =	vgt.f32 v1, v0;
	v0 =	vmax.f32 v0, v1;
	v34 =	vld.idx.msk [tilespmem:v11+s12+$0x0], $0xffff  }
0x387: {  	v6 =	vsel vm0, v39, v6;
	vm0 =	vgt.f32 v2, v0;
	v0 =	vmax.f32 v0, v2;
	v2 =	vld.idx.msk [tilespmem:v9+s12+$0x0], $0xffff  }
0x388: {  	v1 =	vld.idx.msk [tilespmem:v10+s12+$0x0], $0xffff  }
0x389: {  	v6 =	vsel vm0, v18, v6;
	vm0 =	vgt.f32 v3, v0;
	v0 =	vmax.f32 v0, v3;
	v18 =	vld [tilespmem:$0x1F380]  }
0x38a: {  	v6 =	vsel vm0, v16, v6;
	vm0 =	vgt.f32 v47, v0;
	v0 =	vmax.f32 v0, v47;
	v16 =	vld [tilespmem:$0x1F390]  }
0x38b: {  	v6 =	vsel vm0, v14, v6;
	vm0 =	vgt.f32 v49, v0;
	v0 =	vmax.f32 v0, v49;
	v14 =	vld [tilespmem:$0x1F3A0]  }
0x38c: {  	v6 =	vsel vm0, v12, v6;
	vm0 =	vgt.f32 v63, v0;
	v12 =	vld [tilespmem:$0x1F3B0]  }
0x38d: {  	v0 =	vmax.f32 v0, v63;
	v6 =	vsel vm0, v13, v6;
	v13 =	vld [tilespmem:$0x1F3C0]  }
0x38e: {  	vm0 =	vgt.f32 v34, v0;
	v0 =	vmax.f32 v0, v34;
	v34 =	vld [tilespmem:$0x1F3D0]  }
0x38f: {  	v6 =	vsel vm0, v11, v6;
	vm0 =	vgt.f32 v1, v0;
	v0 =	vmax.f32 v0, v1;
	v11 =	vld [tilespmem:$0x1F550]  }
0x390: {  	v6 =	vsel vm0, v10, v6;
	vm0 =	vgt.f32 v2, v0;
	v10 =	vld [tilespmem:$0x1F3E0]  }
0x391: {  	v6 =	vsel vm0, v9, v6;
	v9 =	vld [tilespmem:$0x1F3F0]  }
0x392: {  	v3 =	vld.idx.msk [tilespmem:v18+s12+$0x0], $0xffff  }
0x393: {  	v39 =	vld.idx.msk [tilespmem:v16+s12+$0x0], $0xffff  }
0x394: {  	v47 =	vld.idx.msk [tilespmem:v14+s12+$0x0], $0xffff  }
0x395: {  	v49 =	vld.idx.msk [tilespmem:v12+s12+$0x0], $0xffff  }
0x396: {  	v63 =	vld.idx.msk [tilespmem:v13+s12+$0x0], $0xffff  }
0x397: {  	v0 =	vmax.f32 v0, v2;
	v1 =	vld.idx.msk [tilespmem:v34+s12+$0x0], $0xffff  }
0x398: {  	vm0 =	vgt.f32 v3, v0;
	v2 =	vld.idx.msk [tilespmem:v10+s12+$0x0], $0xffff  }
0x399: {  	v0 =	vmax.f32 v0, v3;
	v6 =	vsel vm0, v18, v6;
	v18 =	vld [tilespmem:$0x1F400]  }
0x39a: {  	vm0 =	vgt.f32 v39, v0;
	v0 =	vmax.f32 v0, v39;
	v3 =	vld.idx.msk [tilespmem:v9+s12+$0x0], $0xffff  }
0x39b: {  	v6 =	vsel vm0, v16, v6;
	vm0 =	vgt.f32 v47, v0;
	v0 =	vmax.f32 v0, v47;
	v16 =	vld [tilespmem:$0x1F410]  }
0x39c: {  	v6 =	vsel vm0, v14, v6;
	vm0 =	vgt.f32 v49, v0;
	v0 =	vmax.f32 v0, v49;
	v14 =	vld [tilespmem:$0x1F420]  }
0x39d: {  	v6 =	vsel vm0, v12, v6;
	vm0 =	vgt.f32 v63, v0;
	v0 =	vmax.f32 v0, v63;
	v12 =	vld [tilespmem:$0x1F430]  }
0x39e: {  	v6 =	vsel vm0, v13, v6;
	vm0 =	vgt.f32 v1, v0;
	v0 =	vmax.f32 v0, v1;
	v13 =	vld [tilespmem:$0x1F440]  }
0x39f: {  	v6 =	vsel vm0, v34, v6;
	vm0 =	vgt.f32 v2, v0;
	v0 =	vmax.f32 v0, v2;
	v34 =	vld [tilespmem:$0x1F450]  }
0x3a0: {  	v6 =	vsel vm0, v10, v6;
	vm0 =	vgt.f32 v3, v0;
	v10 =	vld [tilespmem:$0x1F460]  }
0x3a1: {  	v6 =	vsel vm0, v9, v6;
	v9 =	vld [tilespmem:$0x1F470]  }
0x3a2: {  	v39 =	vld.idx.msk [tilespmem:v18+s12+$0x0], $0xffff  }
0x3a3: {  	v47 =	vld.idx.msk [tilespmem:v16+s12+$0x0], $0xffff  }
0x3a4: {  	v49 =	vld.idx.msk [tilespmem:v14+s12+$0x0], $0xffff  }
0x3a5: {  	v63 =	vld.idx.msk [tilespmem:v12+s12+$0x0], $0xffff  }
0x3a6: {  	v1 =	vld.idx.msk [tilespmem:v13+s12+$0x0], $0xffff  }
0x3a7: {  	v0 =	vmax.f32 v0, v3;
	v2 =	vld.idx.msk [tilespmem:v34+s12+$0x0], $0xffff  }
0x3a8: {  	vm0 =	vgt.f32 v39, v0;
	v3 =	vld.idx.msk [tilespmem:v10+s12+$0x0], $0xffff  }
0x3a9: {  	v0 =	vmax.f32 v0, v39;
	v6 =	vsel vm0, v18, v6;
	v18 =	vld [tilespmem:$0x1F480]  }
0x3aa: {  	vm0 =	vgt.f32 v47, v0;
	v0 =	vmax.f32 v0, v47;
	v39 =	vld.idx.msk [tilespmem:v9+s12+$0x0], $0xffff  }
0x3ab: {  	v6 =	vsel vm0, v16, v6;
	vm0 =	vgt.f32 v49, v0;
	v0 =	vmax.f32 v0, v49;
	v16 =	vld [tilespmem:$0x1F490]  }
0x3ac: {  	v6 =	vsel vm0, v14, v6;
	vm0 =	vgt.f32 v63, v0;
	v0 =	vmax.f32 v0, v63;
	v14 =	vld [tilespmem:$0x1F4A0]  }
0x3ad: {  	v6 =	vsel vm0, v12, v6;
	vm0 =	vgt.f32 v1, v0;
	v0 =	vmax.f32 v0, v1;
	v12 =	vld [tilespmem:$0x1F4B0]  }
0x3ae: {  	v6 =	vsel vm0, v13, v6;
	vm0 =	vgt.f32 v2, v0;
	v0 =	vmax.f32 v0, v2;
	v13 =	vld [tilespmem:$0x1F4C0]  }
0x3af: {  	v6 =	vsel vm0, v34, v6;
	vm0 =	vgt.f32 v3, v0;
	v0 =	vmax.f32 v0, v3;
	v34 =	vld [tilespmem:$0x1F4D0]  }
0x3b0: {  	v6 =	vsel vm0, v10, v6;
	vm0 =	vgt.f32 v39, v0;
	v10 =	vld [tilespmem:$0x1F4E0]  }
0x3b1: {  	v6 =	vsel vm0, v9, v6;
	v9 =	vld [tilespmem:$0x1F4F0]  }
0x3b2: {  	v47 =	vld.idx.msk [tilespmem:v18+s12+$0x0], $0xffff  }
0x3b3: {  	v49 =	vld.idx.msk [tilespmem:v16+s12+$0x0], $0xffff  }
0x3b4: {  	v63 =	vld.idx.msk [tilespmem:v14+s12+$0x0], $0xffff  }
0x3b5: {  	v1 =	vld.idx.msk [tilespmem:v12+s12+$0x0], $0xffff  }
0x3b6: {  	v2 =	vld.idx.msk [tilespmem:v13+s12+$0x0], $0xffff  }
0x3b7: {  	v0 =	vmax.f32 v0, v39;
	v3 =	vld.idx.msk [tilespmem:v34+s12+$0x0], $0xffff  }
0x3b8: {  	vm0 =	vgt.f32 v47, v0;
	v0 =	vmax.f32 v0, v47;
	v39 =	vld.idx.msk [tilespmem:v10+s12+$0x0], $0xffff  }
0x3b9: {  	v6 =	vsel vm0, v18, v6;
	vm0 =	vgt.f32 v49, v0;
	v0 =	vmax.f32 v0, v49;
	v18 =	vld [tilespmem:$0x1F500]  }
0x3ba: {  	v47 =	vld.idx.msk [tilespmem:v9+s12+$0x0], $0xffff;
	v6 =	vsel vm0, v16, v6;
	vm0 =	vgt.f32 v63, v0;
	v0 =	vmax.f32 v0, v63  }
0x3bb: {  	v16 =	vld [tilespmem:$0x1F510];
	v6 =	vsel vm0, v14, v6;
	vm0 =	vgt.f32 v1, v0;
	v0 =	vmax.f32 v0, v1  }
0x3bc: {  	v14 =	vld [tilespmem:$0x1F520];
	v6 =	vsel vm0, v12, v6;
	vm0 =	vgt.f32 v2, v0;
	v0 =	vmax.f32 v0, v2  }
0x3bd: {  	v12 =	vld [tilespmem:$0x1F530];
	v6 =	vsel vm0, v13, v6;
	vm0 =	vgt.f32 v3, v0;
	v0 =	vmax.f32 v0, v3  }
0x3be: {  	v13 =	vld [tilespmem:$0x1F540];
	v6 =	vsel vm0, v34, v6;
	vm0 =	vgt.f32 v39, v0  }
0x3bf: {  	v0 =	vmax.f32 v0, v39;
	v6 =	vsel vm0, v10, v6;
	v10 =	vld [tilespmem:$0x1F560]  }
0x3c0: {  	v34 =	vld.idx.msk [tilespmem:v11+s12+$0x0], $0xffff;
	vm0 =	vgt.f32 v47, v0  }
0x3c1: {  	v6 =	vsel vm0, v9, v6;
	v9 =	vld [tilespmem:$0x1F570]  }
0x3c2: {  	v49 =	vld.idx.msk [tilespmem:v18+s12+$0x0], $0xffff  }
0x3c3: {  	v63 =	vld.idx.msk [tilespmem:v16+s12+$0x0], $0xffff  }
0x3c4: {  	v1 =	vld.idx.msk [tilespmem:v14+s12+$0x0], $0xffff  }
0x3c5: {  	v2 =	vld.idx.msk [tilespmem:v12+s12+$0x0], $0xffff  }
0x3c6: {  	v0 =	vmax.f32 v0, v47;
	v3 =	vld.idx.msk [tilespmem:v13+s12+$0x0], $0xffff  }
0x3c7: {  	vm0 =	vgt.f32 v49, v0;
	v39 =	vld.idx.msk [tilespmem:v10+s12+$0x0], $0xffff  }
0x3c8: {  	v0 =	vmax.f32 v0, v49;
	v6 =	vsel vm0, v18, v6;
	v18 =	vld [tilespmem:$0x1F580]  }
0x3c9: {  	vm0 =	vgt.f32 v63, v0;
	v0 =	vmax.f32 v0, v63;
	v47 =	vld.idx.msk [tilespmem:v9+s12+$0x0], $0xffff  }
0x3ca: {  	v6 =	vsel vm0, v16, v6;
	vm0 =	vgt.f32 v1, v0;
	v0 =	vmax.f32 v0, v1;
	v16 =	vld [tilespmem:$0x1F590]  }
0x3cb: {  	v6 =	vsel vm0, v14, v6;
	vm0 =	vgt.f32 v2, v0;
	v0 =	vmax.f32 v0, v2;
	v14 =	vld [tilespmem:$0x1F5A0]  }
0x3cc: {  	v6 =	vsel vm0, v12, v6;
	vm0 =	vgt.f32 v3, v0;
	v0 =	vmax.f32 v0, v3;
	v12 =	vld [tilespmem:$0x1F5B0]  }
0x3cd: {  	v6 =	vsel vm0, v13, v6;
	vm0 =	vgt.f32 v34, v0;
	v0 =	vmax.f32 v0, v34;
	v13 =	vld [tilespmem:$0x1F5C0]  }
0x3ce: {  	v6 =	vsel vm0, v11, v6;
	vm0 =	vgt.f32 v39, v0;
	v0 =	vmax.f32 v0, v39;
	v11 =	vld [tilespmem:$0x1F5D0]  }
0x3cf: {  	v6 =	vsel vm0, v10, v6;
	vm0 =	vgt.f32 v47, v0;
	v10 =	vld [tilespmem:$0x1F5E0]  }
0x3d0: {  	v6 =	vsel vm0, v9, v6;
	v9 =	vld [tilespmem:$0x1F5F0]  }
0x3d1: {  	v49 =	vld.idx.msk [tilespmem:v18+s12+$0x0], $0xffff  }
0x3d2: {  	v1 =	vld.idx.msk [tilespmem:v16+s12+$0x0], $0xffff  }
0x3d3: {  	v2 =	vld.idx.msk [tilespmem:v14+s12+$0x0], $0xffff  }
0x3d4: {  	v3 =	vld.idx.msk [tilespmem:v12+s12+$0x0], $0xffff  }
0x3d5: {  	v63 =	vld.idx.msk [tilespmem:v13+s12+$0x0], $0xffff  }
0x3d6: {  	v0 =	vmax.f32 v0, v47;
	v34 =	vld.idx.msk [tilespmem:v11+s12+$0x0], $0xffff  }
0x3d7: {  	vm0 =	vgt.f32 v49, v0;
	v39 =	vld.idx.msk [tilespmem:v10+s12+$0x0], $0xffff  }
0x3d8: {  	v0 =	vmax.f32 v0, v49;
	v6 =	vsel vm0, v18, v6;
	v18 =	vld [tilespmem:$0x1F600]  }
0x3d9: {  	vm0 =	vgt.f32 v1, v0;
	v0 =	vmax.f32 v0, v1;
	v47 =	vld.idx.msk [tilespmem:v9+s12+$0x0], $0xffff  }
0x3da: {  	v6 =	vsel vm0, v16, v6;
	vm0 =	vgt.f32 v2, v0;
	v0 =	vmax.f32 v0, v2;
	v16 =	vld [tilespmem:$0x1F610]  }
0x3db: {  	v6 =	vsel vm0, v14, v6;
	vm0 =	vgt.f32 v3, v0;
	v0 =	vmax.f32 v0, v3;
	v14 =	vld [tilespmem:$0x1F620]  }
0x3dc: {  	v6 =	vsel vm0, v12, v6;
	vm0 =	vgt.f32 v63, v0;
	v0 =	vmax.f32 v0, v63;
	v12 =	vld [tilespmem:$0x1F630]  }
0x3dd: {  	v6 =	vsel vm0, v13, v6;
	vm0 =	vgt.f32 v34, v0;
	v0 =	vmax.f32 v0, v34;
	v13 =	vld [tilespmem:$0x1F640]  }
0x3de: {  	v6 =	vsel vm0, v11, v6;
	vm0 =	vgt.f32 v39, v0;
	v11 =	vld [tilespmem:$0x1F650]  }
0x3df: {  	v0 =	vmax.f32 v0, v39;
	v6 =	vsel vm0, v10, v6;
	v10 =	vld [tilespmem:$0x1F660]  }
0x3e0: {  	vm0 =	vgt.f32 v47, v0;
	v0 =	vmax.f32 v0, v47;
	v47 =	vld [tilespmem:$0x1F670]  }
0x3e1: {  	v1 =	vld.idx.msk [tilespmem:v18+s12+$0x0], $0xffff  }
0x3e2: {  	v2 =	vld.idx.msk [tilespmem:v16+s12+$0x0], $0xffff  }
0x3e3: {  	v3 =	vld.idx.msk [tilespmem:v14+s12+$0x0], $0xffff  }
0x3e4: {  	v49 =	vld.idx.msk [tilespmem:v12+s12+$0x0], $0xffff  }
0x3e5: {  	v63 =	vld.idx.msk [tilespmem:v13+s12+$0x0], $0xffff  }
0x3e6: {  	v34 =	vld.idx.msk [tilespmem:v11+s12+$0x0], $0xffff  }
0x3e7: {  	v39 =	vld.idx.msk [tilespmem:v10+s12+$0x0], $0xffff  }
0x3e8: {  	v6 =	vsel vm0, v9, v6;
	vm0 =	vgt.f32 v1, v0;
	v0 =	vmax.f32 v0, v1;
	v1 =	vld.idx.msk [tilespmem:v47+s12+$0x0], $0xffff  }
0x3e9: {  	v6 =	vsel vm0, v18, v6;
	vm0 =	vgt.f32 v2, v0;
	v0 =	vmax.f32 v0, v2;
	v18 =	vld [tilespmem:$0x1F680]  }
0x3ea: {  	v6 =	vsel vm0, v16, v6;
	vm0 =	vgt.f32 v3, v0;
	v0 =	vmax.f32 v0, v3;
	v16 =	vld [tilespmem:$0x1F690]  }
0x3eb: {  	v6 =	vsel vm0, v14, v6;
	vm0 =	vgt.f32 v49, v0;
	v0 =	vmax.f32 v0, v49;
	v14 =	vld [tilespmem:$0x1F6A0]  }
0x3ec: {  	v6 =	vsel vm0, v12, v6;
	vm0 =	vgt.f32 v63, v0;
	v0 =	vmax.f32 v0, v63;
	v12 =	vld [tilespmem:$0x1F6B0]  }
0x3ed: {  	v6 =	vsel vm0, v13, v6;
	vm0 =	vgt.f32 v34, v0;
	v0 =	vmax.f32 v0, v34;
	v13 =	vld [tilespmem:$0x1F6C0]  }
0x3ee: {  	v6 =	vsel vm0, v11, v6;
	vm0 =	vgt.f32 v39, v0;
	v0 =	vmax.f32 v0, v39;
	v11 =	vld [tilespmem:$0x1F6D0]  }
0x3ef: {  	v39 =	vld [tilespmem:$0x1F6E0];
	v6 =	vsel vm0, v10, v6;
	vm0 =	vgt.f32 v1, v0  }
0x3f0: {  	v6 =	vsel vm0, v47, v6;
	v47 =	vld [tilespmem:$0x1F6F0]  }
0x3f1: {  	v2 =	vld.idx.msk [tilespmem:v18+s12+$0x0], $0xffff  }
0x3f2: {  	v3 =	vld.idx.msk [tilespmem:v16+s12+$0x0], $0xffff  }
0x3f3: {  	v49 =	vld.idx.msk [tilespmem:v14+s12+$0x0], $0xffff  }
0x3f4: {  	v7 =	vld.idx.msk [tilespmem:v12+s12+$0x0], $0xffff  }
0x3f5: {  	v63 =	vld.idx.msk [tilespmem:v13+s12+$0x0], $0xffff  }
0x3f6: {  	v0 =	vmax.f32 v0, v1;
	v34 =	vld.idx.msk [tilespmem:v11+s12+$0x0], $0xffff  }
0x3f7: {  	v1 =	vld.idx.msk [tilespmem:v39+s12+$0x0], $0xffff;
	vm0 =	vgt.f32 v2, v0  }
0x3f8: {  	v0 =	vmax.f32 v0, v2;
	v6 =	vsel vm0, v18, v6;
	v18 =	vld [tilespmem:$0x1F700]  }
0x3f9: {  	vm0 =	vgt.f32 v3, v0;
	v0 =	vmax.f32 v0, v3;
	v2 =	vld.idx.msk [tilespmem:v47+s12+$0x0], $0xffff  }
0x3fa: {  	v6 =	vsel vm0, v16, v6;
	vm0 =	vgt.f32 v49, v0;
	v0 =	vmax.f32 v0, v49;
	v16 =	vld [tilespmem:$0x1F710]  }
0x3fb: {  	v6 =	vsel vm0, v14, v6;
	vm0 =	vgt.f32 v7, v0;
	v0 =	vmax.f32 v0, v7;
	v14 =	vld [tilespmem:$0x1F720]  }
0x3fc: {  	v6 =	vsel vm0, v12, v6;
	vm0 =	vgt.f32 v63, v0;
	v0 =	vmax.f32 v0, v63;
	v12 =	vld [tilespmem:$0x1F730]  }
0x3fd: {  	v6 =	vsel vm0, v13, v6;
	vm0 =	vgt.f32 v34, v0;
	v0 =	vmax.f32 v0, v34;
	v13 =	vld [tilespmem:$0x1F740]  }
0x3fe: {  	v34 =	vld [tilespmem:$0x1F750];
	v6 =	vsel vm0, v11, v6;
	vm0 =	vgt.f32 v1, v0;
	v0 =	vmax.f32 v0, v1  }
0x3ff: {  	v6 =	vsel vm0, v39, v6;
	vm0 =	vgt.f32 v2, v0;
	v39 =	vld [tilespmem:$0x1F760]  }
0x400: {  	v6 =	vsel vm0, v47, v6;
	v47 =	vld [tilespmem:$0x1F770]  }
0x401: {  	v3 =	vld.idx.msk [tilespmem:v18+s12+$0x0], $0xffff  }
0x402: {  	v49 =	vld.idx.msk [tilespmem:v16+s12+$0x0], $0xffff  }
0x403: {  	v7 =	vld.idx.msk [tilespmem:v14+s12+$0x0], $0xffff  }
0x404: {  	v63 =	vld.idx.msk [tilespmem:v12+s12+$0x0], $0xffff  }
0x405: {  	v8 =	vld.idx.msk [tilespmem:v13+s12+$0x0], $0xffff  }
0x406: {  	v0 =	vmax.f32 v0, v2;
	v1 =	vld.idx.msk [tilespmem:v34+s12+$0x0], $0xffff  }
0x407: {  	vm0 =	vgt.f32 v3, v0;
	v2 =	vld.idx.msk [tilespmem:v39+s12+$0x0], $0xffff  }
0x408: {  	v0 =	vmax.f32 v0, v3;
	v6 =	vsel vm0, v18, v6;
	v18 =	vld [tilespmem:$0x1F780]  }
0x409: {  	vm0 =	vgt.f32 v49, v0;
	v0 =	vmax.f32 v0, v49;
	v3 =	vld.idx.msk [tilespmem:v47+s12+$0x0], $0xffff  }
0x40a: {  	v6 =	vsel vm0, v16, v6;
	vm0 =	vgt.f32 v7, v0;
	v0 =	vmax.f32 v0, v7;
	v16 =	vld [tilespmem:$0x1F790]  }
0x40b: {  	v6 =	vsel vm0, v14, v6;
	vm0 =	vgt.f32 v63, v0;
	v0 =	vmax.f32 v0, v63;
	v14 =	vld [tilespmem:$0x1F7A0]  }
0x40c: {  	v6 =	vsel vm0, v12, v6;
	vm0 =	vgt.f32 v8, v0;
	v0 =	vmax.f32 v0, v8;
	v12 =	vld [tilespmem:$0x1F7B0]  }
0x40d: {  	v6 =	vsel vm0, v13, v6;
	vm0 =	vgt.f32 v1, v0;
	v0 =	vmax.f32 v0, v1;
	v13 =	vld [tilespmem:$0x1F7C0]  }
0x40e: {  	v6 =	vsel vm0, v34, v6;
	vm0 =	vgt.f32 v2, v0;
	v0 =	vmax.f32 v0, v2;
	v34 =	vld [tilespmem:$0x1F7D0]  }
0x40f: {  	v6 =	vsel vm0, v39, v6;
	vm0 =	vgt.f32 v3, v0;
	v39 =	vld [tilespmem:$0x1F7E0]  }
0x410: {  	v6 =	vsel vm0, v47, v6;
	v47 =	vld [tilespmem:$0x1F7F0]  }
0x411: {  	v49 =	vld.idx.msk [tilespmem:v18+s12+$0x0], $0xffff  }
0x412: {  	v7 =	vld.idx.msk [tilespmem:v16+s12+$0x0], $0xffff  }
0x413: {  	v63 =	vld.idx.msk [tilespmem:v14+s12+$0x0], $0xffff  }
0x414: {  	v8 =	vld.idx.msk [tilespmem:v12+s12+$0x0], $0xffff  }
0x415: {  	v0 =	vmax.f32 v0, v3;
	v1 =	vld.idx.msk [tilespmem:v13+s12+$0x0], $0xffff  }
0x416: {  	v2 =	vld.idx.msk [tilespmem:v34+s12+$0x0], $0xffff;
	vm0 =	vgt.f32 v49, v0;
	v0 =	vmax.f32 v0, v49  }
0x417: {  	v3 =	vld.idx.msk [tilespmem:v39+s12+$0x0], $0xffff;
	v6 =	vsel vm0, v18, v6;
	vm0 =	vgt.f32 v7, v0;
	v0 =	vmax.f32 v0, v7  }
0x418: {  	v49 =	vld.idx.msk [tilespmem:v47+s12+$0x0], $0xffff;
	v6 =	vsel vm0, v16, v6;
	vm0 =	vgt.f32 v63, v0;
	v0 =	vmax.f32 v0, v63  }
0x419: {  	v44 =	vld [tilespmem:$0x1FEA0];
	v63 =	vsel vm0, v14, v6;
	vm0 =	vgt.f32 v8, v0;
	v0 =	vmax.f32 v0, v8  }
0x41a: {  	v53 =	vld [tilespmem:$0x1FE30];
	v5 =	vsel vm0, v12, v63;
	vm0 =	vgt.f32 v1, v0;
	v0 =	vmax.f32 v0, v1  }
0x41b: {  	v50 =	vmovc v55;
	v55 =	vld [tilespmem:$0x1FEB0];
	v1 =	vsel vm0, v13, v5;
	vm0 =	vgt.f32 v2, v0;
	v0 =	vmax.f32 v0, v2  }
0x41c: {  	v54 =	vld [tilespmem:$0x1FDA0];
	v1 =	vsel vm0, v34, v1;
	vm0 =	vgt.f32 v3, v0;
	v0 =	vmax.f32 v0, v3  }
0x41d: {  	v31 =	vld [tilespmem:$0x1FE60];
	v1 =	vsel vm0, v39, v1;
	vm0 =	vgt.f32 v49, v0  }
0x41e: {  	v0 =	vsel vm0, v47, v1;
	v1 =	vld [tilespmem:$0x1F800]  }
0x41f: {  	v35 =	vld [tilespmem:$0x1FE20]  }
0x420: {  	v36 =	vld [tilespmem:$0x1FDE0]  }
0x421: {  	v59 =	vld [tilespmem:$0x1FFE0]  }
0x422: {  	v37 =	vld [tilespmem:$0x1FFD0]  }
0x423: {  	v0 =	vsub.s32 v0, v1;
	v1 =	vld [tilespmem:$0x1F810]  }
0x424: {  	v62 =	vld [tilespmem:$0x1FEC0]  }
0x425: {  	v41 =	vld [tilespmem:$0x1FDB0]  }
0x426: {  	p0 =	sne.s32 s25, $0xFF;
	v43 =	vld [tilespmem:$0x1FDC0]  }
.Ltmp1:
0x427: {  	v45 =	vld [tilespmem:$0x1FE40];
	(pc) =	sbr.rel @p0 .LBB2_5-.Ltmp1, $4  }
0x428: {  	v51 =	vld [tilespmem:$0x1FFF0]  }
0x429: {  	s22 =	sadd.s32 $0x10, s22;
	v56 =	vld [tilespmem:$0x1FED0]  }
0x42a: {  	s24 =	sadd.s32 $0x10, s24;
	v58 =	vld [tilespmem:$0x1FE70];
	[tilespmem:s22+$0x0] =	vst v0  }
0x42b: {  	s25 =	sadd.s32 $0x10, s25;
	s23 =	smov.u32 s24;
	v19 =	vlaneseq.u32;
	s26 =	sadd.s32 $0x8D0, s26;
	vm0 =	vne.s32 v0, $0x8C;
	v1 =	vld.idx.msk [tilespmem:v1+s14+$0x0], $0xffff  }
0x42c: {  	_ =	sdelay $0x3  }
0x42d: {  	s21 =	sshll.u32 s21, $0x8;
	vm1 =	vne.s32 v0, v1  }
0x42e: {  	s21 =	sadd.s32 s8, s21;
	v1 =	vimm.s32 $0x0;
	vm0 =	vmand vm1, vm0  }
0x42f: {  	s21 =	sshrl.u32 s21, $0x3;
	v1 =	vsel vm0, $0x1, v1  }
0x430: {  	s22 =	sadd.s32 s0, s21;
	[tilespmem:s23+$0x0] =	vst v1  }
0x431: {  	[hbm4b:s22+s5] =	stream.linear.scatter [tilespmem:s15], [sflag:$0x3], $0x100, $0x38;
	[tilespmem:$0x11C80] =	vst v63  }
0x432: {  	_ =	swait.ge [sflag:s16], $0x100  }
0x433: {  	[sflag:s16] =	ssyncset.done $0x0  }
0x434: {  	s21 =	sadd.s32 s3, s21;
	[sflag:s16] =	ssyncadd.s32 $0xFFFFFF00  }
0x435: {  	[hbm4b:s21+s5] =	stream.linear.scatter [tilespmem:s17], [sflag:$0x3], $0x100, $0x38;
	[tilespmem:$0x11C80] =	vst v63  }
0x436: {  	s20 =	sadd.s32 $0x1, s20;
	_ =	swait.ge [sflag:s16], $0x100  }
0x437: {  	p0 =	sne.s32 s20, $0x4;
	v24 =	vld [tilespmem:$0x1FF70]  }
.Ltmp2:
0x438: {  	v29 =	vld [tilespmem:$0x1FF80];
	(pc) =	sbr.rel @p0 .LBB2_2-.Ltmp2, $4  }
0x439: {  	v28 =	vld [tilespmem:$0x1FF90]  }
0x43a: {  	v34 =	vld [tilespmem:$0x1FFA0]  }
0x43b: {  	[sflag:s16] =	ssyncset.done $0x0;
	v39 =	vld [tilespmem:$0x1FFB0]  }
0x43c: {  	v47 =	vld [tilespmem:$0x1FFC0];
	[sflag:s16] =	ssyncadd.s32 $0xFFFFFF00  }
0x43d: {  	s19 =	sadd.s32 $0x1, s19  }
0x43e: {  	p0 =	sne.s32 s19, s11  }
.Ltmp3:
0x43f: {  	_ = 	snop;
	(pc) =	sbr.rel @p0 .LBB2_1-.Ltmp3, $1  }
0x440: {  	_ =	sdelay $0x3  }
0x441: {  	_ =	sfence.sel $0x180000  }
0x442: {  	[bflag:$0x0] =	sbarrier.arrive $0xFFFF  }
0x443: {  	p0 =	sne.s32 s1, $0x0;
	_ =	strace $0x9000004A  }
0x444: {  	s0 =	sadd.s32 @!p0 $0x100000, s2;
	[bflag:$0x2] =	sbarrier.arrive $0xFFFF  }
0x445: {  	[sflag:s0] =	ssyncadd.tile.s32 @!p0 $0x1;
	_ =	shalt  }
.Lfunc_end2:
_tile_overlayer_lowered:
.L_overlay_start_2:
0x446: {  	(tag) =	ssettag $0x2  }
0x447: {  	s0 =	rddreg [dreg:$0x0];
	s2 =	stileid.u32  }
0x448: {  	s1 =	rddreg [dreg:$0x1];
	p0 =	sne.s32 s2, $0x0  }
0x449: {  	s3 =	rddreg [dreg:$0x2];
	[bflag:$0x3] =	sbarrier.arrive $0xFFFF;
	s2 =	simm.s32 @!p0 $0x1C03  }
0x44a: {  	[timem:s3], [sflag:s2] =	dma.local @!p0 [hbm:s0], s1  }
0x44b: {  	s0 =	simm.s32 @!p0 $0x3  }
0x44c: {  	_ =	swait.ge @!p0 [sflag:s0], s1  }
0x44d: {  	s1 =	ssub.s32 @!p0 $0x0, s1;
	[sflag:s0] =	ssyncset.done @!p0 $0x0  }
0x44e: {  	[sflag:s0] =	ssyncadd.s32 @!p0 s1  }
0x44f: {  	[bflag:$0x3] =	sbarrier.arrive $0xFFFF  }
0x450: {  	_ =	shalt  }

// kernel: sparse-core-data-format-call.cloned.1.call-start
scs
called_computation_lowered:
.L_overlay_start_0:
0x0: {  	s1 =	sld [smem:$0x3FD9]  }
0x1: {  	s2 =	sld [smem:$0x3FFE];
	_ =	sdelay $0x1  }
0x2: {  	s3 =	srdreg.scid  }
0x3: {  	s0 =	sand.u32 $0x1, s3  }
0x4: {  	s17 =	sshll.u32 s0, $0xA;
	s1 =	sadd.s32 s2, s1  }
0x5: {  	s1 =	sadd.s32 s1, s17  }
0x6: {  	[smem:$0x3FC7] =	sst s1  }
0x7: {  	_ = 	snop  }
0x8: {  	(tm) =	ssettm $0x1  }
0x9: {  	s18 =	sld [smem:$0x3FFB];
	_ =	sdelay $0x3  }
0xa: {  	_ =	strace s18  }
0xb: {  	s1 =	sld [smem:$0x3FFC];
	_ =	sdelay $0x3  }
0xc: {  	_ =	strace s1  }
0xd: {  	s1 =	sld [smem:$0x3FFD];
	_ =	sdelay $0x3  }
0xe: {  	_ =	strace s1  }
0xf: {  	_ =	strace $0x8FFFFFFF  }
0x10: {  	s19 =	sld [smem:$0x3FDB];
	_ =	sdelay $0x1  }
0x11: {  	s20 =	simm.s32 $_scs_section_size  }
0x12: {  	s4 =	simm.s32 $_size__tile_overlayer_lowered;
	s5 =	simm.s32 $_tile_overlayer_lowered  }
0x13: {  	s23 =	simm.s32 $0x1BFF;
	s22 =	sshll.u32 s5, $0x1;
	s1 =	sadd.s32 s20, s19  }
0x14: {  	s6 =	simm.s32 $0x0;
	s21 =	sshll.u32 s4, $0x1;
	s4 =	sadd.s32 s22, s1  }
0x15: {  	[timem:s6], [sflag:s23] =	dma.local [hbm:s4], s21  }
0x16: {  	_ =	swait.ge [sflag:s23], s21  }
0x17: {  	s2 =	ssub.s32 $0x0, s21;
	[sflag:s23] =	ssyncset.done $0x0  }
0x18: {  	[sflag:s23] =	ssyncadd.s32 s2;
	_ =	sdelay $0x1  }
0x19: {  	s24 =	simm.s32 $0x1B8B  }
0x1a: {  	_ =	swait.ge [sflag:s24], $0x1  }
0x1b: {  	[sflag:s24] =	ssyncset.done $0x0  }
0x1c: {  	s26 =	simm.s32 $0x1B8E;
	s25 =	sld [smem:$0x3FFE];
	[sflag:s24] =	ssyncadd.s32 $0xFFFFFFFF  }
0x1d: {  	s27 =	simm.s32 $execute0_lowered;
	[smem:$0x3FD2] =	sst s26  }
0x1e: {  	s4 =	sshll.u32 s27, $0x1;
	_ =	strace $0x80000046;
	[dreg:$0x1] =	wrdreg $0xFFFFFFFF  }
0x1f: {  	s28 =	simm.s32 $_size_execute0_lowered;
	s1 =	sadd.s32 s1, s4;
	[dreg:$0x0] =	wrdreg $0x0  }
0x20: {  	s4 =	sshll.u32 s28, $0x1;
	[dreg:$0x2] =	wrdreg s1  }
0x21: {  	[dreg:$0x3] =	wrdreg s4  }
0x22: {  	[dreg:$0x4] =	wrdreg $0xC0  }
0x23: {  	_ =	task [dreg:s6], $0x5FFFF  }
0x24: {  	[dreg:$0x1] =	wrdreg $0xFFFFFFFF  }
0x25: {  	[dreg:$0x0] =	wrdreg $0x60  }
0x26: {  	[dreg:$0x2] =	wrdreg s25  }
0x27: {  	[dreg:$0x3] =	wrdreg $0x9  }
0x28: {  	_ =	task.clear_ibuf [dreg:s6], $0x4FFFF;
	_ =	strace $0x90000046  }
0x29: {  	s29 =	simm.s32 $0x9;
	_ =	strace $0x80000048  }
0x2a: {  	_ =	swait.ge [sflag:s29], $0x1  }
0x2b: {  	[sflag:s29] =	ssyncadd.s32 $0xFFFFFFFF  }
0x2c: {  	_ =	strace $0x90000048  }
0x2d: {  	_ =	sfence  }
0x2e: {  	s30 =	sld [smem:$0x0];
	_ =	sdelay $0x2  }
0x2f: {  	s31 =	sshll.u32 s3, $0xD;
	s3 =	sshrl.u32 s3, $0x2  }
0x30: {  	s2 =	sand.u32 $0x4000, s31;
	s1 =	sadd.s32 s3, s30  }
0x31: {  	s0 =	sor.u32 s2, s0;
	s1 =	sshll.u32 s1, $0x11  }
0x32: {  	s0 =	sor.u32 s1, s0  }
0x33: {  	s0 =	sadd.s32 $0x8F2B, s0  }
0x34: {  	[sflag:s0] =	ssyncadd.remote.s32 $0x1  }
0x35: {  	_ =	sfence.sel $0xFFFF  }
0x36: {  	[dreg:$0x0] =	wrdreg $0xFFFFFFFF;
	(pc) =	sbr.abs _section_cstart, $3  }
0x37: {  	[dreg:$0x1] =	wrdreg $0xFFFFFFFF  }
0x38: {  	_ =	task.clear_ibuf [dreg:s6], $0x2FFFF;
	_ =	strace $0x9FFFFFFF  }
0x39: {  	(tm) =	ssettm $0x7FFFFFFF  }
tec
execute0_lowered:
.L_overlay_start_1:
0x0: {  	(tag) =	ssettag $0x1  }
0x1: {  	s0 =	srdreg.scid  }
0x2: {  	s3 =	rddreg [dreg:$0x0];
	s1 =	stileid.u32  }
0x3: {  	s5 =	simm.s32 $0x1;
	s7 =	simm.s32 $0x2;
	s14 =	simm.s32 $0x0  }
0x4: {  	p0 =	por $0x0, $0x0;
	s13 =	simm.s32 $0x0;
	s12 =	simm.s32 $0x0  }
0x5: {  	s9 =	simm.s32 $0x0;
	s8 =	simm.s32 $0x0;
	s2 =	sshll.u32 s0, $0x4  }
.Ltmp0:
0x6: {  	s0 =	rddreg [dreg:$0x1];
	_ =	strace $0x80000047;
	(pc) =	sbr.rel .LBB1_1-.Ltmp0, $4  }
0x7: {  	s6 =	sshll.u32 s1, $0x7;
	s4 =	sand.u32 $0x10, s2;
	s2 =	sadd.s32 $0xE00, s3  }
0x8: {  	s3 =	sadd.s32 $0x11AE00, s3;
	[sflag:s5] =	ssyncpa.u1 $0x0;
	s4 =	sor.u32 s1, s4  }
0x9: {  	s6 =	sand.u32 $0x80, s6;
	[sflag:s7] =	ssyncpa.u1 $0x0;
	s4 =	sshrl.u32 s4, $0x1  }
0xa: {  	s7 =	simm.s32 $0x800;
	s11 =	smov.u32 s6;
	s10 =	smov.u32 s4  }
.LBB1_5:
0xb: {  	s15 =	sadd.s32 $0x80, s9  }
0xc: {  	s12 =	sadd.s32 $0x10, s10;
	s16 =	smov.u32 s10;
	p2 =	sgt.s32 s15, $0xFFF  }
0xd: {  	s16 =	smov.u32 @p2 s12  }
0xe: {  	s18 =	smov.u32 s11;
	s12 =	sadd.s32 $0x100, s11;
	p3 =	sgt.s32 s16, $0xF  }
0xf: {  	p1 =	slt.u32 s8, $0x2;
	s18 =	smov.u32 @p3 s12  }
0x10: {  	s8 =	sadd.s32 $0x1, s8;
	s15 =	simm.s32 @p2 $0x0;
	p2 =	sgt.s32 s18, $0x8C  }
0x11: {  	s18 =	smov.u32 @p2 s6;
	p2 =	sne.s32 s8, $0x22  }
.Ltmp1:
0x12: {  	s17 =	simm.s32 @!p1 $0x2;
	(pc) =	sbr.rel @!p2 .LBB1_6-.Ltmp1, $4  }
0x13: {  	s14 =	smov.u32 s9;
	_ =	swait.ge @!p1 [sflag:s17], $0x4000  }
0x14: {  	s13 =	smov.u32 s10;
	p0 =	por !p0, !p0;
	[sflag:s17] =	ssyncset.done @!p1 $0x0  }
0x15: {  	s9 =	smov.u32 s15;
	s16 =	smov.u32 @p3 s4;
	s12 =	smov.u32 s11  }
0x16: {  	[sflag:s17] =	ssyncadd.s32 @!p1 $0xFFFFC000;
	s10 =	smov.u32 s16;
	s11 =	smov.u32 s18  }
.LBB1_1:
0x17: {  	p1 =	sgt.u32 s8, $0x1F  }
0x18: {  	p2 =	sgt.s32 @!p1 s11, $0xD  }
0x19: {  	s15 =	smov.u32 s11;
	s16 =	sshra.s32 @!p1 s11, $0x1F;
	p2 =	por !p2, p1  }
0x1a: {  	s16 =	sand.u32 @!p1 s16, s11;
	s15 =	simm.s32 @p2 $0xD  }
0x1b: {  	s17 =	smov.u32 s10;
	p2 =	sgt.s32 @!p1 s10, $0xF;
	s15 =	ssub.s32 @!p1 s15, s16  }
0x1c: {  	s19 =	smov.u32 s9;
	p2 =	por !p2, p1;
	s16 =	sadd.s32 @!p1 $0xFFFFFFF3, s15  }
0x1d: {  	s17 =	simm.s32 @p2 $0xF;
	p2 =	sgt.s32 @!p1 s16, $0x7F;
	s16 =	sshra.s32 @!p1 s10, $0x1F  }
0x1e: {  	s15 =	ssub.s32 @!p1 $0x8D, s15;
	p2 =	por !p2, p1;
	s16 =	sand.u32 @!p1 s16, s10  }
0x1f: {  	s15 =	simm.s32 @!p2 $0x0;
	s16 =	ssub.s32 @!p1 s17, s16;
	p2 =	sgt.s32 @!p1 s9, $0xF80  }
0x20: {  	s20 =	sshll.u32 @!p1 s10, $0xC;
	s18 =	sadd.s32 @!p1 $0xFFFFFFF1, s16;
	p2 =	por !p2, p1  }
0x21: {  	s19 =	simm.s32 @p2 $0xF80;
	p2 =	sgt.s32 @!p1 s18, $0x0;
	s18 =	sshra.s32 @!p1 s9, $0x1F  }
0x22: {  	s16 =	ssub.s32 @!p1 $0x10, s16;
	p2 =	por !p2, p1;
	s18 =	sand.u32 @!p1 s18, s9  }
0x23: {  	s17 =	sxor.u32 @!p1 $0xFFFFFFFF, s8;
	s16 =	simm.s32 @!p2 $0x0;
	s18 =	ssub.s32 @!p1 s19, s18  }
0x24: {  	s17 =	sshll.u32 @!p1 s17, $0xE;
	s15 =	smul.u32 @!p1 s15, s16;
	s16 =	sadd.s32 @!p1 $0xFFFFF080, s18  }
0x25: {  	s20 =	sand.u32 @!p1 $0x8000, s20;
	s17 =	sand.u32 @!p1 $0x4000, s17;
	p2 =	sgt.s32 @!p1 s16, $0x7F  }
0x26: {  	s18 =	ssub.s32 @!p1 $0x1000, s18;
	s16 =	sshll.u32 @!p1 s10, $0x7;
	p2 =	por !p2, p1  }
0x27: {  	s19 =	sand.u32 @!p1 $0x78, s9;
	s16 =	sand.u32 @!p1 $0x380, s16;
	s18 =	simm.s32 @!p2 $0x0  }
0x28: {  	s16 =	sor.u32 @!p1 s16, s19;
	s19 =	sshll.u32 @!p1 s9, $0x3;
	s15 =	smul.u32 @!p1 s18, s15  }
0x29: {  	s18 =	sand.u32 @!p1 $0xC00, s19;
	s19 =	sadd.s32 @!p1 s20, s19;
	s20 =	sand.u32 @!p1 $0x7, s9  }
0x2a: {  	s16 =	sor.u32 @!p1 s18, s16;
	s18 =	sshll.u32 @!p1 s11, $0xD;
	s19 =	sshrl.u32 @!p1 s19, $0x3  }
0x2b: {  	s15 =	sand.u32 @!p1 $0x3FFFFFFF, s15;
	s19 =	sand.u32 @!p1 $0x1E00, s19;
	s18 =	sadd.s32 @!p1 s2, s18  }
0x2c: {  	s16 =	sshrl.u32 @!p1 s16, $0x3;
	s18 =	sadd.s32 @!p1 s19, s18;
	s19 =	sshll.u32 @!p1 s20, $0x12  }
0x2d: {  	s16 =	sadd.s32 @!p1 s16, s18;
	s18 =	sor.u32 @!p1 $0x80, s19;
	s19 =	simm.s32 @!p1 $0x10000  }
0x2e: {  	[tilespmem:s17], [sflag:$0x1] =	stream.strided.gather @!p1 [hbm4b:s16+s18], s15, s19, s18, $0x38;
	[tilespmem:$0x10100] =	vst v63  }
0x2f: {  	p1 =	seq.s32 s8, $0x0  }
0x30: {  	p2 =	seq.s32 @!p1 s8, $0x21  }
0x31: {  	p1 =	por p1, p2  }
.Ltmp2:
0x32: {  	_ = 	snop;
	(pc) =	sbr.rel @p1 .LBB1_5-.Ltmp2, $1  }
0x33: {  	_ =	sdelay $0x3  }
0x34: {  	p1 =	sgt.s32 s12, $0xD;
	s15 =	smov.u32 s12;
	s16 =	sshra.s32 s12, $0x1F  }
0x35: {  	s15 =	simm.s32 @!p1 $0xD;
	s16 =	sand.u32 s16, s12  }
0x36: {  	s15 =	ssub.s32 s15, s16  }
0x37: {  	p2 =	sgt.s32 s13, $0xF;
	s17 =	sshra.s32 s13, $0x1F;
	s16 =	sadd.s32 $0xFFFFFFF3, s15  }
0x38: {  	s18 =	sshra.s32 s14, $0x1F;
	p1 =	sgt.s32 s16, $0x7F;
	s16 =	smov.u32 s13  }
0x39: {  	s17 =	sand.u32 s17, s13;
	s18 =	sand.u32 s18, s14;
	s16 =	simm.s32 @!p2 $0xF  }
0x3a: {  	p2 =	sgt.s32 s14, $0xF80;
	s16 =	ssub.s32 s16, s17;
	s17 =	smov.u32 s14  }
0x3b: {  	s15 =	ssub.s32 $0x8D, s15;
	s19 =	sadd.s32 $0xFFFFFFF1, s16;
	s17 =	simm.s32 @!p2 $0xF80  }
0x3c: {  	s16 =	ssub.s32 $0x10, s16;
	p2 =	sgt.s32 s19, $0x0;
	s17 =	ssub.s32 s17, s18  }
0x3d: {  	s15 =	simm.s32 @p1 $0x0;
	s16 =	simm.s32 @p2 $0x0;
	s18 =	sadd.s32 $0xFFFFF080, s17  }
0x3e: {  	s15 =	smul.u32 s15, s16;
	p1 =	sgt.s32 s18, $0x7F;
	s16 =	ssub.s32 $0x1000, s17  }
0x3f: {  	s16 =	simm.s32 @p1 $0x0  }
0x40: {  	s15 =	smul.u32 s16, s15;
	_ =	sdelay $0x1  }
0x41: {  	s16 =	simm.s32 $0x1;
	s15 =	sand.u32 $0x3FFFFFFF, s15  }
0x42: {  	s16 =	simm.s32 @!p0 $0x0;
	_ =	swait.ge [sflag:s5], s15  }
0x43: {  	s29 =	sshll.u32 s16, $0xE;
	s15 =	ssub.s32 $0x0, s15;
	[sflag:s5] =	ssyncset.done $0x0  }
0x44: {  	s17 =	sor.u32 $0x40, s29;
	[sflag:s5] =	ssyncadd.s32 s15  }
0x45: {  	s30 =	smul.u32 $0x10200, s16;
	v0 =	vld [tilespmem:s17+$0x30]  }
0x46: {  	v3 =	vld [tilespmem:s17+$0xFFFFFFD0]  }
0x47: {  	s15 =	sshrl.u32 s30, $0x2;
	v4 =	vld [tilespmem:s17+$0xFFFFFFE0]  }
0x48: {  	s16 =	sor.u32 $0x8000, s15;
	v5 =	vld [tilespmem:s17+$0xFFFFFFF0]  }
0x49: {  	s31 =	sand.u32 $0x1, s8;
	v1 =	vld [tilespmem:s17+$0x0];
	s18 =	sadd.s32 $0x0, s16  }
0x4a: {  	s15 =	smul.u32 $0x10200, s31;
	v2 =	vld [tilespmem:s17+$0x10];
	[tilespmem:s18+$0x3870 ss:$0x81] =	vst.msk $0xffff, v0  }
0x4b: {  	[tilespmem:s18+$0x810 ss:$0x81] =	vst.msk $0xffff, v3;
	v3 =	vld [tilespmem:s17+$0x20]  }
0x4c: {  	s15 =	sshrl.u32 s15, $0x2;
	v0 =	vld [tilespmem:s17+$0xFFFFFFC0];
	[tilespmem:s18+$0x1020 ss:$0x81] =	vst.msk $0xffff, v4;
	s17 =	sadd.s32 $0x80, s17  }
0x4d: {  	s20 =	simm.s32 $0x8;
	s19 =	simm.s32 $0x4;
	s15 =	sor.u32 $0x8000, s15;
	[tilespmem:s18+$0x1830 ss:$0x81] =	vst.msk $0xffff, v5;
	v4 =	vld [tilespmem:s17+$0x30]  }
.LBB1_3:
0x4e: {  	p1 =	sne.s32 s20, $0x1FC;
	v5 =	vld [tilespmem:s17+$0xFFFFFFD0];
	[tilespmem:s18+$0x2040 ss:$0x81] =	vst.msk $0xffff, v1  }
0x4f: {  	v6 =	vld [tilespmem:s17+$0xFFFFFFE0];
	[tilespmem:s18+$0x2850 ss:$0x81] =	vst.msk $0xffff, v2  }
0x50: {  	s21 =	sshra.s32 s19, $0x2;
	s19 =	smov.u32 s20;
	v7 =	vld [tilespmem:s17+$0xFFFFFFF0];
	[tilespmem:s18+$0x3060 ss:$0x81] =	vst.msk $0xffff, v3  }
.Ltmp3:
0x51: {  	v1 =	vld [tilespmem:s17+$0x0];
	[tilespmem:s18+$0x0 ss:$0x81] =	vst.msk $0xffff, v0;
	s18 =	sadd.s32 s21, s16;
	(pc) =	sbr.rel @p1 .LBB1_3-.Ltmp3, $4  }
0x52: {  	v2 =	vld [tilespmem:s17+$0x10];
	[tilespmem:s18+$0x3870 ss:$0x81] =	vst.msk $0xffff, v4  }
0x53: {  	[tilespmem:s18+$0x810 ss:$0x81] =	vst.msk $0xffff, v5;
	v3 =	vld [tilespmem:s17+$0x20]  }
0x54: {  	v0 =	vld [tilespmem:s17+$0xFFFFFFC0];
	[tilespmem:s18+$0x1020 ss:$0x81] =	vst.msk $0xffff, v6;
	s17 =	sadd.s32 $0x80, s17  }
0x55: {  	s20 =	sadd.s32 $0x4, s20;
	v4 =	vld [tilespmem:s17+$0x30];
	[tilespmem:s18+$0x1830 ss:$0x81] =	vst.msk $0xffff, v7  }
0x56: {  	v5 =	vld [tilespmem:s17+$0xFFFFFFD0];
	[tilespmem:s18+$0x2040 ss:$0x81] =	vst.msk $0xffff, v1  }
0x57: {  	v58 =	vld [tilespmem:s17+$0xFFFFFFE0];
	[tilespmem:s18+$0x2850 ss:$0x81] =	vst.msk $0xffff, v2  }
0x58: {  	s19 =	sshra.s32 s19, $0x2;
	v59 =	vld [tilespmem:s17+$0xFFFFFFF0];
	[tilespmem:s18+$0x3060 ss:$0x81] =	vst.msk $0xffff, v3  }
0x59: {  	v60 =	vld [tilespmem:s17+$0x0];
	s16 =	sadd.s32 s19, s16;
	[tilespmem:s18+$0x0 ss:$0x81] =	vst.msk $0xffff, v0  }
0x5a: {  	v61 =	vld [tilespmem:s17+$0x10];
	s25 =	sshll.u32 s14, $0x8;
	s26 =	sshll.u32 s12, $0x3;
	[tilespmem:s16+$0x3870 ss:$0x81] =	vst.msk $0xffff, v4  }
0x5b: {  	v62 =	vld [tilespmem:s17+$0x20];
	s27 =	sshll.u32 s14, $0x7;
	s30 =	sand.u32 $0x78, s12;
	s13 =	sshll.u32 s13, $0x11;
	[tilespmem:s16+$0x810 ss:$0x81] =	vst.msk $0xffff, v5  }
0x5c: {  	v63 =	vld [tilespmem:s17+$0xFFFFFFC0];
	s31 =	sand.u32 $0x7, s12;
	s19 =	sand.u32 $0xFFC00, s26;
	s18 =	sand.u32 $0xFF800, s25;
	[tilespmem:s16+$0x1020 ss:$0x81] =	vst.msk $0xffff, v58  }
0x5d: {  	s29 =	sand.u32 $0x300, s27;
	s14 =	sand.u32 $0x80, s27;
	s28 =	sadd.s32 s19, s18;
	[tilespmem:s16+$0x1830 ss:$0x81] =	vst.msk $0xffff, v59  }
.Ltmp4:
0x5e: {  	s14 =	sor.u32 s30, s14;
	s17 =	sor.u32 s29, s28;
	[tilespmem:s16+$0x2040 ss:$0x81] =	vst.msk $0xffff, v60;
	(pc) =	sbr.rel .LBB1_5-.Ltmp4, $4  }
0x5f: {  	s13 =	sadd.s32 s3, s13;
	s14 =	sshrl.u32 s14, $0x3;
	[tilespmem:s16+$0x2850 ss:$0x81] =	vst.msk $0xffff, v61;
	s17 =	sshrl.u32 s17, $0x3  }
0x60: {  	s12 =	sshll.u32 s31, $0x12;
	s13 =	sadd.s32 s14, s13;
	[tilespmem:s16+$0x3060 ss:$0x81] =	vst.msk $0xffff, v62;
	s17 =	sand.u32 $0x1FFE0, s17  }
0x61: {  	s12 =	sor.u32 $0x400, s12;
	[tilespmem:s16+$0x0 ss:$0x81] =	vst.msk $0xffff, v63;
	s13 =	sadd.s32 s17, s13  }
0x62: {  	[hbm4b:s13+s12] =	stream.strided.scatter [tilespmem:s15], [sflag:$0x2], $0x4000, s7, s12, $0x20;
	[tilespmem:$0x10100] =	vst v63  }
.LBB1_6:
0x63: {  	_ =	sfence.sel $0x180000  }
0x64: {  	s2 =	simm.s32 $0x1;
	[bflag:$0x0] =	sbarrier.arrive $0xFFFF  }
0x65: {  	s31 =	simm.s32 $0x2;
	[sflag:s2] =	ssyncpa.u1 $0x1  }
0x66: {  	[sflag:s31] =	ssyncpa.u1 $0x1  }
0x67: {  	p0 =	sne.s32 s1, $0x0;
	_ =	strace $0x90000047  }
0x68: {  	s0 =	sadd.s32 @!p0 $0x100000, s0;
	[bflag:$0x2] =	sbarrier.arrive $0xFFFF  }
0x69: {  	[sflag:s0] =	ssyncadd.tile.s32 @!p0 $0x1;
	_ =	shalt  }
.Lfunc_end1:
_tile_overlayer_lowered:
.L_overlay_start_2:
0x6a: {  	(tag) =	ssettag $0x2  }
0x6b: {  	s0 =	rddreg [dreg:$0x0];
	s2 =	stileid.u32  }
0x6c: {  	s1 =	rddreg [dreg:$0x1];
	p0 =	sne.s32 s2, $0x0  }
0x6d: {  	s3 =	rddreg [dreg:$0x2];
	[bflag:$0x3] =	sbarrier.arrive $0xFFFF;
	s2 =	simm.s32 @!p0 $0x1C01  }
0x6e: {  	[timem:s3], [sflag:s2] =	dma.local @!p0 [hbm:s0], s1  }
0x6f: {  	s0 =	simm.s32 @!p0 $0x1  }
0x70: {  	_ =	swait.ge @!p0 [sflag:s0], s1  }
0x71: {  	s1 =	ssub.s32 @!p0 $0x0, s1;
	[sflag:s0] =	ssyncset.done @!p0 $0x0  }
0x72: {  	[sflag:s0] =	ssyncadd.s32 @!p0 s1  }
0x73: {  	[bflag:$0x3] =	sbarrier.arrive $0xFFFF  }
0x74: {  	_ =	shalt  }

</sc_bundles>
